<compile_context>
chip_gen: v7x
topology: tpu7x:2x2x1
jax: 0.10.2.dev20260603
libtpu: 0.0.44.dev20260713+nightly
codegen_flags: <defaults>
</compile_context>

<pallas_src>
import functools

import jax
import jax.numpy as jnp
from jax import lax
from jax.experimental import pallas as pl
from jax.experimental.pallas import tpu as pltpu
from jax.experimental.pallas import tpu_sc as plsc



def _vperm(x, idx):
    dnums = lax.GatherDimensionNumbers(
        offset_dims=(), collapsed_slice_dims=(0,), start_index_map=(0,))
    return lax.gather(x, idx[:, None], dnums, slice_sizes=(1,),
                      mode=lax.GatherScatterMode.PROMISE_IN_BOUNDS)


def kernel(user, item, user_factors, item_factors):
    B = user.shape[0]
    N_U, D = user_factors.shape
    N_I = item_factors.shape[0]

    info = plsc.get_sparse_core_info()
    NC, NS, L = info.num_cores, info.num_subcores, info.num_lanes
    NW = NC * NS
    b_w = B // NW
    SG = L // 2

    mesh = plsc.VectorSubcoreMesh(core_axis_name="c", subcore_axis_name="s")

    @functools.partial(
        pl.kernel,
        mesh=mesh,
        out_type=jax.ShapeDtypeStruct((B,), jnp.float32),
        compiler_params=pltpu.CompilerParams(needs_layout_passes=False),
        scratch_types=[
            pltpu.VMEM((b_w,), jnp.int32),
            pltpu.VMEM((b_w,), jnp.int32),
            pltpu.VMEM((b_w,), jnp.int32),
            pltpu.VMEM((b_w,), jnp.int32),
            pltpu.VMEM((SG, D, 128), jnp.float32),
            pltpu.VMEM((SG, D, 128), jnp.float32),
            pltpu.VMEM((b_w,), jnp.float32),
            pltpu.SemaphoreType.DMA,
        ],
    )
    def sc_kernel(user_hbm, item_hbm, uft_hbm, ift_hbm, out_hbm,
                  uoff, ioff, ucol, icol, u_blk, i_blk, out_v, sem):
        wid = lax.axis_index("s") * NC + lax.axis_index("c")
        base = wid * b_w

        pltpu.sync_copy(user_hbm.at[pl.ds(base, b_w)], uoff)
        pltpu.sync_copy(item_hbm.at[pl.ds(base, b_w)], ioff)

        for t in range(b_w // L):
            sl = pl.ds(t * L, L)
            v = uoff[sl]
            v = jnp.where(v == 0, N_U - 1, v - 1)
            uoff[sl] = v & ~jnp.int32(127)
            ucol[sl] = v & 127
            w = ioff[sl]
            w = jnp.where(w == 0, N_I - 1, w - 1)
            ioff[sl] = w & ~jnp.int32(127)
            icol[sl] = w & 127

        lanes = lax.iota(jnp.int32, L)
        slot = lanes & (SG - 1)
        khalf = lanes >> 3
        fold = lanes ^ SG

        def body(g, carry):
            sl = pl.ds(g * L, L)
            uvec = uoff[sl]
            ivec = ioff[sl]
            uc = ucol[sl]
            ic = icol[sl]
            halves = []
            for hb in range(2):
                copies = []
                for m in range(SG):
                    mm = hb * SG + m
                    copies.append(pltpu.make_async_copy(
                        uft_hbm.at[:, pl.ds(pl.multiple_of(uvec[mm], 128),
                                            128)],
                        u_blk.at[m], sem))
                    copies.append(pltpu.make_async_copy(
                        ift_hbm.at[:, pl.ds(pl.multiple_of(ivec[mm], 128),
                                            128)],
                        i_blk.at[m], sem))
                for cp in copies:
                    cp.start()
                for cp in copies:
                    cp.wait()
                ucs = _vperm(uc, slot + hb * SG)
                ics = _vperm(ic, slot + hb * SG)
                acc = jnp.zeros((L,), jnp.float32)
                for kp in range(D // 2):
                    krow = kp * 2 + khalf
                    uk = plsc.load_gather(u_blk, [slot, krow, ucs])
                    ik = plsc.load_gather(i_blk, [slot, krow, ics])
                    acc = acc + uk * ik
                halves.append(
                    acc + _vperm(acc, fold))
            out_v[sl] = jnp.where(khalf == 0, halves[0], halves[1]) * 5.0
            return carry

        lax.fori_loop(0, b_w // L, body, 0)

        pltpu.sync_copy(out_v, out_hbm.at[pl.ds(base, b_w)])

    return sc_kernel(user, item, user_factors.T, item_factors.T)

# --- scband reference (transcript-rebuilt; emitter-appended) ---
"""Pipeline reference for scband-matrix-factorization-90615220011768 (READ-ONLY COPY).

The authoritative reference and input builder live on the scoring server;
editing this copy changes nothing except your own understanding.
"""

import jax, jax.numpy as jnp
import numpy as np

N_USERS = 1000000
N_ITEMS = 1000000
N_FACTORS = 32
BATCH = 16384


def setup_inputs(seed: int = 0) -> dict:
    key = jax.random.key(seed)
    k1, k2, k3, k4 = jax.random.split(key, 4)
    user = jax.random.randint(k1, (BATCH,), 0, N_USERS, dtype=jnp.int64 if jax.config.jax_enable_x64 else jnp.int32).astype(jnp.int32)
    item = jax.random.randint(k2, (BATCH,), 0, N_ITEMS, dtype=jnp.int64 if jax.config.jax_enable_x64 else jnp.int32).astype(jnp.int32)
    user_factors = jax.random.normal(k3, (N_USERS, N_FACTORS), dtype=jnp.float32)
    item_factors = jax.random.normal(k4, (N_ITEMS, N_FACTORS), dtype=jnp.float32)
    return {"user": user, "item": item, "user_factors": user_factors, "item_factors": item_factors}


def reference(user, item, user_factors, item_factors):
    # Faithful translation of MatrixFactorization.forward:
    #   user = user - 1; item = item - 1 (1-indexed ids -> 0-indexed rows)
    #   u = user_factors[user]; it = item_factors[item]
    #   x = (u * it).sum(1) * 5
    u_idx = user - 1
    i_idx = item - 1
    u = jnp.take(user_factors, u_idx, axis=0, mode='wrap')
    it = jnp.take(item_factors, i_idx, axis=0, mode='wrap')
    x = (u * it).sum(axis=1)
    return x * 5

if __name__ == "__main__":
    import jax
    _d = setup_inputs()
    print(jax.jit(kernel)(*tuple(_d.values())))

</pallas_src>

<mosaic_0001>
#map = affine_map<(d0, d1) -> (0)>
#map1 = affine_map<(d0, d1) -> (0, 0)>
module attributes {stable_mosaic.version = 14 : i64} {
  func.func @sc_kernel(%arg0: i32, %arg1: i32, %arg2: memref<16384xi32, #tpu.memory_space<hbm>>, %arg3: memref<16384xi32, #tpu.memory_space<hbm>>, %arg4: memref<32x1000000xf32, #tpu.memory_space<hbm>>, %arg5: memref<32x1000000xf32, #tpu.memory_space<hbm>>, %arg6: memref<16384xf32, #tpu.memory_space<hbm>>, %arg7: memref<512xi32, #tpu.memory_space<vmem>>, %arg8: memref<512xi32, #tpu.memory_space<vmem>>, %arg9: memref<512xi32, #tpu.memory_space<vmem>>, %arg10: memref<512xi32, #tpu.memory_space<vmem>>, %arg11: memref<8x32x128xf32, #tpu.memory_space<vmem>>, %arg12: memref<8x32x128xf32, #tpu.memory_space<vmem>>, %arg13: memref<512xf32, #tpu.memory_space<vmem>>, %arg14: memref<!tpu.dma_semaphore, #tpu.memory_space<semaphore_mem>>) attributes {dimension_semantics = [#tpu.dimension_semantics<core_parallel>, #tpu.dimension_semantics<subcore_parallel>], iteration_bounds = array<i64: 2, 16>, scalar_prefetch = 0 : i64, scratch_operands = 8 : i64, tpu.core_type = #tpu.core_type<sc_vector_subcore>, window_params = [{transform_indices = #map}, {transform_indices = #map}, {transform_indices = #map1}, {transform_indices = #map1}, {transform_indices = #map}]} {
    %mul3A = arith.constant 2 : i32
    %mul3A_0 = arith.muli %arg1, %mul3A : i32
    %add3A = arith.addi %mul3A_0, %arg0 : i32
    %mul3A_1 = arith.constant 512 : i32
    %mul3A_2 = arith.muli %add3A, %mul3A_1 : i32
    "tpu.region"() ({
      %run_scoped3A = tpu.sem_alloc : memref<!tpu.dma_semaphore, #tpu.memory_space<semaphore_mem>>
      %dma_start3A = tpu.memref_slice %arg2[%mul3A_2] : memref<16384xi32, #tpu.memory_space<hbm>> -> memref<512xi32, #tpu.memory_space<hbm>>
      %dma_start3A_1478 = tpu.memref_slice %arg2[%mul3A_2] : memref<16384xi32, #tpu.memory_space<hbm>> -> memref<512xi32, #tpu.memory_space<hbm>>
      tpu.enqueue_dma source(%dma_start3A_1478 : memref<512xi32, #tpu.memory_space<hbm>>) target(%arg7 : memref<512xi32, #tpu.memory_space<vmem>>) target_semaphore(%run_scoped3A : memref<!tpu.dma_semaphore, #tpu.memory_space<semaphore_mem>>)
      %dma_wait3A = tpu.memref_slice %arg2[%mul3A_2] : memref<16384xi32, #tpu.memory_space<hbm>> -> memref<512xi32, #tpu.memory_space<hbm>>
      %dma_wait3A_1479 = tpu.memref_slice %arg2[%mul3A_2] : memref<16384xi32, #tpu.memory_space<hbm>> -> memref<512xi32, #tpu.memory_space<hbm>>
      tpu.wait_dma2 semaphore(%run_scoped3A : memref<!tpu.dma_semaphore, #tpu.memory_space<semaphore_mem>>) src(%dma_wait3A_1479 : memref<512xi32, #tpu.memory_space<hbm>>) dst(%arg7 : memref<512xi32, #tpu.memory_space<vmem>>)
      tpu.yield
    }) : () -> ()
    "tpu.region"() ({
      %run_scoped3A = tpu.sem_alloc : memref<!tpu.dma_semaphore, #tpu.memory_space<semaphore_mem>>
      %dma_start3A = tpu.memref_slice %arg3[%mul3A_2] : memref<16384xi32, #tpu.memory_space<hbm>> -> memref<512xi32, #tpu.memory_space<hbm>>
      %dma_start3A_1478 = tpu.memref_slice %arg3[%mul3A_2] : memref<16384xi32, #tpu.memory_space<hbm>> -> memref<512xi32, #tpu.memory_space<hbm>>
      tpu.enqueue_dma source(%dma_start3A_1478 : memref<512xi32, #tpu.memory_space<hbm>>) target(%arg8 : memref<512xi32, #tpu.memory_space<vmem>>) target_semaphore(%run_scoped3A : memref<!tpu.dma_semaphore, #tpu.memory_space<semaphore_mem>>)
      %dma_wait3A = tpu.memref_slice %arg3[%mul3A_2] : memref<16384xi32, #tpu.memory_space<hbm>> -> memref<512xi32, #tpu.memory_space<hbm>>
      %dma_wait3A_1479 = tpu.memref_slice %arg3[%mul3A_2] : memref<16384xi32, #tpu.memory_space<hbm>> -> memref<512xi32, #tpu.memory_space<hbm>>
      tpu.wait_dma2 semaphore(%run_scoped3A : memref<!tpu.dma_semaphore, #tpu.memory_space<semaphore_mem>>) src(%dma_wait3A_1479 : memref<512xi32, #tpu.memory_space<hbm>>) dst(%arg8 : memref<512xi32, #tpu.memory_space<vmem>>)
      tpu.yield
    }) : () -> ()
    %get3A = arith.constant 0 : index
    %get3A_3 = tpu.vector_load %arg7[%get3A] {strides = array<i32>} : memref<512xi32, #tpu.memory_space<vmem>>, vector<16xi32>,
    %eq3A = arith.constant 0 : i32
    %eq3A_4 = vector.broadcast %eq3A : i32 to vector<16xi32>
    %eq3A_5 = arith.cmpi eq, %get3A_3, %eq3A_4 : vector<16xi32>
    %sub3A = arith.constant 1 : i32
    %sub3A_6 = vector.broadcast %sub3A : i32 to vector<16xi32>
    %sub3A_7 = arith.subi %get3A_3, %sub3A_6 : vector<16xi32>
    %jit3A = arith.constant 999999 : i32
    %broadcast_in_dim3A = vector.broadcast %jit3A : i32 to vector<16xi32>
    %select_n3A = arith.select %eq3A_5, %broadcast_in_dim3A, %sub3A_7 : vector<16xi1>, vector<16xi32>
    %not3A = arith.constant 127 : i32
    %not3A_8 = arith.constant -1 : i32
    %not3A_9 = arith.xori %not3A, %not3A_8 : i32
    %and3A = vector.broadcast %not3A_9 : i32 to vector<16xi32>
    %and3A_10 = arith.andi %select_n3A, %and3A : vector<16xi32>
    %swap3A = arith.constant 0 : index
    %swap3A_11 = tpu.vector_load %arg7[%swap3A] {strides = array<i32>} : memref<512xi32, #tpu.memory_space<vmem>>, vector<16xi32>,
    tpu.vector_store %arg7[%swap3A], %and3A_10 {strides = array<i32>} : memref<512xi32, #tpu.memory_space<vmem>>, vector<16xi32>,
    %and3A_12 = arith.constant 127 : i32
    %and3A_13 = vector.broadcast %and3A_12 : i32 to vector<16xi32>
    %and3A_14 = arith.andi %select_n3A, %and3A_13 : vector<16xi32>
    %swap3A_15 = arith.constant 0 : index
    %swap3A_16 = tpu.vector_load %arg9[%swap3A_15] {strides = array<i32>} : memref<512xi32, #tpu.memory_space<vmem>>, vector<16xi32>,
    tpu.vector_store %arg9[%swap3A_15], %and3A_14 {strides = array<i32>} : memref<512xi32, #tpu.memory_space<vmem>>, vector<16xi32>,
    %get3A_17 = arith.constant 0 : index
    %get3A_18 = tpu.vector_load %arg8[%get3A_17] {strides = array<i32>} : memref<512xi32, #tpu.memory_space<vmem>>, vector<16xi32>,
    %eq3A_19 = arith.constant 0 : i32
    %eq3A_20 = vector.broadcast %eq3A_19 : i32 to vector<16xi32>
    %eq3A_21 = arith.cmpi eq, %get3A_18, %eq3A_20 : vector<16xi32>
    %sub3A_22 = arith.constant 1 : i32
    %sub3A_23 = vector.broadcast %sub3A_22 : i32 to vector<16xi32>
    %sub3A_24 = arith.subi %get3A_18, %sub3A_23 : vector<16xi32>
    %jit3A_25 = arith.constant 999999 : i32
    %broadcast_in_dim3A_26 = vector.broadcast %jit3A_25 : i32 to vector<16xi32>
    %select_n3A_27 = arith.select %eq3A_21, %broadcast_in_dim3A_26, %sub3A_24 : vector<16xi1>, vector<16xi32>
    %not3A_28 = arith.constant 127 : i32
    %not3A_29 = arith.constant -1 : i32
    %not3A_30 = arith.xori %not3A_28, %not3A_29 : i32
    %and3A_31 = vector.broadcast %not3A_30 : i32 to vector<16xi32>
    %and3A_32 = arith.andi %select_n3A_27, %and3A_31 : vector<16xi32>
    %swap3A_33 = arith.constant 0 : index
    %swap3A_34 = tpu.vector_load %arg8[%swap3A_33] {strides = array<i32>} : memref<512xi32, #tpu.memory_space<vmem>>, vector<16xi32>,
    tpu.vector_store %arg8[%swap3A_33], %and3A_32 {strides = array<i32>} : memref<512xi32, #tpu.memory_space<vmem>>, vector<16xi32>,
    %and3A_35 = arith.constant 127 : i32
    %and3A_36 = vector.broadcast %and3A_35 : i32 to vector<16xi32>
    %and3A_37 = arith.andi %select_n3A_27, %and3A_36 : vector<16xi32>
    %swap3A_38 = arith.constant 0 : index
    %swap3A_39 = tpu.vector_load %arg10[%swap3A_38] {strides = array<i32>} : memref<512xi32, #tpu.memory_space<vmem>>, vector<16xi32>,
    tpu.vector_store %arg10[%swap3A_38], %and3A_37 {strides = array<i32>} : memref<512xi32, #tpu.memory_space<vmem>>, vector<16xi32>,
    %get3A_40 = arith.constant 16 : index
    %get3A_41 = tpu.vector_load %arg7[%get3A_40] {strides = array<i32>} : memref<512xi32, #tpu.memory_space<vmem>>, vector<16xi32>,
    %eq3A_42 = arith.constant 0 : i32
    %eq3A_43 = vector.broadcast %eq3A_42 : i32 to vector<16xi32>
    %eq3A_44 = arith.cmpi eq, %get3A_41, %eq3A_43 : vector<16xi32>
    %sub3A_45 = arith.constant 1 : i32
    %sub3A_46 = vector.broadcast %sub3A_45 : i32 to vector<16xi32>
    %sub3A_47 = arith.subi %get3A_41, %sub3A_46 : vector<16xi32>
    %jit3A_48 = arith.constant 999999 : i32
    %broadcast_in_dim3A_49 = vector.broadcast %jit3A_48 : i32 to vector<16xi32>
    %select_n3A_50 = arith.select %eq3A_44, %broadcast_in_dim3A_49, %sub3A_47 : vector<16xi1>, vector<16xi32>
    %not3A_51 = arith.constant 127 : i32
    %not3A_52 = arith.constant -1 : i32
    %not3A_53 = arith.xori %not3A_51, %not3A_52 : i32
    %and3A_54 = vector.broadcast %not3A_53 : i32 to vector<16xi32>
    %and3A_55 = arith.andi %select_n3A_50, %and3A_54 : vector<16xi32>
    %swap3A_56 = arith.constant 16 : index
    %swap3A_57 = tpu.vector_load %arg7[%swap3A_56] {strides = array<i32>} : memref<512xi32, #tpu.memory_space<vmem>>, vector<16xi32>,
    tpu.vector_store %arg7[%swap3A_56], %and3A_55 {strides = array<i32>} : memref<512xi32, #tpu.memory_space<vmem>>, vector<16xi32>,
    %and3A_58 = arith.constant 127 : i32
    %and3A_59 = vector.broadcast %and3A_58 : i32 to vector<16xi32>
    %and3A_60 = arith.andi %select_n3A_50, %and3A_59 : vector<16xi32>
    %swap3A_61 = arith.constant 16 : index
    %swap3A_62 = tpu.vector_load %arg9[%swap3A_61] {strides = array<i32>} : memref<512xi32, #tpu.memory_space<vmem>>, vector<16xi32>,
    tpu.vector_store %arg9[%swap3A_61], %and3A_60 {strides = array<i32>} : memref<512xi32, #tpu.memory_space<vmem>>, vector<16xi32>,
    %get3A_63 = arith.constant 16 : index
    %get3A_64 = tpu.vector_load %arg8[%get3A_63] {strides = array<i32>} : memref<512xi32, #tpu.memory_space<vmem>>, vector<16xi32>,
    %eq3A_65 = arith.constant 0 : i32
    %eq3A_66 = vector.broadcast %eq3A_65 : i32 to vector<16xi32>
    %eq3A_67 = arith.cmpi eq, %get3A_64, %eq3A_66 : vector<16xi32>
    %sub3A_68 = arith.constant 1 : i32
    %sub3A_69 = vector.broadcast %sub3A_68 : i32 to vector<16xi32>
    %sub3A_70 = arith.subi %get3A_64, %sub3A_69 : vector<16xi32>
    %jit3A_71 = arith.constant 999999 : i32
    %broadcast_in_dim3A_72 = vector.broadcast %jit3A_71 : i32 to vector<16xi32>
    %select_n3A_73 = arith.select %eq3A_67, %broadcast_in_dim3A_72, %sub3A_70 : vector<16xi1>, vector<16xi32>
    %not3A_74 = arith.constant 127 : i32
    %not3A_75 = arith.constant -1 : i32
    %not3A_76 = arith.xori %not3A_74, %not3A_75 : i32
    %and3A_77 = vector.broadcast %not3A_76 : i32 to vector<16xi32>
    %and3A_78 = arith.andi %select_n3A_73, %and3A_77 : vector<16xi32>
    %swap3A_79 = arith.constant 16 : index
    %swap3A_80 = tpu.vector_load %arg8[%swap3A_79] {strides = array<i32>} : memref<512xi32, #tpu.memory_space<vmem>>, vector<16xi32>,
    tpu.vector_store %arg8[%swap3A_79], %and3A_78 {strides = array<i32>} : memref<512xi32, #tpu.memory_space<vmem>>, vector<16xi32>,
    %and3A_81 = arith.constant 127 : i32
    %and3A_82 = vector.broadcast %and3A_81 : i32 to vector<16xi32>
    %and3A_83 = arith.andi %select_n3A_73, %and3A_82 : vector<16xi32>
    %swap3A_84 = arith.constant 16 : index
    %swap3A_85 = tpu.vector_load %arg10[%swap3A_84] {strides = array<i32>} : memref<512xi32, #tpu.memory_space<vmem>>, vector<16xi32>,
    tpu.vector_store %arg10[%swap3A_84], %and3A_83 {strides = array<i32>} : memref<512xi32, #tpu.memory_space<vmem>>, vector<16xi32>,
    %get3A_86 = arith.constant 32 : index
    %get3A_87 = tpu.vector_load %arg7[%get3A_86] {strides = array<i32>} : memref<512xi32, #tpu.memory_space<vmem>>, vector<16xi32>,
    %eq3A_88 = arith.constant 0 : i32
    %eq3A_89 = vector.broadcast %eq3A_88 : i32 to vector<16xi32>
    %eq3A_90 = arith.cmpi eq, %get3A_87, %eq3A_89 : vector<16xi32>
    %sub3A_91 = arith.constant 1 : i32
    %sub3A_92 = vector.broadcast %sub3A_91 : i32 to vector<16xi32>
    %sub3A_93 = arith.subi %get3A_87, %sub3A_92 : vector<16xi32>
    %jit3A_94 = arith.constant 999999 : i32
    %broadcast_in_dim3A_95 = vector.broadcast %jit3A_94 : i32 to vector<16xi32>
    %select_n3A_96 = arith.select %eq3A_90, %broadcast_in_dim3A_95, %sub3A_93 : vector<16xi1>, vector<16xi32>
    %not3A_97 = arith.constant 127 : i32
    %not3A_98 = arith.constant -1 : i32
    %not3A_99 = arith.xori %not3A_97, %not3A_98 : i32
    %and3A_100 = vector.broadcast %not3A_99 : i32 to vector<16xi32>
    %and3A_101 = arith.andi %select_n3A_96, %and3A_100 : vector<16xi32>
    %swap3A_102 = arith.constant 32 : index
    %swap3A_103 = tpu.vector_load %arg7[%swap3A_102] {strides = array<i32>} : memref<512xi32, #tpu.memory_space<vmem>>, vector<16xi32>,
    tpu.vector_store %arg7[%swap3A_102], %and3A_101 {strides = array<i32>} : memref<512xi32, #tpu.memory_space<vmem>>, vector<16xi32>,
    %and3A_104 = arith.constant 127 : i32
    %and3A_105 = vector.broadcast %and3A_104 : i32 to vector<16xi32>
    %and3A_106 = arith.andi %select_n3A_96, %and3A_105 : vector<16xi32>
    %swap3A_107 = arith.constant 32 : index
    %swap3A_108 = tpu.vector_load %arg9[%swap3A_107] {strides = array<i32>} : memref<512xi32, #tpu.memory_space<vmem>>, vector<16xi32>,
    tpu.vector_store %arg9[%swap3A_107], %and3A_106 {strides = array<i32>} : memref<512xi32, #tpu.memory_space<vmem>>, vector<16xi32>,
    %get3A_109 = arith.constant 32 : index
    %get3A_110 = tpu.vector_load %arg8[%get3A_109] {strides = array<i32>} : memref<512xi32, #tpu.memory_space<vmem>>, vector<16xi32>,
    %eq3A_111 = arith.constant 0 : i32
    %eq3A_112 = vector.broadcast %eq3A_111 : i32 to vector<16xi32>
    %eq3A_113 = arith.cmpi eq, %get3A_110, %eq3A_112 : vector<16xi32>
    %sub3A_114 = arith.constant 1 : i32
    %sub3A_115 = vector.broadcast %sub3A_114 : i32 to vector<16xi32>
    %sub3A_116 = arith.subi %get3A_110, %sub3A_115 : vector<16xi32>
    %jit3A_117 = arith.constant 999999 : i32
    %broadcast_in_dim3A_118 = vector.broadcast %jit3A_117 : i32 to vector<16xi32>
    %select_n3A_119 = arith.select %eq3A_113, %broadcast_in_dim3A_118, %sub3A_116 : vector<16xi1>, vector<16xi32>
    %not3A_120 = arith.constant 127 : i32
    %not3A_121 = arith.constant -1 : i32
    %not3A_122 = arith.xori %not3A_120, %not3A_121 : i32
    %and3A_123 = vector.broadcast %not3A_122 : i32 to vector<16xi32>
    %and3A_124 = arith.andi %select_n3A_119, %and3A_123 : vector<16xi32>
    %swap3A_125 = arith.constant 32 : index
    %swap3A_126 = tpu.vector_load %arg8[%swap3A_125] {strides = array<i32>} : memref<512xi32, #tpu.memory_space<vmem>>, vector<16xi32>,
    tpu.vector_store %arg8[%swap3A_125], %and3A_124 {strides = array<i32>} : memref<512xi32, #tpu.memory_space<vmem>>, vector<16xi32>,
    %and3A_127 = arith.constant 127 : i32
    %and3A_128 = vector.broadcast %and3A_127 : i32 to vector<16xi32>
    %and3A_129 = arith.andi %select_n3A_119, %and3A_128 : vector<16xi32>
    %swap3A_130 = arith.constant 32 : index
    %swap3A_131 = tpu.vector_load %arg10[%swap3A_130] {strides = array<i32>} : memref<512xi32, #tpu.memory_space<vmem>>, vector<16xi32>,
    tpu.vector_store %arg10[%swap3A_130], %and3A_129 {strides = array<i32>} : memref<512xi32, #tpu.memory_space<vmem>>, vector<16xi32>,
    %get3A_132 = arith.constant 48 : index
    %get3A_133 = tpu.vector_load %arg7[%get3A_132] {strides = array<i32>} : memref<512xi32, #tpu.memory_space<vmem>>, vector<16xi32>,
    %eq3A_134 = arith.constant 0 : i32
    %eq3A_135 = vector.broadcast %eq3A_134 : i32 to vector<16xi32>
    %eq3A_136 = arith.cmpi eq, %get3A_133, %eq3A_135 : vector<16xi32>
    %sub3A_137 = arith.constant 1 : i32
    %sub3A_138 = vector.broadcast %sub3A_137 : i32 to vector<16xi32>
    %sub3A_139 = arith.subi %get3A_133, %sub3A_138 : vector<16xi32>
    %jit3A_140 = arith.constant 999999 : i32
    %broadcast_in_dim3A_141 = vector.broadcast %jit3A_140 : i32 to vector<16xi32>
    %select_n3A_142 = arith.select %eq3A_136, %broadcast_in_dim3A_141, %sub3A_139 : vector<16xi1>, vector<16xi32>
    %not3A_143 = arith.constant 127 : i32
    %not3A_144 = arith.constant -1 : i32
    %not3A_145 = arith.xori %not3A_143, %not3A_144 : i32
    %and3A_146 = vector.broadcast %not3A_145 : i32 to vector<16xi32>
    %and3A_147 = arith.andi %select_n3A_142, %and3A_146 : vector<16xi32>
    %swap3A_148 = arith.constant 48 : index
    %swap3A_149 = tpu.vector_load %arg7[%swap3A_148] {strides = array<i32>} : memref<512xi32, #tpu.memory_space<vmem>>, vector<16xi32>,
    tpu.vector_store %arg7[%swap3A_148], %and3A_147 {strides = array<i32>} : memref<512xi32, #tpu.memory_space<vmem>>, vector<16xi32>,
    %and3A_150 = arith.constant 127 : i32
    %and3A_151 = vector.broadcast %and3A_150 : i32 to vector<16xi32>
    %and3A_152 = arith.andi %select_n3A_142, %and3A_151 : vector<16xi32>
    %swap3A_153 = arith.constant 48 : index
    %swap3A_154 = tpu.vector_load %arg9[%swap3A_153] {strides = array<i32>} : memref<512xi32, #tpu.memory_space<vmem>>, vector<16xi32>,
    tpu.vector_store %arg9[%swap3A_153], %and3A_152 {strides = array<i32>} : memref<512xi32, #tpu.memory_space<vmem>>, vector<16xi32>,
    %get3A_155 = arith.constant 48 : index
    %get3A_156 = tpu.vector_load %arg8[%get3A_155] {strides = array<i32>} : memref<512xi32, #tpu.memory_space<vmem>>, vector<16xi32>,
    %eq3A_157 = arith.constant 0 : i32
    %eq3A_158 = vector.broadcast %eq3A_157 : i32 to vector<16xi32>
    %eq3A_159 = arith.cmpi eq, %get3A_156, %eq3A_158 : vector<16xi32>
    %sub3A_160 = arith.constant 1 : i32
    %sub3A_161 = vector.broadcast %sub3A_160 : i32 to vector<16xi32>
    %sub3A_162 = arith.subi %get3A_156, %sub3A_161 : vector<16xi32>
    %jit3A_163 = arith.constant 999999 : i32
    %broadcast_in_dim3A_164 = vector.broadcast %jit3A_163 : i32 to vector<16xi32>
    %select_n3A_165 = arith.select %eq3A_159, %broadcast_in_dim3A_164, %sub3A_162 : vector<16xi1>, vector<16xi32>
    %not3A_166 = arith.constant 127 : i32
    %not3A_167 = arith.constant -1 : i32
    %not3A_168 = arith.xori %not3A_166, %not3A_167 : i32
    %and3A_169 = vector.broadcast %not3A_168 : i32 to vector<16xi32>
    %and3A_170 = arith.andi %select_n3A_165, %and3A_169 : vector<16xi32>
    %swap3A_171 = arith.constant 48 : index
    %swap3A_172 = tpu.vector_load %arg8[%swap3A_171] {strides = array<i32>} : memref<512xi32, #tpu.memory_space<vmem>>, vector<16xi32>,
    tpu.vector_store %arg8[%swap3A_171], %and3A_170 {strides = array<i32>} : memref<512xi32, #tpu.memory_space<vmem>>, vector<16xi32>,
    %and3A_173 = arith.constant 127 : i32
    %and3A_174 = vector.broadcast %and3A_173 : i32 to vector<16xi32>
    %and3A_175 = arith.andi %select_n3A_165, %and3A_174 : vector<16xi32>
    %swap3A_176 = arith.constant 48 : index
    %swap3A_177 = tpu.vector_load %arg10[%swap3A_176] {strides = array<i32>} : memref<512xi32, #tpu.memory_space<vmem>>, vector<16xi32>,
    tpu.vector_store %arg10[%swap3A_176], %and3A_175 {strides = array<i32>} : memref<512xi32, #tpu.memory_space<vmem>>, vector<16xi32>,
    %get3A_178 = arith.constant 64 : index
    %get3A_179 = tpu.vector_load %arg7[%get3A_178] {strides = array<i32>} : memref<512xi32, #tpu.memory_space<vmem>>, vector<16xi32>,
    %eq3A_180 = arith.constant 0 : i32
    %eq3A_181 = vector.broadcast %eq3A_180 : i32 to vector<16xi32>
    %eq3A_182 = arith.cmpi eq, %get3A_179, %eq3A_181 : vector<16xi32>
    %sub3A_183 = arith.constant 1 : i32
    %sub3A_184 = vector.broadcast %sub3A_183 : i32 to vector<16xi32>
    %sub3A_185 = arith.subi %get3A_179, %sub3A_184 : vector<16xi32>
    %jit3A_186 = arith.constant 999999 : i32
    %broadcast_in_dim3A_187 = vector.broadcast %jit3A_186 : i32 to vector<16xi32>
    %select_n3A_188 = arith.select %eq3A_182, %broadcast_in_dim3A_187, %sub3A_185 : vector<16xi1>, vector<16xi32>
    %not3A_189 = arith.constant 127 : i32
    %not3A_190 = arith.constant -1 : i32
    %not3A_191 = arith.xori %not3A_189, %not3A_190 : i32
    %and3A_192 = vector.broadcast %not3A_191 : i32 to vector<16xi32>
    %and3A_193 = arith.andi %select_n3A_188, %and3A_192 : vector<16xi32>
    %swap3A_194 = arith.constant 64 : index
    %swap3A_195 = tpu.vector_load %arg7[%swap3A_194] {strides = array<i32>} : memref<512xi32, #tpu.memory_space<vmem>>, vector<16xi32>,
    tpu.vector_store %arg7[%swap3A_194], %and3A_193 {strides = array<i32>} : memref<512xi32, #tpu.memory_space<vmem>>, vector<16xi32>,
    %and3A_196 = arith.constant 127 : i32
    %and3A_197 = vector.broadcast %and3A_196 : i32 to vector<16xi32>
    %and3A_198 = arith.andi %select_n3A_188, %and3A_197 : vector<16xi32>
    %swap3A_199 = arith.constant 64 : index
    %swap3A_200 = tpu.vector_load %arg9[%swap3A_199] {strides = array<i32>} : memref<512xi32, #tpu.memory_space<vmem>>, vector<16xi32>,
    tpu.vector_store %arg9[%swap3A_199], %and3A_198 {strides = array<i32>} : memref<512xi32, #tpu.memory_space<vmem>>, vector<16xi32>,
    %get3A_201 = arith.constant 64 : index
    %get3A_202 = tpu.vector_load %arg8[%get3A_201] {strides = array<i32>} : memref<512xi32, #tpu.memory_space<vmem>>, vector<16xi32>,
    %eq3A_203 = arith.constant 0 : i32
    %eq3A_204 = vector.broadcast %eq3A_203 : i32 to vector<16xi32>
    %eq3A_205 = arith.cmpi eq, %get3A_202, %eq3A_204 : vector<16xi32>
    %sub3A_206 = arith.constant 1 : i32
    %sub3A_207 = vector.broadcast %sub3A_206 : i32 to vector<16xi32>
    %sub3A_208 = arith.subi %get3A_202, %sub3A_207 : vector<16xi32>
    %jit3A_209 = arith.constant 999999 : i32
    %broadcast_in_dim3A_210 = vector.broadcast %jit3A_209 : i32 to vector<16xi32>
    %select_n3A_211 = arith.select %eq3A_205, %broadcast_in_dim3A_210, %sub3A_208 : vector<16xi1>, vector<16xi32>
    %not3A_212 = arith.constant 127 : i32
    %not3A_213 = arith.constant -1 : i32
    %not3A_214 = arith.xori %not3A_212, %not3A_213 : i32
    %and3A_215 = vector.broadcast %not3A_214 : i32 to vector<16xi32>
    %and3A_216 = arith.andi %select_n3A_211, %and3A_215 : vector<16xi32>
    %swap3A_217 = arith.constant 64 : index
    %swap3A_218 = tpu.vector_load %arg8[%swap3A_217] {strides = array<i32>} : memref<512xi32, #tpu.memory_space<vmem>>, vector<16xi32>,
    tpu.vector_store %arg8[%swap3A_217], %and3A_216 {strides = array<i32>} : memref<512xi32, #tpu.memory_space<vmem>>, vector<16xi32>,
    %and3A_219 = arith.constant 127 : i32
    %and3A_220 = vector.broadcast %and3A_219 : i32 to vector<16xi32>
    %and3A_221 = arith.andi %select_n3A_211, %and3A_220 : vector<16xi32>
    %swap3A_222 = arith.constant 64 : index
    %swap3A_223 = tpu.vector_load %arg10[%swap3A_222] {strides = array<i32>} : memref<512xi32, #tpu.memory_space<vmem>>, vector<16xi32>,
    tpu.vector_store %arg10[%swap3A_222], %and3A_221 {strides = array<i32>} : memref<512xi32, #tpu.memory_space<vmem>>, vector<16xi32>,
    %get3A_224 = arith.constant 80 : index
    %get3A_225 = tpu.vector_load %arg7[%get3A_224] {strides = array<i32>} : memref<512xi32, #tpu.memory_space<vmem>>, vector<16xi32>,
    %eq3A_226 = arith.constant 0 : i32
    %eq3A_227 = vector.broadcast %eq3A_226 : i32 to vector<16xi32>
    %eq3A_228 = arith.cmpi eq, %get3A_225, %eq3A_227 : vector<16xi32>
    %sub3A_229 = arith.constant 1 : i32
    %sub3A_230 = vector.broadcast %sub3A_229 : i32 to vector<16xi32>
    %sub3A_231 = arith.subi %get3A_225, %sub3A_230 : vector<16xi32>
    %jit3A_232 = arith.constant 999999 : i32
    %broadcast_in_dim3A_233 = vector.broadcast %jit3A_232 : i32 to vector<16xi32>
    %select_n3A_234 = arith.select %eq3A_228, %broadcast_in_dim3A_233, %sub3A_231 : vector<16xi1>, vector<16xi32>
    %not3A_235 = arith.constant 127 : i32
    %not3A_236 = arith.constant -1 : i32
    %not3A_237 = arith.xori %not3A_235, %not3A_236 : i32
    %and3A_238 = vector.broadcast %not3A_237 : i32 to vector<16xi32>
    %and3A_239 = arith.andi %select_n3A_234, %and3A_238 : vector<16xi32>
    %swap3A_240 = arith.constant 80 : index
    %swap3A_241 = tpu.vector_load %arg7[%swap3A_240] {strides = array<i32>} : memref<512xi32, #tpu.memory_space<vmem>>, vector<16xi32>,
    tpu.vector_store %arg7[%swap3A_240], %and3A_239 {strides = array<i32>} : memref<512xi32, #tpu.memory_space<vmem>>, vector<16xi32>,
    %and3A_242 = arith.constant 127 : i32
    %and3A_243 = vector.broadcast %and3A_242 : i32 to vector<16xi32>
    %and3A_244 = arith.andi %select_n3A_234, %and3A_243 : vector<16xi32>
    %swap3A_245 = arith.constant 80 : index
    %swap3A_246 = tpu.vector_load %arg9[%swap3A_245] {strides = array<i32>} : memref<512xi32, #tpu.memory_space<vmem>>, vector<16xi32>,
    tpu.vector_store %arg9[%swap3A_245], %and3A_244 {strides = array<i32>} : memref<512xi32, #tpu.memory_space<vmem>>, vector<16xi32>,
    %get3A_247 = arith.constant 80 : index
    %get3A_248 = tpu.vector_load %arg8[%get3A_247] {strides = array<i32>} : memref<512xi32, #tpu.memory_space<vmem>>, vector<16xi32>,
    %eq3A_249 = arith.constant 0 : i32
    %eq3A_250 = vector.broadcast %eq3A_249 : i32 to vector<16xi32>
    %eq3A_251 = arith.cmpi eq, %get3A_248, %eq3A_250 : vector<16xi32>
    %sub3A_252 = arith.constant 1 : i32
    %sub3A_253 = vector.broadcast %sub3A_252 : i32 to vector<16xi32>
    %sub3A_254 = arith.subi %get3A_248, %sub3A_253 : vector<16xi32>
    %jit3A_255 = arith.constant 999999 : i32
    %broadcast_in_dim3A_256 = vector.broadcast %jit3A_255 : i32 to vector<16xi32>
    %select_n3A_257 = arith.select %eq3A_251, %broadcast_in_dim3A_256, %sub3A_254 : vector<16xi1>, vector<16xi32>
    %not3A_258 = arith.constant 127 : i32
    %not3A_259 = arith.constant -1 : i32
    %not3A_260 = arith.xori %not3A_258, %not3A_259 : i32
    %and3A_261 = vector.broadcast %not3A_260 : i32 to vector<16xi32>
    %and3A_262 = arith.andi %select_n3A_257, %and3A_261 : vector<16xi32>
    %swap3A_263 = arith.constant 80 : index
    %swap3A_264 = tpu.vector_load %arg8[%swap3A_263] {strides = array<i32>} : memref<512xi32, #tpu.memory_space<vmem>>, vector<16xi32>,
    tpu.vector_store %arg8[%swap3A_263], %and3A_262 {strides = array<i32>} : memref<512xi32, #tpu.memory_space<vmem>>, vector<16xi32>,
    %and3A_265 = arith.constant 127 : i32
    %and3A_266 = vector.broadcast %and3A_265 : i32 to vector<16xi32>
    %and3A_267 = arith.andi %select_n3A_257, %and3A_266 : vector<16xi32>
    %swap3A_268 = arith.constant 80 : index
    %swap3A_269 = tpu.vector_load %arg10[%swap3A_268] {strides = array<i32>} : memref<512xi32, #tpu.memory_space<vmem>>, vector<16xi32>,
    tpu.vector_store %arg10[%swap3A_268], %and3A_267 {strides = array<i32>} : memref<512xi32, #tpu.memory_space<vmem>>, vector<16xi32>,
    %get3A_270 = arith.constant 96 : index
    %get3A_271 = tpu.vector_load %arg7[%get3A_270] {strides = array<i32>} : memref<512xi32, #tpu.memory_space<vmem>>, vector<16xi32>,
    %eq3A_272 = arith.constant 0 : i32
    %eq3A_273 = vector.broadcast %eq3A_272 : i32 to vector<16xi32>
    %eq3A_274 = arith.cmpi eq, %get3A_271, %eq3A_273 : vector<16xi32>
    %sub3A_275 = arith.constant 1 : i32
    %sub3A_276 = vector.broadcast %sub3A_275 : i32 to vector<16xi32>
    %sub3A_277 = arith.subi %get3A_271, %sub3A_276 : vector<16xi32>
    %jit3A_278 = arith.constant 999999 : i32
    %broadcast_in_dim3A_279 = vector.broadcast %jit3A_278 : i32 to vector<16xi32>
    %select_n3A_280 = arith.select %eq3A_274, %broadcast_in_dim3A_279, %sub3A_277 : vector<16xi1>, vector<16xi32>
    %not3A_281 = arith.constant 127 : i32
    %not3A_282 = arith.constant -1 : i32
    %not3A_283 = arith.xori %not3A_281, %not3A_282 : i32
    %and3A_284 = vector.broadcast %not3A_283 : i32 to vector<16xi32>
    %and3A_285 = arith.andi %select_n3A_280, %and3A_284 : vector<16xi32>
    %swap3A_286 = arith.constant 96 : index
    %swap3A_287 = tpu.vector_load %arg7[%swap3A_286] {strides = array<i32>} : memref<512xi32, #tpu.memory_space<vmem>>, vector<16xi32>,
    tpu.vector_store %arg7[%swap3A_286], %and3A_285 {strides = array<i32>} : memref<512xi32, #tpu.memory_space<vmem>>, vector<16xi32>,
    %and3A_288 = arith.constant 127 : i32
    %and3A_289 = vector.broadcast %and3A_288 : i32 to vector<16xi32>
    %and3A_290 = arith.andi %select_n3A_280, %and3A_289 : vector<16xi32>
    %swap3A_291 = arith.constant 96 : index
    %swap3A_292 = tpu.vector_load %arg9[%swap3A_291] {strides = array<i32>} : memref<512xi32, #tpu.memory_space<vmem>>, vector<16xi32>,
    tpu.vector_store %arg9[%swap3A_291], %and3A_290 {strides = array<i32>} : memref<512xi32, #tpu.memory_space<vmem>>, vector<16xi32>,
    %get3A_293 = arith.constant 96 : index
    %get3A_294 = tpu.vector_load %arg8[%get3A_293] {strides = array<i32>} : memref<512xi32, #tpu.memory_space<vmem>>, vector<16xi32>,
    %eq3A_295 = arith.constant 0 : i32
    %eq3A_296 = vector.broadcast %eq3A_295 : i32 to vector<16xi32>
    %eq3A_297 = arith.cmpi eq, %get3A_294, %eq3A_296 : vector<16xi32>
    %sub3A_298 = arith.constant 1 : i32
    %sub3A_299 = vector.broadcast %sub3A_298 : i32 to vector<16xi32>
    %sub3A_300 = arith.subi %get3A_294, %sub3A_299 : vector<16xi32>
    %jit3A_301 = arith.constant 999999 : i32
    %broadcast_in_dim3A_302 = vector.broadcast %jit3A_301 : i32 to vector<16xi32>
    %select_n3A_303 = arith.select %eq3A_297, %broadcast_in_dim3A_302, %sub3A_300 : vector<16xi1>, vector<16xi32>
    %not3A_304 = arith.constant 127 : i32
    %not3A_305 = arith.constant -1 : i32
    %not3A_306 = arith.xori %not3A_304, %not3A_305 : i32
    %and3A_307 = vector.broadcast %not3A_306 : i32 to vector<16xi32>
    %and3A_308 = arith.andi %select_n3A_303, %and3A_307 : vector<16xi32>
    %swap3A_309 = arith.constant 96 : index
    %swap3A_310 = tpu.vector_load %arg8[%swap3A_309] {strides = array<i32>} : memref<512xi32, #tpu.memory_space<vmem>>, vector<16xi32>,
    tpu.vector_store %arg8[%swap3A_309], %and3A_308 {strides = array<i32>} : memref<512xi32, #tpu.memory_space<vmem>>, vector<16xi32>,
    %and3A_311 = arith.constant 127 : i32
    %and3A_312 = vector.broadcast %and3A_311 : i32 to vector<16xi32>
    %and3A_313 = arith.andi %select_n3A_303, %and3A_312 : vector<16xi32>
    %swap3A_314 = arith.constant 96 : index
    %swap3A_315 = tpu.vector_load %arg10[%swap3A_314] {strides = array<i32>} : memref<512xi32, #tpu.memory_space<vmem>>, vector<16xi32>,
    tpu.vector_store %arg10[%swap3A_314], %and3A_313 {strides = array<i32>} : memref<512xi32, #tpu.memory_space<vmem>>, vector<16xi32>,
    %get3A_316 = arith.constant 112 : index
    %get3A_317 = tpu.vector_load %arg7[%get3A_316] {strides = array<i32>} : memref<512xi32, #tpu.memory_space<vmem>>, vector<16xi32>,
    %eq3A_318 = arith.constant 0 : i32
    %eq3A_319 = vector.broadcast %eq3A_318 : i32 to vector<16xi32>
    %eq3A_320 = arith.cmpi eq, %get3A_317, %eq3A_319 : vector<16xi32>
    %sub3A_321 = arith.constant 1 : i32
    %sub3A_322 = vector.broadcast %sub3A_321 : i32 to vector<16xi32>
    %sub3A_323 = arith.subi %get3A_317, %sub3A_322 : vector<16xi32>
    %jit3A_324 = arith.constant 999999 : i32
    %broadcast_in_dim3A_325 = vector.broadcast %jit3A_324 : i32 to vector<16xi32>
    %select_n3A_326 = arith.select %eq3A_320, %broadcast_in_dim3A_325, %sub3A_323 : vector<16xi1>, vector<16xi32>
    %not3A_327 = arith.constant 127 : i32
    %not3A_328 = arith.constant -1 : i32
    %not3A_329 = arith.xori %not3A_327, %not3A_328 : i32
    %and3A_330 = vector.broadcast %not3A_329 : i32 to vector<16xi32>
    %and3A_331 = arith.andi %select_n3A_326, %and3A_330 : vector<16xi32>
    %swap3A_332 = arith.constant 112 : index
    %swap3A_333 = tpu.vector_load %arg7[%swap3A_332] {strides = array<i32>} : memref<512xi32, #tpu.memory_space<vmem>>, vector<16xi32>,
    tpu.vector_store %arg7[%swap3A_332], %and3A_331 {strides = array<i32>} : memref<512xi32, #tpu.memory_space<vmem>>, vector<16xi32>,
    %and3A_334 = arith.constant 127 : i32
    %and3A_335 = vector.broadcast %and3A_334 : i32 to vector<16xi32>
    %and3A_336 = arith.andi %select_n3A_326, %and3A_335 : vector<16xi32>
    %swap3A_337 = arith.constant 112 : index
    %swap3A_338 = tpu.vector_load %arg9[%swap3A_337] {strides = array<i32>} : memref<512xi32, #tpu.memory_space<vmem>>, vector<16xi32>,
    tpu.vector_store %arg9[%swap3A_337], %and3A_336 {strides = array<i32>} : memref<512xi32, #tpu.memory_space<vmem>>, vector<16xi32>,
    %get3A_339 = arith.constant 112 : index
    %get3A_340 = tpu.vector_load %arg8[%get3A_339] {strides = array<i32>} : memref<512xi32, #tpu.memory_space<vmem>>, vector<16xi32>,
    %eq3A_341 = arith.constant 0 : i32
    %eq3A_342 = vector.broadcast %eq3A_341 : i32 to vector<16xi32>
    %eq3A_343 = arith.cmpi eq, %get3A_340, %eq3A_342 : vector<16xi32>
    %sub3A_344 = arith.constant 1 : i32
    %sub3A_345 = vector.broadcast %sub3A_344 : i32 to vector<16xi32>
    %sub3A_346 = arith.subi %get3A_340, %sub3A_345 : vector<16xi32>
    %jit3A_347 = arith.constant 999999 : i32
    %broadcast_in_dim3A_348 = vector.broadcast %jit3A_347 : i32 to vector<16xi32>
    %select_n3A_349 = arith.select %eq3A_343, %broadcast_in_dim3A_348, %sub3A_346 : vector<16xi1>, vector<16xi32>
    %not3A_350 = arith.constant 127 : i32
    %not3A_351 = arith.constant -1 : i32
    %not3A_352 = arith.xori %not3A_350, %not3A_351 : i32
    %and3A_353 = vector.broadcast %not3A_352 : i32 to vector<16xi32>
    %and3A_354 = arith.andi %select_n3A_349, %and3A_353 : vector<16xi32>
    %swap3A_355 = arith.constant 112 : index
    %swap3A_356 = tpu.vector_load %arg8[%swap3A_355] {strides = array<i32>} : memref<512xi32, #tpu.memory_space<vmem>>, vector<16xi32>,
    tpu.vector_store %arg8[%swap3A_355], %and3A_354 {strides = array<i32>} : memref<512xi32, #tpu.memory_space<vmem>>, vector<16xi32>,
    %and3A_357 = arith.constant 127 : i32
    %and3A_358 = vector.broadcast %and3A_357 : i32 to vector<16xi32>
    %and3A_359 = arith.andi %select_n3A_349, %and3A_358 : vector<16xi32>
    %swap3A_360 = arith.constant 112 : index
    %swap3A_361 = tpu.vector_load %arg10[%swap3A_360] {strides = array<i32>} : memref<512xi32, #tpu.memory_space<vmem>>, vector<16xi32>,
    tpu.vector_store %arg10[%swap3A_360], %and3A_359 {strides = array<i32>} : memref<512xi32, #tpu.memory_space<vmem>>, vector<16xi32>,
    %get3A_362 = arith.constant 128 : index
    %get3A_363 = tpu.vector_load %arg7[%get3A_362] {strides = array<i32>} : memref<512xi32, #tpu.memory_space<vmem>>, vector<16xi32>,
    %eq3A_364 = arith.constant 0 : i32
    %eq3A_365 = vector.broadcast %eq3A_364 : i32 to vector<16xi32>
    %eq3A_366 = arith.cmpi eq, %get3A_363, %eq3A_365 : vector<16xi32>
    %sub3A_367 = arith.constant 1 : i32
    %sub3A_368 = vector.broadcast %sub3A_367 : i32 to vector<16xi32>
    %sub3A_369 = arith.subi %get3A_363, %sub3A_368 : vector<16xi32>
    %jit3A_370 = arith.constant 999999 : i32
    %broadcast_in_dim3A_371 = vector.broadcast %jit3A_370 : i32 to vector<16xi32>
    %select_n3A_372 = arith.select %eq3A_366, %broadcast_in_dim3A_371, %sub3A_369 : vector<16xi1>, vector<16xi32>
    %not3A_373 = arith.constant 127 : i32
    %not3A_374 = arith.constant -1 : i32
    %not3A_375 = arith.xori %not3A_373, %not3A_374 : i32
    %and3A_376 = vector.broadcast %not3A_375 : i32 to vector<16xi32>
    %and3A_377 = arith.andi %select_n3A_372, %and3A_376 : vector<16xi32>
    %swap3A_378 = arith.constant 128 : index
    %swap3A_379 = tpu.vector_load %arg7[%swap3A_378] {strides = array<i32>} : memref<512xi32, #tpu.memory_space<vmem>>, vector<16xi32>,
    tpu.vector_store %arg7[%swap3A_378], %and3A_377 {strides = array<i32>} : memref<512xi32, #tpu.memory_space<vmem>>, vector<16xi32>,
    %and3A_380 = arith.constant 127 : i32
    %and3A_381 = vector.broadcast %and3A_380 : i32 to vector<16xi32>
    %and3A_382 = arith.andi %select_n3A_372, %and3A_381 : vector<16xi32>
    %swap3A_383 = arith.constant 128 : index
    %swap3A_384 = tpu.vector_load %arg9[%swap3A_383] {strides = array<i32>} : memref<512xi32, #tpu.memory_space<vmem>>, vector<16xi32>,
    tpu.vector_store %arg9[%swap3A_383], %and3A_382 {strides = array<i32>} : memref<512xi32, #tpu.memory_space<vmem>>, vector<16xi32>,
    %get3A_385 = arith.constant 128 : index
    %get3A_386 = tpu.vector_load %arg8[%get3A_385] {strides = array<i32>} : memref<512xi32, #tpu.memory_space<vmem>>, vector<16xi32>,
    %eq3A_387 = arith.constant 0 : i32
    %eq3A_388 = vector.broadcast %eq3A_387 : i32 to vector<16xi32>
    %eq3A_389 = arith.cmpi eq, %get3A_386, %eq3A_388 : vector<16xi32>
    %sub3A_390 = arith.constant 1 : i32
    %sub3A_391 = vector.broadcast %sub3A_390 : i32 to vector<16xi32>
    %sub3A_392 = arith.subi %get3A_386, %sub3A_391 : vector<16xi32>
    %jit3A_393 = arith.constant 999999 : i32
    %broadcast_in_dim3A_394 = vector.broadcast %jit3A_393 : i32 to vector<16xi32>
    %select_n3A_395 = arith.select %eq3A_389, %broadcast_in_dim3A_394, %sub3A_392 : vector<16xi1>, vector<16xi32>
    %not3A_396 = arith.constant 127 : i32
    %not3A_397 = arith.constant -1 : i32
    %not3A_398 = arith.xori %not3A_396, %not3A_397 : i32
    %and3A_399 = vector.broadcast %not3A_398 : i32 to vector<16xi32>
    %and3A_400 = arith.andi %select_n3A_395, %and3A_399 : vector<16xi32>
    %swap3A_401 = arith.constant 128 : index
    %swap3A_402 = tpu.vector_load %arg8[%swap3A_401] {strides = array<i32>} : memref<512xi32, #tpu.memory_space<vmem>>, vector<16xi32>,
    tpu.vector_store %arg8[%swap3A_401], %and3A_400 {strides = array<i32>} : memref<512xi32, #tpu.memory_space<vmem>>, vector<16xi32>,
    %and3A_403 = arith.constant 127 : i32
    %and3A_404 = vector.broadcast %and3A_403 : i32 to vector<16xi32>
    %and3A_405 = arith.andi %select_n3A_395, %and3A_404 : vector<16xi32>
    %swap3A_406 = arith.constant 128 : index
    %swap3A_407 = tpu.vector_load %arg10[%swap3A_406] {strides = array<i32>} : memref<512xi32, #tpu.memory_space<vmem>>, vector<16xi32>,
    tpu.vector_store %arg10[%swap3A_406], %and3A_405 {strides = array<i32>} : memref<512xi32, #tpu.memory_space<vmem>>, vector<16xi32>,
    %get3A_408 = arith.constant 144 : index
    %get3A_409 = tpu.vector_load %arg7[%get3A_408] {strides = array<i32>} : memref<512xi32, #tpu.memory_space<vmem>>, vector<16xi32>,
    %eq3A_410 = arith.constant 0 : i32
    %eq3A_411 = vector.broadcast %eq3A_410 : i32 to vector<16xi32>
    %eq3A_412 = arith.cmpi eq, %get3A_409, %eq3A_411 : vector<16xi32>
    %sub3A_413 = arith.constant 1 : i32
    %sub3A_414 = vector.broadcast %sub3A_413 : i32 to vector<16xi32>
    %sub3A_415 = arith.subi %get3A_409, %sub3A_414 : vector<16xi32>
    %jit3A_416 = arith.constant 999999 : i32
    %broadcast_in_dim3A_417 = vector.broadcast %jit3A_416 : i32 to vector<16xi32>
    %select_n3A_418 = arith.select %eq3A_412, %broadcast_in_dim3A_417, %sub3A_415 : vector<16xi1>, vector<16xi32>
    %not3A_419 = arith.constant 127 : i32
    %not3A_420 = arith.constant -1 : i32
    %not3A_421 = arith.xori %not3A_419, %not3A_420 : i32
    %and3A_422 = vector.broadcast %not3A_421 : i32 to vector<16xi32>
    %and3A_423 = arith.andi %select_n3A_418, %and3A_422 : vector<16xi32>
    %swap3A_424 = arith.constant 144 : index
    %swap3A_425 = tpu.vector_load %arg7[%swap3A_424] {strides = array<i32>} : memref<512xi32, #tpu.memory_space<vmem>>, vector<16xi32>,
    tpu.vector_store %arg7[%swap3A_424], %and3A_423 {strides = array<i32>} : memref<512xi32, #tpu.memory_space<vmem>>, vector<16xi32>,
    %and3A_426 = arith.constant 127 : i32
    %and3A_427 = vector.broadcast %and3A_426 : i32 to vector<16xi32>
    %and3A_428 = arith.andi %select_n3A_418, %and3A_427 : vector<16xi32>
    %swap3A_429 = arith.constant 144 : index
    %swap3A_430 = tpu.vector_load %arg9[%swap3A_429] {strides = array<i32>} : memref<512xi32, #tpu.memory_space<vmem>>, vector<16xi32>,
    tpu.vector_store %arg9[%swap3A_429], %and3A_428 {strides = array<i32>} : memref<512xi32, #tpu.memory_space<vmem>>, vector<16xi32>,
    %get3A_431 = arith.constant 144 : index
    %get3A_432 = tpu.vector_load %arg8[%get3A_431] {strides = array<i32>} : memref<512xi32, #tpu.memory_space<vmem>>, vector<16xi32>,
    %eq3A_433 = arith.constant 0 : i32
    %eq3A_434 = vector.broadcast %eq3A_433 : i32 to vector<16xi32>
    %eq3A_435 = arith.cmpi eq, %get3A_432, %eq3A_434 : vector<16xi32>
    %sub3A_436 = arith.constant 1 : i32
    %sub3A_437 = vector.broadcast %sub3A_436 : i32 to vector<16xi32>
    %sub3A_438 = arith.subi %get3A_432, %sub3A_437 : vector<16xi32>
    %jit3A_439 = arith.constant 999999 : i32
    %broadcast_in_dim3A_440 = vector.broadcast %jit3A_439 : i32 to vector<16xi32>
    %select_n3A_441 = arith.select %eq3A_435, %broadcast_in_dim3A_440, %sub3A_438 : vector<16xi1>, vector<16xi32>
    %not3A_442 = arith.constant 127 : i32
    %not3A_443 = arith.constant -1 : i32
    %not3A_444 = arith.xori %not3A_442, %not3A_443 : i32
    %and3A_445 = vector.broadcast %not3A_444 : i32 to vector<16xi32>
    %and3A_446 = arith.andi %select_n3A_441, %and3A_445 : vector<16xi32>
    %swap3A_447 = arith.constant 144 : index
    %swap3A_448 = tpu.vector_load %arg8[%swap3A_447] {strides = array<i32>} : memref<512xi32, #tpu.memory_space<vmem>>, vector<16xi32>,
    tpu.vector_store %arg8[%swap3A_447], %and3A_446 {strides = array<i32>} : memref<512xi32, #tpu.memory_space<vmem>>, vector<16xi32>,
    %and3A_449 = arith.constant 127 : i32
    %and3A_450 = vector.broadcast %and3A_449 : i32 to vector<16xi32>
    %and3A_451 = arith.andi %select_n3A_441, %and3A_450 : vector<16xi32>
    %swap3A_452 = arith.constant 144 : index
    %swap3A_453 = tpu.vector_load %arg10[%swap3A_452] {strides = array<i32>} : memref<512xi32, #tpu.memory_space<vmem>>, vector<16xi32>,
    tpu.vector_store %arg10[%swap3A_452], %and3A_451 {strides = array<i32>} : memref<512xi32, #tpu.memory_space<vmem>>, vector<16xi32>,
    %get3A_454 = arith.constant 160 : index
    %get3A_455 = tpu.vector_load %arg7[%get3A_454] {strides = array<i32>} : memref<512xi32, #tpu.memory_space<vmem>>, vector<16xi32>,
    %eq3A_456 = arith.constant 0 : i32
    %eq3A_457 = vector.broadcast %eq3A_456 : i32 to vector<16xi32>
    %eq3A_458 = arith.cmpi eq, %get3A_455, %eq3A_457 : vector<16xi32>
    %sub3A_459 = arith.constant 1 : i32
    %sub3A_460 = vector.broadcast %sub3A_459 : i32 to vector<16xi32>
    %sub3A_461 = arith.subi %get3A_455, %sub3A_460 : vector<16xi32>
    %jit3A_462 = arith.constant 999999 : i32
    %broadcast_in_dim3A_463 = vector.broadcast %jit3A_462 : i32 to vector<16xi32>
    %select_n3A_464 = arith.select %eq3A_458, %broadcast_in_dim3A_463, %sub3A_461 : vector<16xi1>, vector<16xi32>
    %not3A_465 = arith.constant 127 : i32
    %not3A_466 = arith.constant -1 : i32
    %not3A_467 = arith.xori %not3A_465, %not3A_466 : i32
    %and3A_468 = vector.broadcast %not3A_467 : i32 to vector<16xi32>
    %and3A_469 = arith.andi %select_n3A_464, %and3A_468 : vector<16xi32>
    %swap3A_470 = arith.constant 160 : index
    %swap3A_471 = tpu.vector_load %arg7[%swap3A_470] {strides = array<i32>} : memref<512xi32, #tpu.memory_space<vmem>>, vector<16xi32>,
    tpu.vector_store %arg7[%swap3A_470], %and3A_469 {strides = array<i32>} : memref<512xi32, #tpu.memory_space<vmem>>, vector<16xi32>,
    %and3A_472 = arith.constant 127 : i32
    %and3A_473 = vector.broadcast %and3A_472 : i32 to vector<16xi32>
    %and3A_474 = arith.andi %select_n3A_464, %and3A_473 : vector<16xi32>
    %swap3A_475 = arith.constant 160 : index
    %swap3A_476 = tpu.vector_load %arg9[%swap3A_475] {strides = array<i32>} : memref<512xi32, #tpu.memory_space<vmem>>, vector<16xi32>,
    tpu.vector_store %arg9[%swap3A_475], %and3A_474 {strides = array<i32>} : memref<512xi32, #tpu.memory_space<vmem>>, vector<16xi32>,
    %get3A_477 = arith.constant 160 : index
    %get3A_478 = tpu.vector_load %arg8[%get3A_477] {strides = array<i32>} : memref<512xi32, #tpu.memory_space<vmem>>, vector<16xi32>,
    %eq3A_479 = arith.constant 0 : i32
    %eq3A_480 = vector.broadcast %eq3A_479 : i32 to vector<16xi32>
    %eq3A_481 = arith.cmpi eq, %get3A_478, %eq3A_480 : vector<16xi32>
    %sub3A_482 = arith.constant 1 : i32
    %sub3A_483 = vector.broadcast %sub3A_482 : i32 to vector<16xi32>
    %sub3A_484 = arith.subi %get3A_478, %sub3A_483 : vector<16xi32>
    %jit3A_485 = arith.constant 999999 : i32
    %broadcast_in_dim3A_486 = vector.broadcast %jit3A_485 : i32 to vector<16xi32>
    %select_n3A_487 = arith.select %eq3A_481, %broadcast_in_dim3A_486, %sub3A_484 : vector<16xi1>, vector<16xi32>
    %not3A_488 = arith.constant 127 : i32
    %not3A_489 = arith.constant -1 : i32
    %not3A_490 = arith.xori %not3A_488, %not3A_489 : i32
    %and3A_491 = vector.broadcast %not3A_490 : i32 to vector<16xi32>
    %and3A_492 = arith.andi %select_n3A_487, %and3A_491 : vector<16xi32>
    %swap3A_493 = arith.constant 160 : index
    %swap3A_494 = tpu.vector_load %arg8[%swap3A_493] {strides = array<i32>} : memref<512xi32, #tpu.memory_space<vmem>>, vector<16xi32>,
    tpu.vector_store %arg8[%swap3A_493], %and3A_492 {strides = array<i32>} : memref<512xi32, #tpu.memory_space<vmem>>, vector<16xi32>,
    %and3A_495 = arith.constant 127 : i32
    %and3A_496 = vector.broadcast %and3A_495 : i32 to vector<16xi32>
    %and3A_497 = arith.andi %select_n3A_487, %and3A_496 : vector<16xi32>
    %swap3A_498 = arith.constant 160 : index
    %swap3A_499 = tpu.vector_load %arg10[%swap3A_498] {strides = array<i32>} : memref<512xi32, #tpu.memory_space<vmem>>, vector<16xi32>,
    tpu.vector_store %arg10[%swap3A_498], %and3A_497 {strides = array<i32>} : memref<512xi32, #tpu.memory_space<vmem>>, vector<16xi32>,
    %get3A_500 = arith.constant 176 : index
    %get3A_501 = tpu.vector_load %arg7[%get3A_500] {strides = array<i32>} : memref<512xi32, #tpu.memory_space<vmem>>, vector<16xi32>,
    %eq3A_502 = arith.constant 0 : i32
    %eq3A_503 = vector.broadcast %eq3A_502 : i32 to vector<16xi32>
    %eq3A_504 = arith.cmpi eq, %get3A_501, %eq3A_503 : vector<16xi32>
    %sub3A_505 = arith.constant 1 : i32
    %sub3A_506 = vector.broadcast %sub3A_505 : i32 to vector<16xi32>
    %sub3A_507 = arith.subi %get3A_501, %sub3A_506 : vector<16xi32>
    %jit3A_508 = arith.constant 999999 : i32
    %broadcast_in_dim3A_509 = vector.broadcast %jit3A_508 : i32 to vector<16xi32>
    %select_n3A_510 = arith.select %eq3A_504, %broadcast_in_dim3A_509, %sub3A_507 : vector<16xi1>, vector<16xi32>
    %not3A_511 = arith.constant 127 : i32
    %not3A_512 = arith.constant -1 : i32
    %not3A_513 = arith.xori %not3A_511, %not3A_512 : i32
    %and3A_514 = vector.broadcast %not3A_513 : i32 to vector<16xi32>
    %and3A_515 = arith.andi %select_n3A_510, %and3A_514 : vector<16xi32>
    %swap3A_516 = arith.constant 176 : index
    %swap3A_517 = tpu.vector_load %arg7[%swap3A_516] {strides = array<i32>} : memref<512xi32, #tpu.memory_space<vmem>>, vector<16xi32>,
    tpu.vector_store %arg7[%swap3A_516], %and3A_515 {strides = array<i32>} : memref<512xi32, #tpu.memory_space<vmem>>, vector<16xi32>,
    %and3A_518 = arith.constant 127 : i32
    %and3A_519 = vector.broadcast %and3A_518 : i32 to vector<16xi32>
    %and3A_520 = arith.andi %select_n3A_510, %and3A_519 : vector<16xi32>
    %swap3A_521 = arith.constant 176 : index
    %swap3A_522 = tpu.vector_load %arg9[%swap3A_521] {strides = array<i32>} : memref<512xi32, #tpu.memory_space<vmem>>, vector<16xi32>,
    tpu.vector_store %arg9[%swap3A_521], %and3A_520 {strides = array<i32>} : memref<512xi32, #tpu.memory_space<vmem>>, vector<16xi32>,
    %get3A_523 = arith.constant 176 : index
    %get3A_524 = tpu.vector_load %arg8[%get3A_523] {strides = array<i32>} : memref<512xi32, #tpu.memory_space<vmem>>, vector<16xi32>,
    %eq3A_525 = arith.constant 0 : i32
    %eq3A_526 = vector.broadcast %eq3A_525 : i32 to vector<16xi32>
    %eq3A_527 = arith.cmpi eq, %get3A_524, %eq3A_526 : vector<16xi32>
    %sub3A_528 = arith.constant 1 : i32
    %sub3A_529 = vector.broadcast %sub3A_528 : i32 to vector<16xi32>
    %sub3A_530 = arith.subi %get3A_524, %sub3A_529 : vector<16xi32>
    %jit3A_531 = arith.constant 999999 : i32
    %broadcast_in_dim3A_532 = vector.broadcast %jit3A_531 : i32 to vector<16xi32>
    %select_n3A_533 = arith.select %eq3A_527, %broadcast_in_dim3A_532, %sub3A_530 : vector<16xi1>, vector<16xi32>
    %not3A_534 = arith.constant 127 : i32
    %not3A_535 = arith.constant -1 : i32
    %not3A_536 = arith.xori %not3A_534, %not3A_535 : i32
    %and3A_537 = vector.broadcast %not3A_536 : i32 to vector<16xi32>
    %and3A_538 = arith.andi %select_n3A_533, %and3A_537 : vector<16xi32>
    %swap3A_539 = arith.constant 176 : index
    %swap3A_540 = tpu.vector_load %arg8[%swap3A_539] {strides = array<i32>} : memref<512xi32, #tpu.memory_space<vmem>>, vector<16xi32>,
    tpu.vector_store %arg8[%swap3A_539], %and3A_538 {strides = array<i32>} : memref<512xi32, #tpu.memory_space<vmem>>, vector<16xi32>,
    %and3A_541 = arith.constant 127 : i32
    %and3A_542 = vector.broadcast %and3A_541 : i32 to vector<16xi32>
    %and3A_543 = arith.andi %select_n3A_533, %and3A_542 : vector<16xi32>
    %swap3A_544 = arith.constant 176 : index
    %swap3A_545 = tpu.vector_load %arg10[%swap3A_544] {strides = array<i32>} : memref<512xi32, #tpu.memory_space<vmem>>, vector<16xi32>,
    tpu.vector_store %arg10[%swap3A_544], %and3A_543 {strides = array<i32>} : memref<512xi32, #tpu.memory_space<vmem>>, vector<16xi32>,
    %get3A_546 = arith.constant 192 : index
    %get3A_547 = tpu.vector_load %arg7[%get3A_546] {strides = array<i32>} : memref<512xi32, #tpu.memory_space<vmem>>, vector<16xi32>,
    %eq3A_548 = arith.constant 0 : i32
    %eq3A_549 = vector.broadcast %eq3A_548 : i32 to vector<16xi32>
    %eq3A_550 = arith.cmpi eq, %get3A_547, %eq3A_549 : vector<16xi32>
    %sub3A_551 = arith.constant 1 : i32
    %sub3A_552 = vector.broadcast %sub3A_551 : i32 to vector<16xi32>
    %sub3A_553 = arith.subi %get3A_547, %sub3A_552 : vector<16xi32>
    %jit3A_554 = arith.constant 999999 : i32
    %broadcast_in_dim3A_555 = vector.broadcast %jit3A_554 : i32 to vector<16xi32>
    %select_n3A_556 = arith.select %eq3A_550, %broadcast_in_dim3A_555, %sub3A_553 : vector<16xi1>, vector<16xi32>
    %not3A_557 = arith.constant 127 : i32
    %not3A_558 = arith.constant -1 : i32
    %not3A_559 = arith.xori %not3A_557, %not3A_558 : i32
    %and3A_560 = vector.broadcast %not3A_559 : i32 to vector<16xi32>
    %and3A_561 = arith.andi %select_n3A_556, %and3A_560 : vector<16xi32>
    %swap3A_562 = arith.constant 192 : index
    %swap3A_563 = tpu.vector_load %arg7[%swap3A_562] {strides = array<i32>} : memref<512xi32, #tpu.memory_space<vmem>>, vector<16xi32>,
    tpu.vector_store %arg7[%swap3A_562], %and3A_561 {strides = array<i32>} : memref<512xi32, #tpu.memory_space<vmem>>, vector<16xi32>,
    %and3A_564 = arith.constant 127 : i32
    %and3A_565 = vector.broadcast %and3A_564 : i32 to vector<16xi32>
    %and3A_566 = arith.andi %select_n3A_556, %and3A_565 : vector<16xi32>
    %swap3A_567 = arith.constant 192 : index
    %swap3A_568 = tpu.vector_load %arg9[%swap3A_567] {strides = array<i32>} : memref<512xi32, #tpu.memory_space<vmem>>, vector<16xi32>,
    tpu.vector_store %arg9[%swap3A_567], %and3A_566 {strides = array<i32>} : memref<512xi32, #tpu.memory_space<vmem>>, vector<16xi32>,
    %get3A_569 = arith.constant 192 : index
    %get3A_570 = tpu.vector_load %arg8[%get3A_569] {strides = array<i32>} : memref<512xi32, #tpu.memory_space<vmem>>, vector<16xi32>,
    %eq3A_571 = arith.constant 0 : i32
    %eq3A_572 = vector.broadcast %eq3A_571 : i32 to vector<16xi32>
    %eq3A_573 = arith.cmpi eq, %get3A_570, %eq3A_572 : vector<16xi32>
    %sub3A_574 = arith.constant 1 : i32
    %sub3A_575 = vector.broadcast %sub3A_574 : i32 to vector<16xi32>
    %sub3A_576 = arith.subi %get3A_570, %sub3A_575 : vector<16xi32>
    %jit3A_577 = arith.constant 999999 : i32
    %broadcast_in_dim3A_578 = vector.broadcast %jit3A_577 : i32 to vector<16xi32>
    %select_n3A_579 = arith.select %eq3A_573, %broadcast_in_dim3A_578, %sub3A_576 : vector<16xi1>, vector<16xi32>
    %not3A_580 = arith.constant 127 : i32
    %not3A_581 = arith.constant -1 : i32
    %not3A_582 = arith.xori %not3A_580, %not3A_581 : i32
    %and3A_583 = vector.broadcast %not3A_582 : i32 to vector<16xi32>
    %and3A_584 = arith.andi %select_n3A_579, %and3A_583 : vector<16xi32>
    %swap3A_585 = arith.constant 192 : index
    %swap3A_586 = tpu.vector_load %arg8[%swap3A_585] {strides = array<i32>} : memref<512xi32, #tpu.memory_space<vmem>>, vector<16xi32>,
    tpu.vector_store %arg8[%swap3A_585], %and3A_584 {strides = array<i32>} : memref<512xi32, #tpu.memory_space<vmem>>, vector<16xi32>,
    %and3A_587 = arith.constant 127 : i32
    %and3A_588 = vector.broadcast %and3A_587 : i32 to vector<16xi32>
    %and3A_589 = arith.andi %select_n3A_579, %and3A_588 : vector<16xi32>
    %swap3A_590 = arith.constant 192 : index
    %swap3A_591 = tpu.vector_load %arg10[%swap3A_590] {strides = array<i32>} : memref<512xi32, #tpu.memory_space<vmem>>, vector<16xi32>,
    tpu.vector_store %arg10[%swap3A_590], %and3A_589 {strides = array<i32>} : memref<512xi32, #tpu.memory_space<vmem>>, vector<16xi32>,
    %get3A_592 = arith.constant 208 : index
    %get3A_593 = tpu.vector_load %arg7[%get3A_592] {strides = array<i32>} : memref<512xi32, #tpu.memory_space<vmem>>, vector<16xi32>,
    %eq3A_594 = arith.constant 0 : i32
    %eq3A_595 = vector.broadcast %eq3A_594 : i32 to vector<16xi32>
    %eq3A_596 = arith.cmpi eq, %get3A_593, %eq3A_595 : vector<16xi32>
    %sub3A_597 = arith.constant 1 : i32
    %sub3A_598 = vector.broadcast %sub3A_597 : i32 to vector<16xi32>
    %sub3A_599 = arith.subi %get3A_593, %sub3A_598 : vector<16xi32>
    %jit3A_600 = arith.constant 999999 : i32
    %broadcast_in_dim3A_601 = vector.broadcast %jit3A_600 : i32 to vector<16xi32>
    %select_n3A_602 = arith.select %eq3A_596, %broadcast_in_dim3A_601, %sub3A_599 : vector<16xi1>, vector<16xi32>
    %not3A_603 = arith.constant 127 : i32
    %not3A_604 = arith.constant -1 : i32
    %not3A_605 = arith.xori %not3A_603, %not3A_604 : i32
    %and3A_606 = vector.broadcast %not3A_605 : i32 to vector<16xi32>
    %and3A_607 = arith.andi %select_n3A_602, %and3A_606 : vector<16xi32>
    %swap3A_608 = arith.constant 208 : index
    %swap3A_609 = tpu.vector_load %arg7[%swap3A_608] {strides = array<i32>} : memref<512xi32, #tpu.memory_space<vmem>>, vector<16xi32>,
    tpu.vector_store %arg7[%swap3A_608], %and3A_607 {strides = array<i32>} : memref<512xi32, #tpu.memory_space<vmem>>, vector<16xi32>,
    %and3A_610 = arith.constant 127 : i32
    %and3A_611 = vector.broadcast %and3A_610 : i32 to vector<16xi32>
    %and3A_612 = arith.andi %select_n3A_602, %and3A_611 : vector<16xi32>
    %swap3A_613 = arith.constant 208 : index
    %swap3A_614 = tpu.vector_load %arg9[%swap3A_613] {strides = array<i32>} : memref<512xi32, #tpu.memory_space<vmem>>, vector<16xi32>,
    tpu.vector_store %arg9[%swap3A_613], %and3A_612 {strides = array<i32>} : memref<512xi32, #tpu.memory_space<vmem>>, vector<16xi32>,
    %get3A_615 = arith.constant 208 : index
    %get3A_616 = tpu.vector_load %arg8[%get3A_615] {strides = array<i32>} : memref<512xi32, #tpu.memory_space<vmem>>, vector<16xi32>,
    %eq3A_617 = arith.constant 0 : i32
    %eq3A_618 = vector.broadcast %eq3A_617 : i32 to vector<16xi32>
    %eq3A_619 = arith.cmpi eq, %get3A_616, %eq3A_618 : vector<16xi32>
    %sub3A_620 = arith.constant 1 : i32
    %sub3A_621 = vector.broadcast %sub3A_620 : i32 to vector<16xi32>
    %sub3A_622 = arith.subi %get3A_616, %sub3A_621 : vector<16xi32>
    %jit3A_623 = arith.constant 999999 : i32
    %broadcast_in_dim3A_624 = vector.broadcast %jit3A_623 : i32 to vector<16xi32>
    %select_n3A_625 = arith.select %eq3A_619, %broadcast_in_dim3A_624, %sub3A_622 : vector<16xi1>, vector<16xi32>
    %not3A_626 = arith.constant 127 : i32
    %not3A_627 = arith.constant -1 : i32
    %not3A_628 = arith.xori %not3A_626, %not3A_627 : i32
    %and3A_629 = vector.broadcast %not3A_628 : i32 to vector<16xi32>
    %and3A_630 = arith.andi %select_n3A_625, %and3A_629 : vector<16xi32>
    %swap3A_631 = arith.constant 208 : index
    %swap3A_632 = tpu.vector_load %arg8[%swap3A_631] {strides = array<i32>} : memref<512xi32, #tpu.memory_space<vmem>>, vector<16xi32>,
    tpu.vector_store %arg8[%swap3A_631], %and3A_630 {strides = array<i32>} : memref<512xi32, #tpu.memory_space<vmem>>, vector<16xi32>,
    %and3A_633 = arith.constant 127 : i32
    %and3A_634 = vector.broadcast %and3A_633 : i32 to vector<16xi32>
    %and3A_635 = arith.andi %select_n3A_625, %and3A_634 : vector<16xi32>
    %swap3A_636 = arith.constant 208 : index
    %swap3A_637 = tpu.vector_load %arg10[%swap3A_636] {strides = array<i32>} : memref<512xi32, #tpu.memory_space<vmem>>, vector<16xi32>,
    tpu.vector_store %arg10[%swap3A_636], %and3A_635 {strides = array<i32>} : memref<512xi32, #tpu.memory_space<vmem>>, vector<16xi32>,
    %get3A_638 = arith.constant 224 : index
    %get3A_639 = tpu.vector_load %arg7[%get3A_638] {strides = array<i32>} : memref<512xi32, #tpu.memory_space<vmem>>, vector<16xi32>,
    %eq3A_640 = arith.constant 0 : i32
    %eq3A_641 = vector.broadcast %eq3A_640 : i32 to vector<16xi32>
    %eq3A_642 = arith.cmpi eq, %get3A_639, %eq3A_641 : vector<16xi32>
    %sub3A_643 = arith.constant 1 : i32
    %sub3A_644 = vector.broadcast %sub3A_643 : i32 to vector<16xi32>
    %sub3A_645 = arith.subi %get3A_639, %sub3A_644 : vector<16xi32>
    %jit3A_646 = arith.constant 999999 : i32
    %broadcast_in_dim3A_647 = vector.broadcast %jit3A_646 : i32 to vector<16xi32>
    %select_n3A_648 = arith.select %eq3A_642, %broadcast_in_dim3A_647, %sub3A_645 : vector<16xi1>, vector<16xi32>
    %not3A_649 = arith.constant 127 : i32
    %not3A_650 = arith.constant -1 : i32
    %not3A_651 = arith.xori %not3A_649, %not3A_650 : i32
    %and3A_652 = vector.broadcast %not3A_651 : i32 to vector<16xi32>
    %and3A_653 = arith.andi %select_n3A_648, %and3A_652 : vector<16xi32>
    %swap3A_654 = arith.constant 224 : index
    %swap3A_655 = tpu.vector_load %arg7[%swap3A_654] {strides = array<i32>} : memref<512xi32, #tpu.memory_space<vmem>>, vector<16xi32>,
    tpu.vector_store %arg7[%swap3A_654], %and3A_653 {strides = array<i32>} : memref<512xi32, #tpu.memory_space<vmem>>, vector<16xi32>,
    %and3A_656 = arith.constant 127 : i32
    %and3A_657 = vector.broadcast %and3A_656 : i32 to vector<16xi32>
    %and3A_658 = arith.andi %select_n3A_648, %and3A_657 : vector<16xi32>
    %swap3A_659 = arith.constant 224 : index
    %swap3A_660 = tpu.vector_load %arg9[%swap3A_659] {strides = array<i32>} : memref<512xi32, #tpu.memory_space<vmem>>, vector<16xi32>,
    tpu.vector_store %arg9[%swap3A_659], %and3A_658 {strides = array<i32>} : memref<512xi32, #tpu.memory_space<vmem>>, vector<16xi32>,
    %get3A_661 = arith.constant 224 : index
    %get3A_662 = tpu.vector_load %arg8[%get3A_661] {strides = array<i32>} : memref<512xi32, #tpu.memory_space<vmem>>, vector<16xi32>,
    %eq3A_663 = arith.constant 0 : i32
    %eq3A_664 = vector.broadcast %eq3A_663 : i32 to vector<16xi32>
    %eq3A_665 = arith.cmpi eq, %get3A_662, %eq3A_664 : vector<16xi32>
    %sub3A_666 = arith.constant 1 : i32
    %sub3A_667 = vector.broadcast %sub3A_666 : i32 to vector<16xi32>
    %sub3A_668 = arith.subi %get3A_662, %sub3A_667 : vector<16xi32>
    %jit3A_669 = arith.constant 999999 : i32
    %broadcast_in_dim3A_670 = vector.broadcast %jit3A_669 : i32 to vector<16xi32>
    %select_n3A_671 = arith.select %eq3A_665, %broadcast_in_dim3A_670, %sub3A_668 : vector<16xi1>, vector<16xi32>
    %not3A_672 = arith.constant 127 : i32
    %not3A_673 = arith.constant -1 : i32
    %not3A_674 = arith.xori %not3A_672, %not3A_673 : i32
    %and3A_675 = vector.broadcast %not3A_674 : i32 to vector<16xi32>
    %and3A_676 = arith.andi %select_n3A_671, %and3A_675 : vector<16xi32>
    %swap3A_677 = arith.constant 224 : index
    %swap3A_678 = tpu.vector_load %arg8[%swap3A_677] {strides = array<i32>} : memref<512xi32, #tpu.memory_space<vmem>>, vector<16xi32>,
    tpu.vector_store %arg8[%swap3A_677], %and3A_676 {strides = array<i32>} : memref<512xi32, #tpu.memory_space<vmem>>, vector<16xi32>,
    %and3A_679 = arith.constant 127 : i32
    %and3A_680 = vector.broadcast %and3A_679 : i32 to vector<16xi32>
    %and3A_681 = arith.andi %select_n3A_671, %and3A_680 : vector<16xi32>
    %swap3A_682 = arith.constant 224 : index
    %swap3A_683 = tpu.vector_load %arg10[%swap3A_682] {strides = array<i32>} : memref<512xi32, #tpu.memory_space<vmem>>, vector<16xi32>,
    tpu.vector_store %arg10[%swap3A_682], %and3A_681 {strides = array<i32>} : memref<512xi32, #tpu.memory_space<vmem>>, vector<16xi32>,
    %get3A_684 = arith.constant 240 : index
    %get3A_685 = tpu.vector_load %arg7[%get3A_684] {strides = array<i32>} : memref<512xi32, #tpu.memory_space<vmem>>, vector<16xi32>,
    %eq3A_686 = arith.constant 0 : i32
    %eq3A_687 = vector.broadcast %eq3A_686 : i32 to vector<16xi32>
    %eq3A_688 = arith.cmpi eq, %get3A_685, %eq3A_687 : vector<16xi32>
    %sub3A_689 = arith.constant 1 : i32
    %sub3A_690 = vector.broadcast %sub3A_689 : i32 to vector<16xi32>
    %sub3A_691 = arith.subi %get3A_685, %sub3A_690 : vector<16xi32>
    %jit3A_692 = arith.constant 999999 : i32
    %broadcast_in_dim3A_693 = vector.broadcast %jit3A_692 : i32 to vector<16xi32>
    %select_n3A_694 = arith.select %eq3A_688, %broadcast_in_dim3A_693, %sub3A_691 : vector<16xi1>, vector<16xi32>
    %not3A_695 = arith.constant 127 : i32
    %not3A_696 = arith.constant -1 : i32
    %not3A_697 = arith.xori %not3A_695, %not3A_696 : i32
    %and3A_698 = vector.broadcast %not3A_697 : i32 to vector<16xi32>
    %and3A_699 = arith.andi %select_n3A_694, %and3A_698 : vector<16xi32>
    %swap3A_700 = arith.constant 240 : index
    %swap3A_701 = tpu.vector_load %arg7[%swap3A_700] {strides = array<i32>} : memref<512xi32, #tpu.memory_space<vmem>>, vector<16xi32>,
    tpu.vector_store %arg7[%swap3A_700], %and3A_699 {strides = array<i32>} : memref<512xi32, #tpu.memory_space<vmem>>, vector<16xi32>,
    %and3A_702 = arith.constant 127 : i32
    %and3A_703 = vector.broadcast %and3A_702 : i32 to vector<16xi32>
    %and3A_704 = arith.andi %select_n3A_694, %and3A_703 : vector<16xi32>
    %swap3A_705 = arith.constant 240 : index
    %swap3A_706 = tpu.vector_load %arg9[%swap3A_705] {strides = array<i32>} : memref<512xi32, #tpu.memory_space<vmem>>, vector<16xi32>,
    tpu.vector_store %arg9[%swap3A_705], %and3A_704 {strides = array<i32>} : memref<512xi32, #tpu.memory_space<vmem>>, vector<16xi32>,
    %get3A_707 = arith.constant 240 : index
    %get3A_708 = tpu.vector_load %arg8[%get3A_707] {strides = array<i32>} : memref<512xi32, #tpu.memory_space<vmem>>, vector<16xi32>,
    %eq3A_709 = arith.constant 0 : i32
    %eq3A_710 = vector.broadcast %eq3A_709 : i32 to vector<16xi32>
    %eq3A_711 = arith.cmpi eq, %get3A_708, %eq3A_710 : vector<16xi32>
    %sub3A_712 = arith.constant 1 : i32
    %sub3A_713 = vector.broadcast %sub3A_712 : i32 to vector<16xi32>
    %sub3A_714 = arith.subi %get3A_708, %sub3A_713 : vector<16xi32>
    %jit3A_715 = arith.constant 999999 : i32
    %broadcast_in_dim3A_716 = vector.broadcast %jit3A_715 : i32 to vector<16xi32>
    %select_n3A_717 = arith.select %eq3A_711, %broadcast_in_dim3A_716, %sub3A_714 : vector<16xi1>, vector<16xi32>
    %not3A_718 = arith.constant 127 : i32
    %not3A_719 = arith.constant -1 : i32
    %not3A_720 = arith.xori %not3A_718, %not3A_719 : i32
    %and3A_721 = vector.broadcast %not3A_720 : i32 to vector<16xi32>
    %and3A_722 = arith.andi %select_n3A_717, %and3A_721 : vector<16xi32>
    %swap3A_723 = arith.constant 240 : index
    %swap3A_724 = tpu.vector_load %arg8[%swap3A_723] {strides = array<i32>} : memref<512xi32, #tpu.memory_space<vmem>>, vector<16xi32>,
    tpu.vector_store %arg8[%swap3A_723], %and3A_722 {strides = array<i32>} : memref<512xi32, #tpu.memory_space<vmem>>, vector<16xi32>,
    %and3A_725 = arith.constant 127 : i32
    %and3A_726 = vector.broadcast %and3A_725 : i32 to vector<16xi32>
    %and3A_727 = arith.andi %select_n3A_717, %and3A_726 : vector<16xi32>
    %swap3A_728 = arith.constant 240 : index
    %swap3A_729 = tpu.vector_load %arg10[%swap3A_728] {strides = array<i32>} : memref<512xi32, #tpu.memory_space<vmem>>, vector<16xi32>,
    tpu.vector_store %arg10[%swap3A_728], %and3A_727 {strides = array<i32>} : memref<512xi32, #tpu.memory_space<vmem>>, vector<16xi32>,
    %get3A_730 = arith.constant 256 : index
    %get3A_731 = tpu.vector_load %arg7[%get3A_730] {strides = array<i32>} : memref<512xi32, #tpu.memory_space<vmem>>, vector<16xi32>,
    %eq3A_732 = arith.constant 0 : i32
    %eq3A_733 = vector.broadcast %eq3A_732 : i32 to vector<16xi32>
    %eq3A_734 = arith.cmpi eq, %get3A_731, %eq3A_733 : vector<16xi32>
    %sub3A_735 = arith.constant 1 : i32
    %sub3A_736 = vector.broadcast %sub3A_735 : i32 to vector<16xi32>
    %sub3A_737 = arith.subi %get3A_731, %sub3A_736 : vector<16xi32>
    %jit3A_738 = arith.constant 999999 : i32
    %broadcast_in_dim3A_739 = vector.broadcast %jit3A_738 : i32 to vector<16xi32>
    %select_n3A_740 = arith.select %eq3A_734, %broadcast_in_dim3A_739, %sub3A_737 : vector<16xi1>, vector<16xi32>
    %not3A_741 = arith.constant 127 : i32
    %not3A_742 = arith.constant -1 : i32
    %not3A_743 = arith.xori %not3A_741, %not3A_742 : i32
    %and3A_744 = vector.broadcast %not3A_743 : i32 to vector<16xi32>
    %and3A_745 = arith.andi %select_n3A_740, %and3A_744 : vector<16xi32>
    %swap3A_746 = arith.constant 256 : index
    %swap3A_747 = tpu.vector_load %arg7[%swap3A_746] {strides = array<i32>} : memref<512xi32, #tpu.memory_space<vmem>>, vector<16xi32>,
    tpu.vector_store %arg7[%swap3A_746], %and3A_745 {strides = array<i32>} : memref<512xi32, #tpu.memory_space<vmem>>, vector<16xi32>,
    %and3A_748 = arith.constant 127 : i32
    %and3A_749 = vector.broadcast %and3A_748 : i32 to vector<16xi32>
    %and3A_750 = arith.andi %select_n3A_740, %and3A_749 : vector<16xi32>
    %swap3A_751 = arith.constant 256 : index
    %swap3A_752 = tpu.vector_load %arg9[%swap3A_751] {strides = array<i32>} : memref<512xi32, #tpu.memory_space<vmem>>, vector<16xi32>,
    tpu.vector_store %arg9[%swap3A_751], %and3A_750 {strides = array<i32>} : memref<512xi32, #tpu.memory_space<vmem>>, vector<16xi32>,
    %get3A_753 = arith.constant 256 : index
    %get3A_754 = tpu.vector_load %arg8[%get3A_753] {strides = array<i32>} : memref<512xi32, #tpu.memory_space<vmem>>, vector<16xi32>,
    %eq3A_755 = arith.constant 0 : i32
    %eq3A_756 = vector.broadcast %eq3A_755 : i32 to vector<16xi32>
    %eq3A_757 = arith.cmpi eq, %get3A_754, %eq3A_756 : vector<16xi32>
    %sub3A_758 = arith.constant 1 : i32
    %sub3A_759 = vector.broadcast %sub3A_758 : i32 to vector<16xi32>
    %sub3A_760 = arith.subi %get3A_754, %sub3A_759 : vector<16xi32>
    %jit3A_761 = arith.constant 999999 : i32
    %broadcast_in_dim3A_762 = vector.broadcast %jit3A_761 : i32 to vector<16xi32>
    %select_n3A_763 = arith.select %eq3A_757, %broadcast_in_dim3A_762, %sub3A_760 : vector<16xi1>, vector<16xi32>
    %not3A_764 = arith.constant 127 : i32
    %not3A_765 = arith.constant -1 : i32
    %not3A_766 = arith.xori %not3A_764, %not3A_765 : i32
    %and3A_767 = vector.broadcast %not3A_766 : i32 to vector<16xi32>
    %and3A_768 = arith.andi %select_n3A_763, %and3A_767 : vector<16xi32>
    %swap3A_769 = arith.constant 256 : index
    %swap3A_770 = tpu.vector_load %arg8[%swap3A_769] {strides = array<i32>} : memref<512xi32, #tpu.memory_space<vmem>>, vector<16xi32>,
    tpu.vector_store %arg8[%swap3A_769], %and3A_768 {strides = array<i32>} : memref<512xi32, #tpu.memory_space<vmem>>, vector<16xi32>,
    %and3A_771 = arith.constant 127 : i32
    %and3A_772 = vector.broadcast %and3A_771 : i32 to vector<16xi32>
    %and3A_773 = arith.andi %select_n3A_763, %and3A_772 : vector<16xi32>
    %swap3A_774 = arith.constant 256 : index
    %swap3A_775 = tpu.vector_load %arg10[%swap3A_774] {strides = array<i32>} : memref<512xi32, #tpu.memory_space<vmem>>, vector<16xi32>,
    tpu.vector_store %arg10[%swap3A_774], %and3A_773 {strides = array<i32>} : memref<512xi32, #tpu.memory_space<vmem>>, vector<16xi32>,
    %get3A_776 = arith.constant 272 : index
    %get3A_777 = tpu.vector_load %arg7[%get3A_776] {strides = array<i32>} : memref<512xi32, #tpu.memory_space<vmem>>, vector<16xi32>,
    %eq3A_778 = arith.constant 0 : i32
    %eq3A_779 = vector.broadcast %eq3A_778 : i32 to vector<16xi32>
    %eq3A_780 = arith.cmpi eq, %get3A_777, %eq3A_779 : vector<16xi32>
    %sub3A_781 = arith.constant 1 : i32
    %sub3A_782 = vector.broadcast %sub3A_781 : i32 to vector<16xi32>
    %sub3A_783 = arith.subi %get3A_777, %sub3A_782 : vector<16xi32>
    %jit3A_784 = arith.constant 999999 : i32
    %broadcast_in_dim3A_785 = vector.broadcast %jit3A_784 : i32 to vector<16xi32>
    %select_n3A_786 = arith.select %eq3A_780, %broadcast_in_dim3A_785, %sub3A_783 : vector<16xi1>, vector<16xi32>
    %not3A_787 = arith.constant 127 : i32
    %not3A_788 = arith.constant -1 : i32
    %not3A_789 = arith.xori %not3A_787, %not3A_788 : i32
    %and3A_790 = vector.broadcast %not3A_789 : i32 to vector<16xi32>
    %and3A_791 = arith.andi %select_n3A_786, %and3A_790 : vector<16xi32>
    %swap3A_792 = arith.constant 272 : index
    %swap3A_793 = tpu.vector_load %arg7[%swap3A_792] {strides = array<i32>} : memref<512xi32, #tpu.memory_space<vmem>>, vector<16xi32>,
    tpu.vector_store %arg7[%swap3A_792], %and3A_791 {strides = array<i32>} : memref<512xi32, #tpu.memory_space<vmem>>, vector<16xi32>,
    %and3A_794 = arith.constant 127 : i32
    %and3A_795 = vector.broadcast %and3A_794 : i32 to vector<16xi32>
    %and3A_796 = arith.andi %select_n3A_786, %and3A_795 : vector<16xi32>
    %swap3A_797 = arith.constant 272 : index
    %swap3A_798 = tpu.vector_load %arg9[%swap3A_797] {strides = array<i32>} : memref<512xi32, #tpu.memory_space<vmem>>, vector<16xi32>,
    tpu.vector_store %arg9[%swap3A_797], %and3A_796 {strides = array<i32>} : memref<512xi32, #tpu.memory_space<vmem>>, vector<16xi32>,
    %get3A_799 = arith.constant 272 : index
    %get3A_800 = tpu.vector_load %arg8[%get3A_799] {strides = array<i32>} : memref<512xi32, #tpu.memory_space<vmem>>, vector<16xi32>,
    %eq3A_801 = arith.constant 0 : i32
    %eq3A_802 = vector.broadcast %eq3A_801 : i32 to vector<16xi32>
    %eq3A_803 = arith.cmpi eq, %get3A_800, %eq3A_802 : vector<16xi32>
    %sub3A_804 = arith.constant 1 : i32
    %sub3A_805 = vector.broadcast %sub3A_804 : i32 to vector<16xi32>
    %sub3A_806 = arith.subi %get3A_800, %sub3A_805 : vector<16xi32>
    %jit3A_807 = arith.constant 999999 : i32
    %broadcast_in_dim3A_808 = vector.broadcast %jit3A_807 : i32 to vector<16xi32>
    %select_n3A_809 = arith.select %eq3A_803, %broadcast_in_dim3A_808, %sub3A_806 : vector<16xi1>, vector<16xi32>
    %not3A_810 = arith.constant 127 : i32
    %not3A_811 = arith.constant -1 : i32
    %not3A_812 = arith.xori %not3A_810, %not3A_811 : i32
    %and3A_813 = vector.broadcast %not3A_812 : i32 to vector<16xi32>
    %and3A_814 = arith.andi %select_n3A_809, %and3A_813 : vector<16xi32>
    %swap3A_815 = arith.constant 272 : index
    %swap3A_816 = tpu.vector_load %arg8[%swap3A_815] {strides = array<i32>} : memref<512xi32, #tpu.memory_space<vmem>>, vector<16xi32>,
    tpu.vector_store %arg8[%swap3A_815], %and3A_814 {strides = array<i32>} : memref<512xi32, #tpu.memory_space<vmem>>, vector<16xi32>,
    %and3A_817 = arith.constant 127 : i32
    %and3A_818 = vector.broadcast %and3A_817 : i32 to vector<16xi32>
    %and3A_819 = arith.andi %select_n3A_809, %and3A_818 : vector<16xi32>
    %swap3A_820 = arith.constant 272 : index
    %swap3A_821 = tpu.vector_load %arg10[%swap3A_820] {strides = array<i32>} : memref<512xi32, #tpu.memory_space<vmem>>, vector<16xi32>,
    tpu.vector_store %arg10[%swap3A_820], %and3A_819 {strides = array<i32>} : memref<512xi32, #tpu.memory_space<vmem>>, vector<16xi32>,
    %get3A_822 = arith.constant 288 : index
    %get3A_823 = tpu.vector_load %arg7[%get3A_822] {strides = array<i32>} : memref<512xi32, #tpu.memory_space<vmem>>, vector<16xi32>,
    %eq3A_824 = arith.constant 0 : i32
    %eq3A_825 = vector.broadcast %eq3A_824 : i32 to vector<16xi32>
    %eq3A_826 = arith.cmpi eq, %get3A_823, %eq3A_825 : vector<16xi32>
    %sub3A_827 = arith.constant 1 : i32
    %sub3A_828 = vector.broadcast %sub3A_827 : i32 to vector<16xi32>
    %sub3A_829 = arith.subi %get3A_823, %sub3A_828 : vector<16xi32>
    %jit3A_830 = arith.constant 999999 : i32
    %broadcast_in_dim3A_831 = vector.broadcast %jit3A_830 : i32 to vector<16xi32>
    %select_n3A_832 = arith.select %eq3A_826, %broadcast_in_dim3A_831, %sub3A_829 : vector<16xi1>, vector<16xi32>
    %not3A_833 = arith.constant 127 : i32
    %not3A_834 = arith.constant -1 : i32
    %not3A_835 = arith.xori %not3A_833, %not3A_834 : i32
    %and3A_836 = vector.broadcast %not3A_835 : i32 to vector<16xi32>
    %and3A_837 = arith.andi %select_n3A_832, %and3A_836 : vector<16xi32>
    %swap3A_838 = arith.constant 288 : index
    %swap3A_839 = tpu.vector_load %arg7[%swap3A_838] {strides = array<i32>} : memref<512xi32, #tpu.memory_space<vmem>>, vector<16xi32>,
    tpu.vector_store %arg7[%swap3A_838], %and3A_837 {strides = array<i32>} : memref<512xi32, #tpu.memory_space<vmem>>, vector<16xi32>,
    %and3A_840 = arith.constant 127 : i32
    %and3A_841 = vector.broadcast %and3A_840 : i32 to vector<16xi32>
    %and3A_842 = arith.andi %select_n3A_832, %and3A_841 : vector<16xi32>
    %swap3A_843 = arith.constant 288 : index
    %swap3A_844 = tpu.vector_load %arg9[%swap3A_843] {strides = array<i32>} : memref<512xi32, #tpu.memory_space<vmem>>, vector<16xi32>,
    tpu.vector_store %arg9[%swap3A_843], %and3A_842 {strides = array<i32>} : memref<512xi32, #tpu.memory_space<vmem>>, vector<16xi32>,
    %get3A_845 = arith.constant 288 : index
    %get3A_846 = tpu.vector_load %arg8[%get3A_845] {strides = array<i32>} : memref<512xi32, #tpu.memory_space<vmem>>, vector<16xi32>,
    %eq3A_847 = arith.constant 0 : i32
    %eq3A_848 = vector.broadcast %eq3A_847 : i32 to vector<16xi32>
    %eq3A_849 = arith.cmpi eq, %get3A_846, %eq3A_848 : vector<16xi32>
    %sub3A_850 = arith.constant 1 : i32
    %sub3A_851 = vector.broadcast %sub3A_850 : i32 to vector<16xi32>
    %sub3A_852 = arith.subi %get3A_846, %sub3A_851 : vector<16xi32>
    %jit3A_853 = arith.constant 999999 : i32
    %broadcast_in_dim3A_854 = vector.broadcast %jit3A_853 : i32 to vector<16xi32>
    %select_n3A_855 = arith.select %eq3A_849, %broadcast_in_dim3A_854, %sub3A_852 : vector<16xi1>, vector<16xi32>
    %not3A_856 = arith.constant 127 : i32
    %not3A_857 = arith.constant -1 : i32
    %not3A_858 = arith.xori %not3A_856, %not3A_857 : i32
    %and3A_859 = vector.broadcast %not3A_858 : i32 to vector<16xi32>
    %and3A_860 = arith.andi %select_n3A_855, %and3A_859 : vector<16xi32>
    %swap3A_861 = arith.constant 288 : index
    %swap3A_862 = tpu.vector_load %arg8[%swap3A_861] {strides = array<i32>} : memref<512xi32, #tpu.memory_space<vmem>>, vector<16xi32>,
    tpu.vector_store %arg8[%swap3A_861], %and3A_860 {strides = array<i32>} : memref<512xi32, #tpu.memory_space<vmem>>, vector<16xi32>,
    %and3A_863 = arith.constant 127 : i32
    %and3A_864 = vector.broadcast %and3A_863 : i32 to vector<16xi32>
    %and3A_865 = arith.andi %select_n3A_855, %and3A_864 : vector<16xi32>
    %swap3A_866 = arith.constant 288 : index
    %swap3A_867 = tpu.vector_load %arg10[%swap3A_866] {strides = array<i32>} : memref<512xi32, #tpu.memory_space<vmem>>, vector<16xi32>,
    tpu.vector_store %arg10[%swap3A_866], %and3A_865 {strides = array<i32>} : memref<512xi32, #tpu.memory_space<vmem>>, vector<16xi32>,
    %get3A_868 = arith.constant 304 : index
    %get3A_869 = tpu.vector_load %arg7[%get3A_868] {strides = array<i32>} : memref<512xi32, #tpu.memory_space<vmem>>, vector<16xi32>,
    %eq3A_870 = arith.constant 0 : i32
    %eq3A_871 = vector.broadcast %eq3A_870 : i32 to vector<16xi32>
    %eq3A_872 = arith.cmpi eq, %get3A_869, %eq3A_871 : vector<16xi32>
    %sub3A_873 = arith.constant 1 : i32
    %sub3A_874 = vector.broadcast %sub3A_873 : i32 to vector<16xi32>
    %sub3A_875 = arith.subi %get3A_869, %sub3A_874 : vector<16xi32>
    %jit3A_876 = arith.constant 999999 : i32
    %broadcast_in_dim3A_877 = vector.broadcast %jit3A_876 : i32 to vector<16xi32>
    %select_n3A_878 = arith.select %eq3A_872, %broadcast_in_dim3A_877, %sub3A_875 : vector<16xi1>, vector<16xi32>
    %not3A_879 = arith.constant 127 : i32
    %not3A_880 = arith.constant -1 : i32
    %not3A_881 = arith.xori %not3A_879, %not3A_880 : i32
    %and3A_882 = vector.broadcast %not3A_881 : i32 to vector<16xi32>
    %and3A_883 = arith.andi %select_n3A_878, %and3A_882 : vector<16xi32>
    %swap3A_884 = arith.constant 304 : index
    %swap3A_885 = tpu.vector_load %arg7[%swap3A_884] {strides = array<i32>} : memref<512xi32, #tpu.memory_space<vmem>>, vector<16xi32>,
    tpu.vector_store %arg7[%swap3A_884], %and3A_883 {strides = array<i32>} : memref<512xi32, #tpu.memory_space<vmem>>, vector<16xi32>,
    %and3A_886 = arith.constant 127 : i32
    %and3A_887 = vector.broadcast %and3A_886 : i32 to vector<16xi32>
    %and3A_888 = arith.andi %select_n3A_878, %and3A_887 : vector<16xi32>
    %swap3A_889 = arith.constant 304 : index
    %swap3A_890 = tpu.vector_load %arg9[%swap3A_889] {strides = array<i32>} : memref<512xi32, #tpu.memory_space<vmem>>, vector<16xi32>,
    tpu.vector_store %arg9[%swap3A_889], %and3A_888 {strides = array<i32>} : memref<512xi32, #tpu.memory_space<vmem>>, vector<16xi32>,
    %get3A_891 = arith.constant 304 : index
    %get3A_892 = tpu.vector_load %arg8[%get3A_891] {strides = array<i32>} : memref<512xi32, #tpu.memory_space<vmem>>, vector<16xi32>,
    %eq3A_893 = arith.constant 0 : i32
    %eq3A_894 = vector.broadcast %eq3A_893 : i32 to vector<16xi32>
    %eq3A_895 = arith.cmpi eq, %get3A_892, %eq3A_894 : vector<16xi32>
    %sub3A_896 = arith.constant 1 : i32
    %sub3A_897 = vector.broadcast %sub3A_896 : i32 to vector<16xi32>
    %sub3A_898 = arith.subi %get3A_892, %sub3A_897 : vector<16xi32>
    %jit3A_899 = arith.constant 999999 : i32
    %broadcast_in_dim3A_900 = vector.broadcast %jit3A_899 : i32 to vector<16xi32>
    %select_n3A_901 = arith.select %eq3A_895, %broadcast_in_dim3A_900, %sub3A_898 : vector<16xi1>, vector<16xi32>
    %not3A_902 = arith.constant 127 : i32
    %not3A_903 = arith.constant -1 : i32
    %not3A_904 = arith.xori %not3A_902, %not3A_903 : i32
    %and3A_905 = vector.broadcast %not3A_904 : i32 to vector<16xi32>
    %and3A_906 = arith.andi %select_n3A_901, %and3A_905 : vector<16xi32>
    %swap3A_907 = arith.constant 304 : index
    %swap3A_908 = tpu.vector_load %arg8[%swap3A_907] {strides = array<i32>} : memref<512xi32, #tpu.memory_space<vmem>>, vector<16xi32>,
    tpu.vector_store %arg8[%swap3A_907], %and3A_906 {strides = array<i32>} : memref<512xi32, #tpu.memory_space<vmem>>, vector<16xi32>,
    %and3A_909 = arith.constant 127 : i32
    %and3A_910 = vector.broadcast %and3A_909 : i32 to vector<16xi32>
    %and3A_911 = arith.andi %select_n3A_901, %and3A_910 : vector<16xi32>
    %swap3A_912 = arith.constant 304 : index
    %swap3A_913 = tpu.vector_load %arg10[%swap3A_912] {strides = array<i32>} : memref<512xi32, #tpu.memory_space<vmem>>, vector<16xi32>,
    tpu.vector_store %arg10[%swap3A_912], %and3A_911 {strides = array<i32>} : memref<512xi32, #tpu.memory_space<vmem>>, vector<16xi32>,
    %get3A_914 = arith.constant 320 : index
    %get3A_915 = tpu.vector_load %arg7[%get3A_914] {strides = array<i32>} : memref<512xi32, #tpu.memory_space<vmem>>, vector<16xi32>,
    %eq3A_916 = arith.constant 0 : i32
    %eq3A_917 = vector.broadcast %eq3A_916 : i32 to vector<16xi32>
    %eq3A_918 = arith.cmpi eq, %get3A_915, %eq3A_917 : vector<16xi32>
    %sub3A_919 = arith.constant 1 : i32
    %sub3A_920 = vector.broadcast %sub3A_919 : i32 to vector<16xi32>
    %sub3A_921 = arith.subi %get3A_915, %sub3A_920 : vector<16xi32>
    %jit3A_922 = arith.constant 999999 : i32
    %broadcast_in_dim3A_923 = vector.broadcast %jit3A_922 : i32 to vector<16xi32>
    %select_n3A_924 = arith.select %eq3A_918, %broadcast_in_dim3A_923, %sub3A_921 : vector<16xi1>, vector<16xi32>
    %not3A_925 = arith.constant 127 : i32
    %not3A_926 = arith.constant -1 : i32
    %not3A_927 = arith.xori %not3A_925, %not3A_926 : i32
    %and3A_928 = vector.broadcast %not3A_927 : i32 to vector<16xi32>
    %and3A_929 = arith.andi %select_n3A_924, %and3A_928 : vector<16xi32>
    %swap3A_930 = arith.constant 320 : index
    %swap3A_931 = tpu.vector_load %arg7[%swap3A_930] {strides = array<i32>} : memref<512xi32, #tpu.memory_space<vmem>>, vector<16xi32>,
    tpu.vector_store %arg7[%swap3A_930], %and3A_929 {strides = array<i32>} : memref<512xi32, #tpu.memory_space<vmem>>, vector<16xi32>,
    %and3A_932 = arith.constant 127 : i32
    %and3A_933 = vector.broadcast %and3A_932 : i32 to vector<16xi32>
    %and3A_934 = arith.andi %select_n3A_924, %and3A_933 : vector<16xi32>
    %swap3A_935 = arith.constant 320 : index
    %swap3A_936 = tpu.vector_load %arg9[%swap3A_935] {strides = array<i32>} : memref<512xi32, #tpu.memory_space<vmem>>, vector<16xi32>,
    tpu.vector_store %arg9[%swap3A_935], %and3A_934 {strides = array<i32>} : memref<512xi32, #tpu.memory_space<vmem>>, vector<16xi32>,
    %get3A_937 = arith.constant 320 : index
    %get3A_938 = tpu.vector_load %arg8[%get3A_937] {strides = array<i32>} : memref<512xi32, #tpu.memory_space<vmem>>, vector<16xi32>,
    %eq3A_939 = arith.constant 0 : i32
    %eq3A_940 = vector.broadcast %eq3A_939 : i32 to vector<16xi32>
    %eq3A_941 = arith.cmpi eq, %get3A_938, %eq3A_940 : vector<16xi32>
    %sub3A_942 = arith.constant 1 : i32
    %sub3A_943 = vector.broadcast %sub3A_942 : i32 to vector<16xi32>
    %sub3A_944 = arith.subi %get3A_938, %sub3A_943 : vector<16xi32>
    %jit3A_945 = arith.constant 999999 : i32
    %broadcast_in_dim3A_946 = vector.broadcast %jit3A_945 : i32 to vector<16xi32>
    %select_n3A_947 = arith.select %eq3A_941, %broadcast_in_dim3A_946, %sub3A_944 : vector<16xi1>, vector<16xi32>
    %not3A_948 = arith.constant 127 : i32
    %not3A_949 = arith.constant -1 : i32
    %not3A_950 = arith.xori %not3A_948, %not3A_949 : i32
    %and3A_951 = vector.broadcast %not3A_950 : i32 to vector<16xi32>
    %and3A_952 = arith.andi %select_n3A_947, %and3A_951 : vector<16xi32>
    %swap3A_953 = arith.constant 320 : index
    %swap3A_954 = tpu.vector_load %arg8[%swap3A_953] {strides = array<i32>} : memref<512xi32, #tpu.memory_space<vmem>>, vector<16xi32>,
    tpu.vector_store %arg8[%swap3A_953], %and3A_952 {strides = array<i32>} : memref<512xi32, #tpu.memory_space<vmem>>, vector<16xi32>,
    %and3A_955 = arith.constant 127 : i32
    %and3A_956 = vector.broadcast %and3A_955 : i32 to vector<16xi32>
    %and3A_957 = arith.andi %select_n3A_947, %and3A_956 : vector<16xi32>
    %swap3A_958 = arith.constant 320 : index
    %swap3A_959 = tpu.vector_load %arg10[%swap3A_958] {strides = array<i32>} : memref<512xi32, #tpu.memory_space<vmem>>, vector<16xi32>,
    tpu.vector_store %arg10[%swap3A_958], %and3A_957 {strides = array<i32>} : memref<512xi32, #tpu.memory_space<vmem>>, vector<16xi32>,
    %get3A_960 = arith.constant 336 : index
    %get3A_961 = tpu.vector_load %arg7[%get3A_960] {strides = array<i32>} : memref<512xi32, #tpu.memory_space<vmem>>, vector<16xi32>,
    %eq3A_962 = arith.constant 0 : i32
    %eq3A_963 = vector.broadcast %eq3A_962 : i32 to vector<16xi32>
    %eq3A_964 = arith.cmpi eq, %get3A_961, %eq3A_963 : vector<16xi32>
    %sub3A_965 = arith.constant 1 : i32
    %sub3A_966 = vector.broadcast %sub3A_965 : i32 to vector<16xi32>
    %sub3A_967 = arith.subi %get3A_961, %sub3A_966 : vector<16xi32>
    %jit3A_968 = arith.constant 999999 : i32
    %broadcast_in_dim3A_969 = vector.broadcast %jit3A_968 : i32 to vector<16xi32>
    %select_n3A_970 = arith.select %eq3A_964, %broadcast_in_dim3A_969, %sub3A_967 : vector<16xi1>, vector<16xi32>
    %not3A_971 = arith.constant 127 : i32
    %not3A_972 = arith.constant -1 : i32
    %not3A_973 = arith.xori %not3A_971, %not3A_972 : i32
    %and3A_974 = vector.broadcast %not3A_973 : i32 to vector<16xi32>
    %and3A_975 = arith.andi %select_n3A_970, %and3A_974 : vector<16xi32>
    %swap3A_976 = arith.constant 336 : index
    %swap3A_977 = tpu.vector_load %arg7[%swap3A_976] {strides = array<i32>} : memref<512xi32, #tpu.memory_space<vmem>>, vector<16xi32>,
    tpu.vector_store %arg7[%swap3A_976], %and3A_975 {strides = array<i32>} : memref<512xi32, #tpu.memory_space<vmem>>, vector<16xi32>,
    %and3A_978 = arith.constant 127 : i32
    %and3A_979 = vector.broadcast %and3A_978 : i32 to vector<16xi32>
    %and3A_980 = arith.andi %select_n3A_970, %and3A_979 : vector<16xi32>
    %swap3A_981 = arith.constant 336 : index
    %swap3A_982 = tpu.vector_load %arg9[%swap3A_981] {strides = array<i32>} : memref<512xi32, #tpu.memory_space<vmem>>, vector<16xi32>,
    tpu.vector_store %arg9[%swap3A_981], %and3A_980 {strides = array<i32>} : memref<512xi32, #tpu.memory_space<vmem>>, vector<16xi32>,
    %get3A_983 = arith.constant 336 : index
    %get3A_984 = tpu.vector_load %arg8[%get3A_983] {strides = array<i32>} : memref<512xi32, #tpu.memory_space<vmem>>, vector<16xi32>,
    %eq3A_985 = arith.constant 0 : i32
    %eq3A_986 = vector.broadcast %eq3A_985 : i32 to vector<16xi32>
    %eq3A_987 = arith.cmpi eq, %get3A_984, %eq3A_986 : vector<16xi32>
    %sub3A_988 = arith.constant 1 : i32
    %sub3A_989 = vector.broadcast %sub3A_988 : i32 to vector<16xi32>
    %sub3A_990 = arith.subi %get3A_984, %sub3A_989 : vector<16xi32>
    %jit3A_991 = arith.constant 999999 : i32
    %broadcast_in_dim3A_992 = vector.broadcast %jit3A_991 : i32 to vector<16xi32>
    %select_n3A_993 = arith.select %eq3A_987, %broadcast_in_dim3A_992, %sub3A_990 : vector<16xi1>, vector<16xi32>
    %not3A_994 = arith.constant 127 : i32
    %not3A_995 = arith.constant -1 : i32
    %not3A_996 = arith.xori %not3A_994, %not3A_995 : i32
    %and3A_997 = vector.broadcast %not3A_996 : i32 to vector<16xi32>
    %and3A_998 = arith.andi %select_n3A_993, %and3A_997 : vector<16xi32>
    %swap3A_999 = arith.constant 336 : index
    %swap3A_1000 = tpu.vector_load %arg8[%swap3A_999] {strides = array<i32>} : memref<512xi32, #tpu.memory_space<vmem>>, vector<16xi32>,
    tpu.vector_store %arg8[%swap3A_999], %and3A_998 {strides = array<i32>} : memref<512xi32, #tpu.memory_space<vmem>>, vector<16xi32>,
    %and3A_1001 = arith.constant 127 : i32
    %and3A_1002 = vector.broadcast %and3A_1001 : i32 to vector<16xi32>
    %and3A_1003 = arith.andi %select_n3A_993, %and3A_1002 : vector<16xi32>
    %swap3A_1004 = arith.constant 336 : index
    %swap3A_1005 = tpu.vector_load %arg10[%swap3A_1004] {strides = array<i32>} : memref<512xi32, #tpu.memory_space<vmem>>, vector<16xi32>,
    tpu.vector_store %arg10[%swap3A_1004], %and3A_1003 {strides = array<i32>} : memref<512xi32, #tpu.memory_space<vmem>>, vector<16xi32>,
    %get3A_1006 = arith.constant 352 : index
    %get3A_1007 = tpu.vector_load %arg7[%get3A_1006] {strides = array<i32>} : memref<512xi32, #tpu.memory_space<vmem>>, vector<16xi32>,
    %eq3A_1008 = arith.constant 0 : i32
    %eq3A_1009 = vector.broadcast %eq3A_1008 : i32 to vector<16xi32>
    %eq3A_1010 = arith.cmpi eq, %get3A_1007, %eq3A_1009 : vector<16xi32>
    %sub3A_1011 = arith.constant 1 : i32
    %sub3A_1012 = vector.broadcast %sub3A_1011 : i32 to vector<16xi32>
    %sub3A_1013 = arith.subi %get3A_1007, %sub3A_1012 : vector<16xi32>
    %jit3A_1014 = arith.constant 999999 : i32
    %broadcast_in_dim3A_1015 = vector.broadcast %jit3A_1014 : i32 to vector<16xi32>
    %select_n3A_1016 = arith.select %eq3A_1010, %broadcast_in_dim3A_1015, %sub3A_1013 : vector<16xi1>, vector<16xi32>
    %not3A_1017 = arith.constant 127 : i32
    %not3A_1018 = arith.constant -1 : i32
    %not3A_1019 = arith.xori %not3A_1017, %not3A_1018 : i32
    %and3A_1020 = vector.broadcast %not3A_1019 : i32 to vector<16xi32>
    %and3A_1021 = arith.andi %select_n3A_1016, %and3A_1020 : vector<16xi32>
    %swap3A_1022 = arith.constant 352 : index
    %swap3A_1023 = tpu.vector_load %arg7[%swap3A_1022] {strides = array<i32>} : memref<512xi32, #tpu.memory_space<vmem>>, vector<16xi32>,
    tpu.vector_store %arg7[%swap3A_1022], %and3A_1021 {strides = array<i32>} : memref<512xi32, #tpu.memory_space<vmem>>, vector<16xi32>,
    %and3A_1024 = arith.constant 127 : i32
    %and3A_1025 = vector.broadcast %and3A_1024 : i32 to vector<16xi32>
    %and3A_1026 = arith.andi %select_n3A_1016, %and3A_1025 : vector<16xi32>
    %swap3A_1027 = arith.constant 352 : index
    %swap3A_1028 = tpu.vector_load %arg9[%swap3A_1027] {strides = array<i32>} : memref<512xi32, #tpu.memory_space<vmem>>, vector<16xi32>,
    tpu.vector_store %arg9[%swap3A_1027], %and3A_1026 {strides = array<i32>} : memref<512xi32, #tpu.memory_space<vmem>>, vector<16xi32>,
    %get3A_1029 = arith.constant 352 : index
    %get3A_1030 = tpu.vector_load %arg8[%get3A_1029] {strides = array<i32>} : memref<512xi32, #tpu.memory_space<vmem>>, vector<16xi32>,
    %eq3A_1031 = arith.constant 0 : i32
    %eq3A_1032 = vector.broadcast %eq3A_1031 : i32 to vector<16xi32>
    %eq3A_1033 = arith.cmpi eq, %get3A_1030, %eq3A_1032 : vector<16xi32>
    %sub3A_1034 = arith.constant 1 : i32
    %sub3A_1035 = vector.broadcast %sub3A_1034 : i32 to vector<16xi32>
    %sub3A_1036 = arith.subi %get3A_1030, %sub3A_1035 : vector<16xi32>
    %jit3A_1037 = arith.constant 999999 : i32
    %broadcast_in_dim3A_1038 = vector.broadcast %jit3A_1037 : i32 to vector<16xi32>
    %select_n3A_1039 = arith.select %eq3A_1033, %broadcast_in_dim3A_1038, %sub3A_1036 : vector<16xi1>, vector<16xi32>
    %not3A_1040 = arith.constant 127 : i32
    %not3A_1041 = arith.constant -1 : i32
    %not3A_1042 = arith.xori %not3A_1040, %not3A_1041 : i32
    %and3A_1043 = vector.broadcast %not3A_1042 : i32 to vector<16xi32>
    %and3A_1044 = arith.andi %select_n3A_1039, %and3A_1043 : vector<16xi32>
    %swap3A_1045 = arith.constant 352 : index
    %swap3A_1046 = tpu.vector_load %arg8[%swap3A_1045] {strides = array<i32>} : memref<512xi32, #tpu.memory_space<vmem>>, vector<16xi32>,
    tpu.vector_store %arg8[%swap3A_1045], %and3A_1044 {strides = array<i32>} : memref<512xi32, #tpu.memory_space<vmem>>, vector<16xi32>,
    %and3A_1047 = arith.constant 127 : i32
    %and3A_1048 = vector.broadcast %and3A_1047 : i32 to vector<16xi32>
    %and3A_1049 = arith.andi %select_n3A_1039, %and3A_1048 : vector<16xi32>
    %swap3A_1050 = arith.constant 352 : index
    %swap3A_1051 = tpu.vector_load %arg10[%swap3A_1050] {strides = array<i32>} : memref<512xi32, #tpu.memory_space<vmem>>, vector<16xi32>,
    tpu.vector_store %arg10[%swap3A_1050], %and3A_1049 {strides = array<i32>} : memref<512xi32, #tpu.memory_space<vmem>>, vector<16xi32>,
    %get3A_1052 = arith.constant 368 : index
    %get3A_1053 = tpu.vector_load %arg7[%get3A_1052] {strides = array<i32>} : memref<512xi32, #tpu.memory_space<vmem>>, vector<16xi32>,
    %eq3A_1054 = arith.constant 0 : i32
    %eq3A_1055 = vector.broadcast %eq3A_1054 : i32 to vector<16xi32>
    %eq3A_1056 = arith.cmpi eq, %get3A_1053, %eq3A_1055 : vector<16xi32>
    %sub3A_1057 = arith.constant 1 : i32
    %sub3A_1058 = vector.broadcast %sub3A_1057 : i32 to vector<16xi32>
    %sub3A_1059 = arith.subi %get3A_1053, %sub3A_1058 : vector<16xi32>
    %jit3A_1060 = arith.constant 999999 : i32
    %broadcast_in_dim3A_1061 = vector.broadcast %jit3A_1060 : i32 to vector<16xi32>
    %select_n3A_1062 = arith.select %eq3A_1056, %broadcast_in_dim3A_1061, %sub3A_1059 : vector<16xi1>, vector<16xi32>
    %not3A_1063 = arith.constant 127 : i32
    %not3A_1064 = arith.constant -1 : i32
    %not3A_1065 = arith.xori %not3A_1063, %not3A_1064 : i32
    %and3A_1066 = vector.broadcast %not3A_1065 : i32 to vector<16xi32>
    %and3A_1067 = arith.andi %select_n3A_1062, %and3A_1066 : vector<16xi32>
    %swap3A_1068 = arith.constant 368 : index
    %swap3A_1069 = tpu.vector_load %arg7[%swap3A_1068] {strides = array<i32>} : memref<512xi32, #tpu.memory_space<vmem>>, vector<16xi32>,
    tpu.vector_store %arg7[%swap3A_1068], %and3A_1067 {strides = array<i32>} : memref<512xi32, #tpu.memory_space<vmem>>, vector<16xi32>,
    %and3A_1070 = arith.constant 127 : i32
    %and3A_1071 = vector.broadcast %and3A_1070 : i32 to vector<16xi32>
    %and3A_1072 = arith.andi %select_n3A_1062, %and3A_1071 : vector<16xi32>
    %swap3A_1073 = arith.constant 368 : index
    %swap3A_1074 = tpu.vector_load %arg9[%swap3A_1073] {strides = array<i32>} : memref<512xi32, #tpu.memory_space<vmem>>, vector<16xi32>,
    tpu.vector_store %arg9[%swap3A_1073], %and3A_1072 {strides = array<i32>} : memref<512xi32, #tpu.memory_space<vmem>>, vector<16xi32>,
    %get3A_1075 = arith.constant 368 : index
    %get3A_1076 = tpu.vector_load %arg8[%get3A_1075] {strides = array<i32>} : memref<512xi32, #tpu.memory_space<vmem>>, vector<16xi32>,
    %eq3A_1077 = arith.constant 0 : i32
    %eq3A_1078 = vector.broadcast %eq3A_1077 : i32 to vector<16xi32>
    %eq3A_1079 = arith.cmpi eq, %get3A_1076, %eq3A_1078 : vector<16xi32>
    %sub3A_1080 = arith.constant 1 : i32
    %sub3A_1081 = vector.broadcast %sub3A_1080 : i32 to vector<16xi32>
    %sub3A_1082 = arith.subi %get3A_1076, %sub3A_1081 : vector<16xi32>
    %jit3A_1083 = arith.constant 999999 : i32
    %broadcast_in_dim3A_1084 = vector.broadcast %jit3A_1083 : i32 to vector<16xi32>
    %select_n3A_1085 = arith.select %eq3A_1079, %broadcast_in_dim3A_1084, %sub3A_1082 : vector<16xi1>, vector<16xi32>
    %not3A_1086 = arith.constant 127 : i32
    %not3A_1087 = arith.constant -1 : i32
    %not3A_1088 = arith.xori %not3A_1086, %not3A_1087 : i32
    %and3A_1089 = vector.broadcast %not3A_1088 : i32 to vector<16xi32>
    %and3A_1090 = arith.andi %select_n3A_1085, %and3A_1089 : vector<16xi32>
    %swap3A_1091 = arith.constant 368 : index
    %swap3A_1092 = tpu.vector_load %arg8[%swap3A_1091] {strides = array<i32>} : memref<512xi32, #tpu.memory_space<vmem>>, vector<16xi32>,
    tpu.vector_store %arg8[%swap3A_1091], %and3A_1090 {strides = array<i32>} : memref<512xi32, #tpu.memory_space<vmem>>, vector<16xi32>,
    %and3A_1093 = arith.constant 127 : i32
    %and3A_1094 = vector.broadcast %and3A_1093 : i32 to vector<16xi32>
    %and3A_1095 = arith.andi %select_n3A_1085, %and3A_1094 : vector<16xi32>
    %swap3A_1096 = arith.constant 368 : index
    %swap3A_1097 = tpu.vector_load %arg10[%swap3A_1096] {strides = array<i32>} : memref<512xi32, #tpu.memory_space<vmem>>, vector<16xi32>,
    tpu.vector_store %arg10[%swap3A_1096], %and3A_1095 {strides = array<i32>} : memref<512xi32, #tpu.memory_space<vmem>>, vector<16xi32>,
    %get3A_1098 = arith.constant 384 : index
    %get3A_1099 = tpu.vector_load %arg7[%get3A_1098] {strides = array<i32>} : memref<512xi32, #tpu.memory_space<vmem>>, vector<16xi32>,
    %eq3A_1100 = arith.constant 0 : i32
    %eq3A_1101 = vector.broadcast %eq3A_1100 : i32 to vector<16xi32>
    %eq3A_1102 = arith.cmpi eq, %get3A_1099, %eq3A_1101 : vector<16xi32>
    %sub3A_1103 = arith.constant 1 : i32
    %sub3A_1104 = vector.broadcast %sub3A_1103 : i32 to vector<16xi32>
    %sub3A_1105 = arith.subi %get3A_1099, %sub3A_1104 : vector<16xi32>
    %jit3A_1106 = arith.constant 999999 : i32
    %broadcast_in_dim3A_1107 = vector.broadcast %jit3A_1106 : i32 to vector<16xi32>
    %select_n3A_1108 = arith.select %eq3A_1102, %broadcast_in_dim3A_1107, %sub3A_1105 : vector<16xi1>, vector<16xi32>
    %not3A_1109 = arith.constant 127 : i32
    %not3A_1110 = arith.constant -1 : i32
    %not3A_1111 = arith.xori %not3A_1109, %not3A_1110 : i32
    %and3A_1112 = vector.broadcast %not3A_1111 : i32 to vector<16xi32>
    %and3A_1113 = arith.andi %select_n3A_1108, %and3A_1112 : vector<16xi32>
    %swap3A_1114 = arith.constant 384 : index
    %swap3A_1115 = tpu.vector_load %arg7[%swap3A_1114] {strides = array<i32>} : memref<512xi32, #tpu.memory_space<vmem>>, vector<16xi32>,
    tpu.vector_store %arg7[%swap3A_1114], %and3A_1113 {strides = array<i32>} : memref<512xi32, #tpu.memory_space<vmem>>, vector<16xi32>,
    %and3A_1116 = arith.constant 127 : i32
    %and3A_1117 = vector.broadcast %and3A_1116 : i32 to vector<16xi32>
    %and3A_1118 = arith.andi %select_n3A_1108, %and3A_1117 : vector<16xi32>
    %swap3A_1119 = arith.constant 384 : index
    %swap3A_1120 = tpu.vector_load %arg9[%swap3A_1119] {strides = array<i32>} : memref<512xi32, #tpu.memory_space<vmem>>, vector<16xi32>,
    tpu.vector_store %arg9[%swap3A_1119], %and3A_1118 {strides = array<i32>} : memref<512xi32, #tpu.memory_space<vmem>>, vector<16xi32>,
    %get3A_1121 = arith.constant 384 : index
    %get3A_1122 = tpu.vector_load %arg8[%get3A_1121] {strides = array<i32>} : memref<512xi32, #tpu.memory_space<vmem>>, vector<16xi32>,
    %eq3A_1123 = arith.constant 0 : i32
    %eq3A_1124 = vector.broadcast %eq3A_1123 : i32 to vector<16xi32>
    %eq3A_1125 = arith.cmpi eq, %get3A_1122, %eq3A_1124 : vector<16xi32>
    %sub3A_1126 = arith.constant 1 : i32
    %sub3A_1127 = vector.broadcast %sub3A_1126 : i32 to vector<16xi32>
    %sub3A_1128 = arith.subi %get3A_1122, %sub3A_1127 : vector<16xi32>
    %jit3A_1129 = arith.constant 999999 : i32
    %broadcast_in_dim3A_1130 = vector.broadcast %jit3A_1129 : i32 to vector<16xi32>
    %select_n3A_1131 = arith.select %eq3A_1125, %broadcast_in_dim3A_1130, %sub3A_1128 : vector<16xi1>, vector<16xi32>
    %not3A_1132 = arith.constant 127 : i32
    %not3A_1133 = arith.constant -1 : i32
    %not3A_1134 = arith.xori %not3A_1132, %not3A_1133 : i32
    %and3A_1135 = vector.broadcast %not3A_1134 : i32 to vector<16xi32>
    %and3A_1136 = arith.andi %select_n3A_1131, %and3A_1135 : vector<16xi32>
    %swap3A_1137 = arith.constant 384 : index
    %swap3A_1138 = tpu.vector_load %arg8[%swap3A_1137] {strides = array<i32>} : memref<512xi32, #tpu.memory_space<vmem>>, vector<16xi32>,
    tpu.vector_store %arg8[%swap3A_1137], %and3A_1136 {strides = array<i32>} : memref<512xi32, #tpu.memory_space<vmem>>, vector<16xi32>,
    %and3A_1139 = arith.constant 127 : i32
    %and3A_1140 = vector.broadcast %and3A_1139 : i32 to vector<16xi32>
    %and3A_1141 = arith.andi %select_n3A_1131, %and3A_1140 : vector<16xi32>
    %swap3A_1142 = arith.constant 384 : index
    %swap3A_1143 = tpu.vector_load %arg10[%swap3A_1142] {strides = array<i32>} : memref<512xi32, #tpu.memory_space<vmem>>, vector<16xi32>,
    tpu.vector_store %arg10[%swap3A_1142], %and3A_1141 {strides = array<i32>} : memref<512xi32, #tpu.memory_space<vmem>>, vector<16xi32>,
    %get3A_1144 = arith.constant 400 : index
    %get3A_1145 = tpu.vector_load %arg7[%get3A_1144] {strides = array<i32>} : memref<512xi32, #tpu.memory_space<vmem>>, vector<16xi32>,
    %eq3A_1146 = arith.constant 0 : i32
    %eq3A_1147 = vector.broadcast %eq3A_1146 : i32 to vector<16xi32>
    %eq3A_1148 = arith.cmpi eq, %get3A_1145, %eq3A_1147 : vector<16xi32>
    %sub3A_1149 = arith.constant 1 : i32
    %sub3A_1150 = vector.broadcast %sub3A_1149 : i32 to vector<16xi32>
    %sub3A_1151 = arith.subi %get3A_1145, %sub3A_1150 : vector<16xi32>
    %jit3A_1152 = arith.constant 999999 : i32
    %broadcast_in_dim3A_1153 = vector.broadcast %jit3A_1152 : i32 to vector<16xi32>
    %select_n3A_1154 = arith.select %eq3A_1148, %broadcast_in_dim3A_1153, %sub3A_1151 : vector<16xi1>, vector<16xi32>
    %not3A_1155 = arith.constant 127 : i32
    %not3A_1156 = arith.constant -1 : i32
    %not3A_1157 = arith.xori %not3A_1155, %not3A_1156 : i32
    %and3A_1158 = vector.broadcast %not3A_1157 : i32 to vector<16xi32>
    %and3A_1159 = arith.andi %select_n3A_1154, %and3A_1158 : vector<16xi32>
    %swap3A_1160 = arith.constant 400 : index
    %swap3A_1161 = tpu.vector_load %arg7[%swap3A_1160] {strides = array<i32>} : memref<512xi32, #tpu.memory_space<vmem>>, vector<16xi32>,
    tpu.vector_store %arg7[%swap3A_1160], %and3A_1159 {strides = array<i32>} : memref<512xi32, #tpu.memory_space<vmem>>, vector<16xi32>,
    %and3A_1162 = arith.constant 127 : i32
    %and3A_1163 = vector.broadcast %and3A_1162 : i32 to vector<16xi32>
    %and3A_1164 = arith.andi %select_n3A_1154, %and3A_1163 : vector<16xi32>
    %swap3A_1165 = arith.constant 400 : index
    %swap3A_1166 = tpu.vector_load %arg9[%swap3A_1165] {strides = array<i32>} : memref<512xi32, #tpu.memory_space<vmem>>, vector<16xi32>,
    tpu.vector_store %arg9[%swap3A_1165], %and3A_1164 {strides = array<i32>} : memref<512xi32, #tpu.memory_space<vmem>>, vector<16xi32>,
    %get3A_1167 = arith.constant 400 : index
    %get3A_1168 = tpu.vector_load %arg8[%get3A_1167] {strides = array<i32>} : memref<512xi32, #tpu.memory_space<vmem>>, vector<16xi32>,
    %eq3A_1169 = arith.constant 0 : i32
    %eq3A_1170 = vector.broadcast %eq3A_1169 : i32 to vector<16xi32>
    %eq3A_1171 = arith.cmpi eq, %get3A_1168, %eq3A_1170 : vector<16xi32>
    %sub3A_1172 = arith.constant 1 : i32
    %sub3A_1173 = vector.broadcast %sub3A_1172 : i32 to vector<16xi32>
    %sub3A_1174 = arith.subi %get3A_1168, %sub3A_1173 : vector<16xi32>
    %jit3A_1175 = arith.constant 999999 : i32
    %broadcast_in_dim3A_1176 = vector.broadcast %jit3A_1175 : i32 to vector<16xi32>
    %select_n3A_1177 = arith.select %eq3A_1171, %broadcast_in_dim3A_1176, %sub3A_1174 : vector<16xi1>, vector<16xi32>
    %not3A_1178 = arith.constant 127 : i32
    %not3A_1179 = arith.constant -1 : i32
    %not3A_1180 = arith.xori %not3A_1178, %not3A_1179 : i32
    %and3A_1181 = vector.broadcast %not3A_1180 : i32 to vector<16xi32>
    %and3A_1182 = arith.andi %select_n3A_1177, %and3A_1181 : vector<16xi32>
    %swap3A_1183 = arith.constant 400 : index
    %swap3A_1184 = tpu.vector_load %arg8[%swap3A_1183] {strides = array<i32>} : memref<512xi32, #tpu.memory_space<vmem>>, vector<16xi32>,
    tpu.vector_store %arg8[%swap3A_1183], %and3A_1182 {strides = array<i32>} : memref<512xi32, #tpu.memory_space<vmem>>, vector<16xi32>,
    %and3A_1185 = arith.constant 127 : i32
    %and3A_1186 = vector.broadcast %and3A_1185 : i32 to vector<16xi32>
    %and3A_1187 = arith.andi %select_n3A_1177, %and3A_1186 : vector<16xi32>
    %swap3A_1188 = arith.constant 400 : index
    %swap3A_1189 = tpu.vector_load %arg10[%swap3A_1188] {strides = array<i32>} : memref<512xi32, #tpu.memory_space<vmem>>, vector<16xi32>,
    tpu.vector_store %arg10[%swap3A_1188], %and3A_1187 {strides = array<i32>} : memref<512xi32, #tpu.memory_space<vmem>>, vector<16xi32>,
    %get3A_1190 = arith.constant 416 : index
    %get3A_1191 = tpu.vector_load %arg7[%get3A_1190] {strides = array<i32>} : memref<512xi32, #tpu.memory_space<vmem>>, vector<16xi32>,
    %eq3A_1192 = arith.constant 0 : i32
    %eq3A_1193 = vector.broadcast %eq3A_1192 : i32 to vector<16xi32>
    %eq3A_1194 = arith.cmpi eq, %get3A_1191, %eq3A_1193 : vector<16xi32>
    %sub3A_1195 = arith.constant 1 : i32
    %sub3A_1196 = vector.broadcast %sub3A_1195 : i32 to vector<16xi32>
    %sub3A_1197 = arith.subi %get3A_1191, %sub3A_1196 : vector<16xi32>
    %jit3A_1198 = arith.constant 999999 : i32
    %broadcast_in_dim3A_1199 = vector.broadcast %jit3A_1198 : i32 to vector<16xi32>
    %select_n3A_1200 = arith.select %eq3A_1194, %broadcast_in_dim3A_1199, %sub3A_1197 : vector<16xi1>, vector<16xi32>
    %not3A_1201 = arith.constant 127 : i32
    %not3A_1202 = arith.constant -1 : i32
    %not3A_1203 = arith.xori %not3A_1201, %not3A_1202 : i32
    %and3A_1204 = vector.broadcast %not3A_1203 : i32 to vector<16xi32>
    %and3A_1205 = arith.andi %select_n3A_1200, %and3A_1204 : vector<16xi32>
    %swap3A_1206 = arith.constant 416 : index
    %swap3A_1207 = tpu.vector_load %arg7[%swap3A_1206] {strides = array<i32>} : memref<512xi32, #tpu.memory_space<vmem>>, vector<16xi32>,
    tpu.vector_store %arg7[%swap3A_1206], %and3A_1205 {strides = array<i32>} : memref<512xi32, #tpu.memory_space<vmem>>, vector<16xi32>,
    %and3A_1208 = arith.constant 127 : i32
    %and3A_1209 = vector.broadcast %and3A_1208 : i32 to vector<16xi32>
    %and3A_1210 = arith.andi %select_n3A_1200, %and3A_1209 : vector<16xi32>
    %swap3A_1211 = arith.constant 416 : index
    %swap3A_1212 = tpu.vector_load %arg9[%swap3A_1211] {strides = array<i32>} : memref<512xi32, #tpu.memory_space<vmem>>, vector<16xi32>,
    tpu.vector_store %arg9[%swap3A_1211], %and3A_1210 {strides = array<i32>} : memref<512xi32, #tpu.memory_space<vmem>>, vector<16xi32>,
    %get3A_1213 = arith.constant 416 : index
    %get3A_1214 = tpu.vector_load %arg8[%get3A_1213] {strides = array<i32>} : memref<512xi32, #tpu.memory_space<vmem>>, vector<16xi32>,
    %eq3A_1215 = arith.constant 0 : i32
    %eq3A_1216 = vector.broadcast %eq3A_1215 : i32 to vector<16xi32>
    %eq3A_1217 = arith.cmpi eq, %get3A_1214, %eq3A_1216 : vector<16xi32>
    %sub3A_1218 = arith.constant 1 : i32
    %sub3A_1219 = vector.broadcast %sub3A_1218 : i32 to vector<16xi32>
    %sub3A_1220 = arith.subi %get3A_1214, %sub3A_1219 : vector<16xi32>
    %jit3A_1221 = arith.constant 999999 : i32
    %broadcast_in_dim3A_1222 = vector.broadcast %jit3A_1221 : i32 to vector<16xi32>
    %select_n3A_1223 = arith.select %eq3A_1217, %broadcast_in_dim3A_1222, %sub3A_1220 : vector<16xi1>, vector<16xi32>
    %not3A_1224 = arith.constant 127 : i32
    %not3A_1225 = arith.constant -1 : i32
    %not3A_1226 = arith.xori %not3A_1224, %not3A_1225 : i32
    %and3A_1227 = vector.broadcast %not3A_1226 : i32 to vector<16xi32>
    %and3A_1228 = arith.andi %select_n3A_1223, %and3A_1227 : vector<16xi32>
    %swap3A_1229 = arith.constant 416 : index
    %swap3A_1230 = tpu.vector_load %arg8[%swap3A_1229] {strides = array<i32>} : memref<512xi32, #tpu.memory_space<vmem>>, vector<16xi32>,
    tpu.vector_store %arg8[%swap3A_1229], %and3A_1228 {strides = array<i32>} : memref<512xi32, #tpu.memory_space<vmem>>, vector<16xi32>,
    %and3A_1231 = arith.constant 127 : i32
    %and3A_1232 = vector.broadcast %and3A_1231 : i32 to vector<16xi32>
    %and3A_1233 = arith.andi %select_n3A_1223, %and3A_1232 : vector<16xi32>
    %swap3A_1234 = arith.constant 416 : index
    %swap3A_1235 = tpu.vector_load %arg10[%swap3A_1234] {strides = array<i32>} : memref<512xi32, #tpu.memory_space<vmem>>, vector<16xi32>,
    tpu.vector_store %arg10[%swap3A_1234], %and3A_1233 {strides = array<i32>} : memref<512xi32, #tpu.memory_space<vmem>>, vector<16xi32>,
    %get3A_1236 = arith.constant 432 : index
    %get3A_1237 = tpu.vector_load %arg7[%get3A_1236] {strides = array<i32>} : memref<512xi32, #tpu.memory_space<vmem>>, vector<16xi32>,
    %eq3A_1238 = arith.constant 0 : i32
    %eq3A_1239 = vector.broadcast %eq3A_1238 : i32 to vector<16xi32>
    %eq3A_1240 = arith.cmpi eq, %get3A_1237, %eq3A_1239 : vector<16xi32>
    %sub3A_1241 = arith.constant 1 : i32
    %sub3A_1242 = vector.broadcast %sub3A_1241 : i32 to vector<16xi32>
    %sub3A_1243 = arith.subi %get3A_1237, %sub3A_1242 : vector<16xi32>
    %jit3A_1244 = arith.constant 999999 : i32
    %broadcast_in_dim3A_1245 = vector.broadcast %jit3A_1244 : i32 to vector<16xi32>
    %select_n3A_1246 = arith.select %eq3A_1240, %broadcast_in_dim3A_1245, %sub3A_1243 : vector<16xi1>, vector<16xi32>
    %not3A_1247 = arith.constant 127 : i32
    %not3A_1248 = arith.constant -1 : i32
    %not3A_1249 = arith.xori %not3A_1247, %not3A_1248 : i32
    %and3A_1250 = vector.broadcast %not3A_1249 : i32 to vector<16xi32>
    %and3A_1251 = arith.andi %select_n3A_1246, %and3A_1250 : vector<16xi32>
    %swap3A_1252 = arith.constant 432 : index
    %swap3A_1253 = tpu.vector_load %arg7[%swap3A_1252] {strides = array<i32>} : memref<512xi32, #tpu.memory_space<vmem>>, vector<16xi32>,
    tpu.vector_store %arg7[%swap3A_1252], %and3A_1251 {strides = array<i32>} : memref<512xi32, #tpu.memory_space<vmem>>, vector<16xi32>,
    %and3A_1254 = arith.constant 127 : i32
    %and3A_1255 = vector.broadcast %and3A_1254 : i32 to vector<16xi32>
    %and3A_1256 = arith.andi %select_n3A_1246, %and3A_1255 : vector<16xi32>
    %swap3A_1257 = arith.constant 432 : index
    %swap3A_1258 = tpu.vector_load %arg9[%swap3A_1257] {strides = array<i32>} : memref<512xi32, #tpu.memory_space<vmem>>, vector<16xi32>,
    tpu.vector_store %arg9[%swap3A_1257], %and3A_1256 {strides = array<i32>} : memref<512xi32, #tpu.memory_space<vmem>>, vector<16xi32>,
    %get3A_1259 = arith.constant 432 : index
    %get3A_1260 = tpu.vector_load %arg8[%get3A_1259] {strides = array<i32>} : memref<512xi32, #tpu.memory_space<vmem>>, vector<16xi32>,
    %eq3A_1261 = arith.constant 0 : i32
    %eq3A_1262 = vector.broadcast %eq3A_1261 : i32 to vector<16xi32>
    %eq3A_1263 = arith.cmpi eq, %get3A_1260, %eq3A_1262 : vector<16xi32>
    %sub3A_1264 = arith.constant 1 : i32
    %sub3A_1265 = vector.broadcast %sub3A_1264 : i32 to vector<16xi32>
    %sub3A_1266 = arith.subi %get3A_1260, %sub3A_1265 : vector<16xi32>
    %jit3A_1267 = arith.constant 999999 : i32
    %broadcast_in_dim3A_1268 = vector.broadcast %jit3A_1267 : i32 to vector<16xi32>
    %select_n3A_1269 = arith.select %eq3A_1263, %broadcast_in_dim3A_1268, %sub3A_1266 : vector<16xi1>, vector<16xi32>
    %not3A_1270 = arith.constant 127 : i32
    %not3A_1271 = arith.constant -1 : i32
    %not3A_1272 = arith.xori %not3A_1270, %not3A_1271 : i32
    %and3A_1273 = vector.broadcast %not3A_1272 : i32 to vector<16xi32>
    %and3A_1274 = arith.andi %select_n3A_1269, %and3A_1273 : vector<16xi32>
    %swap3A_1275 = arith.constant 432 : index
    %swap3A_1276 = tpu.vector_load %arg8[%swap3A_1275] {strides = array<i32>} : memref<512xi32, #tpu.memory_space<vmem>>, vector<16xi32>,
    tpu.vector_store %arg8[%swap3A_1275], %and3A_1274 {strides = array<i32>} : memref<512xi32, #tpu.memory_space<vmem>>, vector<16xi32>,
    %and3A_1277 = arith.constant 127 : i32
    %and3A_1278 = vector.broadcast %and3A_1277 : i32 to vector<16xi32>
    %and3A_1279 = arith.andi %select_n3A_1269, %and3A_1278 : vector<16xi32>
    %swap3A_1280 = arith.constant 432 : index
    %swap3A_1281 = tpu.vector_load %arg10[%swap3A_1280] {strides = array<i32>} : memref<512xi32, #tpu.memory_space<vmem>>, vector<16xi32>,
    tpu.vector_store %arg10[%swap3A_1280], %and3A_1279 {strides = array<i32>} : memref<512xi32, #tpu.memory_space<vmem>>, vector<16xi32>,
    %get3A_1282 = arith.constant 448 : index
    %get3A_1283 = tpu.vector_load %arg7[%get3A_1282] {strides = array<i32>} : memref<512xi32, #tpu.memory_space<vmem>>, vector<16xi32>,
    %eq3A_1284 = arith.constant 0 : i32
    %eq3A_1285 = vector.broadcast %eq3A_1284 : i32 to vector<16xi32>
    %eq3A_1286 = arith.cmpi eq, %get3A_1283, %eq3A_1285 : vector<16xi32>
    %sub3A_1287 = arith.constant 1 : i32
    %sub3A_1288 = vector.broadcast %sub3A_1287 : i32 to vector<16xi32>
    %sub3A_1289 = arith.subi %get3A_1283, %sub3A_1288 : vector<16xi32>
    %jit3A_1290 = arith.constant 999999 : i32
    %broadcast_in_dim3A_1291 = vector.broadcast %jit3A_1290 : i32 to vector<16xi32>
    %select_n3A_1292 = arith.select %eq3A_1286, %broadcast_in_dim3A_1291, %sub3A_1289 : vector<16xi1>, vector<16xi32>
    %not3A_1293 = arith.constant 127 : i32
    %not3A_1294 = arith.constant -1 : i32
    %not3A_1295 = arith.xori %not3A_1293, %not3A_1294 : i32
    %and3A_1296 = vector.broadcast %not3A_1295 : i32 to vector<16xi32>
    %and3A_1297 = arith.andi %select_n3A_1292, %and3A_1296 : vector<16xi32>
    %swap3A_1298 = arith.constant 448 : index
    %swap3A_1299 = tpu.vector_load %arg7[%swap3A_1298] {strides = array<i32>} : memref<512xi32, #tpu.memory_space<vmem>>, vector<16xi32>,
    tpu.vector_store %arg7[%swap3A_1298], %and3A_1297 {strides = array<i32>} : memref<512xi32, #tpu.memory_space<vmem>>, vector<16xi32>,
    %and3A_1300 = arith.constant 127 : i32
    %and3A_1301 = vector.broadcast %and3A_1300 : i32 to vector<16xi32>
    %and3A_1302 = arith.andi %select_n3A_1292, %and3A_1301 : vector<16xi32>
    %swap3A_1303 = arith.constant 448 : index
    %swap3A_1304 = tpu.vector_load %arg9[%swap3A_1303] {strides = array<i32>} : memref<512xi32, #tpu.memory_space<vmem>>, vector<16xi32>,
    tpu.vector_store %arg9[%swap3A_1303], %and3A_1302 {strides = array<i32>} : memref<512xi32, #tpu.memory_space<vmem>>, vector<16xi32>,
    %get3A_1305 = arith.constant 448 : index
    %get3A_1306 = tpu.vector_load %arg8[%get3A_1305] {strides = array<i32>} : memref<512xi32, #tpu.memory_space<vmem>>, vector<16xi32>,
    %eq3A_1307 = arith.constant 0 : i32
    %eq3A_1308 = vector.broadcast %eq3A_1307 : i32 to vector<16xi32>
    %eq3A_1309 = arith.cmpi eq, %get3A_1306, %eq3A_1308 : vector<16xi32>
    %sub3A_1310 = arith.constant 1 : i32
    %sub3A_1311 = vector.broadcast %sub3A_1310 : i32 to vector<16xi32>
    %sub3A_1312 = arith.subi %get3A_1306, %sub3A_1311 : vector<16xi32>
    %jit3A_1313 = arith.constant 999999 : i32
    %broadcast_in_dim3A_1314 = vector.broadcast %jit3A_1313 : i32 to vector<16xi32>
    %select_n3A_1315 = arith.select %eq3A_1309, %broadcast_in_dim3A_1314, %sub3A_1312 : vector<16xi1>, vector<16xi32>
    %not3A_1316 = arith.constant 127 : i32
    %not3A_1317 = arith.constant -1 : i32
    %not3A_1318 = arith.xori %not3A_1316, %not3A_1317 : i32
    %and3A_1319 = vector.broadcast %not3A_1318 : i32 to vector<16xi32>
    %and3A_1320 = arith.andi %select_n3A_1315, %and3A_1319 : vector<16xi32>
    %swap3A_1321 = arith.constant 448 : index
    %swap3A_1322 = tpu.vector_load %arg8[%swap3A_1321] {strides = array<i32>} : memref<512xi32, #tpu.memory_space<vmem>>, vector<16xi32>,
    tpu.vector_store %arg8[%swap3A_1321], %and3A_1320 {strides = array<i32>} : memref<512xi32, #tpu.memory_space<vmem>>, vector<16xi32>,
    %and3A_1323 = arith.constant 127 : i32
    %and3A_1324 = vector.broadcast %and3A_1323 : i32 to vector<16xi32>
    %and3A_1325 = arith.andi %select_n3A_1315, %and3A_1324 : vector<16xi32>
    %swap3A_1326 = arith.constant 448 : index
    %swap3A_1327 = tpu.vector_load %arg10[%swap3A_1326] {strides = array<i32>} : memref<512xi32, #tpu.memory_space<vmem>>, vector<16xi32>,
    tpu.vector_store %arg10[%swap3A_1326], %and3A_1325 {strides = array<i32>} : memref<512xi32, #tpu.memory_space<vmem>>, vector<16xi32>,
    %get3A_1328 = arith.constant 464 : index
    %get3A_1329 = tpu.vector_load %arg7[%get3A_1328] {strides = array<i32>} : memref<512xi32, #tpu.memory_space<vmem>>, vector<16xi32>,
    %eq3A_1330 = arith.constant 0 : i32
    %eq3A_1331 = vector.broadcast %eq3A_1330 : i32 to vector<16xi32>
    %eq3A_1332 = arith.cmpi eq, %get3A_1329, %eq3A_1331 : vector<16xi32>
    %sub3A_1333 = arith.constant 1 : i32
    %sub3A_1334 = vector.broadcast %sub3A_1333 : i32 to vector<16xi32>
    %sub3A_1335 = arith.subi %get3A_1329, %sub3A_1334 : vector<16xi32>
    %jit3A_1336 = arith.constant 999999 : i32
    %broadcast_in_dim3A_1337 = vector.broadcast %jit3A_1336 : i32 to vector<16xi32>
    %select_n3A_1338 = arith.select %eq3A_1332, %broadcast_in_dim3A_1337, %sub3A_1335 : vector<16xi1>, vector<16xi32>
    %not3A_1339 = arith.constant 127 : i32
    %not3A_1340 = arith.constant -1 : i32
    %not3A_1341 = arith.xori %not3A_1339, %not3A_1340 : i32
    %and3A_1342 = vector.broadcast %not3A_1341 : i32 to vector<16xi32>
    %and3A_1343 = arith.andi %select_n3A_1338, %and3A_1342 : vector<16xi32>
    %swap3A_1344 = arith.constant 464 : index
    %swap3A_1345 = tpu.vector_load %arg7[%swap3A_1344] {strides = array<i32>} : memref<512xi32, #tpu.memory_space<vmem>>, vector<16xi32>,
    tpu.vector_store %arg7[%swap3A_1344], %and3A_1343 {strides = array<i32>} : memref<512xi32, #tpu.memory_space<vmem>>, vector<16xi32>,
    %and3A_1346 = arith.constant 127 : i32
    %and3A_1347 = vector.broadcast %and3A_1346 : i32 to vector<16xi32>
    %and3A_1348 = arith.andi %select_n3A_1338, %and3A_1347 : vector<16xi32>
    %swap3A_1349 = arith.constant 464 : index
    %swap3A_1350 = tpu.vector_load %arg9[%swap3A_1349] {strides = array<i32>} : memref<512xi32, #tpu.memory_space<vmem>>, vector<16xi32>,
    tpu.vector_store %arg9[%swap3A_1349], %and3A_1348 {strides = array<i32>} : memref<512xi32, #tpu.memory_space<vmem>>, vector<16xi32>,
    %get3A_1351 = arith.constant 464 : index
    %get3A_1352 = tpu.vector_load %arg8[%get3A_1351] {strides = array<i32>} : memref<512xi32, #tpu.memory_space<vmem>>, vector<16xi32>,
    %eq3A_1353 = arith.constant 0 : i32
    %eq3A_1354 = vector.broadcast %eq3A_1353 : i32 to vector<16xi32>
    %eq3A_1355 = arith.cmpi eq, %get3A_1352, %eq3A_1354 : vector<16xi32>
    %sub3A_1356 = arith.constant 1 : i32
    %sub3A_1357 = vector.broadcast %sub3A_1356 : i32 to vector<16xi32>
    %sub3A_1358 = arith.subi %get3A_1352, %sub3A_1357 : vector<16xi32>
    %jit3A_1359 = arith.constant 999999 : i32
    %broadcast_in_dim3A_1360 = vector.broadcast %jit3A_1359 : i32 to vector<16xi32>
    %select_n3A_1361 = arith.select %eq3A_1355, %broadcast_in_dim3A_1360, %sub3A_1358 : vector<16xi1>, vector<16xi32>
    %not3A_1362 = arith.constant 127 : i32
    %not3A_1363 = arith.constant -1 : i32
    %not3A_1364 = arith.xori %not3A_1362, %not3A_1363 : i32
    %and3A_1365 = vector.broadcast %not3A_1364 : i32 to vector<16xi32>
    %and3A_1366 = arith.andi %select_n3A_1361, %and3A_1365 : vector<16xi32>
    %swap3A_1367 = arith.constant 464 : index
    %swap3A_1368 = tpu.vector_load %arg8[%swap3A_1367] {strides = array<i32>} : memref<512xi32, #tpu.memory_space<vmem>>, vector<16xi32>,
    tpu.vector_store %arg8[%swap3A_1367], %and3A_1366 {strides = array<i32>} : memref<512xi32, #tpu.memory_space<vmem>>, vector<16xi32>,
    %and3A_1369 = arith.constant 127 : i32
    %and3A_1370 = vector.broadcast %and3A_1369 : i32 to vector<16xi32>
    %and3A_1371 = arith.andi %select_n3A_1361, %and3A_1370 : vector<16xi32>
    %swap3A_1372 = arith.constant 464 : index
    %swap3A_1373 = tpu.vector_load %arg10[%swap3A_1372] {strides = array<i32>} : memref<512xi32, #tpu.memory_space<vmem>>, vector<16xi32>,
    tpu.vector_store %arg10[%swap3A_1372], %and3A_1371 {strides = array<i32>} : memref<512xi32, #tpu.memory_space<vmem>>, vector<16xi32>,
    %get3A_1374 = arith.constant 480 : index
    %get3A_1375 = tpu.vector_load %arg7[%get3A_1374] {strides = array<i32>} : memref<512xi32, #tpu.memory_space<vmem>>, vector<16xi32>,
    %eq3A_1376 = arith.constant 0 : i32
    %eq3A_1377 = vector.broadcast %eq3A_1376 : i32 to vector<16xi32>
    %eq3A_1378 = arith.cmpi eq, %get3A_1375, %eq3A_1377 : vector<16xi32>
    %sub3A_1379 = arith.constant 1 : i32
    %sub3A_1380 = vector.broadcast %sub3A_1379 : i32 to vector<16xi32>
    %sub3A_1381 = arith.subi %get3A_1375, %sub3A_1380 : vector<16xi32>
    %jit3A_1382 = arith.constant 999999 : i32
    %broadcast_in_dim3A_1383 = vector.broadcast %jit3A_1382 : i32 to vector<16xi32>
    %select_n3A_1384 = arith.select %eq3A_1378, %broadcast_in_dim3A_1383, %sub3A_1381 : vector<16xi1>, vector<16xi32>
    %not3A_1385 = arith.constant 127 : i32
    %not3A_1386 = arith.constant -1 : i32
    %not3A_1387 = arith.xori %not3A_1385, %not3A_1386 : i32
    %and3A_1388 = vector.broadcast %not3A_1387 : i32 to vector<16xi32>
    %and3A_1389 = arith.andi %select_n3A_1384, %and3A_1388 : vector<16xi32>
    %swap3A_1390 = arith.constant 480 : index
    %swap3A_1391 = tpu.vector_load %arg7[%swap3A_1390] {strides = array<i32>} : memref<512xi32, #tpu.memory_space<vmem>>, vector<16xi32>,
    tpu.vector_store %arg7[%swap3A_1390], %and3A_1389 {strides = array<i32>} : memref<512xi32, #tpu.memory_space<vmem>>, vector<16xi32>,
    %and3A_1392 = arith.constant 127 : i32
    %and3A_1393 = vector.broadcast %and3A_1392 : i32 to vector<16xi32>
    %and3A_1394 = arith.andi %select_n3A_1384, %and3A_1393 : vector<16xi32>
    %swap3A_1395 = arith.constant 480 : index
    %swap3A_1396 = tpu.vector_load %arg9[%swap3A_1395] {strides = array<i32>} : memref<512xi32, #tpu.memory_space<vmem>>, vector<16xi32>,
    tpu.vector_store %arg9[%swap3A_1395], %and3A_1394 {strides = array<i32>} : memref<512xi32, #tpu.memory_space<vmem>>, vector<16xi32>,
    %get3A_1397 = arith.constant 480 : index
    %get3A_1398 = tpu.vector_load %arg8[%get3A_1397] {strides = array<i32>} : memref<512xi32, #tpu.memory_space<vmem>>, vector<16xi32>,
    %eq3A_1399 = arith.constant 0 : i32
    %eq3A_1400 = vector.broadcast %eq3A_1399 : i32 to vector<16xi32>
    %eq3A_1401 = arith.cmpi eq, %get3A_1398, %eq3A_1400 : vector<16xi32>
    %sub3A_1402 = arith.constant 1 : i32
    %sub3A_1403 = vector.broadcast %sub3A_1402 : i32 to vector<16xi32>
    %sub3A_1404 = arith.subi %get3A_1398, %sub3A_1403 : vector<16xi32>
    %jit3A_1405 = arith.constant 999999 : i32
    %broadcast_in_dim3A_1406 = vector.broadcast %jit3A_1405 : i32 to vector<16xi32>
    %select_n3A_1407 = arith.select %eq3A_1401, %broadcast_in_dim3A_1406, %sub3A_1404 : vector<16xi1>, vector<16xi32>
    %not3A_1408 = arith.constant 127 : i32
    %not3A_1409 = arith.constant -1 : i32
    %not3A_1410 = arith.xori %not3A_1408, %not3A_1409 : i32
    %and3A_1411 = vector.broadcast %not3A_1410 : i32 to vector<16xi32>
    %and3A_1412 = arith.andi %select_n3A_1407, %and3A_1411 : vector<16xi32>
    %swap3A_1413 = arith.constant 480 : index
    %swap3A_1414 = tpu.vector_load %arg8[%swap3A_1413] {strides = array<i32>} : memref<512xi32, #tpu.memory_space<vmem>>, vector<16xi32>,
    tpu.vector_store %arg8[%swap3A_1413], %and3A_1412 {strides = array<i32>} : memref<512xi32, #tpu.memory_space<vmem>>, vector<16xi32>,
    %and3A_1415 = arith.constant 127 : i32
    %and3A_1416 = vector.broadcast %and3A_1415 : i32 to vector<16xi32>
    %and3A_1417 = arith.andi %select_n3A_1407, %and3A_1416 : vector<16xi32>
    %swap3A_1418 = arith.constant 480 : index
    %swap3A_1419 = tpu.vector_load %arg10[%swap3A_1418] {strides = array<i32>} : memref<512xi32, #tpu.memory_space<vmem>>, vector<16xi32>,
    tpu.vector_store %arg10[%swap3A_1418], %and3A_1417 {strides = array<i32>} : memref<512xi32, #tpu.memory_space<vmem>>, vector<16xi32>,
    %get3A_1420 = arith.constant 496 : index
    %get3A_1421 = tpu.vector_load %arg7[%get3A_1420] {strides = array<i32>} : memref<512xi32, #tpu.memory_space<vmem>>, vector<16xi32>,
    %eq3A_1422 = arith.constant 0 : i32
    %eq3A_1423 = vector.broadcast %eq3A_1422 : i32 to vector<16xi32>
    %eq3A_1424 = arith.cmpi eq, %get3A_1421, %eq3A_1423 : vector<16xi32>
    %sub3A_1425 = arith.constant 1 : i32
    %sub3A_1426 = vector.broadcast %sub3A_1425 : i32 to vector<16xi32>
    %sub3A_1427 = arith.subi %get3A_1421, %sub3A_1426 : vector<16xi32>
    %jit3A_1428 = arith.constant 999999 : i32
    %broadcast_in_dim3A_1429 = vector.broadcast %jit3A_1428 : i32 to vector<16xi32>
    %select_n3A_1430 = arith.select %eq3A_1424, %broadcast_in_dim3A_1429, %sub3A_1427 : vector<16xi1>, vector<16xi32>
    %not3A_1431 = arith.constant 127 : i32
    %not3A_1432 = arith.constant -1 : i32
    %not3A_1433 = arith.xori %not3A_1431, %not3A_1432 : i32
    %and3A_1434 = vector.broadcast %not3A_1433 : i32 to vector<16xi32>
    %and3A_1435 = arith.andi %select_n3A_1430, %and3A_1434 : vector<16xi32>
    %swap3A_1436 = arith.constant 496 : index
    %swap3A_1437 = tpu.vector_load %arg7[%swap3A_1436] {strides = array<i32>} : memref<512xi32, #tpu.memory_space<vmem>>, vector<16xi32>,
    tpu.vector_store %arg7[%swap3A_1436], %and3A_1435 {strides = array<i32>} : memref<512xi32, #tpu.memory_space<vmem>>, vector<16xi32>,
    %and3A_1438 = arith.constant 127 : i32
    %and3A_1439 = vector.broadcast %and3A_1438 : i32 to vector<16xi32>
    %and3A_1440 = arith.andi %select_n3A_1430, %and3A_1439 : vector<16xi32>
    %swap3A_1441 = arith.constant 496 : index
    %swap3A_1442 = tpu.vector_load %arg9[%swap3A_1441] {strides = array<i32>} : memref<512xi32, #tpu.memory_space<vmem>>, vector<16xi32>,
    tpu.vector_store %arg9[%swap3A_1441], %and3A_1440 {strides = array<i32>} : memref<512xi32, #tpu.memory_space<vmem>>, vector<16xi32>,
    %get3A_1443 = arith.constant 496 : index
    %get3A_1444 = tpu.vector_load %arg8[%get3A_1443] {strides = array<i32>} : memref<512xi32, #tpu.memory_space<vmem>>, vector<16xi32>,
    %eq3A_1445 = arith.constant 0 : i32
    %eq3A_1446 = vector.broadcast %eq3A_1445 : i32 to vector<16xi32>
    %eq3A_1447 = arith.cmpi eq, %get3A_1444, %eq3A_1446 : vector<16xi32>
    %sub3A_1448 = arith.constant 1 : i32
    %sub3A_1449 = vector.broadcast %sub3A_1448 : i32 to vector<16xi32>
    %sub3A_1450 = arith.subi %get3A_1444, %sub3A_1449 : vector<16xi32>
    %jit3A_1451 = arith.constant 999999 : i32
    %broadcast_in_dim3A_1452 = vector.broadcast %jit3A_1451 : i32 to vector<16xi32>
    %select_n3A_1453 = arith.select %eq3A_1447, %broadcast_in_dim3A_1452, %sub3A_1450 : vector<16xi1>, vector<16xi32>
    %not3A_1454 = arith.constant 127 : i32
    %not3A_1455 = arith.constant -1 : i32
    %not3A_1456 = arith.xori %not3A_1454, %not3A_1455 : i32
    %and3A_1457 = vector.broadcast %not3A_1456 : i32 to vector<16xi32>
    %and3A_1458 = arith.andi %select_n3A_1453, %and3A_1457 : vector<16xi32>
    %swap3A_1459 = arith.constant 496 : index
    %swap3A_1460 = tpu.vector_load %arg8[%swap3A_1459] {strides = array<i32>} : memref<512xi32, #tpu.memory_space<vmem>>, vector<16xi32>,
    tpu.vector_store %arg8[%swap3A_1459], %and3A_1458 {strides = array<i32>} : memref<512xi32, #tpu.memory_space<vmem>>, vector<16xi32>,
    %and3A_1461 = arith.constant 127 : i32
    %and3A_1462 = vector.broadcast %and3A_1461 : i32 to vector<16xi32>
    %and3A_1463 = arith.andi %select_n3A_1453, %and3A_1462 : vector<16xi32>
    %swap3A_1464 = arith.constant 496 : index
    %swap3A_1465 = tpu.vector_load %arg10[%swap3A_1464] {strides = array<i32>} : memref<512xi32, #tpu.memory_space<vmem>>, vector<16xi32>,
    tpu.vector_store %arg10[%swap3A_1464], %and3A_1463 {strides = array<i32>} : memref<512xi32, #tpu.memory_space<vmem>>, vector<16xi32>,
    %iota3A = tpu.iota {dimensions = array<i32: 0>} : vector<16xi32>
    %and3A_1466 = arith.constant 7 : i32
    %and3A_1467 = vector.broadcast %and3A_1466 : i32 to vector<16xi32>
    %and3A_1468 = arith.andi %iota3A, %and3A_1467 : vector<16xi32>
    %shift_right_arithmetic3A = arith.constant 3 : i32
    %shift_right_arithmetic3A_1469 = vector.broadcast %shift_right_arithmetic3A : i32 to vector<16xi32>
    %shift_right_arithmetic3A_1470 = arith.shrsi %iota3A, %shift_right_arithmetic3A_1469 : vector<16xi32>
    %xor3A = arith.constant 8 : i32
    %xor3A_1471 = vector.broadcast %xor3A : i32 to vector<16xi32>
    %xor3A_1472 = arith.xori %iota3A, %xor3A_1471 : vector<16xi32>
    %scan3A = arith.constant 0 : i32
    %scan3A_1473 = arith.constant 0 : i32
    %scan3A_1474 = arith.constant 32 : i32
    %scan3A_1475 = arith.addi %scan3A_1473, %scan3A_1474 : i32
    %scan3A_1476 = arith.constant 1 : i32
    scf.for %scan3A_1478 = %scan3A_1473 to %scan3A_1475 step %scan3A_1476  : i32 {
      %mul3A_1479 = arith.constant 16 : i32
      %mul3A_1480 = arith.muli %scan3A_1478, %mul3A_1479 : i32
      %get3A_1481 = arith.index_cast %mul3A_1480 : i32 to index
      %get3A_1482 = tpu.vector_load %arg7[%get3A_1481] {strides = array<i32>} : memref<512xi32, #tpu.memory_space<vmem>>, vector<16xi32>,
      %get3A_1483 = arith.index_cast %mul3A_1480 : i32 to index
      %get3A_1484 = tpu.vector_load %arg8[%get3A_1483] {strides = array<i32>} : memref<512xi32, #tpu.memory_space<vmem>>, vector<16xi32>,
      %get3A_1485 = arith.index_cast %mul3A_1480 : i32 to index
      %get3A_1486 = tpu.vector_load %arg9[%get3A_1485] {strides = array<i32>} : memref<512xi32, #tpu.memory_space<vmem>>, vector<16xi32>,
      %get3A_1487 = arith.index_cast %mul3A_1480 : i32 to index
      %get3A_1488 = tpu.vector_load %arg10[%get3A_1487] {strides = array<i32>} : memref<512xi32, #tpu.memory_space<vmem>>, vector<16xi32>,
      %slice3A = vector.extract_strided_slice %get3A_1482 {offsets = [0], sizes = [1], strides = [1]} : vector<16xi32> to vector<1xi32>
      %squeeze3A = vector.extract %slice3A[0] : i32 from vector<1xi32>
      %multiple_of3A = tpu.assume_multiple %squeeze3A, 128 : i32
      %slice3A_1489 = vector.extract_strided_slice %get3A_1484 {offsets = [0], sizes = [1], strides = [1]} : vector<16xi32> to vector<1xi32>
      %squeeze3A_1490 = vector.extract %slice3A_1489[0] : i32 from vector<1xi32>
      %multiple_of3A_1491 = tpu.assume_multiple %squeeze3A_1490, 128 : i32
      %slice3A_1492 = vector.extract_strided_slice %get3A_1482 {offsets = [1], sizes = [1], strides = [1]} : vector<16xi32> to vector<1xi32>
      %squeeze3A_1493 = vector.extract %slice3A_1492[0] : i32 from vector<1xi32>
      %multiple_of3A_1494 = tpu.assume_multiple %squeeze3A_1493, 128 : i32
      %slice3A_1495 = vector.extract_strided_slice %get3A_1484 {offsets = [1], sizes = [1], strides = [1]} : vector<16xi32> to vector<1xi32>
      %squeeze3A_1496 = vector.extract %slice3A_1495[0] : i32 from vector<1xi32>
      %multiple_of3A_1497 = tpu.assume_multiple %squeeze3A_1496, 128 : i32
      %slice3A_1498 = vector.extract_strided_slice %get3A_1482 {offsets = [2], sizes = [1], strides = [1]} : vector<16xi32> to vector<1xi32>
      %squeeze3A_1499 = vector.extract %slice3A_1498[0] : i32 from vector<1xi32>
      %multiple_of3A_1500 = tpu.assume_multiple %squeeze3A_1499, 128 : i32
      %slice3A_1501 = vector.extract_strided_slice %get3A_1484 {offsets = [2], sizes = [1], strides = [1]} : vector<16xi32> to vector<1xi32>
      %squeeze3A_1502 = vector.extract %slice3A_1501[0] : i32 from vector<1xi32>
      %multiple_of3A_1503 = tpu.assume_multiple %squeeze3A_1502, 128 : i32
      %slice3A_1504 = vector.extract_strided_slice %get3A_1482 {offsets = [3], sizes = [1], strides = [1]} : vector<16xi32> to vector<1xi32>
      %squeeze3A_1505 = vector.extract %slice3A_1504[0] : i32 from vector<1xi32>
      %multiple_of3A_1506 = tpu.assume_multiple %squeeze3A_1505, 128 : i32
      %slice3A_1507 = vector.extract_strided_slice %get3A_1484 {offsets = [3], sizes = [1], strides = [1]} : vector<16xi32> to vector<1xi32>
      %squeeze3A_1508 = vector.extract %slice3A_1507[0] : i32 from vector<1xi32>
      %multiple_of3A_1509 = tpu.assume_multiple %squeeze3A_1508, 128 : i32
      %slice3A_1510 = vector.extract_strided_slice %get3A_1482 {offsets = [4], sizes = [1], strides = [1]} : vector<16xi32> to vector<1xi32>
      %squeeze3A_1511 = vector.extract %slice3A_1510[0] : i32 from vector<1xi32>
      %multiple_of3A_1512 = tpu.assume_multiple %squeeze3A_1511, 128 : i32
      %slice3A_1513 = vector.extract_strided_slice %get3A_1484 {offsets = [4], sizes = [1], strides = [1]} : vector<16xi32> to vector<1xi32>
      %squeeze3A_1514 = vector.extract %slice3A_1513[0] : i32 from vector<1xi32>
      %multiple_of3A_1515 = tpu.assume_multiple %squeeze3A_1514, 128 : i32
      %slice3A_1516 = vector.extract_strided_slice %get3A_1482 {offsets = [5], sizes = [1], strides = [1]} : vector<16xi32> to vector<1xi32>
      %squeeze3A_1517 = vector.extract %slice3A_1516[0] : i32 from vector<1xi32>
      %multiple_of3A_1518 = tpu.assume_multiple %squeeze3A_1517, 128 : i32
      %slice3A_1519 = vector.extract_strided_slice %get3A_1484 {offsets = [5], sizes = [1], strides = [1]} : vector<16xi32> to vector<1xi32>
      %squeeze3A_1520 = vector.extract %slice3A_1519[0] : i32 from vector<1xi32>
      %multiple_of3A_1521 = tpu.assume_multiple %squeeze3A_1520, 128 : i32
      %slice3A_1522 = vector.extract_strided_slice %get3A_1482 {offsets = [6], sizes = [1], strides = [1]} : vector<16xi32> to vector<1xi32>
      %squeeze3A_1523 = vector.extract %slice3A_1522[0] : i32 from vector<1xi32>
      %multiple_of3A_1524 = tpu.assume_multiple %squeeze3A_1523, 128 : i32
      %slice3A_1525 = vector.extract_strided_slice %get3A_1484 {offsets = [6], sizes = [1], strides = [1]} : vector<16xi32> to vector<1xi32>
      %squeeze3A_1526 = vector.extract %slice3A_1525[0] : i32 from vector<1xi32>
      %multiple_of3A_1527 = tpu.assume_multiple %squeeze3A_1526, 128 : i32
      %slice3A_1528 = vector.extract_strided_slice %get3A_1482 {offsets = [7], sizes = [1], strides = [1]} : vector<16xi32> to vector<1xi32>
      %squeeze3A_1529 = vector.extract %slice3A_1528[0] : i32 from vector<1xi32>
      %multiple_of3A_1530 = tpu.assume_multiple %squeeze3A_1529, 128 : i32
      %slice3A_1531 = vector.extract_strided_slice %get3A_1484 {offsets = [7], sizes = [1], strides = [1]} : vector<16xi32> to vector<1xi32>
      %squeeze3A_1532 = vector.extract %slice3A_1531[0] : i32 from vector<1xi32>
      %multiple_of3A_1533 = tpu.assume_multiple %squeeze3A_1532, 128 : i32
      %dma_start3A = arith.constant 0 : i32
      %dma_start3A_1534 = arith.constant 0 : i32
      %dma_start3A_1535 = arith.constant 0 : i32
      %dma_start3A_1536 = tpu.memref_slice %arg11[%dma_start3A, %dma_start3A_1534, %dma_start3A_1535] : memref<8x32x128xf32, #tpu.memory_space<vmem>> -> memref<1x32x128xf32, #tpu.memory_space<vmem>>
      %dma_start3A_1537 = tpu.memref_squeeze %dma_start3A_1536 : memref<1x32x128xf32, #tpu.memory_space<vmem>> -> memref<32x128xf32, #tpu.memory_space<vmem>>
      %dma_start3A_1538 = arith.constant 0 : i32
      %dma_start3A_1539 = tpu.memref_slice %arg4[%dma_start3A_1538, %multiple_of3A] : memref<32x1000000xf32, #tpu.memory_space<hbm>> -> memref<32x128xf32, #tpu.memory_space<hbm>>
      %dma_start3A_1540 = arith.constant 0 : i32
      %dma_start3A_1541 = arith.constant 0 : i32
      %dma_start3A_1542 = tpu.memref_slice %arg11[%dma_start3A, %dma_start3A_1540, %dma_start3A_1541] : memref<8x32x128xf32, #tpu.memory_space<vmem>> -> memref<1x32x128xf32, #tpu.memory_space<vmem>>
      %dma_start3A_1543 = tpu.memref_squeeze %dma_start3A_1542 : memref<1x32x128xf32, #tpu.memory_space<vmem>> -> memref<32x128xf32, #tpu.memory_space<vmem>>
      %dma_start3A_1544 = arith.constant 0 : i32
      %dma_start3A_1545 = tpu.memref_slice %arg4[%dma_start3A_1544, %multiple_of3A] : memref<32x1000000xf32, #tpu.memory_space<hbm>> -> memref<32x128xf32, #tpu.memory_space<hbm>>
      tpu.enqueue_dma source(%dma_start3A_1545 : memref<32x128xf32, #tpu.memory_space<hbm>>) target(%dma_start3A_1543 : memref<32x128xf32, #tpu.memory_space<vmem>>) target_semaphore(%arg14 : memref<!tpu.dma_semaphore, #tpu.memory_space<semaphore_mem>>)
      %dma_start3A_1546 = arith.constant 0 : i32
      %dma_start3A_1547 = arith.constant 0 : i32
      %dma_start3A_1548 = arith.constant 0 : i32
      %dma_start3A_1549 = tpu.memref_slice %arg12[%dma_start3A_1546, %dma_start3A_1547, %dma_start3A_1548] : memref<8x32x128xf32, #tpu.memory_space<vmem>> -> memref<1x32x128xf32, #tpu.memory_space<vmem>>
      %dma_start3A_1550 = tpu.memref_squeeze %dma_start3A_1549 : memref<1x32x128xf32, #tpu.memory_space<vmem>> -> memref<32x128xf32, #tpu.memory_space<vmem>>
      %dma_start3A_1551 = arith.constant 0 : i32
      %dma_start3A_1552 = tpu.memref_slice %arg5[%dma_start3A_1551, %multiple_of3A_1491] : memref<32x1000000xf32, #tpu.memory_space<hbm>> -> memref<32x128xf32, #tpu.memory_space<hbm>>
      %dma_start3A_1553 = arith.constant 0 : i32
      %dma_start3A_1554 = arith.constant 0 : i32
      %dma_start3A_1555 = tpu.memref_slice %arg12[%dma_start3A_1546, %dma_start3A_1553, %dma_start3A_1554] : memref<8x32x128xf32, #tpu.memory_space<vmem>> -> memref<1x32x128xf32, #tpu.memory_space<vmem>>
      %dma_start3A_1556 = tpu.memref_squeeze %dma_start3A_1555 : memref<1x32x128xf32, #tpu.memory_space<vmem>> -> memref<32x128xf32, #tpu.memory_space<vmem>>
      %dma_start3A_1557 = arith.constant 0 : i32
      %dma_start3A_1558 = tpu.memref_slice %arg5[%dma_start3A_1557, %multiple_of3A_1491] : memref<32x1000000xf32, #tpu.memory_space<hbm>> -> memref<32x128xf32, #tpu.memory_space<hbm>>
      tpu.enqueue_dma source(%dma_start3A_1558 : memref<32x128xf32, #tpu.memory_space<hbm>>) target(%dma_start3A_1556 : memref<32x128xf32, #tpu.memory_space<vmem>>) target_semaphore(%arg14 : memref<!tpu.dma_semaphore, #tpu.memory_space<semaphore_mem>>)
      %dma_start3A_1559 = arith.constant 1 : i32
      %dma_start3A_1560 = arith.constant 0 : i32
      %dma_start3A_1561 = arith.constant 0 : i32
      %dma_start3A_1562 = tpu.memref_slice %arg11[%dma_start3A_1559, %dma_start3A_1560, %dma_start3A_1561] : memref<8x32x128xf32, #tpu.memory_space<vmem>> -> memref<1x32x128xf32, #tpu.memory_space<vmem>>
      %dma_start3A_1563 = tpu.memref_squeeze %dma_start3A_1562 : memref<1x32x128xf32, #tpu.memory_space<vmem>> -> memref<32x128xf32, #tpu.memory_space<vmem>>
      %dma_start3A_1564 = arith.constant 0 : i32
      %dma_start3A_1565 = tpu.memref_slice %arg4[%dma_start3A_1564, %multiple_of3A_1494] : memref<32x1000000xf32, #tpu.memory_space<hbm>> -> memref<32x128xf32, #tpu.memory_space<hbm>>
      %dma_start3A_1566 = arith.constant 0 : i32
      %dma_start3A_1567 = arith.constant 0 : i32
      %dma_start3A_1568 = tpu.memref_slice %arg11[%dma_start3A_1559, %dma_start3A_1566, %dma_start3A_1567] : memref<8x32x128xf32, #tpu.memory_space<vmem>> -> memref<1x32x128xf32, #tpu.memory_space<vmem>>
      %dma_start3A_1569 = tpu.memref_squeeze %dma_start3A_1568 : memref<1x32x128xf32, #tpu.memory_space<vmem>> -> memref<32x128xf32, #tpu.memory_space<vmem>>
      %dma_start3A_1570 = arith.constant 0 : i32
      %dma_start3A_1571 = tpu.memref_slice %arg4[%dma_start3A_1570, %multiple_of3A_1494] : memref<32x1000000xf32, #tpu.memory_space<hbm>> -> memref<32x128xf32, #tpu.memory_space<hbm>>
      tpu.enqueue_dma source(%dma_start3A_1571 : memref<32x128xf32, #tpu.memory_space<hbm>>) target(%dma_start3A_1569 : memref<32x128xf32, #tpu.memory_space<vmem>>) target_semaphore(%arg14 : memref<!tpu.dma_semaphore, #tpu.memory_space<semaphore_mem>>)
      %dma_start3A_1572 = arith.constant 1 : i32
      %dma_start3A_1573 = arith.constant 0 : i32
      %dma_start3A_1574 = arith.constant 0 : i32
      %dma_start3A_1575 = tpu.memref_slice %arg12[%dma_start3A_1572, %dma_start3A_1573, %dma_start3A_1574] : memref<8x32x128xf32, #tpu.memory_space<vmem>> -> memref<1x32x128xf32, #tpu.memory_space<vmem>>
      %dma_start3A_1576 = tpu.memref_squeeze %dma_start3A_1575 : memref<1x32x128xf32, #tpu.memory_space<vmem>> -> memref<32x128xf32, #tpu.memory_space<vmem>>
      %dma_start3A_1577 = arith.constant 0 : i32
      %dma_start3A_1578 = tpu.memref_slice %arg5[%dma_start3A_1577, %multiple_of3A_1497] : memref<32x1000000xf32, #tpu.memory_space<hbm>> -> memref<32x128xf32, #tpu.memory_space<hbm>>
      %dma_start3A_1579 = arith.constant 0 : i32
      %dma_start3A_1580 = arith.constant 0 : i32
      %dma_start3A_1581 = tpu.memref_slice %arg12[%dma_start3A_1572, %dma_start3A_1579, %dma_start3A_1580] : memref<8x32x128xf32, #tpu.memory_space<vmem>> -> memref<1x32x128xf32, #tpu.memory_space<vmem>>
      %dma_start3A_1582 = tpu.memref_squeeze %dma_start3A_1581 : memref<1x32x128xf32, #tpu.memory_space<vmem>> -> memref<32x128xf32, #tpu.memory_space<vmem>>
      %dma_start3A_1583 = arith.constant 0 : i32
      %dma_start3A_1584 = tpu.memref_slice %arg5[%dma_start3A_1583, %multiple_of3A_1497] : memref<32x1000000xf32, #tpu.memory_space<hbm>> -> memref<32x128xf32, #tpu.memory_space<hbm>>
      tpu.enqueue_dma source(%dma_start3A_1584 : memref<32x128xf32, #tpu.memory_space<hbm>>) target(%dma_start3A_1582 : memref<32x128xf32, #tpu.memory_space<vmem>>) target_semaphore(%arg14 : memref<!tpu.dma_semaphore, #tpu.memory_space<semaphore_mem>>)
      %dma_start3A_1585 = arith.constant 2 : i32
      %dma_start3A_1586 = arith.constant 0 : i32
      %dma_start3A_1587 = arith.constant 0 : i32
      %dma_start3A_1588 = tpu.memref_slice %arg11[%dma_start3A_1585, %dma_start3A_1586, %dma_start3A_1587] : memref<8x32x128xf32, #tpu.memory_space<vmem>> -> memref<1x32x128xf32, #tpu.memory_space<vmem>>
      %dma_start3A_1589 = tpu.memref_squeeze %dma_start3A_1588 : memref<1x32x128xf32, #tpu.memory_space<vmem>> -> memref<32x128xf32, #tpu.memory_space<vmem>>
      %dma_start3A_1590 = arith.constant 0 : i32
      %dma_start3A_1591 = tpu.memref_slice %arg4[%dma_start3A_1590, %multiple_of3A_1500] : memref<32x1000000xf32, #tpu.memory_space<hbm>> -> memref<32x128xf32, #tpu.memory_space<hbm>>
      %dma_start3A_1592 = arith.constant 0 : i32
      %dma_start3A_1593 = arith.constant 0 : i32
      %dma_start3A_1594 = tpu.memref_slice %arg11[%dma_start3A_1585, %dma_start3A_1592, %dma_start3A_1593] : memref<8x32x128xf32, #tpu.memory_space<vmem>> -> memref<1x32x128xf32, #tpu.memory_space<vmem>>
      %dma_start3A_1595 = tpu.memref_squeeze %dma_start3A_1594 : memref<1x32x128xf32, #tpu.memory_space<vmem>> -> memref<32x128xf32, #tpu.memory_space<vmem>>
      %dma_start3A_1596 = arith.constant 0 : i32
      %dma_start3A_1597 = tpu.memref_slice %arg4[%dma_start3A_1596, %multiple_of3A_1500] : memref<32x1000000xf32, #tpu.memory_space<hbm>> -> memref<32x128xf32, #tpu.memory_space<hbm>>
      tpu.enqueue_dma source(%dma_start3A_1597 : memref<32x128xf32, #tpu.memory_space<hbm>>) target(%dma_start3A_1595 : memref<32x128xf32, #tpu.memory_space<vmem>>) target_semaphore(%arg14 : memref<!tpu.dma_semaphore, #tpu.memory_space<semaphore_mem>>)
      %dma_start3A_1598 = arith.constant 2 : i32
      %dma_start3A_1599 = arith.constant 0 : i32
      %dma_start3A_1600 = arith.constant 0 : i32
      %dma_start3A_1601 = tpu.memref_slice %arg12[%dma_start3A_1598, %dma_start3A_1599, %dma_start3A_1600] : memref<8x32x128xf32, #tpu.memory_space<vmem>> -> memref<1x32x128xf32, #tpu.memory_space<vmem>>
      %dma_start3A_1602 = tpu.memref_squeeze %dma_start3A_1601 : memref<1x32x128xf32, #tpu.memory_space<vmem>> -> memref<32x128xf32, #tpu.memory_space<vmem>>
      %dma_start3A_1603 = arith.constant 0 : i32
      %dma_start3A_1604 = tpu.memref_slice %arg5[%dma_start3A_1603, %multiple_of3A_1503] : memref<32x1000000xf32, #tpu.memory_space<hbm>> -> memref<32x128xf32, #tpu.memory_space<hbm>>
      %dma_start3A_1605 = arith.constant 0 : i32
      %dma_start3A_1606 = arith.constant 0 : i32
      %dma_start3A_1607 = tpu.memref_slice %arg12[%dma_start3A_1598, %dma_start3A_1605, %dma_start3A_1606] : memref<8x32x128xf32, #tpu.memory_space<vmem>> -> memref<1x32x128xf32, #tpu.memory_space<vmem>>
      %dma_start3A_1608 = tpu.memref_squeeze %dma_start3A_1607 : memref<1x32x128xf32, #tpu.memory_space<vmem>> -> memref<32x128xf32, #tpu.memory_space<vmem>>
      %dma_start3A_1609 = arith.constant 0 : i32
      %dma_start3A_1610 = tpu.memref_slice %arg5[%dma_start3A_1609, %multiple_of3A_1503] : memref<32x1000000xf32, #tpu.memory_space<hbm>> -> memref<32x128xf32, #tpu.memory_space<hbm>>
      tpu.enqueue_dma source(%dma_start3A_1610 : memref<32x128xf32, #tpu.memory_space<hbm>>) target(%dma_start3A_1608 : memref<32x128xf32, #tpu.memory_space<vmem>>) target_semaphore(%arg14 : memref<!tpu.dma_semaphore, #tpu.memory_space<semaphore_mem>>)
      %dma_start3A_1611 = arith.constant 3 : i32
      %dma_start3A_1612 = arith.constant 0 : i32
      %dma_start3A_1613 = arith.constant 0 : i32
      %dma_start3A_1614 = tpu.memref_slice %arg11[%dma_start3A_1611, %dma_start3A_1612, %dma_start3A_1613] : memref<8x32x128xf32, #tpu.memory_space<vmem>> -> memref<1x32x128xf32, #tpu.memory_space<vmem>>
      %dma_start3A_1615 = tpu.memref_squeeze %dma_start3A_1614 : memref<1x32x128xf32, #tpu.memory_space<vmem>> -> memref<32x128xf32, #tpu.memory_space<vmem>>
      %dma_start3A_1616 = arith.constant 0 : i32
      %dma_start3A_1617 = tpu.memref_slice %arg4[%dma_start3A_1616, %multiple_of3A_1506] : memref<32x1000000xf32, #tpu.memory_space<hbm>> -> memref<32x128xf32, #tpu.memory_space<hbm>>
      %dma_start3A_1618 = arith.constant 0 : i32
      %dma_start3A_1619 = arith.constant 0 : i32
      %dma_start3A_1620 = tpu.memref_slice %arg11[%dma_start3A_1611, %dma_start3A_1618, %dma_start3A_1619] : memref<8x32x128xf32, #tpu.memory_space<vmem>> -> memref<1x32x128xf32, #tpu.memory_space<vmem>>
      %dma_start3A_1621 = tpu.memref_squeeze %dma_start3A_1620 : memref<1x32x128xf32, #tpu.memory_space<vmem>> -> memref<32x128xf32, #tpu.memory_space<vmem>>
      %dma_start3A_1622 = arith.constant 0 : i32
      %dma_start3A_1623 = tpu.memref_slice %arg4[%dma_start3A_1622, %multiple_of3A_1506] : memref<32x1000000xf32, #tpu.memory_space<hbm>> -> memref<32x128xf32, #tpu.memory_space<hbm>>
      tpu.enqueue_dma source(%dma_start3A_1623 : memref<32x128xf32, #tpu.memory_space<hbm>>) target(%dma_start3A_1621 : memref<32x128xf32, #tpu.memory_space<vmem>>) target_semaphore(%arg14 : memref<!tpu.dma_semaphore, #tpu.memory_space<semaphore_mem>>)
      %dma_start3A_1624 = arith.constant 3 : i32
      %dma_start3A_1625 = arith.constant 0 : i32
      %dma_start3A_1626 = arith.constant 0 : i32
      %dma_start3A_1627 = tpu.memref_slice %arg12[%dma_start3A_1624, %dma_start3A_1625, %dma_start3A_1626] : memref<8x32x128xf32, #tpu.memory_space<vmem>> -> memref<1x32x128xf32, #tpu.memory_space<vmem>>
      %dma_start3A_1628 = tpu.memref_squeeze %dma_start3A_1627 : memref<1x32x128xf32, #tpu.memory_space<vmem>> -> memref<32x128xf32, #tpu.memory_space<vmem>>
      %dma_start3A_1629 = arith.constant 0 : i32
      %dma_start3A_1630 = tpu.memref_slice %arg5[%dma_start3A_1629, %multiple_of3A_1509] : memref<32x1000000xf32, #tpu.memory_space<hbm>> -> memref<32x128xf32, #tpu.memory_space<hbm>>
      %dma_start3A_1631 = arith.constant 0 : i32
      %dma_start3A_1632 = arith.constant 0 : i32
      %dma_start3A_1633 = tpu.memref_slice %arg12[%dma_start3A_1624, %dma_start3A_1631, %dma_start3A_1632] : memref<8x32x128xf32, #tpu.memory_space<vmem>> -> memref<1x32x128xf32, #tpu.memory_space<vmem>>
      %dma_start3A_1634 = tpu.memref_squeeze %dma_start3A_1633 : memref<1x32x128xf32, #tpu.memory_space<vmem>> -> memref<32x128xf32, #tpu.memory_space<vmem>>
      %dma_start3A_1635 = arith.constant 0 : i32
      %dma_start3A_1636 = tpu.memref_slice %arg5[%dma_start3A_1635, %multiple_of3A_1509] : memref<32x1000000xf32, #tpu.memory_space<hbm>> -> memref<32x128xf32, #tpu.memory_space<hbm>>
      tpu.enqueue_dma source(%dma_start3A_1636 : memref<32x128xf32, #tpu.memory_space<hbm>>) target(%dma_start3A_1634 : memref<32x128xf32, #tpu.memory_space<vmem>>) target_semaphore(%arg14 : memref<!tpu.dma_semaphore, #tpu.memory_space<semaphore_mem>>)
      %dma_start3A_1637 = arith.constant 4 : i32
      %dma_start3A_1638 = arith.constant 0 : i32
      %dma_start3A_1639 = arith.constant 0 : i32
      %dma_start3A_1640 = tpu.memref_slice %arg11[%dma_start3A_1637, %dma_start3A_1638, %dma_start3A_1639] : memref<8x32x128xf32, #tpu.memory_space<vmem>> -> memref<1x32x128xf32, #tpu.memory_space<vmem>>
      %dma_start3A_1641 = tpu.memref_squeeze %dma_start3A_1640 : memref<1x32x128xf32, #tpu.memory_space<vmem>> -> memref<32x128xf32, #tpu.memory_space<vmem>>
      %dma_start3A_1642 = arith.constant 0 : i32
      %dma_start3A_1643 = tpu.memref_slice %arg4[%dma_start3A_1642, %multiple_of3A_1512] : memref<32x1000000xf32, #tpu.memory_space<hbm>> -> memref<32x128xf32, #tpu.memory_space<hbm>>
      %dma_start3A_1644 = arith.constant 0 : i32
      %dma_start3A_1645 = arith.constant 0 : i32
      %dma_start3A_1646 = tpu.memref_slice %arg11[%dma_start3A_1637, %dma_start3A_1644, %dma_start3A_1645] : memref<8x32x128xf32, #tpu.memory_space<vmem>> -> memref<1x32x128xf32, #tpu.memory_space<vmem>>
      %dma_start3A_1647 = tpu.memref_squeeze %dma_start3A_1646 : memref<1x32x128xf32, #tpu.memory_space<vmem>> -> memref<32x128xf32, #tpu.memory_space<vmem>>
      %dma_start3A_1648 = arith.constant 0 : i32
      %dma_start3A_1649 = tpu.memref_slice %arg4[%dma_start3A_1648, %multiple_of3A_1512] : memref<32x1000000xf32, #tpu.memory_space<hbm>> -> memref<32x128xf32, #tpu.memory_space<hbm>>
      tpu.enqueue_dma source(%dma_start3A_1649 : memref<32x128xf32, #tpu.memory_space<hbm>>) target(%dma_start3A_1647 : memref<32x128xf32, #tpu.memory_space<vmem>>) target_semaphore(%arg14 : memref<!tpu.dma_semaphore, #tpu.memory_space<semaphore_mem>>)
      %dma_start3A_1650 = arith.constant 4 : i32
      %dma_start3A_1651 = arith.constant 0 : i32
      %dma_start3A_1652 = arith.constant 0 : i32
      %dma_start3A_1653 = tpu.memref_slice %arg12[%dma_start3A_1650, %dma_start3A_1651, %dma_start3A_1652] : memref<8x32x128xf32, #tpu.memory_space<vmem>> -> memref<1x32x128xf32, #tpu.memory_space<vmem>>
      %dma_start3A_1654 = tpu.memref_squeeze %dma_start3A_1653 : memref<1x32x128xf32, #tpu.memory_space<vmem>> -> memref<32x128xf32, #tpu.memory_space<vmem>>
      %dma_start3A_1655 = arith.constant 0 : i32
      %dma_start3A_1656 = tpu.memref_slice %arg5[%dma_start3A_1655, %multiple_of3A_1515] : memref<32x1000000xf32, #tpu.memory_space<hbm>> -> memref<32x128xf32, #tpu.memory_space<hbm>>
      %dma_start3A_1657 = arith.constant 0 : i32
      %dma_start3A_1658 = arith.constant 0 : i32
      %dma_start3A_1659 = tpu.memref_slice %arg12[%dma_start3A_1650, %dma_start3A_1657, %dma_start3A_1658] : memref<8x32x128xf32, #tpu.memory_space<vmem>> -> memref<1x32x128xf32, #tpu.memory_space<vmem>>
      %dma_start3A_1660 = tpu.memref_squeeze %dma_start3A_1659 : memref<1x32x128xf32, #tpu.memory_space<vmem>> -> memref<32x128xf32, #tpu.memory_space<vmem>>
      %dma_start3A_1661 = arith.constant 0 : i32
      %dma_start3A_1662 = tpu.memref_slice %arg5[%dma_start3A_1661, %multiple_of3A_1515] : memref<32x1000000xf32, #tpu.memory_space<hbm>> -> memref<32x128xf32, #tpu.memory_space<hbm>>
      tpu.enqueue_dma source(%dma_start3A_1662 : memref<32x128xf32, #tpu.memory_space<hbm>>) target(%dma_start3A_1660 : memref<32x128xf32, #tpu.memory_space<vmem>>) target_semaphore(%arg14 : memref<!tpu.dma_semaphore, #tpu.memory_space<semaphore_mem>>)
      %dma_start3A_1663 = arith.constant 5 : i32
      %dma_start3A_1664 = arith.constant 0 : i32
      %dma_start3A_1665 = arith.constant 0 : i32
      %dma_start3A_1666 = tpu.memref_slice %arg11[%dma_start3A_1663, %dma_start3A_1664, %dma_start3A_1665] : memref<8x32x128xf32, #tpu.memory_space<vmem>> -> memref<1x32x128xf32, #tpu.memory_space<vmem>>
      %dma_start3A_1667 = tpu.memref_squeeze %dma_start3A_1666 : memref<1x32x128xf32, #tpu.memory_space<vmem>> -> memref<32x128xf32, #tpu.memory_space<vmem>>
      %dma_start3A_1668 = arith.constant 0 : i32
      %dma_start3A_1669 = tpu.memref_slice %arg4[%dma_start3A_1668, %multiple_of3A_1518] : memref<32x1000000xf32, #tpu.memory_space<hbm>> -> memref<32x128xf32, #tpu.memory_space<hbm>>
      %dma_start3A_1670 = arith.constant 0 : i32
      %dma_start3A_1671 = arith.constant 0 : i32
      %dma_start3A_1672 = tpu.memref_slice %arg11[%dma_start3A_1663, %dma_start3A_1670, %dma_start3A_1671] : memref<8x32x128xf32, #tpu.memory_space<vmem>> -> memref<1x32x128xf32, #tpu.memory_space<vmem>>
      %dma_start3A_1673 = tpu.memref_squeeze %dma_start3A_1672 : memref<1x32x128xf32, #tpu.memory_space<vmem>> -> memref<32x128xf32, #tpu.memory_space<vmem>>
      %dma_start3A_1674 = arith.constant 0 : i32
      %dma_start3A_1675 = tpu.memref_slice %arg4[%dma_start3A_1674, %multiple_of3A_1518] : memref<32x1000000xf32, #tpu.memory_space<hbm>> -> memref<32x128xf32, #tpu.memory_space<hbm>>
      tpu.enqueue_dma source(%dma_start3A_1675 : memref<32x128xf32, #tpu.memory_space<hbm>>) target(%dma_start3A_1673 : memref<32x128xf32, #tpu.memory_space<vmem>>) target_semaphore(%arg14 : memref<!tpu.dma_semaphore, #tpu.memory_space<semaphore_mem>>)
      %dma_start3A_1676 = arith.constant 5 : i32
      %dma_start3A_1677 = arith.constant 0 : i32
      %dma_start3A_1678 = arith.constant 0 : i32
      %dma_start3A_1679 = tpu.memref_slice %arg12[%dma_start3A_1676, %dma_start3A_1677, %dma_start3A_1678] : memref<8x32x128xf32, #tpu.memory_space<vmem>> -> memref<1x32x128xf32, #tpu.memory_space<vmem>>
      %dma_start3A_1680 = tpu.memref_squeeze %dma_start3A_1679 : memref<1x32x128xf32, #tpu.memory_space<vmem>> -> memref<32x128xf32, #tpu.memory_space<vmem>>
      %dma_start3A_1681 = arith.constant 0 : i32
      %dma_start3A_1682 = tpu.memref_slice %arg5[%dma_start3A_1681, %multiple_of3A_1521] : memref<32x1000000xf32, #tpu.memory_space<hbm>> -> memref<32x128xf32, #tpu.memory_space<hbm>>
      %dma_start3A_1683 = arith.constant 0 : i32
      %dma_start3A_1684 = arith.constant 0 : i32
      %dma_start3A_1685 = tpu.memref_slice %arg12[%dma_start3A_1676, %dma_start3A_1683, %dma_start3A_1684] : memref<8x32x128xf32, #tpu.memory_space<vmem>> -> memref<1x32x128xf32, #tpu.memory_space<vmem>>
      %dma_start3A_1686 = tpu.memref_squeeze %dma_start3A_1685 : memref<1x32x128xf32, #tpu.memory_space<vmem>> -> memref<32x128xf32, #tpu.memory_space<vmem>>
      %dma_start3A_1687 = arith.constant 0 : i32
      %dma_start3A_1688 = tpu.memref_slice %arg5[%dma_start3A_1687, %multiple_of3A_1521] : memref<32x1000000xf32, #tpu.memory_space<hbm>> -> memref<32x128xf32, #tpu.memory_space<hbm>>
      tpu.enqueue_dma source(%dma_start3A_1688 : memref<32x128xf32, #tpu.memory_space<hbm>>) target(%dma_start3A_1686 : memref<32x128xf32, #tpu.memory_space<vmem>>) target_semaphore(%arg14 : memref<!tpu.dma_semaphore, #tpu.memory_space<semaphore_mem>>)
      %dma_start3A_1689 = arith.constant 6 : i32
      %dma_start3A_1690 = arith.constant 0 : i32
      %dma_start3A_1691 = arith.constant 0 : i32
      %dma_start3A_1692 = tpu.memref_slice %arg11[%dma_start3A_1689, %dma_start3A_1690, %dma_start3A_1691] : memref<8x32x128xf32, #tpu.memory_space<vmem>> -> memref<1x32x128xf32, #tpu.memory_space<vmem>>
      %dma_start3A_1693 = tpu.memref_squeeze %dma_start3A_1692 : memref<1x32x128xf32, #tpu.memory_space<vmem>> -> memref<32x128xf32, #tpu.memory_space<vmem>>
      %dma_start3A_1694 = arith.constant 0 : i32
      %dma_start3A_1695 = tpu.memref_slice %arg4[%dma_start3A_1694, %multiple_of3A_1524] : memref<32x1000000xf32, #tpu.memory_space<hbm>> -> memref<32x128xf32, #tpu.memory_space<hbm>>
      %dma_start3A_1696 = arith.constant 0 : i32
      %dma_start3A_1697 = arith.constant 0 : i32
      %dma_start3A_1698 = tpu.memref_slice %arg11[%dma_start3A_1689, %dma_start3A_1696, %dma_start3A_1697] : memref<8x32x128xf32, #tpu.memory_space<vmem>> -> memref<1x32x128xf32, #tpu.memory_space<vmem>>
      %dma_start3A_1699 = tpu.memref_squeeze %dma_start3A_1698 : memref<1x32x128xf32, #tpu.memory_space<vmem>> -> memref<32x128xf32, #tpu.memory_space<vmem>>
      %dma_start3A_1700 = arith.constant 0 : i32
      %dma_start3A_1701 = tpu.memref_slice %arg4[%dma_start3A_1700, %multiple_of3A_1524] : memref<32x1000000xf32, #tpu.memory_space<hbm>> -> memref<32x128xf32, #tpu.memory_space<hbm>>
      tpu.enqueue_dma source(%dma_start3A_1701 : memref<32x128xf32, #tpu.memory_space<hbm>>) target(%dma_start3A_1699 : memref<32x128xf32, #tpu.memory_space<vmem>>) target_semaphore(%arg14 : memref<!tpu.dma_semaphore, #tpu.memory_space<semaphore_mem>>)
      %dma_start3A_1702 = arith.constant 6 : i32
      %dma_start3A_1703 = arith.constant 0 : i32
      %dma_start3A_1704 = arith.constant 0 : i32
      %dma_start3A_1705 = tpu.memref_slice %arg12[%dma_start3A_1702, %dma_start3A_1703, %dma_start3A_1704] : memref<8x32x128xf32, #tpu.memory_space<vmem>> -> memref<1x32x128xf32, #tpu.memory_space<vmem>>
      %dma_start3A_1706 = tpu.memref_squeeze %dma_start3A_1705 : memref<1x32x128xf32, #tpu.memory_space<vmem>> -> memref<32x128xf32, #tpu.memory_space<vmem>>
      %dma_start3A_1707 = arith.constant 0 : i32
      %dma_start3A_1708 = tpu.memref_slice %arg5[%dma_start3A_1707, %multiple_of3A_1527] : memref<32x1000000xf32, #tpu.memory_space<hbm>> -> memref<32x128xf32, #tpu.memory_space<hbm>>
      %dma_start3A_1709 = arith.constant 0 : i32
      %dma_start3A_1710 = arith.constant 0 : i32
      %dma_start3A_1711 = tpu.memref_slice %arg12[%dma_start3A_1702, %dma_start3A_1709, %dma_start3A_1710] : memref<8x32x128xf32, #tpu.memory_space<vmem>> -> memref<1x32x128xf32, #tpu.memory_space<vmem>>
      %dma_start3A_1712 = tpu.memref_squeeze %dma_start3A_1711 : memref<1x32x128xf32, #tpu.memory_space<vmem>> -> memref<32x128xf32, #tpu.memory_space<vmem>>
      %dma_start3A_1713 = arith.constant 0 : i32
      %dma_start3A_1714 = tpu.memref_slice %arg5[%dma_start3A_1713, %multiple_of3A_1527] : memref<32x1000000xf32, #tpu.memory_space<hbm>> -> memref<32x128xf32, #tpu.memory_space<hbm>>
      tpu.enqueue_dma source(%dma_start3A_1714 : memref<32x128xf32, #tpu.memory_space<hbm>>) target(%dma_start3A_1712 : memref<32x128xf32, #tpu.memory_space<vmem>>) target_semaphore(%arg14 : memref<!tpu.dma_semaphore, #tpu.memory_space<semaphore_mem>>)
      %dma_start3A_1715 = arith.constant 7 : i32
      %dma_start3A_1716 = arith.constant 0 : i32
      %dma_start3A_1717 = arith.constant 0 : i32
      %dma_start3A_1718 = tpu.memref_slice %arg11[%dma_start3A_1715, %dma_start3A_1716, %dma_start3A_1717] : memref<8x32x128xf32, #tpu.memory_space<vmem>> -> memref<1x32x128xf32, #tpu.memory_space<vmem>>
      %dma_start3A_1719 = tpu.memref_squeeze %dma_start3A_1718 : memref<1x32x128xf32, #tpu.memory_space<vmem>> -> memref<32x128xf32, #tpu.memory_space<vmem>>
      %dma_start3A_1720 = arith.constant 0 : i32
      %dma_start3A_1721 = tpu.memref_slice %arg4[%dma_start3A_1720, %multiple_of3A_1530] : memref<32x1000000xf32, #tpu.memory_space<hbm>> -> memref<32x128xf32, #tpu.memory_space<hbm>>
      %dma_start3A_1722 = arith.constant 0 : i32
      %dma_start3A_1723 = arith.constant 0 : i32
      %dma_start3A_1724 = tpu.memref_slice %arg11[%dma_start3A_1715, %dma_start3A_1722, %dma_start3A_1723] : memref<8x32x128xf32, #tpu.memory_space<vmem>> -> memref<1x32x128xf32, #tpu.memory_space<vmem>>
      %dma_start3A_1725 = tpu.memref_squeeze %dma_start3A_1724 : memref<1x32x128xf32, #tpu.memory_space<vmem>> -> memref<32x128xf32, #tpu.memory_space<vmem>>
      %dma_start3A_1726 = arith.constant 0 : i32
      %dma_start3A_1727 = tpu.memref_slice %arg4[%dma_start3A_1726, %multiple_of3A_1530] : memref<32x1000000xf32, #tpu.memory_space<hbm>> -> memref<32x128xf32, #tpu.memory_space<hbm>>
      tpu.enqueue_dma source(%dma_start3A_1727 : memref<32x128xf32, #tpu.memory_space<hbm>>) target(%dma_start3A_1725 : memref<32x128xf32, #tpu.memory_space<vmem>>) target_semaphore(%arg14 : memref<!tpu.dma_semaphore, #tpu.memory_space<semaphore_mem>>)
      %dma_start3A_1728 = arith.constant 7 : i32
      %dma_start3A_1729 = arith.constant 0 : i32
      %dma_start3A_1730 = arith.constant 0 : i32
      %dma_start3A_1731 = tpu.memref_slice %arg12[%dma_start3A_1728, %dma_start3A_1729, %dma_start3A_1730] : memref<8x32x128xf32, #tpu.memory_space<vmem>> -> memref<1x32x128xf32, #tpu.memory_space<vmem>>
      %dma_start3A_1732 = tpu.memref_squeeze %dma_start3A_1731 : memref<1x32x128xf32, #tpu.memory_space<vmem>> -> memref<32x128xf32, #tpu.memory_space<vmem>>
      %dma_start3A_1733 = arith.constant 0 : i32
      %dma_start3A_1734 = tpu.memref_slice %arg5[%dma_start3A_1733, %multiple_of3A_1533] : memref<32x1000000xf32, #tpu.memory_space<hbm>> -> memref<32x128xf32, #tpu.memory_space<hbm>>
      %dma_start3A_1735 = arith.constant 0 : i32
      %dma_start3A_1736 = arith.constant 0 : i32
      %dma_start3A_1737 = tpu.memref_slice %arg12[%dma_start3A_1728, %dma_start3A_1735, %dma_start3A_1736] : memref<8x32x128xf32, #tpu.memory_space<vmem>> -> memref<1x32x128xf32, #tpu.memory_space<vmem>>
      %dma_start3A_1738 = tpu.memref_squeeze %dma_start3A_1737 : memref<1x32x128xf32, #tpu.memory_space<vmem>> -> memref<32x128xf32, #tpu.memory_space<vmem>>
      %dma_start3A_1739 = arith.constant 0 : i32
      %dma_start3A_1740 = tpu.memref_slice %arg5[%dma_start3A_1739, %multiple_of3A_1533] : memref<32x1000000xf32, #tpu.memory_space<hbm>> -> memref<32x128xf32, #tpu.memory_space<hbm>>
      tpu.enqueue_dma source(%dma_start3A_1740 : memref<32x128xf32, #tpu.memory_space<hbm>>) target(%dma_start3A_1738 : memref<32x128xf32, #tpu.memory_space<vmem>>) target_semaphore(%arg14 : memref<!tpu.dma_semaphore, #tpu.memory_space<semaphore_mem>>)
      %dma_wait3A = arith.constant 0 : i32
      %dma_wait3A_1741 = arith.constant 0 : i32
      %dma_wait3A_1742 = arith.constant 0 : i32
      %dma_wait3A_1743 = tpu.memref_slice %arg11[%dma_wait3A, %dma_wait3A_1741, %dma_wait3A_1742] : memref<8x32x128xf32, #tpu.memory_space<vmem>> -> memref<1x32x128xf32, #tpu.memory_space<vmem>>
      %dma_wait3A_1744 = tpu.memref_squeeze %dma_wait3A_1743 : memref<1x32x128xf32, #tpu.memory_space<vmem>> -> memref<32x128xf32, #tpu.memory_space<vmem>>
      %dma_wait3A_1745 = arith.constant 0 : i32
      %dma_wait3A_1746 = tpu.memref_slice %arg4[%dma_wait3A_1745, %multiple_of3A] : memref<32x1000000xf32, #tpu.memory_space<hbm>> -> memref<32x128xf32, #tpu.memory_space<hbm>>
      %dma_wait3A_1747 = arith.constant 0 : i32
      %dma_wait3A_1748 = arith.constant 0 : i32
      %dma_wait3A_1749 = tpu.memref_slice %arg11[%dma_wait3A, %dma_wait3A_1747, %dma_wait3A_1748] : memref<8x32x128xf32, #tpu.memory_space<vmem>> -> memref<1x32x128xf32, #tpu.memory_space<vmem>>
      %dma_wait3A_1750 = tpu.memref_squeeze %dma_wait3A_1749 : memref<1x32x128xf32, #tpu.memory_space<vmem>> -> memref<32x128xf32, #tpu.memory_space<vmem>>
      %dma_wait3A_1751 = arith.constant 0 : i32
      %dma_wait3A_1752 = tpu.memref_slice %arg4[%dma_wait3A_1751, %multiple_of3A] : memref<32x1000000xf32, #tpu.memory_space<hbm>> -> memref<32x128xf32, #tpu.memory_space<hbm>>
      tpu.wait_dma2 semaphore(%arg14 : memref<!tpu.dma_semaphore, #tpu.memory_space<semaphore_mem>>) src(%dma_wait3A_1752 : memref<32x128xf32, #tpu.memory_space<hbm>>) dst(%dma_wait3A_1750 : memref<32x128xf32, #tpu.memory_space<vmem>>)
      %dma_wait3A_1753 = arith.constant 0 : i32
      %dma_wait3A_1754 = arith.constant 0 : i32
      %dma_wait3A_1755 = arith.constant 0 : i32
      %dma_wait3A_1756 = tpu.memref_slice %arg12[%dma_wait3A_1753, %dma_wait3A_1754, %dma_wait3A_1755] : memref<8x32x128xf32, #tpu.memory_space<vmem>> -> memref<1x32x128xf32, #tpu.memory_space<vmem>>
      %dma_wait3A_1757 = tpu.memref_squeeze %dma_wait3A_1756 : memref<1x32x128xf32, #tpu.memory_space<vmem>> -> memref<32x128xf32, #tpu.memory_space<vmem>>
      %dma_wait3A_1758 = arith.constant 0 : i32
      %dma_wait3A_1759 = tpu.memref_slice %arg5[%dma_wait3A_1758, %multiple_of3A_1491] : memref<32x1000000xf32, #tpu.memory_space<hbm>> -> memref<32x128xf32, #tpu.memory_space<hbm>>
      %dma_wait3A_1760 = arith.constant 0 : i32
      %dma_wait3A_1761 = arith.constant 0 : i32
      %dma_wait3A_1762 = tpu.memref_slice %arg12[%dma_wait3A_1753, %dma_wait3A_1760, %dma_wait3A_1761] : memref<8x32x128xf32, #tpu.memory_space<vmem>> -> memref<1x32x128xf32, #tpu.memory_space<vmem>>
      %dma_wait3A_1763 = tpu.memref_squeeze %dma_wait3A_1762 : memref<1x32x128xf32, #tpu.memory_space<vmem>> -> memref<32x128xf32, #tpu.memory_space<vmem>>
      %dma_wait3A_1764 = arith.constant 0 : i32
      %dma_wait3A_1765 = tpu.memref_slice %arg5[%dma_wait3A_1764, %multiple_of3A_1491] : memref<32x1000000xf32, #tpu.memory_space<hbm>> -> memref<32x128xf32, #tpu.memory_space<hbm>>
      tpu.wait_dma2 semaphore(%arg14 : memref<!tpu.dma_semaphore, #tpu.memory_space<semaphore_mem>>) src(%dma_wait3A_1765 : memref<32x128xf32, #tpu.memory_space<hbm>>) dst(%dma_wait3A_1763 : memref<32x128xf32, #tpu.memory_space<vmem>>)
      %dma_wait3A_1766 = arith.constant 1 : i32
      %dma_wait3A_1767 = arith.constant 0 : i32
      %dma_wait3A_1768 = arith.constant 0 : i32
      %dma_wait3A_1769 = tpu.memref_slice %arg11[%dma_wait3A_1766, %dma_wait3A_1767, %dma_wait3A_1768] : memref<8x32x128xf32, #tpu.memory_space<vmem>> -> memref<1x32x128xf32, #tpu.memory_space<vmem>>
      %dma_wait3A_1770 = tpu.memref_squeeze %dma_wait3A_1769 : memref<1x32x128xf32, #tpu.memory_space<vmem>> -> memref<32x128xf32, #tpu.memory_space<vmem>>
      %dma_wait3A_1771 = arith.constant 0 : i32
      %dma_wait3A_1772 = tpu.memref_slice %arg4[%dma_wait3A_1771, %multiple_of3A_1494] : memref<32x1000000xf32, #tpu.memory_space<hbm>> -> memref<32x128xf32, #tpu.memory_space<hbm>>
      %dma_wait3A_1773 = arith.constant 0 : i32
      %dma_wait3A_1774 = arith.constant 0 : i32
      %dma_wait3A_1775 = tpu.memref_slice %arg11[%dma_wait3A_1766, %dma_wait3A_1773, %dma_wait3A_1774] : memref<8x32x128xf32, #tpu.memory_space<vmem>> -> memref<1x32x128xf32, #tpu.memory_space<vmem>>
      %dma_wait3A_1776 = tpu.memref_squeeze %dma_wait3A_1775 : memref<1x32x128xf32, #tpu.memory_space<vmem>> -> memref<32x128xf32, #tpu.memory_space<vmem>>
      %dma_wait3A_1777 = arith.constant 0 : i32
      %dma_wait3A_1778 = tpu.memref_slice %arg4[%dma_wait3A_1777, %multiple_of3A_1494] : memref<32x1000000xf32, #tpu.memory_space<hbm>> -> memref<32x128xf32, #tpu.memory_space<hbm>>
      tpu.wait_dma2 semaphore(%arg14 : memref<!tpu.dma_semaphore, #tpu.memory_space<semaphore_mem>>) src(%dma_wait3A_1778 : memref<32x128xf32, #tpu.memory_space<hbm>>) dst(%dma_wait3A_1776 : memref<32x128xf32, #tpu.memory_space<vmem>>)
      %dma_wait3A_1779 = arith.constant 1 : i32
      %dma_wait3A_1780 = arith.constant 0 : i32
      %dma_wait3A_1781 = arith.constant 0 : i32
      %dma_wait3A_1782 = tpu.memref_slice %arg12[%dma_wait3A_1779, %dma_wait3A_1780, %dma_wait3A_1781] : memref<8x32x128xf32, #tpu.memory_space<vmem>> -> memref<1x32x128xf32, #tpu.memory_space<vmem>>
      %dma_wait3A_1783 = tpu.memref_squeeze %dma_wait3A_1782 : memref<1x32x128xf32, #tpu.memory_space<vmem>> -> memref<32x128xf32, #tpu.memory_space<vmem>>
      %dma_wait3A_1784 = arith.constant 0 : i32
      %dma_wait3A_1785 = tpu.memref_slice %arg5[%dma_wait3A_1784, %multiple_of3A_1497] : memref<32x1000000xf32, #tpu.memory_space<hbm>> -> memref<32x128xf32, #tpu.memory_space<hbm>>
      %dma_wait3A_1786 = arith.constant 0 : i32
      %dma_wait3A_1787 = arith.constant 0 : i32
      %dma_wait3A_1788 = tpu.memref_slice %arg12[%dma_wait3A_1779, %dma_wait3A_1786, %dma_wait3A_1787] : memref<8x32x128xf32, #tpu.memory_space<vmem>> -> memref<1x32x128xf32, #tpu.memory_space<vmem>>
      %dma_wait3A_1789 = tpu.memref_squeeze %dma_wait3A_1788 : memref<1x32x128xf32, #tpu.memory_space<vmem>> -> memref<32x128xf32, #tpu.memory_space<vmem>>
      %dma_wait3A_1790 = arith.constant 0 : i32
      %dma_wait3A_1791 = tpu.memref_slice %arg5[%dma_wait3A_1790, %multiple_of3A_1497] : memref<32x1000000xf32, #tpu.memory_space<hbm>> -> memref<32x128xf32, #tpu.memory_space<hbm>>
      tpu.wait_dma2 semaphore(%arg14 : memref<!tpu.dma_semaphore, #tpu.memory_space<semaphore_mem>>) src(%dma_wait3A_1791 : memref<32x128xf32, #tpu.memory_space<hbm>>) dst(%dma_wait3A_1789 : memref<32x128xf32, #tpu.memory_space<vmem>>)
      %dma_wait3A_1792 = arith.constant 2 : i32
      %dma_wait3A_1793 = arith.constant 0 : i32
      %dma_wait3A_1794 = arith.constant 0 : i32
      %dma_wait3A_1795 = tpu.memref_slice %arg11[%dma_wait3A_1792, %dma_wait3A_1793, %dma_wait3A_1794] : memref<8x32x128xf32, #tpu.memory_space<vmem>> -> memref<1x32x128xf32, #tpu.memory_space<vmem>>
      %dma_wait3A_1796 = tpu.memref_squeeze %dma_wait3A_1795 : memref<1x32x128xf32, #tpu.memory_space<vmem>> -> memref<32x128xf32, #tpu.memory_space<vmem>>
      %dma_wait3A_1797 = arith.constant 0 : i32
      %dma_wait3A_1798 = tpu.memref_slice %arg4[%dma_wait3A_1797, %multiple_of3A_1500] : memref<32x1000000xf32, #tpu.memory_space<hbm>> -> memref<32x128xf32, #tpu.memory_space<hbm>>
      %dma_wait3A_1799 = arith.constant 0 : i32
      %dma_wait3A_1800 = arith.constant 0 : i32
      %dma_wait3A_1801 = tpu.memref_slice %arg11[%dma_wait3A_1792, %dma_wait3A_1799, %dma_wait3A_1800] : memref<8x32x128xf32, #tpu.memory_space<vmem>> -> memref<1x32x128xf32, #tpu.memory_space<vmem>>
      %dma_wait3A_1802 = tpu.memref_squeeze %dma_wait3A_1801 : memref<1x32x128xf32, #tpu.memory_space<vmem>> -> memref<32x128xf32, #tpu.memory_space<vmem>>
      %dma_wait3A_1803 = arith.constant 0 : i32
      %dma_wait3A_1804 = tpu.memref_slice %arg4[%dma_wait3A_1803, %multiple_of3A_1500] : memref<32x1000000xf32, #tpu.memory_space<hbm>> -> memref<32x128xf32, #tpu.memory_space<hbm>>
      tpu.wait_dma2 semaphore(%arg14 : memref<!tpu.dma_semaphore, #tpu.memory_space<semaphore_mem>>) src(%dma_wait3A_1804 : memref<32x128xf32, #tpu.memory_space<hbm>>) dst(%dma_wait3A_1802 : memref<32x128xf32, #tpu.memory_space<vmem>>)
      %dma_wait3A_1805 = arith.constant 2 : i32
      %dma_wait3A_1806 = arith.constant 0 : i32
      %dma_wait3A_1807 = arith.constant 0 : i32
      %dma_wait3A_1808 = tpu.memref_slice %arg12[%dma_wait3A_1805, %dma_wait3A_1806, %dma_wait3A_1807] : memref<8x32x128xf32, #tpu.memory_space<vmem>> -> memref<1x32x128xf32, #tpu.memory_space<vmem>>
      %dma_wait3A_1809 = tpu.memref_squeeze %dma_wait3A_1808 : memref<1x32x128xf32, #tpu.memory_space<vmem>> -> memref<32x128xf32, #tpu.memory_space<vmem>>
      %dma_wait3A_1810 = arith.constant 0 : i32
      %dma_wait3A_1811 = tpu.memref_slice %arg5[%dma_wait3A_1810, %multiple_of3A_1503] : memref<32x1000000xf32, #tpu.memory_space<hbm>> -> memref<32x128xf32, #tpu.memory_space<hbm>>
      %dma_wait3A_1812 = arith.constant 0 : i32
      %dma_wait3A_1813 = arith.constant 0 : i32
      %dma_wait3A_1814 = tpu.memref_slice %arg12[%dma_wait3A_1805, %dma_wait3A_1812, %dma_wait3A_1813] : memref<8x32x128xf32, #tpu.memory_space<vmem>> -> memref<1x32x128xf32, #tpu.memory_space<vmem>>
      %dma_wait3A_1815 = tpu.memref_squeeze %dma_wait3A_1814 : memref<1x32x128xf32, #tpu.memory_space<vmem>> -> memref<32x128xf32, #tpu.memory_space<vmem>>
      %dma_wait3A_1816 = arith.constant 0 : i32
      %dma_wait3A_1817 = tpu.memref_slice %arg5[%dma_wait3A_1816, %multiple_of3A_1503] : memref<32x1000000xf32, #tpu.memory_space<hbm>> -> memref<32x128xf32, #tpu.memory_space<hbm>>
      tpu.wait_dma2 semaphore(%arg14 : memref<!tpu.dma_semaphore, #tpu.memory_space<semaphore_mem>>) src(%dma_wait3A_1817 : memref<32x128xf32, #tpu.memory_space<hbm>>) dst(%dma_wait3A_1815 : memref<32x128xf32, #tpu.memory_space<vmem>>)
      %dma_wait3A_1818 = arith.constant 3 : i32
      %dma_wait3A_1819 = arith.constant 0 : i32
      %dma_wait3A_1820 = arith.constant 0 : i32
      %dma_wait3A_1821 = tpu.memref_slice %arg11[%dma_wait3A_1818, %dma_wait3A_1819, %dma_wait3A_1820] : memref<8x32x128xf32, #tpu.memory_space<vmem>> -> memref<1x32x128xf32, #tpu.memory_space<vmem>>
      %dma_wait3A_1822 = tpu.memref_squeeze %dma_wait3A_1821 : memref<1x32x128xf32, #tpu.memory_space<vmem>> -> memref<32x128xf32, #tpu.memory_space<vmem>>
      %dma_wait3A_1823 = arith.constant 0 : i32
      %dma_wait3A_1824 = tpu.memref_slice %arg4[%dma_wait3A_1823, %multiple_of3A_1506] : memref<32x1000000xf32, #tpu.memory_space<hbm>> -> memref<32x128xf32, #tpu.memory_space<hbm>>
      %dma_wait3A_1825 = arith.constant 0 : i32
      %dma_wait3A_1826 = arith.constant 0 : i32
      %dma_wait3A_1827 = tpu.memref_slice %arg11[%dma_wait3A_1818, %dma_wait3A_1825, %dma_wait3A_1826] : memref<8x32x128xf32, #tpu.memory_space<vmem>> -> memref<1x32x128xf32, #tpu.memory_space<vmem>>
      %dma_wait3A_1828 = tpu.memref_squeeze %dma_wait3A_1827 : memref<1x32x128xf32, #tpu.memory_space<vmem>> -> memref<32x128xf32, #tpu.memory_space<vmem>>
      %dma_wait3A_1829 = arith.constant 0 : i32
      %dma_wait3A_1830 = tpu.memref_slice %arg4[%dma_wait3A_1829, %multiple_of3A_1506] : memref<32x1000000xf32, #tpu.memory_space<hbm>> -> memref<32x128xf32, #tpu.memory_space<hbm>>
      tpu.wait_dma2 semaphore(%arg14 : memref<!tpu.dma_semaphore, #tpu.memory_space<semaphore_mem>>) src(%dma_wait3A_1830 : memref<32x128xf32, #tpu.memory_space<hbm>>) dst(%dma_wait3A_1828 : memref<32x128xf32, #tpu.memory_space<vmem>>)
      %dma_wait3A_1831 = arith.constant 3 : i32
      %dma_wait3A_1832 = arith.constant 0 : i32
      %dma_wait3A_1833 = arith.constant 0 : i32
      %dma_wait3A_1834 = tpu.memref_slice %arg12[%dma_wait3A_1831, %dma_wait3A_1832, %dma_wait3A_1833] : memref<8x32x128xf32, #tpu.memory_space<vmem>> -> memref<1x32x128xf32, #tpu.memory_space<vmem>>
      %dma_wait3A_1835 = tpu.memref_squeeze %dma_wait3A_1834 : memref<1x32x128xf32, #tpu.memory_space<vmem>> -> memref<32x128xf32, #tpu.memory_space<vmem>>
      %dma_wait3A_1836 = arith.constant 0 : i32
      %dma_wait3A_1837 = tpu.memref_slice %arg5[%dma_wait3A_1836, %multiple_of3A_1509] : memref<32x1000000xf32, #tpu.memory_space<hbm>> -> memref<32x128xf32, #tpu.memory_space<hbm>>
      %dma_wait3A_1838 = arith.constant 0 : i32
      %dma_wait3A_1839 = arith.constant 0 : i32
      %dma_wait3A_1840 = tpu.memref_slice %arg12[%dma_wait3A_1831, %dma_wait3A_1838, %dma_wait3A_1839] : memref<8x32x128xf32, #tpu.memory_space<vmem>> -> memref<1x32x128xf32, #tpu.memory_space<vmem>>
      %dma_wait3A_1841 = tpu.memref_squeeze %dma_wait3A_1840 : memref<1x32x128xf32, #tpu.memory_space<vmem>> -> memref<32x128xf32, #tpu.memory_space<vmem>>
      %dma_wait3A_1842 = arith.constant 0 : i32
      %dma_wait3A_1843 = tpu.memref_slice %arg5[%dma_wait3A_1842, %multiple_of3A_1509] : memref<32x1000000xf32, #tpu.memory_space<hbm>> -> memref<32x128xf32, #tpu.memory_space<hbm>>
      tpu.wait_dma2 semaphore(%arg14 : memref<!tpu.dma_semaphore, #tpu.memory_space<semaphore_mem>>) src(%dma_wait3A_1843 : memref<32x128xf32, #tpu.memory_space<hbm>>) dst(%dma_wait3A_1841 : memref<32x128xf32, #tpu.memory_space<vmem>>)
      %dma_wait3A_1844 = arith.constant 4 : i32
      %dma_wait3A_1845 = arith.constant 0 : i32
      %dma_wait3A_1846 = arith.constant 0 : i32
      %dma_wait3A_1847 = tpu.memref_slice %arg11[%dma_wait3A_1844, %dma_wait3A_1845, %dma_wait3A_1846] : memref<8x32x128xf32, #tpu.memory_space<vmem>> -> memref<1x32x128xf32, #tpu.memory_space<vmem>>
      %dma_wait3A_1848 = tpu.memref_squeeze %dma_wait3A_1847 : memref<1x32x128xf32, #tpu.memory_space<vmem>> -> memref<32x128xf32, #tpu.memory_space<vmem>>
      %dma_wait3A_1849 = arith.constant 0 : i32
      %dma_wait3A_1850 = tpu.memref_slice %arg4[%dma_wait3A_1849, %multiple_of3A_1512] : memref<32x1000000xf32, #tpu.memory_space<hbm>> -> memref<32x128xf32, #tpu.memory_space<hbm>>
      %dma_wait3A_1851 = arith.constant 0 : i32
      %dma_wait3A_1852 = arith.constant 0 : i32
      %dma_wait3A_1853 = tpu.memref_slice %arg11[%dma_wait3A_1844, %dma_wait3A_1851, %dma_wait3A_1852] : memref<8x32x128xf32, #tpu.memory_space<vmem>> -> memref<1x32x128xf32, #tpu.memory_space<vmem>>
      %dma_wait3A_1854 = tpu.memref_squeeze %dma_wait3A_1853 : memref<1x32x128xf32, #tpu.memory_space<vmem>> -> memref<32x128xf32, #tpu.memory_space<vmem>>
      %dma_wait3A_1855 = arith.constant 0 : i32
      %dma_wait3A_1856 = tpu.memref_slice %arg4[%dma_wait3A_1855, %multiple_of3A_1512] : memref<32x1000000xf32, #tpu.memory_space<hbm>> -> memref<32x128xf32, #tpu.memory_space<hbm>>
      tpu.wait_dma2 semaphore(%arg14 : memref<!tpu.dma_semaphore, #tpu.memory_space<semaphore_mem>>) src(%dma_wait3A_1856 : memref<32x128xf32, #tpu.memory_space<hbm>>) dst(%dma_wait3A_1854 : memref<32x128xf32, #tpu.memory_space<vmem>>)
      %dma_wait3A_1857 = arith.constant 4 : i32
      %dma_wait3A_1858 = arith.constant 0 : i32
      %dma_wait3A_1859 = arith.constant 0 : i32
      %dma_wait3A_1860 = tpu.memref_slice %arg12[%dma_wait3A_1857, %dma_wait3A_1858, %dma_wait3A_1859] : memref<8x32x128xf32, #tpu.memory_space<vmem>> -> memref<1x32x128xf32, #tpu.memory_space<vmem>>
      %dma_wait3A_1861 = tpu.memref_squeeze %dma_wait3A_1860 : memref<1x32x128xf32, #tpu.memory_space<vmem>> -> memref<32x128xf32, #tpu.memory_space<vmem>>
      %dma_wait3A_1862 = arith.constant 0 : i32
      %dma_wait3A_1863 = tpu.memref_slice %arg5[%dma_wait3A_1862, %multiple_of3A_1515] : memref<32x1000000xf32, #tpu.memory_space<hbm>> -> memref<32x128xf32, #tpu.memory_space<hbm>>
      %dma_wait3A_1864 = arith.constant 0 : i32
      %dma_wait3A_1865 = arith.constant 0 : i32
      %dma_wait3A_1866 = tpu.memref_slice %arg12[%dma_wait3A_1857, %dma_wait3A_1864, %dma_wait3A_1865] : memref<8x32x128xf32, #tpu.memory_space<vmem>> -> memref<1x32x128xf32, #tpu.memory_space<vmem>>
      %dma_wait3A_1867 = tpu.memref_squeeze %dma_wait3A_1866 : memref<1x32x128xf32, #tpu.memory_space<vmem>> -> memref<32x128xf32, #tpu.memory_space<vmem>>
      %dma_wait3A_1868 = arith.constant 0 : i32
      %dma_wait3A_1869 = tpu.memref_slice %arg5[%dma_wait3A_1868, %multiple_of3A_1515] : memref<32x1000000xf32, #tpu.memory_space<hbm>> -> memref<32x128xf32, #tpu.memory_space<hbm>>
      tpu.wait_dma2 semaphore(%arg14 : memref<!tpu.dma_semaphore, #tpu.memory_space<semaphore_mem>>) src(%dma_wait3A_1869 : memref<32x128xf32, #tpu.memory_space<hbm>>) dst(%dma_wait3A_1867 : memref<32x128xf32, #tpu.memory_space<vmem>>)
      %dma_wait3A_1870 = arith.constant 5 : i32
      %dma_wait3A_1871 = arith.constant 0 : i32
      %dma_wait3A_1872 = arith.constant 0 : i32
      %dma_wait3A_1873 = tpu.memref_slice %arg11[%dma_wait3A_1870, %dma_wait3A_1871, %dma_wait3A_1872] : memref<8x32x128xf32, #tpu.memory_space<vmem>> -> memref<1x32x128xf32, #tpu.memory_space<vmem>>
      %dma_wait3A_1874 = tpu.memref_squeeze %dma_wait3A_1873 : memref<1x32x128xf32, #tpu.memory_space<vmem>> -> memref<32x128xf32, #tpu.memory_space<vmem>>
      %dma_wait3A_1875 = arith.constant 0 : i32
      %dma_wait3A_1876 = tpu.memref_slice %arg4[%dma_wait3A_1875, %multiple_of3A_1518] : memref<32x1000000xf32, #tpu.memory_space<hbm>> -> memref<32x128xf32, #tpu.memory_space<hbm>>
      %dma_wait3A_1877 = arith.constant 0 : i32
      %dma_wait3A_1878 = arith.constant 0 : i32
      %dma_wait3A_1879 = tpu.memref_slice %arg11[%dma_wait3A_1870, %dma_wait3A_1877, %dma_wait3A_1878] : memref<8x32x128xf32, #tpu.memory_space<vmem>> -> memref<1x32x128xf32, #tpu.memory_space<vmem>>
      %dma_wait3A_1880 = tpu.memref_squeeze %dma_wait3A_1879 : memref<1x32x128xf32, #tpu.memory_space<vmem>> -> memref<32x128xf32, #tpu.memory_space<vmem>>
      %dma_wait3A_1881 = arith.constant 0 : i32
      %dma_wait3A_1882 = tpu.memref_slice %arg4[%dma_wait3A_1881, %multiple_of3A_1518] : memref<32x1000000xf32, #tpu.memory_space<hbm>> -> memref<32x128xf32, #tpu.memory_space<hbm>>
      tpu.wait_dma2 semaphore(%arg14 : memref<!tpu.dma_semaphore, #tpu.memory_space<semaphore_mem>>) src(%dma_wait3A_1882 : memref<32x128xf32, #tpu.memory_space<hbm>>) dst(%dma_wait3A_1880 : memref<32x128xf32, #tpu.memory_space<vmem>>)
      %dma_wait3A_1883 = arith.constant 5 : i32
      %dma_wait3A_1884 = arith.constant 0 : i32
      %dma_wait3A_1885 = arith.constant 0 : i32
      %dma_wait3A_1886 = tpu.memref_slice %arg12[%dma_wait3A_1883, %dma_wait3A_1884, %dma_wait3A_1885] : memref<8x32x128xf32, #tpu.memory_space<vmem>> -> memref<1x32x128xf32, #tpu.memory_space<vmem>>
      %dma_wait3A_1887 = tpu.memref_squeeze %dma_wait3A_1886 : memref<1x32x128xf32, #tpu.memory_space<vmem>> -> memref<32x128xf32, #tpu.memory_space<vmem>>
      %dma_wait3A_1888 = arith.constant 0 : i32
      %dma_wait3A_1889 = tpu.memref_slice %arg5[%dma_wait3A_1888, %multiple_of3A_1521] : memref<32x1000000xf32, #tpu.memory_space<hbm>> -> memref<32x128xf32, #tpu.memory_space<hbm>>
      %dma_wait3A_1890 = arith.constant 0 : i32
      %dma_wait3A_1891 = arith.constant 0 : i32
      %dma_wait3A_1892 = tpu.memref_slice %arg12[%dma_wait3A_1883, %dma_wait3A_1890, %dma_wait3A_1891] : memref<8x32x128xf32, #tpu.memory_space<vmem>> -> memref<1x32x128xf32, #tpu.memory_space<vmem>>
      %dma_wait3A_1893 = tpu.memref_squeeze %dma_wait3A_1892 : memref<1x32x128xf32, #tpu.memory_space<vmem>> -> memref<32x128xf32, #tpu.memory_space<vmem>>
      %dma_wait3A_1894 = arith.constant 0 : i32
      %dma_wait3A_1895 = tpu.memref_slice %arg5[%dma_wait3A_1894, %multiple_of3A_1521] : memref<32x1000000xf32, #tpu.memory_space<hbm>> -> memref<32x128xf32, #tpu.memory_space<hbm>>
      tpu.wait_dma2 semaphore(%arg14 : memref<!tpu.dma_semaphore, #tpu.memory_space<semaphore_mem>>) src(%dma_wait3A_1895 : memref<32x128xf32, #tpu.memory_space<hbm>>) dst(%dma_wait3A_1893 : memref<32x128xf32, #tpu.memory_space<vmem>>)
      %dma_wait3A_1896 = arith.constant 6 : i32
      %dma_wait3A_1897 = arith.constant 0 : i32
      %dma_wait3A_1898 = arith.constant 0 : i32
      %dma_wait3A_1899 = tpu.memref_slice %arg11[%dma_wait3A_1896, %dma_wait3A_1897, %dma_wait3A_1898] : memref<8x32x128xf32, #tpu.memory_space<vmem>> -> memref<1x32x128xf32, #tpu.memory_space<vmem>>
      %dma_wait3A_1900 = tpu.memref_squeeze %dma_wait3A_1899 : memref<1x32x128xf32, #tpu.memory_space<vmem>> -> memref<32x128xf32, #tpu.memory_space<vmem>>
      %dma_wait3A_1901 = arith.constant 0 : i32
      %dma_wait3A_1902 = tpu.memref_slice %arg4[%dma_wait3A_1901, %multiple_of3A_1524] : memref<32x1000000xf32, #tpu.memory_space<hbm>> -> memref<32x128xf32, #tpu.memory_space<hbm>>
      %dma_wait3A_1903 = arith.constant 0 : i32
      %dma_wait3A_1904 = arith.constant 0 : i32
      %dma_wait3A_1905 = tpu.memref_slice %arg11[%dma_wait3A_1896, %dma_wait3A_1903, %dma_wait3A_1904] : memref<8x32x128xf32, #tpu.memory_space<vmem>> -> memref<1x32x128xf32, #tpu.memory_space<vmem>>
      %dma_wait3A_1906 = tpu.memref_squeeze %dma_wait3A_1905 : memref<1x32x128xf32, #tpu.memory_space<vmem>> -> memref<32x128xf32, #tpu.memory_space<vmem>>
      %dma_wait3A_1907 = arith.constant 0 : i32
      %dma_wait3A_1908 = tpu.memref_slice %arg4[%dma_wait3A_1907, %multiple_of3A_1524] : memref<32x1000000xf32, #tpu.memory_space<hbm>> -> memref<32x128xf32, #tpu.memory_space<hbm>>
      tpu.wait_dma2 semaphore(%arg14 : memref<!tpu.dma_semaphore, #tpu.memory_space<semaphore_mem>>) src(%dma_wait3A_1908 : memref<32x128xf32, #tpu.memory_space<hbm>>) dst(%dma_wait3A_1906 : memref<32x128xf32, #tpu.memory_space<vmem>>)
      %dma_wait3A_1909 = arith.constant 6 : i32
      %dma_wait3A_1910 = arith.constant 0 : i32
      %dma_wait3A_1911 = arith.constant 0 : i32
      %dma_wait3A_1912 = tpu.memref_slice %arg12[%dma_wait3A_1909, %dma_wait3A_1910, %dma_wait3A_1911] : memref<8x32x128xf32, #tpu.memory_space<vmem>> -> memref<1x32x128xf32, #tpu.memory_space<vmem>>
      %dma_wait3A_1913 = tpu.memref_squeeze %dma_wait3A_1912 : memref<1x32x128xf32, #tpu.memory_space<vmem>> -> memref<32x128xf32, #tpu.memory_space<vmem>>
      %dma_wait3A_1914 = arith.constant 0 : i32
      %dma_wait3A_1915 = tpu.memref_slice %arg5[%dma_wait3A_1914, %multiple_of3A_1527] : memref<32x1000000xf32, #tpu.memory_space<hbm>> -> memref<32x128xf32, #tpu.memory_space<hbm>>
      %dma_wait3A_1916 = arith.constant 0 : i32
      %dma_wait3A_1917 = arith.constant 0 : i32
      %dma_wait3A_1918 = tpu.memref_slice %arg12[%dma_wait3A_1909, %dma_wait3A_1916, %dma_wait3A_1917] : memref<8x32x128xf32, #tpu.memory_space<vmem>> -> memref<1x32x128xf32, #tpu.memory_space<vmem>>
      %dma_wait3A_1919 = tpu.memref_squeeze %dma_wait3A_1918 : memref<1x32x128xf32, #tpu.memory_space<vmem>> -> memref<32x128xf32, #tpu.memory_space<vmem>>
      %dma_wait3A_1920 = arith.constant 0 : i32
      %dma_wait3A_1921 = tpu.memref_slice %arg5[%dma_wait3A_1920, %multiple_of3A_1527] : memref<32x1000000xf32, #tpu.memory_space<hbm>> -> memref<32x128xf32, #tpu.memory_space<hbm>>
      tpu.wait_dma2 semaphore(%arg14 : memref<!tpu.dma_semaphore, #tpu.memory_space<semaphore_mem>>) src(%dma_wait3A_1921 : memref<32x128xf32, #tpu.memory_space<hbm>>) dst(%dma_wait3A_1919 : memref<32x128xf32, #tpu.memory_space<vmem>>)
      %dma_wait3A_1922 = arith.constant 7 : i32
      %dma_wait3A_1923 = arith.constant 0 : i32
      %dma_wait3A_1924 = arith.constant 0 : i32
      %dma_wait3A_1925 = tpu.memref_slice %arg11[%dma_wait3A_1922, %dma_wait3A_1923, %dma_wait3A_1924] : memref<8x32x128xf32, #tpu.memory_space<vmem>> -> memref<1x32x128xf32, #tpu.memory_space<vmem>>
      %dma_wait3A_1926 = tpu.memref_squeeze %dma_wait3A_1925 : memref<1x32x128xf32, #tpu.memory_space<vmem>> -> memref<32x128xf32, #tpu.memory_space<vmem>>
      %dma_wait3A_1927 = arith.constant 0 : i32
      %dma_wait3A_1928 = tpu.memref_slice %arg4[%dma_wait3A_1927, %multiple_of3A_1530] : memref<32x1000000xf32, #tpu.memory_space<hbm>> -> memref<32x128xf32, #tpu.memory_space<hbm>>
      %dma_wait3A_1929 = arith.constant 0 : i32
      %dma_wait3A_1930 = arith.constant 0 : i32
      %dma_wait3A_1931 = tpu.memref_slice %arg11[%dma_wait3A_1922, %dma_wait3A_1929, %dma_wait3A_1930] : memref<8x32x128xf32, #tpu.memory_space<vmem>> -> memref<1x32x128xf32, #tpu.memory_space<vmem>>
      %dma_wait3A_1932 = tpu.memref_squeeze %dma_wait3A_1931 : memref<1x32x128xf32, #tpu.memory_space<vmem>> -> memref<32x128xf32, #tpu.memory_space<vmem>>
      %dma_wait3A_1933 = arith.constant 0 : i32
      %dma_wait3A_1934 = tpu.memref_slice %arg4[%dma_wait3A_1933, %multiple_of3A_1530] : memref<32x1000000xf32, #tpu.memory_space<hbm>> -> memref<32x128xf32, #tpu.memory_space<hbm>>
      tpu.wait_dma2 semaphore(%arg14 : memref<!tpu.dma_semaphore, #tpu.memory_space<semaphore_mem>>) src(%dma_wait3A_1934 : memref<32x128xf32, #tpu.memory_space<hbm>>) dst(%dma_wait3A_1932 : memref<32x128xf32, #tpu.memory_space<vmem>>)
      %dma_wait3A_1935 = arith.constant 7 : i32
      %dma_wait3A_1936 = arith.constant 0 : i32
      %dma_wait3A_1937 = arith.constant 0 : i32
      %dma_wait3A_1938 = tpu.memref_slice %arg12[%dma_wait3A_1935, %dma_wait3A_1936, %dma_wait3A_1937] : memref<8x32x128xf32, #tpu.memory_space<vmem>> -> memref<1x32x128xf32, #tpu.memory_space<vmem>>
      %dma_wait3A_1939 = tpu.memref_squeeze %dma_wait3A_1938 : memref<1x32x128xf32, #tpu.memory_space<vmem>> -> memref<32x128xf32, #tpu.memory_space<vmem>>
      %dma_wait3A_1940 = arith.constant 0 : i32
      %dma_wait3A_1941 = tpu.memref_slice %arg5[%dma_wait3A_1940, %multiple_of3A_1533] : memref<32x1000000xf32, #tpu.memory_space<hbm>> -> memref<32x128xf32, #tpu.memory_space<hbm>>
      %dma_wait3A_1942 = arith.constant 0 : i32
      %dma_wait3A_1943 = arith.constant 0 : i32
      %dma_wait3A_1944 = tpu.memref_slice %arg12[%dma_wait3A_1935, %dma_wait3A_1942, %dma_wait3A_1943] : memref<8x32x128xf32, #tpu.memory_space<vmem>> -> memref<1x32x128xf32, #tpu.memory_space<vmem>>
      %dma_wait3A_1945 = tpu.memref_squeeze %dma_wait3A_1944 : memref<1x32x128xf32, #tpu.memory_space<vmem>> -> memref<32x128xf32, #tpu.memory_space<vmem>>
      %dma_wait3A_1946 = arith.constant 0 : i32
      %dma_wait3A_1947 = tpu.memref_slice %arg5[%dma_wait3A_1946, %multiple_of3A_1533] : memref<32x1000000xf32, #tpu.memory_space<hbm>> -> memref<32x128xf32, #tpu.memory_space<hbm>>
      tpu.wait_dma2 semaphore(%arg14 : memref<!tpu.dma_semaphore, #tpu.memory_space<semaphore_mem>>) src(%dma_wait3A_1947 : memref<32x128xf32, #tpu.memory_space<hbm>>) dst(%dma_wait3A_1945 : memref<32x128xf32, #tpu.memory_space<vmem>>)
      %add3A_1948 = arith.constant 0 : i32
      %add3A_1949 = vector.broadcast %add3A_1948 : i32 to vector<16xi32>
      %add3A_1950 = arith.addi %and3A_1468, %add3A_1949 : vector<16xi32>
      %broadcast_in_dim3A_1951 = vector.shape_cast %add3A_1950 : vector<16xi32> to vector<16x1xi32>
      %gather3A = vector.shape_cast %broadcast_in_dim3A_1951 : vector<16x1xi32> to vector<16xi32>
      %gather3A_1952 = tpu.dynamic_gather %get3A_1486[%gather3A] in [0] : vector<16xi32>, vector<16xi32> -> vector<16xi32>
      %add3A_1953 = arith.constant 0 : i32
      %add3A_1954 = vector.broadcast %add3A_1953 : i32 to vector<16xi32>
      %add3A_1955 = arith.addi %and3A_1468, %add3A_1954 : vector<16xi32>
      %broadcast_in_dim3A_1956 = vector.shape_cast %add3A_1955 : vector<16xi32> to vector<16x1xi32>
      %gather3A_1957 = vector.shape_cast %broadcast_in_dim3A_1956 : vector<16x1xi32> to vector<16xi32>
      %gather3A_1958 = tpu.dynamic_gather %get3A_1488[%gather3A_1957] in [0] : vector<16xi32>, vector<16xi32> -> vector<16xi32>
      %broadcast_in_dim3A_1959 = arith.constant 0.000000e+00 : f32
      %broadcast_in_dim3A_1960 = vector.broadcast %broadcast_in_dim3A_1959 : f32 to vector<16xf32>
      %add3A_1961 = arith.constant 0 : i32
      %add3A_1962 = vector.broadcast %add3A_1961 : i32 to vector<16xi32>
      %add3A_1963 = arith.addi %add3A_1962, %shift_right_arithmetic3A_1470 : vector<16xi32>
      %gather3A_1964 = tpu.vector_load_idx %arg11[%and3A_1468, %add3A_1963, %gather3A_1952] : memref<8x32x128xf32, #tpu.memory_space<vmem>>[vector<16xi32>, vector<16xi32>, vector<16xi32>], vector<16xf32>,
      %gather3A_1965 = tpu.vector_load_idx %arg12[%and3A_1468, %add3A_1963, %gather3A_1958] : memref<8x32x128xf32, #tpu.memory_space<vmem>>[vector<16xi32>, vector<16xi32>, vector<16xi32>], vector<16xf32>,
      %mul3A_1966 = arith.mulf %gather3A_1964, %gather3A_1965 : vector<16xf32>
      %add3A_1967 = arith.addf %broadcast_in_dim3A_1960, %mul3A_1966 : vector<16xf32>
      %add3A_1968 = arith.constant 2 : i32
      %add3A_1969 = vector.broadcast %add3A_1968 : i32 to vector<16xi32>
      %add3A_1970 = arith.addi %add3A_1969, %shift_right_arithmetic3A_1470 : vector<16xi32>
      %gather3A_1971 = tpu.vector_load_idx %arg11[%and3A_1468, %add3A_1970, %gather3A_1952] : memref<8x32x128xf32, #tpu.memory_space<vmem>>[vector<16xi32>, vector<16xi32>, vector<16xi32>], vector<16xf32>,
      %gather3A_1972 = tpu.vector_load_idx %arg12[%and3A_1468, %add3A_1970, %gather3A_1958] : memref<8x32x128xf32, #tpu.memory_space<vmem>>[vector<16xi32>, vector<16xi32>, vector<16xi32>], vector<16xf32>,
      %mul3A_1973 = arith.mulf %gather3A_1971, %gather3A_1972 : vector<16xf32>
      %add3A_1974 = arith.addf %add3A_1967, %mul3A_1973 : vector<16xf32>
      %add3A_1975 = arith.constant 4 : i32
      %add3A_1976 = vector.broadcast %add3A_1975 : i32 to vector<16xi32>
      %add3A_1977 = arith.addi %add3A_1976, %shift_right_arithmetic3A_1470 : vector<16xi32>
      %gather3A_1978 = tpu.vector_load_idx %arg11[%and3A_1468, %add3A_1977, %gather3A_1952] : memref<8x32x128xf32, #tpu.memory_space<vmem>>[vector<16xi32>, vector<16xi32>, vector<16xi32>], vector<16xf32>,
      %gather3A_1979 = tpu.vector_load_idx %arg12[%and3A_1468, %add3A_1977, %gather3A_1958] : memref<8x32x128xf32, #tpu.memory_space<vmem>>[vector<16xi32>, vector<16xi32>, vector<16xi32>], vector<16xf32>,
      %mul3A_1980 = arith.mulf %gather3A_1978, %gather3A_1979 : vector<16xf32>
      %add3A_1981 = arith.addf %add3A_1974, %mul3A_1980 : vector<16xf32>
      %add3A_1982 = arith.constant 6 : i32
      %add3A_1983 = vector.broadcast %add3A_1982 : i32 to vector<16xi32>
      %add3A_1984 = arith.addi %add3A_1983, %shift_right_arithmetic3A_1470 : vector<16xi32>
      %gather3A_1985 = tpu.vector_load_idx %arg11[%and3A_1468, %add3A_1984, %gather3A_1952] : memref<8x32x128xf32, #tpu.memory_space<vmem>>[vector<16xi32>, vector<16xi32>, vector<16xi32>], vector<16xf32>,
      %gather3A_1986 = tpu.vector_load_idx %arg12[%and3A_1468, %add3A_1984, %gather3A_1958] : memref<8x32x128xf32, #tpu.memory_space<vmem>>[vector<16xi32>, vector<16xi32>, vector<16xi32>], vector<16xf32>,
      %mul3A_1987 = arith.mulf %gather3A_1985, %gather3A_1986 : vector<16xf32>
      %add3A_1988 = arith.addf %add3A_1981, %mul3A_1987 : vector<16xf32>
      %add3A_1989 = arith.constant 8 : i32
      %add3A_1990 = vector.broadcast %add3A_1989 : i32 to vector<16xi32>
      %add3A_1991 = arith.addi %add3A_1990, %shift_right_arithmetic3A_1470 : vector<16xi32>
      %gather3A_1992 = tpu.vector_load_idx %arg11[%and3A_1468, %add3A_1991, %gather3A_1952] : memref<8x32x128xf32, #tpu.memory_space<vmem>>[vector<16xi32>, vector<16xi32>, vector<16xi32>], vector<16xf32>,
      %gather3A_1993 = tpu.vector_load_idx %arg12[%and3A_1468, %add3A_1991, %gather3A_1958] : memref<8x32x128xf32, #tpu.memory_space<vmem>>[vector<16xi32>, vector<16xi32>, vector<16xi32>], vector<16xf32>,
      %mul3A_1994 = arith.mulf %gather3A_1992, %gather3A_1993 : vector<16xf32>
      %add3A_1995 = arith.addf %add3A_1988, %mul3A_1994 : vector<16xf32>
      %add3A_1996 = arith.constant 10 : i32
      %add3A_1997 = vector.broadcast %add3A_1996 : i32 to vector<16xi32>
      %add3A_1998 = arith.addi %add3A_1997, %shift_right_arithmetic3A_1470 : vector<16xi32>
      %gather3A_1999 = tpu.vector_load_idx %arg11[%and3A_1468, %add3A_1998, %gather3A_1952] : memref<8x32x128xf32, #tpu.memory_space<vmem>>[vector<16xi32>, vector<16xi32>, vector<16xi32>], vector<16xf32>,
      %gather3A_2000 = tpu.vector_load_idx %arg12[%and3A_1468, %add3A_1998, %gather3A_1958] : memref<8x32x128xf32, #tpu.memory_space<vmem>>[vector<16xi32>, vector<16xi32>, vector<16xi32>], vector<16xf32>,
      %mul3A_2001 = arith.mulf %gather3A_1999, %gather3A_2000 : vector<16xf32>
      %add3A_2002 = arith.addf %add3A_1995, %mul3A_2001 : vector<16xf32>
      %add3A_2003 = arith.constant 12 : i32
      %add3A_2004 = vector.broadcast %add3A_2003 : i32 to vector<16xi32>
      %add3A_2005 = arith.addi %add3A_2004, %shift_right_arithmetic3A_1470 : vector<16xi32>
      %gather3A_2006 = tpu.vector_load_idx %arg11[%and3A_1468, %add3A_2005, %gather3A_1952] : memref<8x32x128xf32, #tpu.memory_space<vmem>>[vector<16xi32>, vector<16xi32>, vector<16xi32>], vector<16xf32>,
      %gather3A_2007 = tpu.vector_load_idx %arg12[%and3A_1468, %add3A_2005, %gather3A_1958] : memref<8x32x128xf32, #tpu.memory_space<vmem>>[vector<16xi32>, vector<16xi32>, vector<16xi32>], vector<16xf32>,
      %mul3A_2008 = arith.mulf %gather3A_2006, %gather3A_2007 : vector<16xf32>
      %add3A_2009 = arith.addf %add3A_2002, %mul3A_2008 : vector<16xf32>
      %add3A_2010 = arith.constant 14 : i32
      %add3A_2011 = vector.broadcast %add3A_2010 : i32 to vector<16xi32>
      %add3A_2012 = arith.addi %add3A_2011, %shift_right_arithmetic3A_1470 : vector<16xi32>
      %gather3A_2013 = tpu.vector_load_idx %arg11[%and3A_1468, %add3A_2012, %gather3A_1952] : memref<8x32x128xf32, #tpu.memory_space<vmem>>[vector<16xi32>, vector<16xi32>, vector<16xi32>], vector<16xf32>,
      %gather3A_2014 = tpu.vector_load_idx %arg12[%and3A_1468, %add3A_2012, %gather3A_1958] : memref<8x32x128xf32, #tpu.memory_space<vmem>>[vector<16xi32>, vector<16xi32>, vector<16xi32>], vector<16xf32>,
      %mul3A_2015 = arith.mulf %gather3A_2013, %gather3A_2014 : vector<16xf32>
      %add3A_2016 = arith.addf %add3A_2009, %mul3A_2015 : vector<16xf32>
      %add3A_2017 = arith.constant 16 : i32
      %add3A_2018 = vector.broadcast %add3A_2017 : i32 to vector<16xi32>
      %add3A_2019 = arith.addi %add3A_2018, %shift_right_arithmetic3A_1470 : vector<16xi32>
      %gather3A_2020 = tpu.vector_load_idx %arg11[%and3A_1468, %add3A_2019, %gather3A_1952] : memref<8x32x128xf32, #tpu.memory_space<vmem>>[vector<16xi32>, vector<16xi32>, vector<16xi32>], vector<16xf32>,
      %gather3A_2021 = tpu.vector_load_idx %arg12[%and3A_1468, %add3A_2019, %gather3A_1958] : memref<8x32x128xf32, #tpu.memory_space<vmem>>[vector<16xi32>, vector<16xi32>, vector<16xi32>], vector<16xf32>,
      %mul3A_2022 = arith.mulf %gather3A_2020, %gather3A_2021 : vector<16xf32>
      %add3A_2023 = arith.addf %add3A_2016, %mul3A_2022 : vector<16xf32>
      %add3A_2024 = arith.constant 18 : i32
      %add3A_2025 = vector.broadcast %add3A_2024 : i32 to vector<16xi32>
      %add3A_2026 = arith.addi %add3A_2025, %shift_right_arithmetic3A_1470 : vector<16xi32>
      %gather3A_2027 = tpu.vector_load_idx %arg11[%and3A_1468, %add3A_2026, %gather3A_1952] : memref<8x32x128xf32, #tpu.memory_space<vmem>>[vector<16xi32>, vector<16xi32>, vector<16xi32>], vector<16xf32>,
      %gather3A_2028 = tpu.vector_load_idx %arg12[%and3A_1468, %add3A_2026, %gather3A_1958] : memref<8x32x128xf32, #tpu.memory_space<vmem>>[vector<16xi32>, vector<16xi32>, vector<16xi32>], vector<16xf32>,
      %mul3A_2029 = arith.mulf %gather3A_2027, %gather3A_2028 : vector<16xf32>
      %add3A_2030 = arith.addf %add3A_2023, %mul3A_2029 : vector<16xf32>
      %add3A_2031 = arith.constant 20 : i32
      %add3A_2032 = vector.broadcast %add3A_2031 : i32 to vector<16xi32>
      %add3A_2033 = arith.addi %add3A_2032, %shift_right_arithmetic3A_1470 : vector<16xi32>
      %gather3A_2034 = tpu.vector_load_idx %arg11[%and3A_1468, %add3A_2033, %gather3A_1952] : memref<8x32x128xf32, #tpu.memory_space<vmem>>[vector<16xi32>, vector<16xi32>, vector<16xi32>], vector<16xf32>,
      %gather3A_2035 = tpu.vector_load_idx %arg12[%and3A_1468, %add3A_2033, %gather3A_1958] : memref<8x32x128xf32, #tpu.memory_space<vmem>>[vector<16xi32>, vector<16xi32>, vector<16xi32>], vector<16xf32>,
      %mul3A_2036 = arith.mulf %gather3A_2034, %gather3A_2035 : vector<16xf32>
      %add3A_2037 = arith.addf %add3A_2030, %mul3A_2036 : vector<16xf32>
      %add3A_2038 = arith.constant 22 : i32
      %add3A_2039 = vector.broadcast %add3A_2038 : i32 to vector<16xi32>
      %add3A_2040 = arith.addi %add3A_2039, %shift_right_arithmetic3A_1470 : vector<16xi32>
      %gather3A_2041 = tpu.vector_load_idx %arg11[%and3A_1468, %add3A_2040, %gather3A_1952] : memref<8x32x128xf32, #tpu.memory_space<vmem>>[vector<16xi32>, vector<16xi32>, vector<16xi32>], vector<16xf32>,
      %gather3A_2042 = tpu.vector_load_idx %arg12[%and3A_1468, %add3A_2040, %gather3A_1958] : memref<8x32x128xf32, #tpu.memory_space<vmem>>[vector<16xi32>, vector<16xi32>, vector<16xi32>], vector<16xf32>,
      %mul3A_2043 = arith.mulf %gather3A_2041, %gather3A_2042 : vector<16xf32>
      %add3A_2044 = arith.addf %add3A_2037, %mul3A_2043 : vector<16xf32>
      %add3A_2045 = arith.constant 24 : i32
      %add3A_2046 = vector.broadcast %add3A_2045 : i32 to vector<16xi32>
      %add3A_2047 = arith.addi %add3A_2046, %shift_right_arithmetic3A_1470 : vector<16xi32>
      %gather3A_2048 = tpu.vector_load_idx %arg11[%and3A_1468, %add3A_2047, %gather3A_1952] : memref<8x32x128xf32, #tpu.memory_space<vmem>>[vector<16xi32>, vector<16xi32>, vector<16xi32>], vector<16xf32>,
      %gather3A_2049 = tpu.vector_load_idx %arg12[%and3A_1468, %add3A_2047, %gather3A_1958] : memref<8x32x128xf32, #tpu.memory_space<vmem>>[vector<16xi32>, vector<16xi32>, vector<16xi32>], vector<16xf32>,
      %mul3A_2050 = arith.mulf %gather3A_2048, %gather3A_2049 : vector<16xf32>
      %add3A_2051 = arith.addf %add3A_2044, %mul3A_2050 : vector<16xf32>
      %add3A_2052 = arith.constant 26 : i32
      %add3A_2053 = vector.broadcast %add3A_2052 : i32 to vector<16xi32>
      %add3A_2054 = arith.addi %add3A_2053, %shift_right_arithmetic3A_1470 : vector<16xi32>
      %gather3A_2055 = tpu.vector_load_idx %arg11[%and3A_1468, %add3A_2054, %gather3A_1952] : memref<8x32x128xf32, #tpu.memory_space<vmem>>[vector<16xi32>, vector<16xi32>, vector<16xi32>], vector<16xf32>,
      %gather3A_2056 = tpu.vector_load_idx %arg12[%and3A_1468, %add3A_2054, %gather3A_1958] : memref<8x32x128xf32, #tpu.memory_space<vmem>>[vector<16xi32>, vector<16xi32>, vector<16xi32>], vector<16xf32>,
      %mul3A_2057 = arith.mulf %gather3A_2055, %gather3A_2056 : vector<16xf32>
      %add3A_2058 = arith.addf %add3A_2051, %mul3A_2057 : vector<16xf32>
      %add3A_2059 = arith.constant 28 : i32
      %add3A_2060 = vector.broadcast %add3A_2059 : i32 to vector<16xi32>
      %add3A_2061 = arith.addi %add3A_2060, %shift_right_arithmetic3A_1470 : vector<16xi32>
      %gather3A_2062 = tpu.vector_load_idx %arg11[%and3A_1468, %add3A_2061, %gather3A_1952] : memref<8x32x128xf32, #tpu.memory_space<vmem>>[vector<16xi32>, vector<16xi32>, vector<16xi32>], vector<16xf32>,
      %gather3A_2063 = tpu.vector_load_idx %arg12[%and3A_1468, %add3A_2061, %gather3A_1958] : memref<8x32x128xf32, #tpu.memory_space<vmem>>[vector<16xi32>, vector<16xi32>, vector<16xi32>], vector<16xf32>,
      %mul3A_2064 = arith.mulf %gather3A_2062, %gather3A_2063 : vector<16xf32>
      %add3A_2065 = arith.addf %add3A_2058, %mul3A_2064 : vector<16xf32>
      %add3A_2066 = arith.constant 30 : i32
      %add3A_2067 = vector.broadcast %add3A_2066 : i32 to vector<16xi32>
      %add3A_2068 = arith.addi %add3A_2067, %shift_right_arithmetic3A_1470 : vector<16xi32>
      %gather3A_2069 = tpu.vector_load_idx %arg11[%and3A_1468, %add3A_2068, %gather3A_1952] : memref<8x32x128xf32, #tpu.memory_space<vmem>>[vector<16xi32>, vector<16xi32>, vector<16xi32>], vector<16xf32>,
      %gather3A_2070 = tpu.vector_load_idx %arg12[%and3A_1468, %add3A_2068, %gather3A_1958] : memref<8x32x128xf32, #tpu.memory_space<vmem>>[vector<16xi32>, vector<16xi32>, vector<16xi32>], vector<16xf32>,
      %mul3A_2071 = arith.mulf %gather3A_2069, %gather3A_2070 : vector<16xf32>
      %add3A_2072 = arith.addf %add3A_2065, %mul3A_2071 : vector<16xf32>
      %broadcast_in_dim3A_2073 = vector.shape_cast %xor3A_1472 : vector<16xi32> to vector<16x1xi32>
      %gather3A_2074 = vector.shape_cast %broadcast_in_dim3A_2073 : vector<16x1xi32> to vector<16xi32>
      %gather3A_2075 = tpu.dynamic_gather %add3A_2072[%gather3A_2074] in [0] : vector<16xf32>, vector<16xi32> -> vector<16xf32>
      %add3A_2076 = arith.addf %add3A_2072, %gather3A_2075 : vector<16xf32>
      %slice3A_2077 = vector.extract_strided_slice %get3A_1482 {offsets = [8], sizes = [1], strides = [1]} : vector<16xi32> to vector<1xi32>
      %squeeze3A_2078 = vector.extract %slice3A_2077[0] : i32 from vector<1xi32>
      %multiple_of3A_2079 = tpu.assume_multiple %squeeze3A_2078, 128 : i32
      %slice3A_2080 = vector.extract_strided_slice %get3A_1484 {offsets = [8], sizes = [1], strides = [1]} : vector<16xi32> to vector<1xi32>
      %squeeze3A_2081 = vector.extract %slice3A_2080[0] : i32 from vector<1xi32>
      %multiple_of3A_2082 = tpu.assume_multiple %squeeze3A_2081, 128 : i32
      %slice3A_2083 = vector.extract_strided_slice %get3A_1482 {offsets = [9], sizes = [1], strides = [1]} : vector<16xi32> to vector<1xi32>
      %squeeze3A_2084 = vector.extract %slice3A_2083[0] : i32 from vector<1xi32>
      %multiple_of3A_2085 = tpu.assume_multiple %squeeze3A_2084, 128 : i32
      %slice3A_2086 = vector.extract_strided_slice %get3A_1484 {offsets = [9], sizes = [1], strides = [1]} : vector<16xi32> to vector<1xi32>
      %squeeze3A_2087 = vector.extract %slice3A_2086[0] : i32 from vector<1xi32>
      %multiple_of3A_2088 = tpu.assume_multiple %squeeze3A_2087, 128 : i32
      %slice3A_2089 = vector.extract_strided_slice %get3A_1482 {offsets = [10], sizes = [1], strides = [1]} : vector<16xi32> to vector<1xi32>
      %squeeze3A_2090 = vector.extract %slice3A_2089[0] : i32 from vector<1xi32>
      %multiple_of3A_2091 = tpu.assume_multiple %squeeze3A_2090, 128 : i32
      %slice3A_2092 = vector.extract_strided_slice %get3A_1484 {offsets = [10], sizes = [1], strides = [1]} : vector<16xi32> to vector<1xi32>
      %squeeze3A_2093 = vector.extract %slice3A_2092[0] : i32 from vector<1xi32>
      %multiple_of3A_2094 = tpu.assume_multiple %squeeze3A_2093, 128 : i32
      %slice3A_2095 = vector.extract_strided_slice %get3A_1482 {offsets = [11], sizes = [1], strides = [1]} : vector<16xi32> to vector<1xi32>
      %squeeze3A_2096 = vector.extract %slice3A_2095[0] : i32 from vector<1xi32>
      %multiple_of3A_2097 = tpu.assume_multiple %squeeze3A_2096, 128 : i32
      %slice3A_2098 = vector.extract_strided_slice %get3A_1484 {offsets = [11], sizes = [1], strides = [1]} : vector<16xi32> to vector<1xi32>
      %squeeze3A_2099 = vector.extract %slice3A_2098[0] : i32 from vector<1xi32>
      %multiple_of3A_2100 = tpu.assume_multiple %squeeze3A_2099, 128 : i32
      %slice3A_2101 = vector.extract_strided_slice %get3A_1482 {offsets = [12], sizes = [1], strides = [1]} : vector<16xi32> to vector<1xi32>
      %squeeze3A_2102 = vector.extract %slice3A_2101[0] : i32 from vector<1xi32>
      %multiple_of3A_2103 = tpu.assume_multiple %squeeze3A_2102, 128 : i32
      %slice3A_2104 = vector.extract_strided_slice %get3A_1484 {offsets = [12], sizes = [1], strides = [1]} : vector<16xi32> to vector<1xi32>
      %squeeze3A_2105 = vector.extract %slice3A_2104[0] : i32 from vector<1xi32>
      %multiple_of3A_2106 = tpu.assume_multiple %squeeze3A_2105, 128 : i32
      %slice3A_2107 = vector.extract_strided_slice %get3A_1482 {offsets = [13], sizes = [1], strides = [1]} : vector<16xi32> to vector<1xi32>
      %squeeze3A_2108 = vector.extract %slice3A_2107[0] : i32 from vector<1xi32>
      %multiple_of3A_2109 = tpu.assume_multiple %squeeze3A_2108, 128 : i32
      %slice3A_2110 = vector.extract_strided_slice %get3A_1484 {offsets = [13], sizes = [1], strides = [1]} : vector<16xi32> to vector<1xi32>
      %squeeze3A_2111 = vector.extract %slice3A_2110[0] : i32 from vector<1xi32>
      %multiple_of3A_2112 = tpu.assume_multiple %squeeze3A_2111, 128 : i32
      %slice3A_2113 = vector.extract_strided_slice %get3A_1482 {offsets = [14], sizes = [1], strides = [1]} : vector<16xi32> to vector<1xi32>
      %squeeze3A_2114 = vector.extract %slice3A_2113[0] : i32 from vector<1xi32>
      %multiple_of3A_2115 = tpu.assume_multiple %squeeze3A_2114, 128 : i32
      %slice3A_2116 = vector.extract_strided_slice %get3A_1484 {offsets = [14], sizes = [1], strides = [1]} : vector<16xi32> to vector<1xi32>
      %squeeze3A_2117 = vector.extract %slice3A_2116[0] : i32 from vector<1xi32>
      %multiple_of3A_2118 = tpu.assume_multiple %squeeze3A_2117, 128 : i32
      %slice3A_2119 = vector.extract_strided_slice %get3A_1482 {offsets = [15], sizes = [1], strides = [1]} : vector<16xi32> to vector<1xi32>
      %squeeze3A_2120 = vector.extract %slice3A_2119[0] : i32 from vector<1xi32>
      %multiple_of3A_2121 = tpu.assume_multiple %squeeze3A_2120, 128 : i32
      %slice3A_2122 = vector.extract_strided_slice %get3A_1484 {offsets = [15], sizes = [1], strides = [1]} : vector<16xi32> to vector<1xi32>
      %squeeze3A_2123 = vector.extract %slice3A_2122[0] : i32 from vector<1xi32>
      %multiple_of3A_2124 = tpu.assume_multiple %squeeze3A_2123, 128 : i32
      %dma_start3A_2125 = arith.constant 0 : i32
      %dma_start3A_2126 = arith.constant 0 : i32
      %dma_start3A_2127 = arith.constant 0 : i32
      %dma_start3A_2128 = tpu.memref_slice %arg11[%dma_start3A_2125, %dma_start3A_2126, %dma_start3A_2127] : memref<8x32x128xf32, #tpu.memory_space<vmem>> -> memref<1x32x128xf32, #tpu.memory_space<vmem>>
      %dma_start3A_2129 = tpu.memref_squeeze %dma_start3A_2128 : memref<1x32x128xf32, #tpu.memory_space<vmem>> -> memref<32x128xf32, #tpu.memory_space<vmem>>
      %dma_start3A_2130 = arith.constant 0 : i32
      %dma_start3A_2131 = tpu.memref_slice %arg4[%dma_start3A_2130, %multiple_of3A_2079] : memref<32x1000000xf32, #tpu.memory_space<hbm>> -> memref<32x128xf32, #tpu.memory_space<hbm>>
      %dma_start3A_2132 = arith.constant 0 : i32
      %dma_start3A_2133 = arith.constant 0 : i32
      %dma_start3A_2134 = tpu.memref_slice %arg11[%dma_start3A_2125, %dma_start3A_2132, %dma_start3A_2133] : memref<8x32x128xf32, #tpu.memory_space<vmem>> -> memref<1x32x128xf32, #tpu.memory_space<vmem>>
      %dma_start3A_2135 = tpu.memref_squeeze %dma_start3A_2134 : memref<1x32x128xf32, #tpu.memory_space<vmem>> -> memref<32x128xf32, #tpu.memory_space<vmem>>
      %dma_start3A_2136 = arith.constant 0 : i32
      %dma_start3A_2137 = tpu.memref_slice %arg4[%dma_start3A_2136, %multiple_of3A_2079] : memref<32x1000000xf32, #tpu.memory_space<hbm>> -> memref<32x128xf32, #tpu.memory_space<hbm>>
      tpu.enqueue_dma source(%dma_start3A_2137 : memref<32x128xf32, #tpu.memory_space<hbm>>) target(%dma_start3A_2135 : memref<32x128xf32, #tpu.memory_space<vmem>>) target_semaphore(%arg14 : memref<!tpu.dma_semaphore, #tpu.memory_space<semaphore_mem>>)
      %dma_start3A_2138 = arith.constant 0 : i32
      %dma_start3A_2139 = arith.constant 0 : i32
      %dma_start3A_2140 = arith.constant 0 : i32
      %dma_start3A_2141 = tpu.memref_slice %arg12[%dma_start3A_2138, %dma_start3A_2139, %dma_start3A_2140] : memref<8x32x128xf32, #tpu.memory_space<vmem>> -> memref<1x32x128xf32, #tpu.memory_space<vmem>>
      %dma_start3A_2142 = tpu.memref_squeeze %dma_start3A_2141 : memref<1x32x128xf32, #tpu.memory_space<vmem>> -> memref<32x128xf32, #tpu.memory_space<vmem>>
      %dma_start3A_2143 = arith.constant 0 : i32
      %dma_start3A_2144 = tpu.memref_slice %arg5[%dma_start3A_2143, %multiple_of3A_2082] : memref<32x1000000xf32, #tpu.memory_space<hbm>> -> memref<32x128xf32, #tpu.memory_space<hbm>>
      %dma_start3A_2145 = arith.constant 0 : i32
      %dma_start3A_2146 = arith.constant 0 : i32
      %dma_start3A_2147 = tpu.memref_slice %arg12[%dma_start3A_2138, %dma_start3A_2145, %dma_start3A_2146] : memref<8x32x128xf32, #tpu.memory_space<vmem>> -> memref<1x32x128xf32, #tpu.memory_space<vmem>>
      %dma_start3A_2148 = tpu.memref_squeeze %dma_start3A_2147 : memref<1x32x128xf32, #tpu.memory_space<vmem>> -> memref<32x128xf32, #tpu.memory_space<vmem>>
      %dma_start3A_2149 = arith.constant 0 : i32
      %dma_start3A_2150 = tpu.memref_slice %arg5[%dma_start3A_2149, %multiple_of3A_2082] : memref<32x1000000xf32, #tpu.memory_space<hbm>> -> memref<32x128xf32, #tpu.memory_space<hbm>>
      tpu.enqueue_dma source(%dma_start3A_2150 : memref<32x128xf32, #tpu.memory_space<hbm>>) target(%dma_start3A_2148 : memref<32x128xf32, #tpu.memory_space<vmem>>) target_semaphore(%arg14 : memref<!tpu.dma_semaphore, #tpu.memory_space<semaphore_mem>>)
      %dma_start3A_2151 = arith.constant 1 : i32
      %dma_start3A_2152 = arith.constant 0 : i32
      %dma_start3A_2153 = arith.constant 0 : i32
      %dma_start3A_2154 = tpu.memref_slice %arg11[%dma_start3A_2151, %dma_start3A_2152, %dma_start3A_2153] : memref<8x32x128xf32, #tpu.memory_space<vmem>> -> memref<1x32x128xf32, #tpu.memory_space<vmem>>
      %dma_start3A_2155 = tpu.memref_squeeze %dma_start3A_2154 : memref<1x32x128xf32, #tpu.memory_space<vmem>> -> memref<32x128xf32, #tpu.memory_space<vmem>>
      %dma_start3A_2156 = arith.constant 0 : i32
      %dma_start3A_2157 = tpu.memref_slice %arg4[%dma_start3A_2156, %multiple_of3A_2085] : memref<32x1000000xf32, #tpu.memory_space<hbm>> -> memref<32x128xf32, #tpu.memory_space<hbm>>
      %dma_start3A_2158 = arith.constant 0 : i32
      %dma_start3A_2159 = arith.constant 0 : i32
      %dma_start3A_2160 = tpu.memref_slice %arg11[%dma_start3A_2151, %dma_start3A_2158, %dma_start3A_2159] : memref<8x32x128xf32, #tpu.memory_space<vmem>> -> memref<1x32x128xf32, #tpu.memory_space<vmem>>
      %dma_start3A_2161 = tpu.memref_squeeze %dma_start3A_2160 : memref<1x32x128xf32, #tpu.memory_space<vmem>> -> memref<32x128xf32, #tpu.memory_space<vmem>>
      %dma_start3A_2162 = arith.constant 0 : i32
      %dma_start3A_2163 = tpu.memref_slice %arg4[%dma_start3A_2162, %multiple_of3A_2085] : memref<32x1000000xf32, #tpu.memory_space<hbm>> -> memref<32x128xf32, #tpu.memory_space<hbm>>
      tpu.enqueue_dma source(%dma_start3A_2163 : memref<32x128xf32, #tpu.memory_space<hbm>>) target(%dma_start3A_2161 : memref<32x128xf32, #tpu.memory_space<vmem>>) target_semaphore(%arg14 : memref<!tpu.dma_semaphore, #tpu.memory_space<semaphore_mem>>)
      %dma_start3A_2164 = arith.constant 1 : i32
      %dma_start3A_2165 = arith.constant 0 : i32
      %dma_start3A_2166 = arith.constant 0 : i32
      %dma_start3A_2167 = tpu.memref_slice %arg12[%dma_start3A_2164, %dma_start3A_2165, %dma_start3A_2166] : memref<8x32x128xf32, #tpu.memory_space<vmem>> -> memref<1x32x128xf32, #tpu.memory_space<vmem>>
      %dma_start3A_2168 = tpu.memref_squeeze %dma_start3A_2167 : memref<1x32x128xf32, #tpu.memory_space<vmem>> -> memref<32x128xf32, #tpu.memory_space<vmem>>
      %dma_start3A_2169 = arith.constant 0 : i32
      %dma_start3A_2170 = tpu.memref_slice %arg5[%dma_start3A_2169, %multiple_of3A_2088] : memref<32x1000000xf32, #tpu.memory_space<hbm>> -> memref<32x128xf32, #tpu.memory_space<hbm>>
      %dma_start3A_2171 = arith.constant 0 : i32
      %dma_start3A_2172 = arith.constant 0 : i32
      %dma_start3A_2173 = tpu.memref_slice %arg12[%dma_start3A_2164, %dma_start3A_2171, %dma_start3A_2172] : memref<8x32x128xf32, #tpu.memory_space<vmem>> -> memref<1x32x128xf32, #tpu.memory_space<vmem>>
      %dma_start3A_2174 = tpu.memref_squeeze %dma_start3A_2173 : memref<1x32x128xf32, #tpu.memory_space<vmem>> -> memref<32x128xf32, #tpu.memory_space<vmem>>
      %dma_start3A_2175 = arith.constant 0 : i32
      %dma_start3A_2176 = tpu.memref_slice %arg5[%dma_start3A_2175, %multiple_of3A_2088] : memref<32x1000000xf32, #tpu.memory_space<hbm>> -> memref<32x128xf32, #tpu.memory_space<hbm>>
      tpu.enqueue_dma source(%dma_start3A_2176 : memref<32x128xf32, #tpu.memory_space<hbm>>) target(%dma_start3A_2174 : memref<32x128xf32, #tpu.memory_space<vmem>>) target_semaphore(%arg14 : memref<!tpu.dma_semaphore, #tpu.memory_space<semaphore_mem>>)
      %dma_start3A_2177 = arith.constant 2 : i32
      %dma_start3A_2178 = arith.constant 0 : i32
      %dma_start3A_2179 = arith.constant 0 : i32
      %dma_start3A_2180 = tpu.memref_slice %arg11[%dma_start3A_2177, %dma_start3A_2178, %dma_start3A_2179] : memref<8x32x128xf32, #tpu.memory_space<vmem>> -> memref<1x32x128xf32, #tpu.memory_space<vmem>>
      %dma_start3A_2181 = tpu.memref_squeeze %dma_start3A_2180 : memref<1x32x128xf32, #tpu.memory_space<vmem>> -> memref<32x128xf32, #tpu.memory_space<vmem>>
      %dma_start3A_2182 = arith.constant 0 : i32
      %dma_start3A_2183 = tpu.memref_slice %arg4[%dma_start3A_2182, %multiple_of3A_2091] : memref<32x1000000xf32, #tpu.memory_space<hbm>> -> memref<32x128xf32, #tpu.memory_space<hbm>>
      %dma_start3A_2184 = arith.constant 0 : i32
      %dma_start3A_2185 = arith.constant 0 : i32
      %dma_start3A_2186 = tpu.memref_slice %arg11[%dma_start3A_2177, %dma_start3A_2184, %dma_start3A_2185] : memref<8x32x128xf32, #tpu.memory_space<vmem>> -> memref<1x32x128xf32, #tpu.memory_space<vmem>>
      %dma_start3A_2187 = tpu.memref_squeeze %dma_start3A_2186 : memref<1x32x128xf32, #tpu.memory_space<vmem>> -> memref<32x128xf32, #tpu.memory_space<vmem>>
      %dma_start3A_2188 = arith.constant 0 : i32
      %dma_start3A_2189 = tpu.memref_slice %arg4[%dma_start3A_2188, %multiple_of3A_2091] : memref<32x1000000xf32, #tpu.memory_space<hbm>> -> memref<32x128xf32, #tpu.memory_space<hbm>>
      tpu.enqueue_dma source(%dma_start3A_2189 : memref<32x128xf32, #tpu.memory_space<hbm>>) target(%dma_start3A_2187 : memref<32x128xf32, #tpu.memory_space<vmem>>) target_semaphore(%arg14 : memref<!tpu.dma_semaphore, #tpu.memory_space<semaphore_mem>>)
      %dma_start3A_2190 = arith.constant 2 : i32
      %dma_start3A_2191 = arith.constant 0 : i32
      %dma_start3A_2192 = arith.constant 0 : i32
      %dma_start3A_2193 = tpu.memref_slice %arg12[%dma_start3A_2190, %dma_start3A_2191, %dma_start3A_2192] : memref<8x32x128xf32, #tpu.memory_space<vmem>> -> memref<1x32x128xf32, #tpu.memory_space<vmem>>
      %dma_start3A_2194 = tpu.memref_squeeze %dma_start3A_2193 : memref<1x32x128xf32, #tpu.memory_space<vmem>> -> memref<32x128xf32, #tpu.memory_space<vmem>>
      %dma_start3A_2195 = arith.constant 0 : i32
      %dma_start3A_2196 = tpu.memref_slice %arg5[%dma_start3A_2195, %multiple_of3A_2094] : memref<32x1000000xf32, #tpu.memory_space<hbm>> -> memref<32x128xf32, #tpu.memory_space<hbm>>
      %dma_start3A_2197 = arith.constant 0 : i32
      %dma_start3A_2198 = arith.constant 0 : i32
      %dma_start3A_2199 = tpu.memref_slice %arg12[%dma_start3A_2190, %dma_start3A_2197, %dma_start3A_2198] : memref<8x32x128xf32, #tpu.memory_space<vmem>> -> memref<1x32x128xf32, #tpu.memory_space<vmem>>
      %dma_start3A_2200 = tpu.memref_squeeze %dma_start3A_2199 : memref<1x32x128xf32, #tpu.memory_space<vmem>> -> memref<32x128xf32, #tpu.memory_space<vmem>>
      %dma_start3A_2201 = arith.constant 0 : i32
      %dma_start3A_2202 = tpu.memref_slice %arg5[%dma_start3A_2201, %multiple_of3A_2094] : memref<32x1000000xf32, #tpu.memory_space<hbm>> -> memref<32x128xf32, #tpu.memory_space<hbm>>
      tpu.enqueue_dma source(%dma_start3A_2202 : memref<32x128xf32, #tpu.memory_space<hbm>>) target(%dma_start3A_2200 : memref<32x128xf32, #tpu.memory_space<vmem>>) target_semaphore(%arg14 : memref<!tpu.dma_semaphore, #tpu.memory_space<semaphore_mem>>)
      %dma_start3A_2203 = arith.constant 3 : i32
      %dma_start3A_2204 = arith.constant 0 : i32
      %dma_start3A_2205 = arith.constant 0 : i32
      %dma_start3A_2206 = tpu.memref_slice %arg11[%dma_start3A_2203, %dma_start3A_2204, %dma_start3A_2205] : memref<8x32x128xf32, #tpu.memory_space<vmem>> -> memref<1x32x128xf32, #tpu.memory_space<vmem>>
      %dma_start3A_2207 = tpu.memref_squeeze %dma_start3A_2206 : memref<1x32x128xf32, #tpu.memory_space<vmem>> -> memref<32x128xf32, #tpu.memory_space<vmem>>
      %dma_start3A_2208 = arith.constant 0 : i32
      %dma_start3A_2209 = tpu.memref_slice %arg4[%dma_start3A_2208, %multiple_of3A_2097] : memref<32x1000000xf32, #tpu.memory_space<hbm>> -> memref<32x128xf32, #tpu.memory_space<hbm>>
      %dma_start3A_2210 = arith.constant 0 : i32
      %dma_start3A_2211 = arith.constant 0 : i32
      %dma_start3A_2212 = tpu.memref_slice %arg11[%dma_start3A_2203, %dma_start3A_2210, %dma_start3A_2211] : memref<8x32x128xf32, #tpu.memory_space<vmem>> -> memref<1x32x128xf32, #tpu.memory_space<vmem>>
      %dma_start3A_2213 = tpu.memref_squeeze %dma_start3A_2212 : memref<1x32x128xf32, #tpu.memory_space<vmem>> -> memref<32x128xf32, #tpu.memory_space<vmem>>
      %dma_start3A_2214 = arith.constant 0 : i32
      %dma_start3A_2215 = tpu.memref_slice %arg4[%dma_start3A_2214, %multiple_of3A_2097] : memref<32x1000000xf32, #tpu.memory_space<hbm>> -> memref<32x128xf32, #tpu.memory_space<hbm>>
      tpu.enqueue_dma source(%dma_start3A_2215 : memref<32x128xf32, #tpu.memory_space<hbm>>) target(%dma_start3A_2213 : memref<32x128xf32, #tpu.memory_space<vmem>>) target_semaphore(%arg14 : memref<!tpu.dma_semaphore, #tpu.memory_space<semaphore_mem>>)
      %dma_start3A_2216 = arith.constant 3 : i32
      %dma_start3A_2217 = arith.constant 0 : i32
      %dma_start3A_2218 = arith.constant 0 : i32
      %dma_start3A_2219 = tpu.memref_slice %arg12[%dma_start3A_2216, %dma_start3A_2217, %dma_start3A_2218] : memref<8x32x128xf32, #tpu.memory_space<vmem>> -> memref<1x32x128xf32, #tpu.memory_space<vmem>>
      %dma_start3A_2220 = tpu.memref_squeeze %dma_start3A_2219 : memref<1x32x128xf32, #tpu.memory_space<vmem>> -> memref<32x128xf32, #tpu.memory_space<vmem>>
      %dma_start3A_2221 = arith.constant 0 : i32
      %dma_start3A_2222 = tpu.memref_slice %arg5[%dma_start3A_2221, %multiple_of3A_2100] : memref<32x1000000xf32, #tpu.memory_space<hbm>> -> memref<32x128xf32, #tpu.memory_space<hbm>>
      %dma_start3A_2223 = arith.constant 0 : i32
      %dma_start3A_2224 = arith.constant 0 : i32
      %dma_start3A_2225 = tpu.memref_slice %arg12[%dma_start3A_2216, %dma_start3A_2223, %dma_start3A_2224] : memref<8x32x128xf32, #tpu.memory_space<vmem>> -> memref<1x32x128xf32, #tpu.memory_space<vmem>>
      %dma_start3A_2226 = tpu.memref_squeeze %dma_start3A_2225 : memref<1x32x128xf32, #tpu.memory_space<vmem>> -> memref<32x128xf32, #tpu.memory_space<vmem>>
      %dma_start3A_2227 = arith.constant 0 : i32
      %dma_start3A_2228 = tpu.memref_slice %arg5[%dma_start3A_2227, %multiple_of3A_2100] : memref<32x1000000xf32, #tpu.memory_space<hbm>> -> memref<32x128xf32, #tpu.memory_space<hbm>>
      tpu.enqueue_dma source(%dma_start3A_2228 : memref<32x128xf32, #tpu.memory_space<hbm>>) target(%dma_start3A_2226 : memref<32x128xf32, #tpu.memory_space<vmem>>) target_semaphore(%arg14 : memref<!tpu.dma_semaphore, #tpu.memory_space<semaphore_mem>>)
      %dma_start3A_2229 = arith.constant 4 : i32
      %dma_start3A_2230 = arith.constant 0 : i32
      %dma_start3A_2231 = arith.constant 0 : i32
      %dma_start3A_2232 = tpu.memref_slice %arg11[%dma_start3A_2229, %dma_start3A_2230, %dma_start3A_2231] : memref<8x32x128xf32, #tpu.memory_space<vmem>> -> memref<1x32x128xf32, #tpu.memory_space<vmem>>
      %dma_start3A_2233 = tpu.memref_squeeze %dma_start3A_2232 : memref<1x32x128xf32, #tpu.memory_space<vmem>> -> memref<32x128xf32, #tpu.memory_space<vmem>>
      %dma_start3A_2234 = arith.constant 0 : i32
      %dma_start3A_2235 = tpu.memref_slice %arg4[%dma_start3A_2234, %multiple_of3A_2103] : memref<32x1000000xf32, #tpu.memory_space<hbm>> -> memref<32x128xf32, #tpu.memory_space<hbm>>
      %dma_start3A_2236 = arith.constant 0 : i32
      %dma_start3A_2237 = arith.constant 0 : i32
      %dma_start3A_2238 = tpu.memref_slice %arg11[%dma_start3A_2229, %dma_start3A_2236, %dma_start3A_2237] : memref<8x32x128xf32, #tpu.memory_space<vmem>> -> memref<1x32x128xf32, #tpu.memory_space<vmem>>
      %dma_start3A_2239 = tpu.memref_squeeze %dma_start3A_2238 : memref<1x32x128xf32, #tpu.memory_space<vmem>> -> memref<32x128xf32, #tpu.memory_space<vmem>>
      %dma_start3A_2240 = arith.constant 0 : i32
      %dma_start3A_2241 = tpu.memref_slice %arg4[%dma_start3A_2240, %multiple_of3A_2103] : memref<32x1000000xf32, #tpu.memory_space<hbm>> -> memref<32x128xf32, #tpu.memory_space<hbm>>
      tpu.enqueue_dma source(%dma_start3A_2241 : memref<32x128xf32, #tpu.memory_space<hbm>>) target(%dma_start3A_2239 : memref<32x128xf32, #tpu.memory_space<vmem>>) target_semaphore(%arg14 : memref<!tpu.dma_semaphore, #tpu.memory_space<semaphore_mem>>)
      %dma_start3A_2242 = arith.constant 4 : i32
      %dma_start3A_2243 = arith.constant 0 : i32
      %dma_start3A_2244 = arith.constant 0 : i32
      %dma_start3A_2245 = tpu.memref_slice %arg12[%dma_start3A_2242, %dma_start3A_2243, %dma_start3A_2244] : memref<8x32x128xf32, #tpu.memory_space<vmem>> -> memref<1x32x128xf32, #tpu.memory_space<vmem>>
      %dma_start3A_2246 = tpu.memref_squeeze %dma_start3A_2245 : memref<1x32x128xf32, #tpu.memory_space<vmem>> -> memref<32x128xf32, #tpu.memory_space<vmem>>
      %dma_start3A_2247 = arith.constant 0 : i32
      %dma_start3A_2248 = tpu.memref_slice %arg5[%dma_start3A_2247, %multiple_of3A_2106] : memref<32x1000000xf32, #tpu.memory_space<hbm>> -> memref<32x128xf32, #tpu.memory_space<hbm>>
      %dma_start3A_2249 = arith.constant 0 : i32
      %dma_start3A_2250 = arith.constant 0 : i32
      %dma_start3A_2251 = tpu.memref_slice %arg12[%dma_start3A_2242, %dma_start3A_2249, %dma_start3A_2250] : memref<8x32x128xf32, #tpu.memory_space<vmem>> -> memref<1x32x128xf32, #tpu.memory_space<vmem>>
      %dma_start3A_2252 = tpu.memref_squeeze %dma_start3A_2251 : memref<1x32x128xf32, #tpu.memory_space<vmem>> -> memref<32x128xf32, #tpu.memory_space<vmem>>
      %dma_start3A_2253 = arith.constant 0 : i32
      %dma_start3A_2254 = tpu.memref_slice %arg5[%dma_start3A_2253, %multiple_of3A_2106] : memref<32x1000000xf32, #tpu.memory_space<hbm>> -> memref<32x128xf32, #tpu.memory_space<hbm>>
      tpu.enqueue_dma source(%dma_start3A_2254 : memref<32x128xf32, #tpu.memory_space<hbm>>) target(%dma_start3A_2252 : memref<32x128xf32, #tpu.memory_space<vmem>>) target_semaphore(%arg14 : memref<!tpu.dma_semaphore, #tpu.memory_space<semaphore_mem>>)
      %dma_start3A_2255 = arith.constant 5 : i32
      %dma_start3A_2256 = arith.constant 0 : i32
      %dma_start3A_2257 = arith.constant 0 : i32
      %dma_start3A_2258 = tpu.memref_slice %arg11[%dma_start3A_2255, %dma_start3A_2256, %dma_start3A_2257] : memref<8x32x128xf32, #tpu.memory_space<vmem>> -> memref<1x32x128xf32, #tpu.memory_space<vmem>>
      %dma_start3A_2259 = tpu.memref_squeeze %dma_start3A_2258 : memref<1x32x128xf32, #tpu.memory_space<vmem>> -> memref<32x128xf32, #tpu.memory_space<vmem>>
      %dma_start3A_2260 = arith.constant 0 : i32
      %dma_start3A_2261 = tpu.memref_slice %arg4[%dma_start3A_2260, %multiple_of3A_2109] : memref<32x1000000xf32, #tpu.memory_space<hbm>> -> memref<32x128xf32, #tpu.memory_space<hbm>>
      %dma_start3A_2262 = arith.constant 0 : i32
      %dma_start3A_2263 = arith.constant 0 : i32
      %dma_start3A_2264 = tpu.memref_slice %arg11[%dma_start3A_2255, %dma_start3A_2262, %dma_start3A_2263] : memref<8x32x128xf32, #tpu.memory_space<vmem>> -> memref<1x32x128xf32, #tpu.memory_space<vmem>>
      %dma_start3A_2265 = tpu.memref_squeeze %dma_start3A_2264 : memref<1x32x128xf32, #tpu.memory_space<vmem>> -> memref<32x128xf32, #tpu.memory_space<vmem>>
      %dma_start3A_2266 = arith.constant 0 : i32
      %dma_start3A_2267 = tpu.memref_slice %arg4[%dma_start3A_2266, %multiple_of3A_2109] : memref<32x1000000xf32, #tpu.memory_space<hbm>> -> memref<32x128xf32, #tpu.memory_space<hbm>>
      tpu.enqueue_dma source(%dma_start3A_2267 : memref<32x128xf32, #tpu.memory_space<hbm>>) target(%dma_start3A_2265 : memref<32x128xf32, #tpu.memory_space<vmem>>) target_semaphore(%arg14 : memref<!tpu.dma_semaphore, #tpu.memory_space<semaphore_mem>>)
      %dma_start3A_2268 = arith.constant 5 : i32
      %dma_start3A_2269 = arith.constant 0 : i32
      %dma_start3A_2270 = arith.constant 0 : i32
      %dma_start3A_2271 = tpu.memref_slice %arg12[%dma_start3A_2268, %dma_start3A_2269, %dma_start3A_2270] : memref<8x32x128xf32, #tpu.memory_space<vmem>> -> memref<1x32x128xf32, #tpu.memory_space<vmem>>
      %dma_start3A_2272 = tpu.memref_squeeze %dma_start3A_2271 : memref<1x32x128xf32, #tpu.memory_space<vmem>> -> memref<32x128xf32, #tpu.memory_space<vmem>>
      %dma_start3A_2273 = arith.constant 0 : i32
      %dma_start3A_2274 = tpu.memref_slice %arg5[%dma_start3A_2273, %multiple_of3A_2112] : memref<32x1000000xf32, #tpu.memory_space<hbm>> -> memref<32x128xf32, #tpu.memory_space<hbm>>
      %dma_start3A_2275 = arith.constant 0 : i32
      %dma_start3A_2276 = arith.constant 0 : i32
      %dma_start3A_2277 = tpu.memref_slice %arg12[%dma_start3A_2268, %dma_start3A_2275, %dma_start3A_2276] : memref<8x32x128xf32, #tpu.memory_space<vmem>> -> memref<1x32x128xf32, #tpu.memory_space<vmem>>
      %dma_start3A_2278 = tpu.memref_squeeze %dma_start3A_2277 : memref<1x32x128xf32, #tpu.memory_space<vmem>> -> memref<32x128xf32, #tpu.memory_space<vmem>>
      %dma_start3A_2279 = arith.constant 0 : i32
      %dma_start3A_2280 = tpu.memref_slice %arg5[%dma_start3A_2279, %multiple_of3A_2112] : memref<32x1000000xf32, #tpu.memory_space<hbm>> -> memref<32x128xf32, #tpu.memory_space<hbm>>
      tpu.enqueue_dma source(%dma_start3A_2280 : memref<32x128xf32, #tpu.memory_space<hbm>>) target(%dma_start3A_2278 : memref<32x128xf32, #tpu.memory_space<vmem>>) target_semaphore(%arg14 : memref<!tpu.dma_semaphore, #tpu.memory_space<semaphore_mem>>)
      %dma_start3A_2281 = arith.constant 6 : i32
      %dma_start3A_2282 = arith.constant 0 : i32
      %dma_start3A_2283 = arith.constant 0 : i32
      %dma_start3A_2284 = tpu.memref_slice %arg11[%dma_start3A_2281, %dma_start3A_2282, %dma_start3A_2283] : memref<8x32x128xf32, #tpu.memory_space<vmem>> -> memref<1x32x128xf32, #tpu.memory_space<vmem>>
      %dma_start3A_2285 = tpu.memref_squeeze %dma_start3A_2284 : memref<1x32x128xf32, #tpu.memory_space<vmem>> -> memref<32x128xf32, #tpu.memory_space<vmem>>
      %dma_start3A_2286 = arith.constant 0 : i32
      %dma_start3A_2287 = tpu.memref_slice %arg4[%dma_start3A_2286, %multiple_of3A_2115] : memref<32x1000000xf32, #tpu.memory_space<hbm>> -> memref<32x128xf32, #tpu.memory_space<hbm>>
      %dma_start3A_2288 = arith.constant 0 : i32
      %dma_start3A_2289 = arith.constant 0 : i32
      %dma_start3A_2290 = tpu.memref_slice %arg11[%dma_start3A_2281, %dma_start3A_2288, %dma_start3A_2289] : memref<8x32x128xf32, #tpu.memory_space<vmem>> -> memref<1x32x128xf32, #tpu.memory_space<vmem>>
      %dma_start3A_2291 = tpu.memref_squeeze %dma_start3A_2290 : memref<1x32x128xf32, #tpu.memory_space<vmem>> -> memref<32x128xf32, #tpu.memory_space<vmem>>
      %dma_start3A_2292 = arith.constant 0 : i32
      %dma_start3A_2293 = tpu.memref_slice %arg4[%dma_start3A_2292, %multiple_of3A_2115] : memref<32x1000000xf32, #tpu.memory_space<hbm>> -> memref<32x128xf32, #tpu.memory_space<hbm>>
      tpu.enqueue_dma source(%dma_start3A_2293 : memref<32x128xf32, #tpu.memory_space<hbm>>) target(%dma_start3A_2291 : memref<32x128xf32, #tpu.memory_space<vmem>>) target_semaphore(%arg14 : memref<!tpu.dma_semaphore, #tpu.memory_space<semaphore_mem>>)
      %dma_start3A_2294 = arith.constant 6 : i32
      %dma_start3A_2295 = arith.constant 0 : i32
      %dma_start3A_2296 = arith.constant 0 : i32
      %dma_start3A_2297 = tpu.memref_slice %arg12[%dma_start3A_2294, %dma_start3A_2295, %dma_start3A_2296] : memref<8x32x128xf32, #tpu.memory_space<vmem>> -> memref<1x32x128xf32, #tpu.memory_space<vmem>>
      %dma_start3A_2298 = tpu.memref_squeeze %dma_start3A_2297 : memref<1x32x128xf32, #tpu.memory_space<vmem>> -> memref<32x128xf32, #tpu.memory_space<vmem>>
      %dma_start3A_2299 = arith.constant 0 : i32
      %dma_start3A_2300 = tpu.memref_slice %arg5[%dma_start3A_2299, %multiple_of3A_2118] : memref<32x1000000xf32, #tpu.memory_space<hbm>> -> memref<32x128xf32, #tpu.memory_space<hbm>>
      %dma_start3A_2301 = arith.constant 0 : i32
      %dma_start3A_2302 = arith.constant 0 : i32
      %dma_start3A_2303 = tpu.memref_slice %arg12[%dma_start3A_2294, %dma_start3A_2301, %dma_start3A_2302] : memref<8x32x128xf32, #tpu.memory_space<vmem>> -> memref<1x32x128xf32, #tpu.memory_space<vmem>>
      %dma_start3A_2304 = tpu.memref_squeeze %dma_start3A_2303 : memref<1x32x128xf32, #tpu.memory_space<vmem>> -> memref<32x128xf32, #tpu.memory_space<vmem>>
      %dma_start3A_2305 = arith.constant 0 : i32
      %dma_start3A_2306 = tpu.memref_slice %arg5[%dma_start3A_2305, %multiple_of3A_2118] : memref<32x1000000xf32, #tpu.memory_space<hbm>> -> memref<32x128xf32, #tpu.memory_space<hbm>>
      tpu.enqueue_dma source(%dma_start3A_2306 : memref<32x128xf32, #tpu.memory_space<hbm>>) target(%dma_start3A_2304 : memref<32x128xf32, #tpu.memory_space<vmem>>) target_semaphore(%arg14 : memref<!tpu.dma_semaphore, #tpu.memory_space<semaphore_mem>>)
      %dma_start3A_2307 = arith.constant 7 : i32
      %dma_start3A_2308 = arith.constant 0 : i32
      %dma_start3A_2309 = arith.constant 0 : i32
      %dma_start3A_2310 = tpu.memref_slice %arg11[%dma_start3A_2307, %dma_start3A_2308, %dma_start3A_2309] : memref<8x32x128xf32, #tpu.memory_space<vmem>> -> memref<1x32x128xf32, #tpu.memory_space<vmem>>
      %dma_start3A_2311 = tpu.memref_squeeze %dma_start3A_2310 : memref<1x32x128xf32, #tpu.memory_space<vmem>> -> memref<32x128xf32, #tpu.memory_space<vmem>>
      %dma_start3A_2312 = arith.constant 0 : i32
      %dma_start3A_2313 = tpu.memref_slice %arg4[%dma_start3A_2312, %multiple_of3A_2121] : memref<32x1000000xf32, #tpu.memory_space<hbm>> -> memref<32x128xf32, #tpu.memory_space<hbm>>
      %dma_start3A_2314 = arith.constant 0 : i32
      %dma_start3A_2315 = arith.constant 0 : i32
      %dma_start3A_2316 = tpu.memref_slice %arg11[%dma_start3A_2307, %dma_start3A_2314, %dma_start3A_2315] : memref<8x32x128xf32, #tpu.memory_space<vmem>> -> memref<1x32x128xf32, #tpu.memory_space<vmem>>
      %dma_start3A_2317 = tpu.memref_squeeze %dma_start3A_2316 : memref<1x32x128xf32, #tpu.memory_space<vmem>> -> memref<32x128xf32, #tpu.memory_space<vmem>>
      %dma_start3A_2318 = arith.constant 0 : i32
      %dma_start3A_2319 = tpu.memref_slice %arg4[%dma_start3A_2318, %multiple_of3A_2121] : memref<32x1000000xf32, #tpu.memory_space<hbm>> -> memref<32x128xf32, #tpu.memory_space<hbm>>
      tpu.enqueue_dma source(%dma_start3A_2319 : memref<32x128xf32, #tpu.memory_space<hbm>>) target(%dma_start3A_2317 : memref<32x128xf32, #tpu.memory_space<vmem>>) target_semaphore(%arg14 : memref<!tpu.dma_semaphore, #tpu.memory_space<semaphore_mem>>)
      %dma_start3A_2320 = arith.constant 7 : i32
      %dma_start3A_2321 = arith.constant 0 : i32
      %dma_start3A_2322 = arith.constant 0 : i32
      %dma_start3A_2323 = tpu.memref_slice %arg12[%dma_start3A_2320, %dma_start3A_2321, %dma_start3A_2322] : memref<8x32x128xf32, #tpu.memory_space<vmem>> -> memref<1x32x128xf32, #tpu.memory_space<vmem>>
      %dma_start3A_2324 = tpu.memref_squeeze %dma_start3A_2323 : memref<1x32x128xf32, #tpu.memory_space<vmem>> -> memref<32x128xf32, #tpu.memory_space<vmem>>
      %dma_start3A_2325 = arith.constant 0 : i32
      %dma_start3A_2326 = tpu.memref_slice %arg5[%dma_start3A_2325, %multiple_of3A_2124] : memref<32x1000000xf32, #tpu.memory_space<hbm>> -> memref<32x128xf32, #tpu.memory_space<hbm>>
      %dma_start3A_2327 = arith.constant 0 : i32
      %dma_start3A_2328 = arith.constant 0 : i32
      %dma_start3A_2329 = tpu.memref_slice %arg12[%dma_start3A_2320, %dma_start3A_2327, %dma_start3A_2328] : memref<8x32x128xf32, #tpu.memory_space<vmem>> -> memref<1x32x128xf32, #tpu.memory_space<vmem>>
      %dma_start3A_2330 = tpu.memref_squeeze %dma_start3A_2329 : memref<1x32x128xf32, #tpu.memory_space<vmem>> -> memref<32x128xf32, #tpu.memory_space<vmem>>
      %dma_start3A_2331 = arith.constant 0 : i32
      %dma_start3A_2332 = tpu.memref_slice %arg5[%dma_start3A_2331, %multiple_of3A_2124] : memref<32x1000000xf32, #tpu.memory_space<hbm>> -> memref<32x128xf32, #tpu.memory_space<hbm>>
      tpu.enqueue_dma source(%dma_start3A_2332 : memref<32x128xf32, #tpu.memory_space<hbm>>) target(%dma_start3A_2330 : memref<32x128xf32, #tpu.memory_space<vmem>>) target_semaphore(%arg14 : memref<!tpu.dma_semaphore, #tpu.memory_space<semaphore_mem>>)
      %dma_wait3A_2333 = arith.constant 0 : i32
      %dma_wait3A_2334 = arith.constant 0 : i32
      %dma_wait3A_2335 = arith.constant 0 : i32
      %dma_wait3A_2336 = tpu.memref_slice %arg11[%dma_wait3A_2333, %dma_wait3A_2334, %dma_wait3A_2335] : memref<8x32x128xf32, #tpu.memory_space<vmem>> -> memref<1x32x128xf32, #tpu.memory_space<vmem>>
      %dma_wait3A_2337 = tpu.memref_squeeze %dma_wait3A_2336 : memref<1x32x128xf32, #tpu.memory_space<vmem>> -> memref<32x128xf32, #tpu.memory_space<vmem>>
      %dma_wait3A_2338 = arith.constant 0 : i32
      %dma_wait3A_2339 = tpu.memref_slice %arg4[%dma_wait3A_2338, %multiple_of3A_2079] : memref<32x1000000xf32, #tpu.memory_space<hbm>> -> memref<32x128xf32, #tpu.memory_space<hbm>>
      %dma_wait3A_2340 = arith.constant 0 : i32
      %dma_wait3A_2341 = arith.constant 0 : i32
      %dma_wait3A_2342 = tpu.memref_slice %arg11[%dma_wait3A_2333, %dma_wait3A_2340, %dma_wait3A_2341] : memref<8x32x128xf32, #tpu.memory_space<vmem>> -> memref<1x32x128xf32, #tpu.memory_space<vmem>>
      %dma_wait3A_2343 = tpu.memref_squeeze %dma_wait3A_2342 : memref<1x32x128xf32, #tpu.memory_space<vmem>> -> memref<32x128xf32, #tpu.memory_space<vmem>>
      %dma_wait3A_2344 = arith.constant 0 : i32
      %dma_wait3A_2345 = tpu.memref_slice %arg4[%dma_wait3A_2344, %multiple_of3A_2079] : memref<32x1000000xf32, #tpu.memory_space<hbm>> -> memref<32x128xf32, #tpu.memory_space<hbm>>
      tpu.wait_dma2 semaphore(%arg14 : memref<!tpu.dma_semaphore, #tpu.memory_space<semaphore_mem>>) src(%dma_wait3A_2345 : memref<32x128xf32, #tpu.memory_space<hbm>>) dst(%dma_wait3A_2343 : memref<32x128xf32, #tpu.memory_space<vmem>>)
      %dma_wait3A_2346 = arith.constant 0 : i32
      %dma_wait3A_2347 = arith.constant 0 : i32
      %dma_wait3A_2348 = arith.constant 0 : i32
      %dma_wait3A_2349 = tpu.memref_slice %arg12[%dma_wait3A_2346, %dma_wait3A_2347, %dma_wait3A_2348] : memref<8x32x128xf32, #tpu.memory_space<vmem>> -> memref<1x32x128xf32, #tpu.memory_space<vmem>>
      %dma_wait3A_2350 = tpu.memref_squeeze %dma_wait3A_2349 : memref<1x32x128xf32, #tpu.memory_space<vmem>> -> memref<32x128xf32, #tpu.memory_space<vmem>>
      %dma_wait3A_2351 = arith.constant 0 : i32
      %dma_wait3A_2352 = tpu.memref_slice %arg5[%dma_wait3A_2351, %multiple_of3A_2082] : memref<32x1000000xf32, #tpu.memory_space<hbm>> -> memref<32x128xf32, #tpu.memory_space<hbm>>
      %dma_wait3A_2353 = arith.constant 0 : i32
      %dma_wait3A_2354 = arith.constant 0 : i32
      %dma_wait3A_2355 = tpu.memref_slice %arg12[%dma_wait3A_2346, %dma_wait3A_2353, %dma_wait3A_2354] : memref<8x32x128xf32, #tpu.memory_space<vmem>> -> memref<1x32x128xf32, #tpu.memory_space<vmem>>
      %dma_wait3A_2356 = tpu.memref_squeeze %dma_wait3A_2355 : memref<1x32x128xf32, #tpu.memory_space<vmem>> -> memref<32x128xf32, #tpu.memory_space<vmem>>
      %dma_wait3A_2357 = arith.constant 0 : i32
      %dma_wait3A_2358 = tpu.memref_slice %arg5[%dma_wait3A_2357, %multiple_of3A_2082] : memref<32x1000000xf32, #tpu.memory_space<hbm>> -> memref<32x128xf32, #tpu.memory_space<hbm>>
      tpu.wait_dma2 semaphore(%arg14 : memref<!tpu.dma_semaphore, #tpu.memory_space<semaphore_mem>>) src(%dma_wait3A_2358 : memref<32x128xf32, #tpu.memory_space<hbm>>) dst(%dma_wait3A_2356 : memref<32x128xf32, #tpu.memory_space<vmem>>)
      %dma_wait3A_2359 = arith.constant 1 : i32
      %dma_wait3A_2360 = arith.constant 0 : i32
      %dma_wait3A_2361 = arith.constant 0 : i32
      %dma_wait3A_2362 = tpu.memref_slice %arg11[%dma_wait3A_2359, %dma_wait3A_2360, %dma_wait3A_2361] : memref<8x32x128xf32, #tpu.memory_space<vmem>> -> memref<1x32x128xf32, #tpu.memory_space<vmem>>
      %dma_wait3A_2363 = tpu.memref_squeeze %dma_wait3A_2362 : memref<1x32x128xf32, #tpu.memory_space<vmem>> -> memref<32x128xf32, #tpu.memory_space<vmem>>
      %dma_wait3A_2364 = arith.constant 0 : i32
      %dma_wait3A_2365 = tpu.memref_slice %arg4[%dma_wait3A_2364, %multiple_of3A_2085] : memref<32x1000000xf32, #tpu.memory_space<hbm>> -> memref<32x128xf32, #tpu.memory_space<hbm>>
      %dma_wait3A_2366 = arith.constant 0 : i32
      %dma_wait3A_2367 = arith.constant 0 : i32
      %dma_wait3A_2368 = tpu.memref_slice %arg11[%dma_wait3A_2359, %dma_wait3A_2366, %dma_wait3A_2367] : memref<8x32x128xf32, #tpu.memory_space<vmem>> -> memref<1x32x128xf32, #tpu.memory_space<vmem>>
      %dma_wait3A_2369 = tpu.memref_squeeze %dma_wait3A_2368 : memref<1x32x128xf32, #tpu.memory_space<vmem>> -> memref<32x128xf32, #tpu.memory_space<vmem>>
      %dma_wait3A_2370 = arith.constant 0 : i32
      %dma_wait3A_2371 = tpu.memref_slice %arg4[%dma_wait3A_2370, %multiple_of3A_2085] : memref<32x1000000xf32, #tpu.memory_space<hbm>> -> memref<32x128xf32, #tpu.memory_space<hbm>>
      tpu.wait_dma2 semaphore(%arg14 : memref<!tpu.dma_semaphore, #tpu.memory_space<semaphore_mem>>) src(%dma_wait3A_2371 : memref<32x128xf32, #tpu.memory_space<hbm>>) dst(%dma_wait3A_2369 : memref<32x128xf32, #tpu.memory_space<vmem>>)
      %dma_wait3A_2372 = arith.constant 1 : i32
      %dma_wait3A_2373 = arith.constant 0 : i32
      %dma_wait3A_2374 = arith.constant 0 : i32
      %dma_wait3A_2375 = tpu.memref_slice %arg12[%dma_wait3A_2372, %dma_wait3A_2373, %dma_wait3A_2374] : memref<8x32x128xf32, #tpu.memory_space<vmem>> -> memref<1x32x128xf32, #tpu.memory_space<vmem>>
      %dma_wait3A_2376 = tpu.memref_squeeze %dma_wait3A_2375 : memref<1x32x128xf32, #tpu.memory_space<vmem>> -> memref<32x128xf32, #tpu.memory_space<vmem>>
      %dma_wait3A_2377 = arith.constant 0 : i32
      %dma_wait3A_2378 = tpu.memref_slice %arg5[%dma_wait3A_2377, %multiple_of3A_2088] : memref<32x1000000xf32, #tpu.memory_space<hbm>> -> memref<32x128xf32, #tpu.memory_space<hbm>>
      %dma_wait3A_2379 = arith.constant 0 : i32
      %dma_wait3A_2380 = arith.constant 0 : i32
      %dma_wait3A_2381 = tpu.memref_slice %arg12[%dma_wait3A_2372, %dma_wait3A_2379, %dma_wait3A_2380] : memref<8x32x128xf32, #tpu.memory_space<vmem>> -> memref<1x32x128xf32, #tpu.memory_space<vmem>>
      %dma_wait3A_2382 = tpu.memref_squeeze %dma_wait3A_2381 : memref<1x32x128xf32, #tpu.memory_space<vmem>> -> memref<32x128xf32, #tpu.memory_space<vmem>>
      %dma_wait3A_2383 = arith.constant 0 : i32
      %dma_wait3A_2384 = tpu.memref_slice %arg5[%dma_wait3A_2383, %multiple_of3A_2088] : memref<32x1000000xf32, #tpu.memory_space<hbm>> -> memref<32x128xf32, #tpu.memory_space<hbm>>
      tpu.wait_dma2 semaphore(%arg14 : memref<!tpu.dma_semaphore, #tpu.memory_space<semaphore_mem>>) src(%dma_wait3A_2384 : memref<32x128xf32, #tpu.memory_space<hbm>>) dst(%dma_wait3A_2382 : memref<32x128xf32, #tpu.memory_space<vmem>>)
      %dma_wait3A_2385 = arith.constant 2 : i32
      %dma_wait3A_2386 = arith.constant 0 : i32
      %dma_wait3A_2387 = arith.constant 0 : i32
      %dma_wait3A_2388 = tpu.memref_slice %arg11[%dma_wait3A_2385, %dma_wait3A_2386, %dma_wait3A_2387] : memref<8x32x128xf32, #tpu.memory_space<vmem>> -> memref<1x32x128xf32, #tpu.memory_space<vmem>>
      %dma_wait3A_2389 = tpu.memref_squeeze %dma_wait3A_2388 : memref<1x32x128xf32, #tpu.memory_space<vmem>> -> memref<32x128xf32, #tpu.memory_space<vmem>>
      %dma_wait3A_2390 = arith.constant 0 : i32
      %dma_wait3A_2391 = tpu.memref_slice %arg4[%dma_wait3A_2390, %multiple_of3A_2091] : memref<32x1000000xf32, #tpu.memory_space<hbm>> -> memref<32x128xf32, #tpu.memory_space<hbm>>
      %dma_wait3A_2392 = arith.constant 0 : i32
      %dma_wait3A_2393 = arith.constant 0 : i32
      %dma_wait3A_2394 = tpu.memref_slice %arg11[%dma_wait3A_2385, %dma_wait3A_2392, %dma_wait3A_2393] : memref<8x32x128xf32, #tpu.memory_space<vmem>> -> memref<1x32x128xf32, #tpu.memory_space<vmem>>
      %dma_wait3A_2395 = tpu.memref_squeeze %dma_wait3A_2394 : memref<1x32x128xf32, #tpu.memory_space<vmem>> -> memref<32x128xf32, #tpu.memory_space<vmem>>
      %dma_wait3A_2396 = arith.constant 0 : i32
      %dma_wait3A_2397 = tpu.memref_slice %arg4[%dma_wait3A_2396, %multiple_of3A_2091] : memref<32x1000000xf32, #tpu.memory_space<hbm>> -> memref<32x128xf32, #tpu.memory_space<hbm>>
      tpu.wait_dma2 semaphore(%arg14 : memref<!tpu.dma_semaphore, #tpu.memory_space<semaphore_mem>>) src(%dma_wait3A_2397 : memref<32x128xf32, #tpu.memory_space<hbm>>) dst(%dma_wait3A_2395 : memref<32x128xf32, #tpu.memory_space<vmem>>)
      %dma_wait3A_2398 = arith.constant 2 : i32
      %dma_wait3A_2399 = arith.constant 0 : i32
      %dma_wait3A_2400 = arith.constant 0 : i32
      %dma_wait3A_2401 = tpu.memref_slice %arg12[%dma_wait3A_2398, %dma_wait3A_2399, %dma_wait3A_2400] : memref<8x32x128xf32, #tpu.memory_space<vmem>> -> memref<1x32x128xf32, #tpu.memory_space<vmem>>
      %dma_wait3A_2402 = tpu.memref_squeeze %dma_wait3A_2401 : memref<1x32x128xf32, #tpu.memory_space<vmem>> -> memref<32x128xf32, #tpu.memory_space<vmem>>
      %dma_wait3A_2403 = arith.constant 0 : i32
      %dma_wait3A_2404 = tpu.memref_slice %arg5[%dma_wait3A_2403, %multiple_of3A_2094] : memref<32x1000000xf32, #tpu.memory_space<hbm>> -> memref<32x128xf32, #tpu.memory_space<hbm>>
      %dma_wait3A_2405 = arith.constant 0 : i32
      %dma_wait3A_2406 = arith.constant 0 : i32
      %dma_wait3A_2407 = tpu.memref_slice %arg12[%dma_wait3A_2398, %dma_wait3A_2405, %dma_wait3A_2406] : memref<8x32x128xf32, #tpu.memory_space<vmem>> -> memref<1x32x128xf32, #tpu.memory_space<vmem>>
      %dma_wait3A_2408 = tpu.memref_squeeze %dma_wait3A_2407 : memref<1x32x128xf32, #tpu.memory_space<vmem>> -> memref<32x128xf32, #tpu.memory_space<vmem>>
      %dma_wait3A_2409 = arith.constant 0 : i32
      %dma_wait3A_2410 = tpu.memref_slice %arg5[%dma_wait3A_2409, %multiple_of3A_2094] : memref<32x1000000xf32, #tpu.memory_space<hbm>> -> memref<32x128xf32, #tpu.memory_space<hbm>>
      tpu.wait_dma2 semaphore(%arg14 : memref<!tpu.dma_semaphore, #tpu.memory_space<semaphore_mem>>) src(%dma_wait3A_2410 : memref<32x128xf32, #tpu.memory_space<hbm>>) dst(%dma_wait3A_2408 : memref<32x128xf32, #tpu.memory_space<vmem>>)
      %dma_wait3A_2411 = arith.constant 3 : i32
      %dma_wait3A_2412 = arith.constant 0 : i32
      %dma_wait3A_2413 = arith.constant 0 : i32
      %dma_wait3A_2414 = tpu.memref_slice %arg11[%dma_wait3A_2411, %dma_wait3A_2412, %dma_wait3A_2413] : memref<8x32x128xf32, #tpu.memory_space<vmem>> -> memref<1x32x128xf32, #tpu.memory_space<vmem>>
      %dma_wait3A_2415 = tpu.memref_squeeze %dma_wait3A_2414 : memref<1x32x128xf32, #tpu.memory_space<vmem>> -> memref<32x128xf32, #tpu.memory_space<vmem>>
      %dma_wait3A_2416 = arith.constant 0 : i32
      %dma_wait3A_2417 = tpu.memref_slice %arg4[%dma_wait3A_2416, %multiple_of3A_2097] : memref<32x1000000xf32, #tpu.memory_space<hbm>> -> memref<32x128xf32, #tpu.memory_space<hbm>>
      %dma_wait3A_2418 = arith.constant 0 : i32
      %dma_wait3A_2419 = arith.constant 0 : i32
      %dma_wait3A_2420 = tpu.memref_slice %arg11[%dma_wait3A_2411, %dma_wait3A_2418, %dma_wait3A_2419] : memref<8x32x128xf32, #tpu.memory_space<vmem>> -> memref<1x32x128xf32, #tpu.memory_space<vmem>>
      %dma_wait3A_2421 = tpu.memref_squeeze %dma_wait3A_2420 : memref<1x32x128xf32, #tpu.memory_space<vmem>> -> memref<32x128xf32, #tpu.memory_space<vmem>>
      %dma_wait3A_2422 = arith.constant 0 : i32
      %dma_wait3A_2423 = tpu.memref_slice %arg4[%dma_wait3A_2422, %multiple_of3A_2097] : memref<32x1000000xf32, #tpu.memory_space<hbm>> -> memref<32x128xf32, #tpu.memory_space<hbm>>
      tpu.wait_dma2 semaphore(%arg14 : memref<!tpu.dma_semaphore, #tpu.memory_space<semaphore_mem>>) src(%dma_wait3A_2423 : memref<32x128xf32, #tpu.memory_space<hbm>>) dst(%dma_wait3A_2421 : memref<32x128xf32, #tpu.memory_space<vmem>>)
      %dma_wait3A_2424 = arith.constant 3 : i32
      %dma_wait3A_2425 = arith.constant 0 : i32
      %dma_wait3A_2426 = arith.constant 0 : i32
      %dma_wait3A_2427 = tpu.memref_slice %arg12[%dma_wait3A_2424, %dma_wait3A_2425, %dma_wait3A_2426] : memref<8x32x128xf32, #tpu.memory_space<vmem>> -> memref<1x32x128xf32, #tpu.memory_space<vmem>>
      %dma_wait3A_2428 = tpu.memref_squeeze %dma_wait3A_2427 : memref<1x32x128xf32, #tpu.memory_space<vmem>> -> memref<32x128xf32, #tpu.memory_space<vmem>>
      %dma_wait3A_2429 = arith.constant 0 : i32
      %dma_wait3A_2430 = tpu.memref_slice %arg5[%dma_wait3A_2429, %multiple_of3A_2100] : memref<32x1000000xf32, #tpu.memory_space<hbm>> -> memref<32x128xf32, #tpu.memory_space<hbm>>
      %dma_wait3A_2431 = arith.constant 0 : i32
      %dma_wait3A_2432 = arith.constant 0 : i32
      %dma_wait3A_2433 = tpu.memref_slice %arg12[%dma_wait3A_2424, %dma_wait3A_2431, %dma_wait3A_2432] : memref<8x32x128xf32, #tpu.memory_space<vmem>> -> memref<1x32x128xf32, #tpu.memory_space<vmem>>
      %dma_wait3A_2434 = tpu.memref_squeeze %dma_wait3A_2433 : memref<1x32x128xf32, #tpu.memory_space<vmem>> -> memref<32x128xf32, #tpu.memory_space<vmem>>
      %dma_wait3A_2435 = arith.constant 0 : i32
      %dma_wait3A_2436 = tpu.memref_slice %arg5[%dma_wait3A_2435, %multiple_of3A_2100] : memref<32x1000000xf32, #tpu.memory_space<hbm>> -> memref<32x128xf32, #tpu.memory_space<hbm>>
      tpu.wait_dma2 semaphore(%arg14 : memref<!tpu.dma_semaphore, #tpu.memory_space<semaphore_mem>>) src(%dma_wait3A_2436 : memref<32x128xf32, #tpu.memory_space<hbm>>) dst(%dma_wait3A_2434 : memref<32x128xf32, #tpu.memory_space<vmem>>)
      %dma_wait3A_2437 = arith.constant 4 : i32
      %dma_wait3A_2438 = arith.constant 0 : i32
      %dma_wait3A_2439 = arith.constant 0 : i32
      %dma_wait3A_2440 = tpu.memref_slice %arg11[%dma_wait3A_2437, %dma_wait3A_2438, %dma_wait3A_2439] : memref<8x32x128xf32, #tpu.memory_space<vmem>> -> memref<1x32x128xf32, #tpu.memory_space<vmem>>
      %dma_wait3A_2441 = tpu.memref_squeeze %dma_wait3A_2440 : memref<1x32x128xf32, #tpu.memory_space<vmem>> -> memref<32x128xf32, #tpu.memory_space<vmem>>
      %dma_wait3A_2442 = arith.constant 0 : i32
      %dma_wait3A_2443 = tpu.memref_slice %arg4[%dma_wait3A_2442, %multiple_of3A_2103] : memref<32x1000000xf32, #tpu.memory_space<hbm>> -> memref<32x128xf32, #tpu.memory_space<hbm>>
      %dma_wait3A_2444 = arith.constant 0 : i32
      %dma_wait3A_2445 = arith.constant 0 : i32
      %dma_wait3A_2446 = tpu.memref_slice %arg11[%dma_wait3A_2437, %dma_wait3A_2444, %dma_wait3A_2445] : memref<8x32x128xf32, #tpu.memory_space<vmem>> -> memref<1x32x128xf32, #tpu.memory_space<vmem>>
      %dma_wait3A_2447 = tpu.memref_squeeze %dma_wait3A_2446 : memref<1x32x128xf32, #tpu.memory_space<vmem>> -> memref<32x128xf32, #tpu.memory_space<vmem>>
      %dma_wait3A_2448 = arith.constant 0 : i32
      %dma_wait3A_2449 = tpu.memref_slice %arg4[%dma_wait3A_2448, %multiple_of3A_2103] : memref<32x1000000xf32, #tpu.memory_space<hbm>> -> memref<32x128xf32, #tpu.memory_space<hbm>>
      tpu.wait_dma2 semaphore(%arg14 : memref<!tpu.dma_semaphore, #tpu.memory_space<semaphore_mem>>) src(%dma_wait3A_2449 : memref<32x128xf32, #tpu.memory_space<hbm>>) dst(%dma_wait3A_2447 : memref<32x128xf32, #tpu.memory_space<vmem>>)
      %dma_wait3A_2450 = arith.constant 4 : i32
      %dma_wait3A_2451 = arith.constant 0 : i32
      %dma_wait3A_2452 = arith.constant 0 : i32
      %dma_wait3A_2453 = tpu.memref_slice %arg12[%dma_wait3A_2450, %dma_wait3A_2451, %dma_wait3A_2452] : memref<8x32x128xf32, #tpu.memory_space<vmem>> -> memref<1x32x128xf32, #tpu.memory_space<vmem>>
      %dma_wait3A_2454 = tpu.memref_squeeze %dma_wait3A_2453 : memref<1x32x128xf32, #tpu.memory_space<vmem>> -> memref<32x128xf32, #tpu.memory_space<vmem>>
      %dma_wait3A_2455 = arith.constant 0 : i32
      %dma_wait3A_2456 = tpu.memref_slice %arg5[%dma_wait3A_2455, %multiple_of3A_2106] : memref<32x1000000xf32, #tpu.memory_space<hbm>> -> memref<32x128xf32, #tpu.memory_space<hbm>>
      %dma_wait3A_2457 = arith.constant 0 : i32
      %dma_wait3A_2458 = arith.constant 0 : i32
      %dma_wait3A_2459 = tpu.memref_slice %arg12[%dma_wait3A_2450, %dma_wait3A_2457, %dma_wait3A_2458] : memref<8x32x128xf32, #tpu.memory_space<vmem>> -> memref<1x32x128xf32, #tpu.memory_space<vmem>>
      %dma_wait3A_2460 = tpu.memref_squeeze %dma_wait3A_2459 : memref<1x32x128xf32, #tpu.memory_space<vmem>> -> memref<32x128xf32, #tpu.memory_space<vmem>>
      %dma_wait3A_2461 = arith.constant 0 : i32
      %dma_wait3A_2462 = tpu.memref_slice %arg5[%dma_wait3A_2461, %multiple_of3A_2106] : memref<32x1000000xf32, #tpu.memory_space<hbm>> -> memref<32x128xf32, #tpu.memory_space<hbm>>
      tpu.wait_dma2 semaphore(%arg14 : memref<!tpu.dma_semaphore, #tpu.memory_space<semaphore_mem>>) src(%dma_wait3A_2462 : memref<32x128xf32, #tpu.memory_space<hbm>>) dst(%dma_wait3A_2460 : memref<32x128xf32, #tpu.memory_space<vmem>>)
      %dma_wait3A_2463 = arith.constant 5 : i32
      %dma_wait3A_2464 = arith.constant 0 : i32
      %dma_wait3A_2465 = arith.constant 0 : i32
      %dma_wait3A_2466 = tpu.memref_slice %arg11[%dma_wait3A_2463, %dma_wait3A_2464, %dma_wait3A_2465] : memref<8x32x128xf32, #tpu.memory_space<vmem>> -> memref<1x32x128xf32, #tpu.memory_space<vmem>>
      %dma_wait3A_2467 = tpu.memref_squeeze %dma_wait3A_2466 : memref<1x32x128xf32, #tpu.memory_space<vmem>> -> memref<32x128xf32, #tpu.memory_space<vmem>>
      %dma_wait3A_2468 = arith.constant 0 : i32
      %dma_wait3A_2469 = tpu.memref_slice %arg4[%dma_wait3A_2468, %multiple_of3A_2109] : memref<32x1000000xf32, #tpu.memory_space<hbm>> -> memref<32x128xf32, #tpu.memory_space<hbm>>
      %dma_wait3A_2470 = arith.constant 0 : i32
      %dma_wait3A_2471 = arith.constant 0 : i32
      %dma_wait3A_2472 = tpu.memref_slice %arg11[%dma_wait3A_2463, %dma_wait3A_2470, %dma_wait3A_2471] : memref<8x32x128xf32, #tpu.memory_space<vmem>> -> memref<1x32x128xf32, #tpu.memory_space<vmem>>
      %dma_wait3A_2473 = tpu.memref_squeeze %dma_wait3A_2472 : memref<1x32x128xf32, #tpu.memory_space<vmem>> -> memref<32x128xf32, #tpu.memory_space<vmem>>
      %dma_wait3A_2474 = arith.constant 0 : i32
      %dma_wait3A_2475 = tpu.memref_slice %arg4[%dma_wait3A_2474, %multiple_of3A_2109] : memref<32x1000000xf32, #tpu.memory_space<hbm>> -> memref<32x128xf32, #tpu.memory_space<hbm>>
      tpu.wait_dma2 semaphore(%arg14 : memref<!tpu.dma_semaphore, #tpu.memory_space<semaphore_mem>>) src(%dma_wait3A_2475 : memref<32x128xf32, #tpu.memory_space<hbm>>) dst(%dma_wait3A_2473 : memref<32x128xf32, #tpu.memory_space<vmem>>)
      %dma_wait3A_2476 = arith.constant 5 : i32
      %dma_wait3A_2477 = arith.constant 0 : i32
      %dma_wait3A_2478 = arith.constant 0 : i32
      %dma_wait3A_2479 = tpu.memref_slice %arg12[%dma_wait3A_2476, %dma_wait3A_2477, %dma_wait3A_2478] : memref<8x32x128xf32, #tpu.memory_space<vmem>> -> memref<1x32x128xf32, #tpu.memory_space<vmem>>
      %dma_wait3A_2480 = tpu.memref_squeeze %dma_wait3A_2479 : memref<1x32x128xf32, #tpu.memory_space<vmem>> -> memref<32x128xf32, #tpu.memory_space<vmem>>
      %dma_wait3A_2481 = arith.constant 0 : i32
      %dma_wait3A_2482 = tpu.memref_slice %arg5[%dma_wait3A_2481, %multiple_of3A_2112] : memref<32x1000000xf32, #tpu.memory_space<hbm>> -> memref<32x128xf32, #tpu.memory_space<hbm>>
      %dma_wait3A_2483 = arith.constant 0 : i32
      %dma_wait3A_2484 = arith.constant 0 : i32
      %dma_wait3A_2485 = tpu.memref_slice %arg12[%dma_wait3A_2476, %dma_wait3A_2483, %dma_wait3A_2484] : memref<8x32x128xf32, #tpu.memory_space<vmem>> -> memref<1x32x128xf32, #tpu.memory_space<vmem>>
      %dma_wait3A_2486 = tpu.memref_squeeze %dma_wait3A_2485 : memref<1x32x128xf32, #tpu.memory_space<vmem>> -> memref<32x128xf32, #tpu.memory_space<vmem>>
      %dma_wait3A_2487 = arith.constant 0 : i32
      %dma_wait3A_2488 = tpu.memref_slice %arg5[%dma_wait3A_2487, %multiple_of3A_2112] : memref<32x1000000xf32, #tpu.memory_space<hbm>> -> memref<32x128xf32, #tpu.memory_space<hbm>>
      tpu.wait_dma2 semaphore(%arg14 : memref<!tpu.dma_semaphore, #tpu.memory_space<semaphore_mem>>) src(%dma_wait3A_2488 : memref<32x128xf32, #tpu.memory_space<hbm>>) dst(%dma_wait3A_2486 : memref<32x128xf32, #tpu.memory_space<vmem>>)
      %dma_wait3A_2489 = arith.constant 6 : i32
      %dma_wait3A_2490 = arith.constant 0 : i32
      %dma_wait3A_2491 = arith.constant 0 : i32
      %dma_wait3A_2492 = tpu.memref_slice %arg11[%dma_wait3A_2489, %dma_wait3A_2490, %dma_wait3A_2491] : memref<8x32x128xf32, #tpu.memory_space<vmem>> -> memref<1x32x128xf32, #tpu.memory_space<vmem>>
      %dma_wait3A_2493 = tpu.memref_squeeze %dma_wait3A_2492 : memref<1x32x128xf32, #tpu.memory_space<vmem>> -> memref<32x128xf32, #tpu.memory_space<vmem>>
      %dma_wait3A_2494 = arith.constant 0 : i32
      %dma_wait3A_2495 = tpu.memref_slice %arg4[%dma_wait3A_2494, %multiple_of3A_2115] : memref<32x1000000xf32, #tpu.memory_space<hbm>> -> memref<32x128xf32, #tpu.memory_space<hbm>>
      %dma_wait3A_2496 = arith.constant 0 : i32
      %dma_wait3A_2497 = arith.constant 0 : i32
      %dma_wait3A_2498 = tpu.memref_slice %arg11[%dma_wait3A_2489, %dma_wait3A_2496, %dma_wait3A_2497] : memref<8x32x128xf32, #tpu.memory_space<vmem>> -> memref<1x32x128xf32, #tpu.memory_space<vmem>>
      %dma_wait3A_2499 = tpu.memref_squeeze %dma_wait3A_2498 : memref<1x32x128xf32, #tpu.memory_space<vmem>> -> memref<32x128xf32, #tpu.memory_space<vmem>>
      %dma_wait3A_2500 = arith.constant 0 : i32
      %dma_wait3A_2501 = tpu.memref_slice %arg4[%dma_wait3A_2500, %multiple_of3A_2115] : memref<32x1000000xf32, #tpu.memory_space<hbm>> -> memref<32x128xf32, #tpu.memory_space<hbm>>
      tpu.wait_dma2 semaphore(%arg14 : memref<!tpu.dma_semaphore, #tpu.memory_space<semaphore_mem>>) src(%dma_wait3A_2501 : memref<32x128xf32, #tpu.memory_space<hbm>>) dst(%dma_wait3A_2499 : memref<32x128xf32, #tpu.memory_space<vmem>>)
      %dma_wait3A_2502 = arith.constant 6 : i32
      %dma_wait3A_2503 = arith.constant 0 : i32
      %dma_wait3A_2504 = arith.constant 0 : i32
      %dma_wait3A_2505 = tpu.memref_slice %arg12[%dma_wait3A_2502, %dma_wait3A_2503, %dma_wait3A_2504] : memref<8x32x128xf32, #tpu.memory_space<vmem>> -> memref<1x32x128xf32, #tpu.memory_space<vmem>>
      %dma_wait3A_2506 = tpu.memref_squeeze %dma_wait3A_2505 : memref<1x32x128xf32, #tpu.memory_space<vmem>> -> memref<32x128xf32, #tpu.memory_space<vmem>>
      %dma_wait3A_2507 = arith.constant 0 : i32
      %dma_wait3A_2508 = tpu.memref_slice %arg5[%dma_wait3A_2507, %multiple_of3A_2118] : memref<32x1000000xf32, #tpu.memory_space<hbm>> -> memref<32x128xf32, #tpu.memory_space<hbm>>
      %dma_wait3A_2509 = arith.constant 0 : i32
      %dma_wait3A_2510 = arith.constant 0 : i32
      %dma_wait3A_2511 = tpu.memref_slice %arg12[%dma_wait3A_2502, %dma_wait3A_2509, %dma_wait3A_2510] : memref<8x32x128xf32, #tpu.memory_space<vmem>> -> memref<1x32x128xf32, #tpu.memory_space<vmem>>
      %dma_wait3A_2512 = tpu.memref_squeeze %dma_wait3A_2511 : memref<1x32x128xf32, #tpu.memory_space<vmem>> -> memref<32x128xf32, #tpu.memory_space<vmem>>
      %dma_wait3A_2513 = arith.constant 0 : i32
      %dma_wait3A_2514 = tpu.memref_slice %arg5[%dma_wait3A_2513, %multiple_of3A_2118] : memref<32x1000000xf32, #tpu.memory_space<hbm>> -> memref<32x128xf32, #tpu.memory_space<hbm>>
      tpu.wait_dma2 semaphore(%arg14 : memref<!tpu.dma_semaphore, #tpu.memory_space<semaphore_mem>>) src(%dma_wait3A_2514 : memref<32x128xf32, #tpu.memory_space<hbm>>) dst(%dma_wait3A_2512 : memref<32x128xf32, #tpu.memory_space<vmem>>)
      %dma_wait3A_2515 = arith.constant 7 : i32
      %dma_wait3A_2516 = arith.constant 0 : i32
      %dma_wait3A_2517 = arith.constant 0 : i32
      %dma_wait3A_2518 = tpu.memref_slice %arg11[%dma_wait3A_2515, %dma_wait3A_2516, %dma_wait3A_2517] : memref<8x32x128xf32, #tpu.memory_space<vmem>> -> memref<1x32x128xf32, #tpu.memory_space<vmem>>
      %dma_wait3A_2519 = tpu.memref_squeeze %dma_wait3A_2518 : memref<1x32x128xf32, #tpu.memory_space<vmem>> -> memref<32x128xf32, #tpu.memory_space<vmem>>
      %dma_wait3A_2520 = arith.constant 0 : i32
      %dma_wait3A_2521 = tpu.memref_slice %arg4[%dma_wait3A_2520, %multiple_of3A_2121] : memref<32x1000000xf32, #tpu.memory_space<hbm>> -> memref<32x128xf32, #tpu.memory_space<hbm>>
      %dma_wait3A_2522 = arith.constant 0 : i32
      %dma_wait3A_2523 = arith.constant 0 : i32
      %dma_wait3A_2524 = tpu.memref_slice %arg11[%dma_wait3A_2515, %dma_wait3A_2522, %dma_wait3A_2523] : memref<8x32x128xf32, #tpu.memory_space<vmem>> -> memref<1x32x128xf32, #tpu.memory_space<vmem>>
      %dma_wait3A_2525 = tpu.memref_squeeze %dma_wait3A_2524 : memref<1x32x128xf32, #tpu.memory_space<vmem>> -> memref<32x128xf32, #tpu.memory_space<vmem>>
      %dma_wait3A_2526 = arith.constant 0 : i32
      %dma_wait3A_2527 = tpu.memref_slice %arg4[%dma_wait3A_2526, %multiple_of3A_2121] : memref<32x1000000xf32, #tpu.memory_space<hbm>> -> memref<32x128xf32, #tpu.memory_space<hbm>>
      tpu.wait_dma2 semaphore(%arg14 : memref<!tpu.dma_semaphore, #tpu.memory_space<semaphore_mem>>) src(%dma_wait3A_2527 : memref<32x128xf32, #tpu.memory_space<hbm>>) dst(%dma_wait3A_2525 : memref<32x128xf32, #tpu.memory_space<vmem>>)
      %dma_wait3A_2528 = arith.constant 7 : i32
      %dma_wait3A_2529 = arith.constant 0 : i32
      %dma_wait3A_2530 = arith.constant 0 : i32
      %dma_wait3A_2531 = tpu.memref_slice %arg12[%dma_wait3A_2528, %dma_wait3A_2529, %dma_wait3A_2530] : memref<8x32x128xf32, #tpu.memory_space<vmem>> -> memref<1x32x128xf32, #tpu.memory_space<vmem>>
      %dma_wait3A_2532 = tpu.memref_squeeze %dma_wait3A_2531 : memref<1x32x128xf32, #tpu.memory_space<vmem>> -> memref<32x128xf32, #tpu.memory_space<vmem>>
      %dma_wait3A_2533 = arith.constant 0 : i32
      %dma_wait3A_2534 = tpu.memref_slice %arg5[%dma_wait3A_2533, %multiple_of3A_2124] : memref<32x1000000xf32, #tpu.memory_space<hbm>> -> memref<32x128xf32, #tpu.memory_space<hbm>>
      %dma_wait3A_2535 = arith.constant 0 : i32
      %dma_wait3A_2536 = arith.constant 0 : i32
      %dma_wait3A_2537 = tpu.memref_slice %arg12[%dma_wait3A_2528, %dma_wait3A_2535, %dma_wait3A_2536] : memref<8x32x128xf32, #tpu.memory_space<vmem>> -> memref<1x32x128xf32, #tpu.memory_space<vmem>>
      %dma_wait3A_2538 = tpu.memref_squeeze %dma_wait3A_2537 : memref<1x32x128xf32, #tpu.memory_space<vmem>> -> memref<32x128xf32, #tpu.memory_space<vmem>>
      %dma_wait3A_2539 = arith.constant 0 : i32
      %dma_wait3A_2540 = tpu.memref_slice %arg5[%dma_wait3A_2539, %multiple_of3A_2124] : memref<32x1000000xf32, #tpu.memory_space<hbm>> -> memref<32x128xf32, #tpu.memory_space<hbm>>
      tpu.wait_dma2 semaphore(%arg14 : memref<!tpu.dma_semaphore, #tpu.memory_space<semaphore_mem>>) src(%dma_wait3A_2540 : memref<32x128xf32, #tpu.memory_space<hbm>>) dst(%dma_wait3A_2538 : memref<32x128xf32, #tpu.memory_space<vmem>>)
      %add3A_2541 = arith.constant 8 : i32
      %add3A_2542 = vector.broadcast %add3A_2541 : i32 to vector<16xi32>
      %add3A_2543 = arith.addi %and3A_1468, %add3A_2542 : vector<16xi32>
      %broadcast_in_dim3A_2544 = vector.shape_cast %add3A_2543 : vector<16xi32> to vector<16x1xi32>
      %gather3A_2545 = vector.shape_cast %broadcast_in_dim3A_2544 : vector<16x1xi32> to vector<16xi32>
      %gather3A_2546 = tpu.dynamic_gather %get3A_1486[%gather3A_2545] in [0] : vector<16xi32>, vector<16xi32> -> vector<16xi32>
      %add3A_2547 = arith.constant 8 : i32
      %add3A_2548 = vector.broadcast %add3A_2547 : i32 to vector<16xi32>
      %add3A_2549 = arith.addi %and3A_1468, %add3A_2548 : vector<16xi32>
      %broadcast_in_dim3A_2550 = vector.shape_cast %add3A_2549 : vector<16xi32> to vector<16x1xi32>
      %gather3A_2551 = vector.shape_cast %broadcast_in_dim3A_2550 : vector<16x1xi32> to vector<16xi32>
      %gather3A_2552 = tpu.dynamic_gather %get3A_1488[%gather3A_2551] in [0] : vector<16xi32>, vector<16xi32> -> vector<16xi32>
      %broadcast_in_dim3A_2553 = arith.constant 0.000000e+00 : f32
      %broadcast_in_dim3A_2554 = vector.broadcast %broadcast_in_dim3A_2553 : f32 to vector<16xf32>
      %add3A_2555 = arith.constant 0 : i32
      %add3A_2556 = vector.broadcast %add3A_2555 : i32 to vector<16xi32>
      %add3A_2557 = arith.addi %add3A_2556, %shift_right_arithmetic3A_1470 : vector<16xi32>
      %gather3A_2558 = tpu.vector_load_idx %arg11[%and3A_1468, %add3A_2557, %gather3A_2546] : memref<8x32x128xf32, #tpu.memory_space<vmem>>[vector<16xi32>, vector<16xi32>, vector<16xi32>], vector<16xf32>,
      %gather3A_2559 = tpu.vector_load_idx %arg12[%and3A_1468, %add3A_2557, %gather3A_2552] : memref<8x32x128xf32, #tpu.memory_space<vmem>>[vector<16xi32>, vector<16xi32>, vector<16xi32>], vector<16xf32>,
      %mul3A_2560 = arith.mulf %gather3A_2558, %gather3A_2559 : vector<16xf32>
      %add3A_2561 = arith.addf %broadcast_in_dim3A_2554, %mul3A_2560 : vector<16xf32>
      %add3A_2562 = arith.constant 2 : i32
      %add3A_2563 = vector.broadcast %add3A_2562 : i32 to vector<16xi32>
      %add3A_2564 = arith.addi %add3A_2563, %shift_right_arithmetic3A_1470 : vector<16xi32>
      %gather3A_2565 = tpu.vector_load_idx %arg11[%and3A_1468, %add3A_2564, %gather3A_2546] : memref<8x32x128xf32, #tpu.memory_space<vmem>>[vector<16xi32>, vector<16xi32>, vector<16xi32>], vector<16xf32>,
      %gather3A_2566 = tpu.vector_load_idx %arg12[%and3A_1468, %add3A_2564, %gather3A_2552] : memref<8x32x128xf32, #tpu.memory_space<vmem>>[vector<16xi32>, vector<16xi32>, vector<16xi32>], vector<16xf32>,
      %mul3A_2567 = arith.mulf %gather3A_2565, %gather3A_2566 : vector<16xf32>
      %add3A_2568 = arith.addf %add3A_2561, %mul3A_2567 : vector<16xf32>
      %add3A_2569 = arith.constant 4 : i32
      %add3A_2570 = vector.broadcast %add3A_2569 : i32 to vector<16xi32>
      %add3A_2571 = arith.addi %add3A_2570, %shift_right_arithmetic3A_1470 : vector<16xi32>
      %gather3A_2572 = tpu.vector_load_idx %arg11[%and3A_1468, %add3A_2571, %gather3A_2546] : memref<8x32x128xf32, #tpu.memory_space<vmem>>[vector<16xi32>, vector<16xi32>, vector<16xi32>], vector<16xf32>,
      %gather3A_2573 = tpu.vector_load_idx %arg12[%and3A_1468, %add3A_2571, %gather3A_2552] : memref<8x32x128xf32, #tpu.memory_space<vmem>>[vector<16xi32>, vector<16xi32>, vector<16xi32>], vector<16xf32>,
      %mul3A_2574 = arith.mulf %gather3A_2572, %gather3A_2573 : vector<16xf32>
      %add3A_2575 = arith.addf %add3A_2568, %mul3A_2574 : vector<16xf32>
      %add3A_2576 = arith.constant 6 : i32
      %add3A_2577 = vector.broadcast %add3A_2576 : i32 to vector<16xi32>
      %add3A_2578 = arith.addi %add3A_2577, %shift_right_arithmetic3A_1470 : vector<16xi32>
      %gather3A_2579 = tpu.vector_load_idx %arg11[%and3A_1468, %add3A_2578, %gather3A_2546] : memref<8x32x128xf32, #tpu.memory_space<vmem>>[vector<16xi32>, vector<16xi32>, vector<16xi32>], vector<16xf32>,
      %gather3A_2580 = tpu.vector_load_idx %arg12[%and3A_1468, %add3A_2578, %gather3A_2552] : memref<8x32x128xf32, #tpu.memory_space<vmem>>[vector<16xi32>, vector<16xi32>, vector<16xi32>], vector<16xf32>,
      %mul3A_2581 = arith.mulf %gather3A_2579, %gather3A_2580 : vector<16xf32>
      %add3A_2582 = arith.addf %add3A_2575, %mul3A_2581 : vector<16xf32>
      %add3A_2583 = arith.constant 8 : i32
      %add3A_2584 = vector.broadcast %add3A_2583 : i32 to vector<16xi32>
      %add3A_2585 = arith.addi %add3A_2584, %shift_right_arithmetic3A_1470 : vector<16xi32>
      %gather3A_2586 = tpu.vector_load_idx %arg11[%and3A_1468, %add3A_2585, %gather3A_2546] : memref<8x32x128xf32, #tpu.memory_space<vmem>>[vector<16xi32>, vector<16xi32>, vector<16xi32>], vector<16xf32>,
      %gather3A_2587 = tpu.vector_load_idx %arg12[%and3A_1468, %add3A_2585, %gather3A_2552] : memref<8x32x128xf32, #tpu.memory_space<vmem>>[vector<16xi32>, vector<16xi32>, vector<16xi32>], vector<16xf32>,
      %mul3A_2588 = arith.mulf %gather3A_2586, %gather3A_2587 : vector<16xf32>
      %add3A_2589 = arith.addf %add3A_2582, %mul3A_2588 : vector<16xf32>
      %add3A_2590 = arith.constant 10 : i32
      %add3A_2591 = vector.broadcast %add3A_2590 : i32 to vector<16xi32>
      %add3A_2592 = arith.addi %add3A_2591, %shift_right_arithmetic3A_1470 : vector<16xi32>
      %gather3A_2593 = tpu.vector_load_idx %arg11[%and3A_1468, %add3A_2592, %gather3A_2546] : memref<8x32x128xf32, #tpu.memory_space<vmem>>[vector<16xi32>, vector<16xi32>, vector<16xi32>], vector<16xf32>,
      %gather3A_2594 = tpu.vector_load_idx %arg12[%and3A_1468, %add3A_2592, %gather3A_2552] : memref<8x32x128xf32, #tpu.memory_space<vmem>>[vector<16xi32>, vector<16xi32>, vector<16xi32>], vector<16xf32>,
      %mul3A_2595 = arith.mulf %gather3A_2593, %gather3A_2594 : vector<16xf32>
      %add3A_2596 = arith.addf %add3A_2589, %mul3A_2595 : vector<16xf32>
      %add3A_2597 = arith.constant 12 : i32
      %add3A_2598 = vector.broadcast %add3A_2597 : i32 to vector<16xi32>
      %add3A_2599 = arith.addi %add3A_2598, %shift_right_arithmetic3A_1470 : vector<16xi32>
      %gather3A_2600 = tpu.vector_load_idx %arg11[%and3A_1468, %add3A_2599, %gather3A_2546] : memref<8x32x128xf32, #tpu.memory_space<vmem>>[vector<16xi32>, vector<16xi32>, vector<16xi32>], vector<16xf32>,
      %gather3A_2601 = tpu.vector_load_idx %arg12[%and3A_1468, %add3A_2599, %gather3A_2552] : memref<8x32x128xf32, #tpu.memory_space<vmem>>[vector<16xi32>, vector<16xi32>, vector<16xi32>], vector<16xf32>,
      %mul3A_2602 = arith.mulf %gather3A_2600, %gather3A_2601 : vector<16xf32>
      %add3A_2603 = arith.addf %add3A_2596, %mul3A_2602 : vector<16xf32>
      %add3A_2604 = arith.constant 14 : i32
      %add3A_2605 = vector.broadcast %add3A_2604 : i32 to vector<16xi32>
      %add3A_2606 = arith.addi %add3A_2605, %shift_right_arithmetic3A_1470 : vector<16xi32>
      %gather3A_2607 = tpu.vector_load_idx %arg11[%and3A_1468, %add3A_2606, %gather3A_2546] : memref<8x32x128xf32, #tpu.memory_space<vmem>>[vector<16xi32>, vector<16xi32>, vector<16xi32>], vector<16xf32>,
      %gather3A_2608 = tpu.vector_load_idx %arg12[%and3A_1468, %add3A_2606, %gather3A_2552] : memref<8x32x128xf32, #tpu.memory_space<vmem>>[vector<16xi32>, vector<16xi32>, vector<16xi32>], vector<16xf32>,
      %mul3A_2609 = arith.mulf %gather3A_2607, %gather3A_2608 : vector<16xf32>
      %add3A_2610 = arith.addf %add3A_2603, %mul3A_2609 : vector<16xf32>
      %add3A_2611 = arith.constant 16 : i32
      %add3A_2612 = vector.broadcast %add3A_2611 : i32 to vector<16xi32>
      %add3A_2613 = arith.addi %add3A_2612, %shift_right_arithmetic3A_1470 : vector<16xi32>
      %gather3A_2614 = tpu.vector_load_idx %arg11[%and3A_1468, %add3A_2613, %gather3A_2546] : memref<8x32x128xf32, #tpu.memory_space<vmem>>[vector<16xi32>, vector<16xi32>, vector<16xi32>], vector<16xf32>,
      %gather3A_2615 = tpu.vector_load_idx %arg12[%and3A_1468, %add3A_2613, %gather3A_2552] : memref<8x32x128xf32, #tpu.memory_space<vmem>>[vector<16xi32>, vector<16xi32>, vector<16xi32>], vector<16xf32>,
      %mul3A_2616 = arith.mulf %gather3A_2614, %gather3A_2615 : vector<16xf32>
      %add3A_2617 = arith.addf %add3A_2610, %mul3A_2616 : vector<16xf32>
      %add3A_2618 = arith.constant 18 : i32
      %add3A_2619 = vector.broadcast %add3A_2618 : i32 to vector<16xi32>
      %add3A_2620 = arith.addi %add3A_2619, %shift_right_arithmetic3A_1470 : vector<16xi32>
      %gather3A_2621 = tpu.vector_load_idx %arg11[%and3A_1468, %add3A_2620, %gather3A_2546] : memref<8x32x128xf32, #tpu.memory_space<vmem>>[vector<16xi32>, vector<16xi32>, vector<16xi32>], vector<16xf32>,
      %gather3A_2622 = tpu.vector_load_idx %arg12[%and3A_1468, %add3A_2620, %gather3A_2552] : memref<8x32x128xf32, #tpu.memory_space<vmem>>[vector<16xi32>, vector<16xi32>, vector<16xi32>], vector<16xf32>,
      %mul3A_2623 = arith.mulf %gather3A_2621, %gather3A_2622 : vector<16xf32>
      %add3A_2624 = arith.addf %add3A_2617, %mul3A_2623 : vector<16xf32>
      %add3A_2625 = arith.constant 20 : i32
      %add3A_2626 = vector.broadcast %add3A_2625 : i32 to vector<16xi32>
      %add3A_2627 = arith.addi %add3A_2626, %shift_right_arithmetic3A_1470 : vector<16xi32>
      %gather3A_2628 = tpu.vector_load_idx %arg11[%and3A_1468, %add3A_2627, %gather3A_2546] : memref<8x32x128xf32, #tpu.memory_space<vmem>>[vector<16xi32>, vector<16xi32>, vector<16xi32>], vector<16xf32>,
      %gather3A_2629 = tpu.vector_load_idx %arg12[%and3A_1468, %add3A_2627, %gather3A_2552] : memref<8x32x128xf32, #tpu.memory_space<vmem>>[vector<16xi32>, vector<16xi32>, vector<16xi32>], vector<16xf32>,
      %mul3A_2630 = arith.mulf %gather3A_2628, %gather3A_2629 : vector<16xf32>
      %add3A_2631 = arith.addf %add3A_2624, %mul3A_2630 : vector<16xf32>
      %add3A_2632 = arith.constant 22 : i32
      %add3A_2633 = vector.broadcast %add3A_2632 : i32 to vector<16xi32>
      %add3A_2634 = arith.addi %add3A_2633, %shift_right_arithmetic3A_1470 : vector<16xi32>
      %gather3A_2635 = tpu.vector_load_idx %arg11[%and3A_1468, %add3A_2634, %gather3A_2546] : memref<8x32x128xf32, #tpu.memory_space<vmem>>[vector<16xi32>, vector<16xi32>, vector<16xi32>], vector<16xf32>,
      %gather3A_2636 = tpu.vector_load_idx %arg12[%and3A_1468, %add3A_2634, %gather3A_2552] : memref<8x32x128xf32, #tpu.memory_space<vmem>>[vector<16xi32>, vector<16xi32>, vector<16xi32>], vector<16xf32>,
      %mul3A_2637 = arith.mulf %gather3A_2635, %gather3A_2636 : vector<16xf32>
      %add3A_2638 = arith.addf %add3A_2631, %mul3A_2637 : vector<16xf32>
      %add3A_2639 = arith.constant 24 : i32
      %add3A_2640 = vector.broadcast %add3A_2639 : i32 to vector<16xi32>
      %add3A_2641 = arith.addi %add3A_2640, %shift_right_arithmetic3A_1470 : vector<16xi32>
      %gather3A_2642 = tpu.vector_load_idx %arg11[%and3A_1468, %add3A_2641, %gather3A_2546] : memref<8x32x128xf32, #tpu.memory_space<vmem>>[vector<16xi32>, vector<16xi32>, vector<16xi32>], vector<16xf32>,
      %gather3A_2643 = tpu.vector_load_idx %arg12[%and3A_1468, %add3A_2641, %gather3A_2552] : memref<8x32x128xf32, #tpu.memory_space<vmem>>[vector<16xi32>, vector<16xi32>, vector<16xi32>], vector<16xf32>,
      %mul3A_2644 = arith.mulf %gather3A_2642, %gather3A_2643 : vector<16xf32>
      %add3A_2645 = arith.addf %add3A_2638, %mul3A_2644 : vector<16xf32>
      %add3A_2646 = arith.constant 26 : i32
      %add3A_2647 = vector.broadcast %add3A_2646 : i32 to vector<16xi32>
      %add3A_2648 = arith.addi %add3A_2647, %shift_right_arithmetic3A_1470 : vector<16xi32>
      %gather3A_2649 = tpu.vector_load_idx %arg11[%and3A_1468, %add3A_2648, %gather3A_2546] : memref<8x32x128xf32, #tpu.memory_space<vmem>>[vector<16xi32>, vector<16xi32>, vector<16xi32>], vector<16xf32>,
      %gather3A_2650 = tpu.vector_load_idx %arg12[%and3A_1468, %add3A_2648, %gather3A_2552] : memref<8x32x128xf32, #tpu.memory_space<vmem>>[vector<16xi32>, vector<16xi32>, vector<16xi32>], vector<16xf32>,
      %mul3A_2651 = arith.mulf %gather3A_2649, %gather3A_2650 : vector<16xf32>
      %add3A_2652 = arith.addf %add3A_2645, %mul3A_2651 : vector<16xf32>
      %add3A_2653 = arith.constant 28 : i32
      %add3A_2654 = vector.broadcast %add3A_2653 : i32 to vector<16xi32>
      %add3A_2655 = arith.addi %add3A_2654, %shift_right_arithmetic3A_1470 : vector<16xi32>
      %gather3A_2656 = tpu.vector_load_idx %arg11[%and3A_1468, %add3A_2655, %gather3A_2546] : memref<8x32x128xf32, #tpu.memory_space<vmem>>[vector<16xi32>, vector<16xi32>, vector<16xi32>], vector<16xf32>,
      %gather3A_2657 = tpu.vector_load_idx %arg12[%and3A_1468, %add3A_2655, %gather3A_2552] : memref<8x32x128xf32, #tpu.memory_space<vmem>>[vector<16xi32>, vector<16xi32>, vector<16xi32>], vector<16xf32>,
      %mul3A_2658 = arith.mulf %gather3A_2656, %gather3A_2657 : vector<16xf32>
      %add3A_2659 = arith.addf %add3A_2652, %mul3A_2658 : vector<16xf32>
      %add3A_2660 = arith.constant 30 : i32
      %add3A_2661 = vector.broadcast %add3A_2660 : i32 to vector<16xi32>
      %add3A_2662 = arith.addi %add3A_2661, %shift_right_arithmetic3A_1470 : vector<16xi32>
      %gather3A_2663 = tpu.vector_load_idx %arg11[%and3A_1468, %add3A_2662, %gather3A_2546] : memref<8x32x128xf32, #tpu.memory_space<vmem>>[vector<16xi32>, vector<16xi32>, vector<16xi32>], vector<16xf32>,
      %gather3A_2664 = tpu.vector_load_idx %arg12[%and3A_1468, %add3A_2662, %gather3A_2552] : memref<8x32x128xf32, #tpu.memory_space<vmem>>[vector<16xi32>, vector<16xi32>, vector<16xi32>], vector<16xf32>,
      %mul3A_2665 = arith.mulf %gather3A_2663, %gather3A_2664 : vector<16xf32>
      %add3A_2666 = arith.addf %add3A_2659, %mul3A_2665 : vector<16xf32>
      %broadcast_in_dim3A_2667 = vector.shape_cast %xor3A_1472 : vector<16xi32> to vector<16x1xi32>
      %gather3A_2668 = vector.shape_cast %broadcast_in_dim3A_2667 : vector<16x1xi32> to vector<16xi32>
      %gather3A_2669 = tpu.dynamic_gather %add3A_2666[%gather3A_2668] in [0] : vector<16xf32>, vector<16xi32> -> vector<16xf32>
      %add3A_2670 = arith.addf %add3A_2666, %gather3A_2669 : vector<16xf32>
      %eq3A_2671 = arith.constant 0 : i32
      %eq3A_2672 = vector.broadcast %eq3A_2671 : i32 to vector<16xi32>
      %eq3A_2673 = arith.cmpi eq, %shift_right_arithmetic3A_1470, %eq3A_2672 : vector<16xi32>
      %select_n3A_2674 = arith.select %eq3A_2673, %add3A_2076, %add3A_2670 : vector<16xi1>, vector<16xf32>
      %mul3A_2675 = arith.constant 5.000000e+00 : f32
      %mul3A_2676 = vector.broadcast %mul3A_2675 : f32 to vector<16xf32>
      %mul3A_2677 = arith.mulf %select_n3A_2674, %mul3A_2676 : vector<16xf32>
      %swap3A_2678 = arith.index_cast %mul3A_1480 : i32 to index
      %swap3A_2679 = tpu.vector_load %arg13[%swap3A_2678] {strides = array<i32>} : memref<512xf32, #tpu.memory_space<vmem>>, vector<16xf32>,
      tpu.vector_store %arg13[%swap3A_2678], %mul3A_2677 {strides = array<i32>} : memref<512xf32, #tpu.memory_space<vmem>>, vector<16xf32>,
    }
    %scan3A_1477 = arith.constant 32 : i32
    "tpu.region"() ({
      %run_scoped3A = tpu.sem_alloc : memref<!tpu.dma_semaphore, #tpu.memory_space<semaphore_mem>>
      %dma_start3A = tpu.memref_slice %arg6[%mul3A_2] : memref<16384xf32, #tpu.memory_space<hbm>> -> memref<512xf32, #tpu.memory_space<hbm>>
      %dma_start3A_1478 = tpu.memref_slice %arg6[%mul3A_2] : memref<16384xf32, #tpu.memory_space<hbm>> -> memref<512xf32, #tpu.memory_space<hbm>>
      tpu.enqueue_dma source(%arg13 : memref<512xf32, #tpu.memory_space<vmem>>) target(%dma_start3A_1478 : memref<512xf32, #tpu.memory_space<hbm>>) target_semaphore(%run_scoped3A : memref<!tpu.dma_semaphore, #tpu.memory_space<semaphore_mem>>)
      %dma_wait3A = tpu.memref_slice %arg6[%mul3A_2] : memref<16384xf32, #tpu.memory_space<hbm>> -> memref<512xf32, #tpu.memory_space<hbm>>
      %dma_wait3A_1479 = tpu.memref_slice %arg6[%mul3A_2] : memref<16384xf32, #tpu.memory_space<hbm>> -> memref<512xf32, #tpu.memory_space<hbm>>
      tpu.wait_dma2 semaphore(%run_scoped3A : memref<!tpu.dma_semaphore, #tpu.memory_space<semaphore_mem>>) src(%arg13 : memref<512xf32, #tpu.memory_space<vmem>>) dst(%dma_wait3A_1479 : memref<512xf32, #tpu.memory_space<hbm>>)
      tpu.yield
    }) : () -> ()
    return
  }
}

</mosaic_0001>

<sc_bundles>
// kernel: kernel.3.cloned.1.call-start
scs
__scs_entry_jumppad:
0x0: {  	(pc) =	sbr.rel $0x88, $3  }
0x1: {  	(tag) =	ssettag $0x0;
	lr =	simm.s32 $0x1  }
0x2: {  	[smem:$0x3F9D] =	sst lr;
	_ =	strace $0xD0000000  }
0x3: {  	_ = 	snop  }
0x4: {  	_ = 	snop  }
0x5: {  	_ = 	snop  }
0x6: {  	_ = 	snop  }
0x7: {  	_ = 	snop  }
__scs_overlays_trampoline_lowered:
0x8: {  	[smem:$0x3FAC] =	sst s0  }
0x9: {  	[smem:$0x3FAD] =	sst s1  }
0xa: {  	[smem:$0x3FAE] =	sst s2  }
0xb: {  	[smem:$0x3FAF] =	sst s3  }
0xc: {  	[smem:$0x3FB0] =	sst s4  }
0xd: {  	[smem:$0x3FB1] =	sst s5  }
0xe: {  	[smem:$0x3FB2] =	sst s6  }
0xf: {  	[smem:$0x3FB3] =	sst s7  }
0x10: {  	[smem:$0x3FB4] =	sst s8  }
0x11: {  	[smem:$0x3FB5] =	sst s9;
	s0 =	simm.s32 @!p0 $0x0  }
0x12: {  	s1 =	sld [smem:$0x3F9B];
	s0 =	simm.s32 @p0 $0x1  }
0x13: {  	[smem:$0x3FB6] =	sst s0;
	s0 =	simm.s32 @!p1 $0x0  }
0x14: {  	s2 =	sld [smem:$0x3F9A];
	s0 =	simm.s32 @p1 $0x1  }
0x15: {  	[smem:$0x3FB7] =	sst s0;
	s0 =	simm.s32 @!p2 $0x0  }
0x16: {  	s3 =	sld [smem:$0x3FDB];
	s0 =	simm.s32 @p2 $0x1  }
0x17: {  	s4 =	simm.s32 $0x1BF5;
	[smem:$0x3FB9] =	sst s0  }
0x18: {  	s0 =	sld [smem:$0x3F9C];
	_ =	swait.ge [sflag:s4], $0x0  }
0x19: {  	s7 =	sld [smem:$0x3F9D]  }
0x1a: {  	s8 =	sadd.s32 $0xFFFFE003, lr  }
0x1b: {  	s9 =	sadd.s32 $0xFFFFFEF7, lr;
	s5 =	simm.s32 $0xFFFFFFFF;
	p2 =	slt.u32 s8, $0xFFFFF086  }
0x1c: {  	p1 =	slt.u32 s9, $0xF7A;
	s5 =	simm.s32 @!p2 $0x0  }
0x1d: {  	s5 =	simm.s32 @p1 $0x1;
	p0 =	seq.s32 s7, s2  }
0x1e: {  	s7 =	smul.u32 @!p0 $0xF7A, s2;
	p2 =	seq.s32 @!p0 s5, $0x0  }
0x1f: {  	s9 =	smul.u32 $0xF7A, s1;
	s8 =	simm.s32 @!p0 $0x1BF5;
	p2 =	por !p2, p0  }
0x20: {  	[sflag:s8] =	ssyncset.s32 @!p0 $0xFFFFF086;
	s6 =	sadd.s32 @!p0 s3, s7;
	s7 =	simm.s32 @!p0 $0x108  }
0x21: {  	s3 =	sadd.s32 s3, s9;
	s6 =	sadd.s32 @!p0 $0x88, s6;
	s7 =	simm.s32 @p2 $0x1082  }
0x22: {  	[simem:s7], [sflag:s8] =	dma.local @!p0 [hbm:s6], $0xF7A  }
0x23: {  	s9 =	sor.u32 $0xD0000000, s2;
	s6 =	simm.s32 $0x108;
	_ =	swait.ge @!p0 [sflag:s8], $0x0  }
0x24: {  	s3 =	sadd.s32 $0x88, s3;
	s6 =	simm.s32 @!p1 $0x1082;
	[sflag:s4] =	ssyncset.s32 $0xFFFFF086  }
0x25: {  	[simem:s6], [sflag:s4] =	dma.local [hbm:s3], $0xF7A  }
0x26: {  	[smem:$0x3F9D] =	sst s1;
	(tag) =	ssettag s2;
	_ =	strace s9  }
0x27: {  	s1 =	sld [smem:$0x3FAD]  }
0x28: {  	s2 =	sld [smem:$0x3FAE]  }
0x29: {  	s4 =	sld [smem:$0x3FB0]  }
0x2a: {  	p0 =	seq.s32 s5, $0x0;
	s5 =	sld [smem:$0x3FB1]  }
0x2b: {  	s6 =	sld [smem:$0x3FB2]  }
0x2c: {  	s7 =	sld [smem:$0x3FB3]  }
0x2d: {  	s3 =	simm.s32 $0x108;
	s8 =	sld [smem:$0x3FB4]  }
0x2e: {  	s3 =	simm.s32 @!p0 $0x1082;
	s9 =	sld [smem:$0x3FB5]  }
0x2f: {  	lr =	sadd.s32 s0, s3;
	s0 =	sld [smem:$0x3FAC]  }
0x30: {  	s3 =	sld [smem:$0x3FAF]  }
0x31: {  	[smem:$0x3FB8] =	sst s10  }
0x32: {  	s10 =	sld [smem:$0x3FB6];
	_ =	sdelay $0x3  }
0x33: {  	p0 =	seq.s32 s10, $0x1;
	s10 =	sld [smem:$0x3FB8];
	_ =	sdelay $0x3  }
0x34: {  	[smem:$0x3FB8] =	sst s10  }
0x35: {  	s10 =	sld [smem:$0x3FB7];
	_ =	sdelay $0x3  }
0x36: {  	p1 =	seq.s32 s10, $0x1;
	s10 =	sld [smem:$0x3FB8];
	_ =	sdelay $0x3  }
0x37: {  	[smem:$0x3FB8] =	sst s10  }
0x38: {  	s10 =	sld [smem:$0x3FB9]  }
0x39: {  	_ = 	snop;
	(pc) =	sbr.ind lr, $3  }
0x3a: {  	_ = 	snop  }
0x3b: {  	_ = 	snop  }
0x3c: {  	p2 =	seq.s32 s10, $0x1;
	s10 =	sld [smem:$0x3FB8]  }
0x3d: {  	_ =	shalt  }
0x3e: {  	_ =	shalt  }
0x3f: {  	_ =	shalt  }
0x40: {  	_ =	shalt  }
0x41: {  	_ =	shalt  }
0x42: {  	_ =	shalt  }
0x43: {  	_ =	shalt  }
0x44: {  	_ =	shalt  }
0x45: {  	_ =	shalt  }
0x46: {  	_ =	shalt  }
0x47: {  	_ =	shalt  }
0x48: {  	_ =	shalt  }
0x49: {  	_ =	shalt  }
0x4a: {  	_ =	shalt  }
0x4b: {  	_ =	shalt  }
0x4c: {  	_ =	shalt  }
0x4d: {  	_ =	shalt  }
0x4e: {  	_ =	shalt  }
0x4f: {  	_ =	shalt  }
0x50: {  	_ =	shalt  }
0x51: {  	_ =	shalt  }
0x52: {  	_ =	shalt  }
0x53: {  	_ =	shalt  }
0x54: {  	_ =	shalt  }
0x55: {  	_ =	shalt  }
0x56: {  	_ =	shalt  }
0x57: {  	_ =	shalt  }
0x58: {  	_ =	shalt  }
0x59: {  	_ =	shalt  }
0x5a: {  	_ =	shalt  }
0x5b: {  	_ =	shalt  }
0x5c: {  	_ =	shalt  }
0x5d: {  	_ =	shalt  }
0x5e: {  	_ =	shalt  }
0x5f: {  	_ =	shalt  }
0x60: {  	_ =	shalt  }
0x61: {  	_ =	shalt  }
0x62: {  	_ =	shalt  }
0x63: {  	_ =	shalt  }
0x64: {  	_ =	shalt  }
0x65: {  	_ =	shalt  }
0x66: {  	_ =	shalt  }
0x67: {  	_ =	shalt  }
0x68: {  	_ =	shalt  }
0x69: {  	_ =	shalt  }
0x6a: {  	_ =	shalt  }
0x6b: {  	_ =	shalt  }
0x6c: {  	_ =	shalt  }
0x6d: {  	_ =	shalt  }
0x6e: {  	_ =	shalt  }
0x6f: {  	_ =	shalt  }
0x70: {  	_ =	shalt  }
0x71: {  	_ =	shalt  }
0x72: {  	_ =	shalt  }
0x73: {  	_ =	shalt  }
0x74: {  	_ =	shalt  }
0x75: {  	_ =	shalt  }
0x76: {  	_ =	shalt  }
0x77: {  	_ =	shalt  }
0x78: {  	_ =	shalt  }
0x79: {  	_ =	shalt  }
0x7a: {  	_ =	shalt  }
0x7b: {  	_ =	shalt  }
0x7c: {  	_ =	shalt  }
0x7d: {  	_ =	shalt  }
0x7e: {  	_ =	shalt  }
0x7f: {  	_ =	shalt  }
0x80: {  	_ =	shalt  }
0x81: {  	_ =	shalt  }
0x82: {  	_ =	shalt  }
0x83: {  	_ =	shalt  }
0x84: {  	_ =	shalt  }
0x85: {  	_ =	shalt  }
0x86: {  	_ =	shalt  }
0x87: {  	_ =	shalt  }
.Lfunc_end0:
.L_simem_size_0:
called_computation_lowered:
.L_overlay_start_0:
0x88: {  	s2 =	sld [smem:$0x3FD9]  }
0x89: {  	s3 =	sld [smem:$0x3FFE];
	_ =	sdelay $0x1  }
0x8a: {  	s1 =	srdreg.scid  }
0x8b: {  	s0 =	sand.u32 $0x1, s1  }
0x8c: {  	s18 =	sshll.u32 s0, $0xA;
	s2 =	sadd.s32 s3, s2  }
0x8d: {  	s2 =	sadd.s32 s2, s18  }
0x8e: {  	[smem:$0x3FC4] =	sst s2  }
0x8f: {  	_ = 	snop  }
0x90: {  	s2 =	sld [smem:$0x3FC9]  }
0x91: {  	s19 =	sld [smem:$0x3FC8]  }
0x92: {  	s4 =	sld [smem:$0x3FC7]  }
0x93: {  	s5 =	sld [smem:$0x3FC6]  }
0x94: {  	s6 =	sld [smem:$0x3FD0];
	(tm) =	ssettm $0x1  }
0x95: {  	s7 =	sld [smem:$0x3FFB];
	_ =	sdelay $0x3  }
0x96: {  	_ =	strace s7  }
0x97: {  	s7 =	sld [smem:$0x3FFC];
	_ =	sdelay $0x3  }
0x98: {  	_ =	strace s7  }
0x99: {  	s7 =	sld [smem:$0x3FFD];
	_ =	sdelay $0x3  }
0x9a: {  	_ =	strace s7  }
0x9b: {  	_ =	strace $0x8FFFFFFF  }
0x9c: {  	s20 =	sld [smem:$0x3FDB];
	_ =	sdelay $0x1  }
0x9d: {  	s8 =	simm.s32 $_scs_section_size  }
0x9e: {  	s9 =	simm.s32 $_size__tile_overlayer_lowered;
	s10 =	simm.s32 $_tile_overlayer_lowered  }
0x9f: {  	s23 =	simm.s32 $0x1BFF;
	s22 =	sshll.u32 s10, $0x1;
	s7 =	sadd.s32 s8, s20  }
0xa0: {  	s11 =	simm.s32 $0x0;
	s21 =	sshll.u32 s9, $0x1;
	s9 =	sadd.s32 s22, s7  }
0xa1: {  	[timem:s11], [sflag:s23] =	dma.local [hbm:s9], s21  }
0xa2: {  	_ =	swait.ge [sflag:s23], s21  }
0xa3: {  	s8 =	ssub.s32 $0x0, s21;
	[sflag:s23] =	ssyncset.done $0x0  }
0xa4: {  	[sflag:s23] =	ssyncadd.s32 s8;
	_ =	sdelay $0x1  }
0xa5: {  	s24 =	simm.s32 $0x1B8B  }
0xa6: {  	_ =	swait.ge [sflag:s24], $0x1  }
0xa7: {  	[sflag:s24] =	ssyncset.done $0x0  }
0xa8: {  	s25 =	simm.s32 $0x1B8E;
	[sflag:s24] =	ssyncadd.s32 $0xFFFFFFFF  }
0xa9: {  	s26 =	simm.s32 $execute0_lowered;
	[smem:$0x3FD2] =	sst s25  }
0xaa: {  	s8 =	sshll.u32 s26, $0x1;
	_ =	strace $0x80000046;
	[dreg:$0x1] =	wrdreg $0xFFFFFFFF  }
0xab: {  	s28 =	simm.s32 $_size_execute0_lowered;
	s7 =	sadd.s32 s7, s8;
	[dreg:$0x0] =	wrdreg $0x0  }
0xac: {  	s8 =	sshll.u32 s28, $0x1;
	[dreg:$0x2] =	wrdreg s7  }
0xad: {  	[dreg:$0x3] =	wrdreg s8  }
0xae: {  	[dreg:$0x4] =	wrdreg $0xC0  }
0xaf: {  	_ =	task [dreg:s11], $0x5FFFF  }
0xb0: {  	[dreg:$0x1] =	wrdreg $0xFFFFFFFF  }
0xb1: {  	[dreg:$0x0] =	wrdreg $0x60  }
0xb2: {  	[dreg:$0x2] =	wrdreg s2  }
0xb3: {  	[dreg:$0x3] =	wrdreg s19  }
0xb4: {  	[dreg:$0x4] =	wrdreg s4  }
0xb5: {  	[dreg:$0x5] =	wrdreg s5  }
0xb6: {  	[dreg:$0x6] =	wrdreg s6  }
0xb7: {  	[dreg:$0x7] =	wrdreg $0x9  }
0xb8: {  	_ =	task.clear_ibuf [dreg:s11], $0x8FFFF;
	_ =	strace $0x90000046  }
0xb9: {  	s29 =	simm.s32 $0x9;
	_ =	strace $0x80000048  }
0xba: {  	_ =	swait.ge [sflag:s29], $0x1  }
0xbb: {  	[sflag:s29] =	ssyncadd.s32 $0xFFFFFFFF  }
0xbc: {  	_ =	strace $0x90000048  }
0xbd: {  	_ =	sfence  }
0xbe: {  	s30 =	sld [smem:$0x0];
	_ =	sdelay $0x2  }
0xbf: {  	s31 =	sshll.u32 s1, $0xD;
	s1 =	sshrl.u32 s1, $0x2  }
0xc0: {  	s3 =	sand.u32 $0x4000, s31;
	s1 =	sadd.s32 s1, s30  }
0xc1: {  	s0 =	sor.u32 s3, s0;
	s1 =	sshll.u32 s1, $0x11  }
0xc2: {  	s0 =	sor.u32 s1, s0  }
0xc3: {  	s0 =	sadd.s32 $0x8F2B, s0  }
0xc4: {  	[sflag:s0] =	ssyncadd.remote.s32 $0x1  }
0xc5: {  	_ =	sfence.sel $0xFFFF  }
0xc6: {  	[dreg:$0x0] =	wrdreg $0xFFFFFFFF;
	(pc) =	sbr.abs _section_cstart, $3  }
0xc7: {  	[dreg:$0x1] =	wrdreg $0xFFFFFFFF  }
0xc8: {  	_ =	task.clear_ibuf [dreg:s11], $0x2FFFF;
	_ =	strace $0x9FFFFFFF  }
0xc9: {  	(tm) =	ssettm $0x7FFFFFFF  }
tec
execute0_lowered:
.L_overlay_start_1:
0x0: {  	(tag) =	ssettag $0x1  }
0x1: {  	v0 =	vimm.s32 $0x7080  }
0x2: {  	vm14 =	vcmask $0x300;
	vm13 =	vcmask $0x704;
	vm12 =	vcmask $0xB08  }
0x3: {  	vm11 =	vcmask $0xF0C;
	vm10 =	vcmask $0x1310;
	vm9 =	vcmask $0x1714  }
0x4: {  	vm8 =	vcmask $0x1B18;
	vm7 =	vcmask $0x1F1C;
	vm6 =	vcmask $0x2320  }
0x5: {  	vm5 =	vcmask $0x2724;
	v2 =	vimm.s32 $0x7180;
	vm4 =	vcmask $0x2B28  }
0x6: {  	vm3 =	vcmask $0x2F2C;
	vm1 =	vcmask $0x3330;
	vm2 =	vcmask $0x3734  }
0x7: {  	vm0 =	vcmask $0x3B38;
	v3 =	vimm.s32 $0x7280;
	v4 =	vimm.s32 $0x7380  }
0x8: {  	v5 =	vimm.s32 $0x7480;
	v6 =	vimm.s32 $0x7580;
	v7 =	vimm.s32 $0x7680  }
0x9: {  	v8 =	vimm.s32 $0x7780;
	v9 =	vimm.s32 $0x7880;
	v10 =	vimm.s32 $0x7980  }
0xa: {  	v11 =	vimm.s32 $0x7A80;
	v12 =	vimm.s32 $0x7B80;
	v13 =	vimm.s32 $0x7C80  }
0xb: {  	v14 =	vimm.s32 $0x7D80;
	v15 =	vimm.s32 $0x7E80;
	v16 =	vimm.s32 $0x7F80  }
0xc: {  	v17 =	vimm.s32 $0xFEDCBA98;
	v18 =	vimm.s32 $0x76543210;
	v0 =	vsel vm14, $0x0, v0  }
0xd: {  	v2 =	vsel vm14, $0x100, v2;
	v3 =	vsel vm14, $0x200, v3;
	v4 =	vsel vm14, $0x300, v4  }
0xe: {  	v5 =	vsel vm14, $0x400, v5;
	v6 =	vsel vm14, $0x500, v6;
	v7 =	vsel vm14, $0x600, v7  }
0xf: {  	v8 =	vsel vm14, $0x700, v8;
	v9 =	vsel vm14, $0x800, v9;
	v10 =	vsel vm14, $0x900, v10  }
0x10: {  	v11 =	vsel vm14, $0xA00, v11;
	v12 =	vsel vm14, $0xB00, v12;
	v13 =	vsel vm14, $0xC00, v13  }
0x11: {  	v14 =	vsel vm14, $0xD00, v14;
	v15 =	vsel vm14, $0xE00, v15;
	v16 =	vsel vm14, $0xF00, v16  }
0x12: {  	v17 =	vunpack.c.l.s4.s8 v17;
	v18 =	vunpack.c.l.s4.s8 v18;
	v0 =	vsel vm13, $0x1000, v0  }
0x13: {  	v2 =	vsel vm13, $0x1100, v2;
	v3 =	vsel vm13, $0x1200, v3;
	v4 =	vsel vm13, $0x1300, v4  }
0x14: {  	v5 =	vsel vm13, $0x1400, v5;
	v6 =	vsel vm13, $0x1500, v6;
	v7 =	vsel vm13, $0x1600, v7  }
0x15: {  	v8 =	vsel vm13, $0x1700, v8;
	v9 =	vsel vm13, $0x1800, v9;
	v10 =	vsel vm13, $0x1900, v10  }
0x16: {  	v11 =	vsel vm13, $0x1A00, v11;
	v12 =	vsel vm13, $0x1B00, v12;
	v13 =	vsel vm13, $0x1C00, v13  }
0x17: {  	v14 =	vsel vm13, $0x1D00, v14;
	v15 =	vsel vm13, $0x1E00, v15;
	v16 =	vsel vm13, $0x1F00, v16  }
0x18: {  	v0 =	vsel vm12, $0x2000, v0;
	v2 =	vsel vm12, $0x2100, v2;
	v3 =	vsel vm12, $0x2200, v3  }
0x19: {  	v4 =	vsel vm12, $0x2300, v4;
	v5 =	vsel vm12, $0x2400, v5;
	v6 =	vsel vm12, $0x2500, v6  }
0x1a: {  	v7 =	vsel vm12, $0x2600, v7;
	v8 =	vsel vm12, $0x2700, v8;
	v9 =	vsel vm12, $0x2800, v9  }
0x1b: {  	v10 =	vsel vm12, $0x2900, v10;
	v11 =	vsel vm12, $0x2A00, v11;
	v12 =	vsel vm12, $0x2B00, v12  }
0x1c: {  	v13 =	vsel vm12, $0x2C00, v13;
	v14 =	vsel vm12, $0x2D00, v14;
	v15 =	vsel vm12, $0x2E00, v15  }
0x1d: {  	v16 =	vsel vm12, $0x2F00, v16;
	v17 =	vunpack.c.0.s8.s32 v17;
	v18 =	vunpack.c.0.s8.s32 v18  }
0x1e: {  	v0 =	vsel vm11, $0x3000, v0;
	v2 =	vsel vm11, $0x3100, v2;
	v3 =	vsel vm11, $0x3200, v3  }
0x1f: {  	v4 =	vsel vm11, $0x3300, v4;
	v5 =	vsel vm11, $0x3400, v5;
	v6 =	vsel vm11, $0x3500, v6  }
0x20: {  	v7 =	vsel vm11, $0x3600, v7;
	v8 =	vsel vm11, $0x3700, v8;
	v9 =	vsel vm11, $0x3800, v9  }
0x21: {  	v10 =	vsel vm11, $0x3900, v10;
	v11 =	vsel vm11, $0x3A00, v11;
	v12 =	vsel vm11, $0x3B00, v12  }
0x22: {  	v13 =	vsel vm11, $0x3C00, v13;
	v14 =	vsel vm11, $0x3D00, v14;
	v15 =	vsel vm11, $0x3E00, v15  }
0x23: {  	v16 =	vsel vm11, $0x3F00, v16;
	v0 =	vsel vm10, $0x4000, v0;
	v2 =	vsel vm10, $0x4100, v2  }
0x24: {  	v3 =	vsel vm10, $0x4200, v3;
	v4 =	vsel vm10, $0x4300, v4;
	v5 =	vsel vm10, $0x4400, v5  }
0x25: {  	v6 =	vsel vm10, $0x4500, v6;
	v7 =	vsel vm10, $0x4600, v7;
	v8 =	vsel vm10, $0x4700, v8  }
0x26: {  	v9 =	vsel vm10, $0x4800, v9;
	v10 =	vsel vm10, $0x4900, v10;
	v11 =	vsel vm10, $0x4A00, v11  }
0x27: {  	v12 =	vsel vm10, $0x4B00, v12;
	v13 =	vsel vm10, $0x4C00, v13;
	v14 =	vsel vm10, $0x4D00, v14  }
0x28: {  	v15 =	vsel vm10, $0x4E00, v15;
	v16 =	vsel vm10, $0x4F00, v16;
	v17 =	vand.u32 $0xF, v17  }
0x29: {  	v0 =	vsel vm9, $0x5000, v0;
	v2 =	vsel vm9, $0x5100, v2;
	v3 =	vsel vm9, $0x5200, v3  }
0x2a: {  	v4 =	vsel vm9, $0x5300, v4;
	v5 =	vsel vm9, $0x5400, v5;
	v6 =	vsel vm9, $0x5500, v6  }
0x2b: {  	v7 =	vsel vm9, $0x5600, v7;
	v8 =	vsel vm9, $0x5700, v8;
	v9 =	vsel vm9, $0x5800, v9  }
0x2c: {  	v10 =	vsel vm9, $0x5900, v10;
	v11 =	vsel vm9, $0x5A00, v11;
	v12 =	vsel vm9, $0x5B00, v12  }
0x2d: {  	v13 =	vsel vm9, $0x5C00, v13;
	v14 =	vsel vm9, $0x5D00, v14;
	v15 =	vsel vm9, $0x5E00, v15  }
0x2e: {  	v16 =	vsel vm9, $0x5F00, v16;
	v17 =	vcombine.low v17, v18;
	v1 =	vsel vm8, $0x6000, v0  }
0x2f: {  	v0 =	vlaneseq.u32;
	v2 =	vsel vm8, $0x6100, v2;
	v3 =	vsel vm8, $0x6200, v3  }
0x30: {  	v4 =	vsel vm8, $0x6300, v4;
	v5 =	vsel vm8, $0x6400, v5;
	v6 =	vsel vm8, $0x6500, v6  }
0x31: {  	v7 =	vsel vm8, $0x6600, v7;
	v8 =	vsel vm8, $0x6700, v8;
	v9 =	vsel vm8, $0x6800, v9  }
0x32: {  	v10 =	vsel vm8, $0x6900, v10;
	v11 =	vsel vm8, $0x6A00, v11;
	v12 =	vsel vm8, $0x6B00, v12  }
0x33: {  	v13 =	vsel vm8, $0x6C00, v13;
	v14 =	vsel vm8, $0x6D00, v14;
	v15 =	vsel vm8, $0x6E00, v15  }
0x34: {  	v16 =	vsel vm8, $0x6F00, v16;
	v1 =	vsel vm7, $0x7000, v1;
	v2 =	vsel vm7, $0x7100, v2  }
0x35: {  	v3 =	vsel vm7, $0x7200, v3;
	v4 =	vsel vm7, $0x7300, v4;
	v5 =	vsel vm7, $0x7400, v5  }
0x36: {  	v6 =	vsel vm7, $0x7500, v6;
	v7 =	vsel vm7, $0x7600, v7;
	v8 =	vsel vm7, $0x7700, v8  }
0x37: {  	v9 =	vsel vm7, $0x7800, v9;
	v10 =	vsel vm7, $0x7900, v10;
	v11 =	vsel vm7, $0x7A00, v11  }
0x38: {  	v12 =	vsel vm7, $0x7B00, v12;
	v13 =	vsel vm7, $0x7C00, v13;
	v14 =	vsel vm7, $0x7D00, v14  }
0x39: {  	v15 =	vsel vm7, $0x7E00, v15;
	v16 =	vsel vm7, $0x7F00, v16;
	v1 =	vsel vm6, $0x80, v1  }
0x3a: {  	v2 =	vsel vm6, $0x180, v2;
	v3 =	vsel vm6, $0x280, v3;
	v4 =	vsel vm6, $0x380, v4  }
0x3b: {  	v5 =	vsel vm6, $0x480, v5;
	v6 =	vsel vm6, $0x580, v6;
	v7 =	vsel vm6, $0x680, v7  }
0x3c: {  	v8 =	vsel vm6, $0x780, v8;
	v9 =	vsel vm6, $0x880, v9;
	v10 =	vsel vm6, $0x980, v10  }
0x3d: {  	v11 =	vsel vm6, $0xA80, v11;
	v12 =	vsel vm6, $0xB80, v12;
	v13 =	vsel vm6, $0xC80, v13  }
0x3e: {  	v14 =	vsel vm6, $0xD80, v14;
	v15 =	vsel vm6, $0xE80, v15;
	v16 =	vsel vm6, $0xF80, v16  }
0x3f: {  	v1 =	vsel vm5, $0x1080, v1;
	v2 =	vsel vm5, $0x1180, v2;
	v3 =	vsel vm5, $0x1280, v3  }
0x40: {  	v4 =	vsel vm5, $0x1380, v4;
	v5 =	vsel vm5, $0x1480, v5;
	v6 =	vsel vm5, $0x1580, v6  }
0x41: {  	v7 =	vsel vm5, $0x1680, v7;
	v8 =	vsel vm5, $0x1780, v8;
	v9 =	vsel vm5, $0x1880, v9  }
0x42: {  	v10 =	vsel vm5, $0x1980, v10;
	v11 =	vsel vm5, $0x1A80, v11;
	v12 =	vsel vm5, $0x1B80, v12  }
0x43: {  	v13 =	vsel vm5, $0x1C80, v13;
	v14 =	vsel vm5, $0x1D80, v14;
	v15 =	vsel vm5, $0x1E80, v15  }
0x44: {  	v16 =	vsel vm5, $0x1F80, v16;
	v1 =	vsel vm4, $0x2080, v1;
	v2 =	vsel vm4, $0x2180, v2  }
0x45: {  	v3 =	vsel vm4, $0x2280, v3;
	v4 =	vsel vm4, $0x2380, v4;
	v5 =	vsel vm4, $0x2480, v5  }
0x46: {  	v6 =	vsel vm4, $0x2580, v6;
	v7 =	vsel vm4, $0x2680, v7;
	v8 =	vsel vm4, $0x2780, v8  }
0x47: {  	v9 =	vsel vm4, $0x2880, v9;
	v10 =	vsel vm4, $0x2980, v10;
	v11 =	vsel vm4, $0x2A80, v11  }
0x48: {  	v12 =	vsel vm4, $0x2B80, v12;
	v13 =	vsel vm4, $0x2C80, v13;
	v14 =	vsel vm4, $0x2D80, v14  }
0x49: {  	v15 =	vsel vm4, $0x2E80, v15;
	v16 =	vsel vm4, $0x2F80, v16;
	v1 =	vsel vm3, $0x3080, v1  }
0x4a: {  	v2 =	vsel vm3, $0x3180, v2;
	v3 =	vsel vm3, $0x3280, v3;
	v4 =	vsel vm3, $0x3380, v4  }
0x4b: {  	v5 =	vsel vm3, $0x3480, v5;
	v6 =	vsel vm3, $0x3580, v6;
	v7 =	vsel vm3, $0x3680, v7  }
0x4c: {  	v8 =	vsel vm3, $0x3780, v8;
	v9 =	vsel vm3, $0x3880, v9;
	v10 =	vsel vm3, $0x3980, v10  }
0x4d: {  	v11 =	vsel vm3, $0x3A80, v11;
	v12 =	vsel vm3, $0x3B80, v12;
	v13 =	vsel vm3, $0x3C80, v13  }
0x4e: {  	v14 =	vsel vm3, $0x3D80, v14;
	v15 =	vsel vm3, $0x3E80, v15;
	v16 =	vsel vm3, $0x3F80, v16  }
0x4f: {  	v1 =	vsel vm1, $0x4080, v1;
	v2 =	vsel vm1, $0x4180, v2;
	v3 =	vsel vm1, $0x4280, v3  }
0x50: {  	v4 =	vsel vm1, $0x4380, v4;
	v5 =	vsel vm1, $0x4480, v5;
	v6 =	vsel vm1, $0x4580, v6  }
0x51: {  	s2 =	rddreg [dreg:$0x0];
	v7 =	vsel vm1, $0x4680, v7;
	v8 =	vsel vm1, $0x4780, v8;
	v9 =	vsel vm1, $0x4880, v9  }
0x52: {  	s4 =	rddreg [dreg:$0x1];
	v10 =	vsel vm1, $0x4980, v10;
	v11 =	vsel vm1, $0x4A80, v11;
	v12 =	vsel vm1, $0x4B80, v12  }
0x53: {  	s11 =	rddreg [dreg:$0x2];
	v13 =	vsel vm1, $0x4C80, v13;
	v14 =	vsel vm1, $0x4D80, v14;
	v15 =	vsel vm1, $0x4E80, v15  }
0x54: {  	s1 =	rddreg [dreg:$0x3];
	v16 =	vsel vm1, $0x4F80, v16;
	v1 =	vsel vm2, $0x5080, v1;
	v2 =	vsel vm2, $0x5180, v2  }
0x55: {  	s7 =	rddreg [dreg:$0x4];
	v3 =	vsel vm2, $0x5280, v3;
	v4 =	vsel vm2, $0x5380, v4;
	v5 =	vsel vm2, $0x5480, v5  }
0x56: {  	s5 =	srdreg.scid;
	s3 =	simm.s32 $0x0;
	s9 =	stileid.u32;
	v6 =	vsel vm2, $0x5580, v6;
	v7 =	vsel vm2, $0x5680, v7;
	v8 =	vsel vm2, $0x5780, v8  }
0x57: {  	s10 =	simm.s32 $0x7A1400;
	s12 =	simm.s32 $0x400;
	s5 =	sand.u32 $0x1, s5;
	v9 =	vsel vm2, $0x5880, v9;
	v10 =	vsel vm2, $0x5980, v10;
	v11 =	vsel vm2, $0x5A80, v11  }
0x58: {  	s9 =	sshll.u32 s9, $0x7;
	s6 =	ssub.s32 $0x2, s5;
	s5 =	sshll.u32 s5, $0x6;
	v12 =	vsel vm2, $0x5B80, v12;
	v13 =	vsel vm2, $0x5C80, v13;
	v14 =	vsel vm2, $0x5D80, v14  }
0x59: {  	s13 =	simm.s32 $0x800;
	[smem:$0x7FF] =	sst s3;
	s9 =	sor.u32 s5, s9;
	v15 =	vsel vm2, $0x5E80, v15;
	v16 =	vsel vm2, $0x5F80, v16;
	v1 =	vsel vm0, $0x6080, v1  }
0x5a: {  	s14 =	simm.s32 $0x8800;
	_ =	strace $0x80000047;
	s2 =	sadd.s32 s2, s9;
	v2 =	vsel vm0, $0x6180, v2;
	v3 =	vsel vm0, $0x6280, v3;
	v4 =	vsel vm0, $0x6380, v4  }
0x5b: {  	s8 =	sshrl.u32 s6, $0x1;
	s28 =	sadd.s32 s4, s9;
	[dreg:$0x6] =	wrdreg s2;
	v5 =	vsel vm0, $0x6480, v5;
	v6 =	vsel vm0, $0x6580, v6;
	v7 =	vsel vm0, $0x6680, v7  }
0x5c: {  	s8 =	ssub.s32 s6, s8;
	s29 =	sadd.s32 s7, s9;
	[dreg:$0x7] =	wrdreg s28;
	v8 =	vsel vm0, $0x6780, v8;
	v9 =	vsel vm0, $0x6880, v9;
	v10 =	vsel vm0, $0x6980, v10  }
0x5d: {  	s30 =	simm.s32 $0x1;
	[dreg:$0x8] =	wrdreg s29;
	s31 =	smax.u32 s8, $0x1;
	v11 =	vsel vm0, $0x6A80, v11;
	v12 =	vsel vm0, $0x6B80, v12;
	v13 =	vsel vm0, $0x6C80, v13  }
0x5e: {  	s0 =	simm.s32 $0x0;
	s5 =	simm.s32 $0x2;
	[dreg:$0x9] =	wrdreg s31;
	v14 =	vsel vm0, $0x6D80, v14;
	v15 =	vsel vm0, $0x6E80, v15;
	v16 =	vsel vm0, $0x6F80, v16  }
.LBB2_1:
0x5f: {  	[dreg:$0xa] =	wrdreg s0  }
0x60: {  	s2 =	rddreg [dreg:$0x6]  }
0x61: {  	[tilespmem:s3], [sflag:$0x2] =	stream.linear.gather [hbm4b:s2+s3], $0x200, $0x38;
	[tilespmem:$0x10A00] =	vst v63  }
0x62: {  	_ =	swait.ge [sflag:s5], $0x200  }
0x63: {  	[sflag:s5] =	ssyncset.done $0x0  }
0x64: {  	s4 =	simm.s32 $0x200;
	s31 =	rddreg [dreg:$0x7];
	[sflag:s5] =	ssyncadd.s32 $0xFFFFFE00  }
0x65: {  	[tilespmem:s4], [sflag:$0x2] =	stream.linear.gather [hbm4b:s31+s3], $0x200, $0x38;
	[tilespmem:$0x10A00] =	vst v63  }
0x66: {  	_ =	swait.ge [sflag:s5], $0x200  }
0x67: {  	[sflag:s5] =	ssyncset.done $0x0  }
0x68: {  	[sflag:s5] =	ssyncadd.s32 $0xFFFFFE00  }
0x69: {  	v18 =	vld [tilespmem:$0x0];
	_ =	sdelay $0x1  }
0x6a: {  	v19 =	vld [tilespmem:$0x200];
	_ =	sdelay $0x1  }
0x6b: {  	v20 =	vld [tilespmem:$0x10]  }
0x6c: {  	vm0 =	veq.s32 v18, $0x0;
	v18 =	vadd.s32 $0xFFFFFFFF, v18  }
0x6d: {  	v21 =	vld [tilespmem:$0x210];
	v18 =	vsel vm0, $0xF423F, v18  }
0x6e: {  	vm13 =	veq.s32 v19, $0x0;
	v19 =	vadd.s32 $0xFFFFFFFF, v19;
	v22 =	vand.u32 $0xFFFFFF80, v18  }
0x6f: {  	v43 =	vld [tilespmem:$0x20];
	v19 =	vsel vm13, $0xF423F, v19;
	v18 =	vand.u32 $0x7F, v18;
	[tilespmem:$0x0] =	vst v22  }
0x70: {  	vm14 =	veq.s32 v20, $0x0;
	v20 =	vadd.s32 $0xFFFFFFFF, v20;
	[tilespmem:$0x400] =	vst v18;
	v18 =	vand.u32 $0xFFFFFF80, v19  }
0x71: {  	v44 =	vld [tilespmem:$0x220];
	[tilespmem:$0x200] =	vst v18;
	v18 =	vand.u32 $0x7F, v19;
	v19 =	vsel vm14, $0xF423F, v20  }
0x72: {  	vm15 =	veq.s32 v21, $0x0;
	v21 =	vadd.s32 $0xFFFFFFFF, v21;
	[tilespmem:$0x600] =	vst v18;
	v18 =	vand.u32 $0xFFFFFF80, v19  }
0x73: {  	v45 =	vld [tilespmem:$0x30];
	[tilespmem:$0x10] =	vst v18;
	v18 =	vand.u32 $0x7F, v19;
	v19 =	vsel vm15, $0xF423F, v21  }
0x74: {  	vm4 =	veq.s32 v43, $0x0;
	v22 =	vadd.s32 $0xFFFFFFFF, v43;
	[tilespmem:$0x410] =	vst v18;
	v18 =	vand.u32 $0xFFFFFF80, v19  }
0x75: {  	v46 =	vld [tilespmem:$0x230];
	[tilespmem:$0x210] =	vst v18;
	v18 =	vand.u32 $0x7F, v19;
	v19 =	vsel vm4, $0xF423F, v22  }
0x76: {  	vm5 =	veq.s32 v44, $0x0;
	v20 =	vadd.s32 $0xFFFFFFFF, v44;
	[tilespmem:$0x610] =	vst v18;
	v18 =	vand.u32 $0xFFFFFF80, v19  }
0x77: {  	v47 =	vld [tilespmem:$0x40];
	[tilespmem:$0x20] =	vst v18;
	v18 =	vand.u32 $0x7F, v19;
	v19 =	vsel vm5, $0xF423F, v20  }
0x78: {  	vm6 =	veq.s32 v45, $0x0;
	v21 =	vadd.s32 $0xFFFFFFFF, v45;
	[tilespmem:$0x420] =	vst v18;
	v18 =	vand.u32 $0xFFFFFF80, v19  }
0x79: {  	v48 =	vld [tilespmem:$0x240];
	[tilespmem:$0x220] =	vst v18;
	v18 =	vand.u32 $0x7F, v19;
	v19 =	vsel vm6, $0xF423F, v21  }
0x7a: {  	vm7 =	veq.s32 v46, $0x0;
	v22 =	vadd.s32 $0xFFFFFFFF, v46;
	[tilespmem:$0x620] =	vst v18;
	v18 =	vand.u32 $0xFFFFFF80, v19  }
0x7b: {  	v49 =	vld [tilespmem:$0x50];
	[tilespmem:$0x30] =	vst v18;
	v18 =	vand.u32 $0x7F, v19;
	v19 =	vsel vm7, $0xF423F, v22  }
0x7c: {  	vm8 =	veq.s32 v47, $0x0;
	v20 =	vadd.s32 $0xFFFFFFFF, v47;
	[tilespmem:$0x430] =	vst v18;
	v18 =	vand.u32 $0xFFFFFF80, v19  }
0x7d: {  	v50 =	vld [tilespmem:$0x250];
	[tilespmem:$0x230] =	vst v18;
	v18 =	vand.u32 $0x7F, v19;
	v19 =	vsel vm8, $0xF423F, v20  }
0x7e: {  	vm9 =	veq.s32 v48, $0x0;
	v21 =	vadd.s32 $0xFFFFFFFF, v48;
	[tilespmem:$0x630] =	vst v18;
	v18 =	vand.u32 $0xFFFFFF80, v19  }
0x7f: {  	v51 =	vld [tilespmem:$0x60];
	[tilespmem:$0x40] =	vst v18;
	v18 =	vand.u32 $0x7F, v19;
	v19 =	vsel vm9, $0xF423F, v21  }
0x80: {  	vm10 =	veq.s32 v49, $0x0;
	v22 =	vadd.s32 $0xFFFFFFFF, v49;
	[tilespmem:$0x440] =	vst v18;
	v18 =	vand.u32 $0xFFFFFF80, v19  }
0x81: {  	v52 =	vld [tilespmem:$0x260];
	[tilespmem:$0x240] =	vst v18;
	v18 =	vand.u32 $0x7F, v19;
	v19 =	vsel vm10, $0xF423F, v22  }
0x82: {  	vm11 =	veq.s32 v50, $0x0;
	v20 =	vadd.s32 $0xFFFFFFFF, v50;
	[tilespmem:$0x640] =	vst v18;
	v18 =	vand.u32 $0xFFFFFF80, v19  }
0x83: {  	v53 =	vld [tilespmem:$0x70];
	[tilespmem:$0x50] =	vst v18;
	v18 =	vand.u32 $0x7F, v19;
	v19 =	vsel vm11, $0xF423F, v20  }
0x84: {  	vm12 =	veq.s32 v51, $0x0;
	v21 =	vadd.s32 $0xFFFFFFFF, v51;
	[tilespmem:$0x450] =	vst v18;
	v18 =	vand.u32 $0xFFFFFF80, v19  }
0x85: {  	v54 =	vld [tilespmem:$0x270];
	[tilespmem:$0x250] =	vst v18;
	v18 =	vand.u32 $0x7F, v19;
	v19 =	vsel vm12, $0xF423F, v21  }
0x86: {  	vm13 =	veq.s32 v52, $0x0;
	v22 =	vadd.s32 $0xFFFFFFFF, v52;
	[tilespmem:$0x650] =	vst v18;
	v18 =	vand.u32 $0xFFFFFF80, v19  }
0x87: {  	v55 =	vld [tilespmem:$0x80];
	[tilespmem:$0x60] =	vst v18;
	v18 =	vand.u32 $0x7F, v19;
	v19 =	vsel vm13, $0xF423F, v22  }
0x88: {  	vm14 =	veq.s32 v53, $0x0;
	v20 =	vadd.s32 $0xFFFFFFFF, v53;
	[tilespmem:$0x460] =	vst v18;
	v18 =	vand.u32 $0xFFFFFF80, v19  }
0x89: {  	v56 =	vld [tilespmem:$0x280];
	[tilespmem:$0x260] =	vst v18;
	v18 =	vand.u32 $0x7F, v19;
	v19 =	vsel vm14, $0xF423F, v20  }
0x8a: {  	vm15 =	veq.s32 v54, $0x0;
	v21 =	vadd.s32 $0xFFFFFFFF, v54;
	[tilespmem:$0x660] =	vst v18;
	v18 =	vand.u32 $0xFFFFFF80, v19  }
0x8b: {  	v57 =	vld [tilespmem:$0x90];
	[tilespmem:$0x70] =	vst v18;
	v18 =	vand.u32 $0x7F, v19;
	v19 =	vsel vm15, $0xF423F, v21  }
0x8c: {  	vm4 =	veq.s32 v55, $0x0;
	v22 =	vadd.s32 $0xFFFFFFFF, v55;
	[tilespmem:$0x470] =	vst v18;
	v18 =	vand.u32 $0xFFFFFF80, v19  }
0x8d: {  	v58 =	vld [tilespmem:$0x290];
	[tilespmem:$0x270] =	vst v18;
	v18 =	vand.u32 $0x7F, v19;
	v19 =	vsel vm4, $0xF423F, v22  }
0x8e: {  	vm5 =	veq.s32 v56, $0x0;
	v20 =	vadd.s32 $0xFFFFFFFF, v56;
	[tilespmem:$0x670] =	vst v18;
	v18 =	vand.u32 $0xFFFFFF80, v19  }
0x8f: {  	v59 =	vld [tilespmem:$0xA0];
	[tilespmem:$0x80] =	vst v18;
	v18 =	vand.u32 $0x7F, v19;
	v19 =	vsel vm5, $0xF423F, v20  }
0x90: {  	vm6 =	veq.s32 v57, $0x0;
	v21 =	vadd.s32 $0xFFFFFFFF, v57;
	[tilespmem:$0x480] =	vst v18;
	v18 =	vand.u32 $0xFFFFFF80, v19  }
0x91: {  	v60 =	vld [tilespmem:$0x2A0];
	[tilespmem:$0x280] =	vst v18;
	v18 =	vand.u32 $0x7F, v19;
	v19 =	vsel vm6, $0xF423F, v21  }
0x92: {  	vm7 =	veq.s32 v58, $0x0;
	v22 =	vadd.s32 $0xFFFFFFFF, v58;
	[tilespmem:$0x680] =	vst v18;
	v18 =	vand.u32 $0xFFFFFF80, v19  }
0x93: {  	v61 =	vld [tilespmem:$0xB0];
	[tilespmem:$0x90] =	vst v18;
	v18 =	vand.u32 $0x7F, v19;
	v19 =	vsel vm7, $0xF423F, v22  }
0x94: {  	vm8 =	veq.s32 v59, $0x0;
	v20 =	vadd.s32 $0xFFFFFFFF, v59;
	[tilespmem:$0x490] =	vst v18;
	v18 =	vand.u32 $0xFFFFFF80, v19  }
0x95: {  	v62 =	vld [tilespmem:$0x2B0];
	[tilespmem:$0x290] =	vst v18;
	v18 =	vand.u32 $0x7F, v19;
	v19 =	vsel vm8, $0xF423F, v20  }
0x96: {  	vm9 =	veq.s32 v60, $0x0;
	v21 =	vadd.s32 $0xFFFFFFFF, v60;
	[tilespmem:$0x690] =	vst v18;
	v18 =	vand.u32 $0xFFFFFF80, v19  }
0x97: {  	v63 =	vld [tilespmem:$0xC0];
	[tilespmem:$0xA0] =	vst v18;
	v18 =	vand.u32 $0x7F, v19;
	v19 =	vsel vm9, $0xF423F, v21  }
0x98: {  	vm10 =	veq.s32 v61, $0x0;
	v22 =	vadd.s32 $0xFFFFFFFF, v61;
	[tilespmem:$0x4A0] =	vst v18;
	v18 =	vand.u32 $0xFFFFFF80, v19  }
0x99: {  	v24 =	vld [tilespmem:$0x2C0];
	[tilespmem:$0x2A0] =	vst v18;
	v18 =	vand.u32 $0x7F, v19;
	v19 =	vsel vm10, $0xF423F, v22  }
0x9a: {  	vm11 =	veq.s32 v62, $0x0;
	v20 =	vadd.s32 $0xFFFFFFFF, v62;
	[tilespmem:$0x6A0] =	vst v18;
	v18 =	vand.u32 $0xFFFFFF80, v19  }
0x9b: {  	v25 =	vld [tilespmem:$0xD0];
	[tilespmem:$0xB0] =	vst v18;
	v18 =	vand.u32 $0x7F, v19;
	v19 =	vsel vm11, $0xF423F, v20  }
0x9c: {  	vm12 =	veq.s32 v63, $0x0;
	v21 =	vadd.s32 $0xFFFFFFFF, v63;
	[tilespmem:$0x4B0] =	vst v18;
	v18 =	vand.u32 $0xFFFFFF80, v19  }
0x9d: {  	v26 =	vld [tilespmem:$0x2D0];
	[tilespmem:$0x2B0] =	vst v18;
	v18 =	vand.u32 $0x7F, v19;
	v19 =	vsel vm12, $0xF423F, v21  }
0x9e: {  	vm13 =	veq.s32 v24, $0x0;
	v22 =	vadd.s32 $0xFFFFFFFF, v24;
	[tilespmem:$0x6B0] =	vst v18;
	v18 =	vand.u32 $0xFFFFFF80, v19  }
0x9f: {  	v27 =	vld [tilespmem:$0xE0];
	[tilespmem:$0xC0] =	vst v18;
	v18 =	vand.u32 $0x7F, v19;
	v19 =	vsel vm13, $0xF423F, v22  }
0xa0: {  	vm14 =	veq.s32 v25, $0x0;
	v20 =	vadd.s32 $0xFFFFFFFF, v25;
	[tilespmem:$0x4C0] =	vst v18;
	v18 =	vand.u32 $0xFFFFFF80, v19  }
0xa1: {  	v28 =	vld [tilespmem:$0x2E0];
	[tilespmem:$0x2C0] =	vst v18;
	v18 =	vand.u32 $0x7F, v19;
	v19 =	vsel vm14, $0xF423F, v20  }
0xa2: {  	vm15 =	veq.s32 v26, $0x0;
	v21 =	vadd.s32 $0xFFFFFFFF, v26;
	[tilespmem:$0x6C0] =	vst v18;
	v18 =	vand.u32 $0xFFFFFF80, v19  }
0xa3: {  	v29 =	vld [tilespmem:$0xF0];
	[tilespmem:$0xD0] =	vst v18;
	v18 =	vand.u32 $0x7F, v19;
	v19 =	vsel vm15, $0xF423F, v21  }
0xa4: {  	vm4 =	veq.s32 v27, $0x0;
	v22 =	vadd.s32 $0xFFFFFFFF, v27;
	[tilespmem:$0x4D0] =	vst v18;
	v18 =	vand.u32 $0xFFFFFF80, v19  }
0xa5: {  	v30 =	vld [tilespmem:$0x2F0];
	[tilespmem:$0x2D0] =	vst v18;
	v18 =	vand.u32 $0x7F, v19;
	v19 =	vsel vm4, $0xF423F, v22  }
0xa6: {  	vm5 =	veq.s32 v28, $0x0;
	v20 =	vadd.s32 $0xFFFFFFFF, v28;
	[tilespmem:$0x6D0] =	vst v18;
	v18 =	vand.u32 $0xFFFFFF80, v19  }
0xa7: {  	v31 =	vld [tilespmem:$0x100];
	[tilespmem:$0xE0] =	vst v18;
	v18 =	vand.u32 $0x7F, v19;
	v19 =	vsel vm5, $0xF423F, v20  }
0xa8: {  	vm6 =	veq.s32 v29, $0x0;
	v21 =	vadd.s32 $0xFFFFFFFF, v29;
	[tilespmem:$0x4E0] =	vst v18;
	v18 =	vand.u32 $0xFFFFFF80, v19  }
0xa9: {  	v32 =	vld [tilespmem:$0x300];
	[tilespmem:$0x2E0] =	vst v18;
	v18 =	vand.u32 $0x7F, v19;
	v19 =	vsel vm6, $0xF423F, v21  }
0xaa: {  	vm7 =	veq.s32 v30, $0x0;
	v22 =	vadd.s32 $0xFFFFFFFF, v30;
	[tilespmem:$0x6E0] =	vst v18;
	v18 =	vand.u32 $0xFFFFFF80, v19  }
0xab: {  	v33 =	vld [tilespmem:$0x110];
	[tilespmem:$0xF0] =	vst v18;
	v18 =	vand.u32 $0x7F, v19;
	v19 =	vsel vm7, $0xF423F, v22  }
0xac: {  	vm8 =	veq.s32 v31, $0x0;
	v20 =	vadd.s32 $0xFFFFFFFF, v31;
	[tilespmem:$0x4F0] =	vst v18;
	v18 =	vand.u32 $0xFFFFFF80, v19  }
0xad: {  	v34 =	vld [tilespmem:$0x310];
	[tilespmem:$0x2F0] =	vst v18;
	v18 =	vand.u32 $0x7F, v19;
	v19 =	vsel vm8, $0xF423F, v20  }
0xae: {  	vm9 =	veq.s32 v32, $0x0;
	v21 =	vadd.s32 $0xFFFFFFFF, v32;
	[tilespmem:$0x6F0] =	vst v18;
	v18 =	vand.u32 $0xFFFFFF80, v19  }
0xaf: {  	v35 =	vld [tilespmem:$0x120];
	[tilespmem:$0x100] =	vst v18;
	v18 =	vand.u32 $0x7F, v19;
	v19 =	vsel vm9, $0xF423F, v21  }
0xb0: {  	vm10 =	veq.s32 v33, $0x0;
	v22 =	vadd.s32 $0xFFFFFFFF, v33;
	[tilespmem:$0x500] =	vst v18;
	v18 =	vand.u32 $0xFFFFFF80, v19  }
0xb1: {  	v36 =	vld [tilespmem:$0x320];
	[tilespmem:$0x300] =	vst v18;
	v18 =	vand.u32 $0x7F, v19;
	v19 =	vsel vm10, $0xF423F, v22  }
0xb2: {  	vm11 =	veq.s32 v34, $0x0;
	v20 =	vadd.s32 $0xFFFFFFFF, v34;
	[tilespmem:$0x700] =	vst v18;
	v18 =	vand.u32 $0xFFFFFF80, v19  }
0xb3: {  	v37 =	vld [tilespmem:$0x130];
	[tilespmem:$0x110] =	vst v18;
	v18 =	vand.u32 $0x7F, v19;
	v19 =	vsel vm11, $0xF423F, v20  }
0xb4: {  	vm12 =	veq.s32 v35, $0x0;
	v21 =	vadd.s32 $0xFFFFFFFF, v35;
	[tilespmem:$0x510] =	vst v18;
	v18 =	vand.u32 $0xFFFFFF80, v19  }
0xb5: {  	v38 =	vld [tilespmem:$0x330];
	[tilespmem:$0x310] =	vst v18;
	v18 =	vand.u32 $0x7F, v19;
	v19 =	vsel vm12, $0xF423F, v21  }
0xb6: {  	vm13 =	veq.s32 v36, $0x0;
	v22 =	vadd.s32 $0xFFFFFFFF, v36;
	[tilespmem:$0x710] =	vst v18;
	v18 =	vand.u32 $0xFFFFFF80, v19  }
0xb7: {  	v39 =	vld [tilespmem:$0x140];
	[tilespmem:$0x120] =	vst v18;
	v18 =	vand.u32 $0x7F, v19;
	v19 =	vsel vm13, $0xF423F, v22  }
0xb8: {  	vm14 =	veq.s32 v37, $0x0;
	v20 =	vadd.s32 $0xFFFFFFFF, v37;
	[tilespmem:$0x520] =	vst v18;
	v18 =	vand.u32 $0xFFFFFF80, v19  }
0xb9: {  	v40 =	vld [tilespmem:$0x340];
	[tilespmem:$0x320] =	vst v18;
	v18 =	vand.u32 $0x7F, v19;
	v19 =	vsel vm14, $0xF423F, v20  }
0xba: {  	vm15 =	veq.s32 v38, $0x0;
	v21 =	vadd.s32 $0xFFFFFFFF, v38;
	[tilespmem:$0x720] =	vst v18;
	v18 =	vand.u32 $0xFFFFFF80, v19  }
0xbb: {  	v41 =	vld [tilespmem:$0x150];
	[tilespmem:$0x130] =	vst v18;
	v18 =	vand.u32 $0x7F, v19;
	v19 =	vsel vm15, $0xF423F, v21  }
0xbc: {  	vm4 =	veq.s32 v39, $0x0;
	v22 =	vadd.s32 $0xFFFFFFFF, v39;
	[tilespmem:$0x530] =	vst v18;
	v18 =	vand.u32 $0xFFFFFF80, v19  }
0xbd: {  	v42 =	vld [tilespmem:$0x350];
	[tilespmem:$0x330] =	vst v18;
	v18 =	vand.u32 $0x7F, v19;
	v19 =	vsel vm4, $0xF423F, v22  }
0xbe: {  	vm5 =	veq.s32 v40, $0x0;
	v20 =	vadd.s32 $0xFFFFFFFF, v40;
	[tilespmem:$0x730] =	vst v18;
	v18 =	vand.u32 $0xFFFFFF80, v19  }
0xbf: {  	v43 =	vld [tilespmem:$0x160];
	[tilespmem:$0x140] =	vst v18;
	v18 =	vand.u32 $0x7F, v19;
	v19 =	vsel vm5, $0xF423F, v20  }
0xc0: {  	vm6 =	veq.s32 v41, $0x0;
	v21 =	vadd.s32 $0xFFFFFFFF, v41;
	[tilespmem:$0x540] =	vst v18;
	v18 =	vand.u32 $0xFFFFFF80, v19  }
0xc1: {  	v44 =	vld [tilespmem:$0x360];
	[tilespmem:$0x340] =	vst v18;
	v18 =	vand.u32 $0x7F, v19;
	v19 =	vsel vm6, $0xF423F, v21  }
0xc2: {  	vm7 =	veq.s32 v42, $0x0;
	v22 =	vadd.s32 $0xFFFFFFFF, v42;
	[tilespmem:$0x740] =	vst v18;
	v18 =	vand.u32 $0xFFFFFF80, v19  }
0xc3: {  	v45 =	vld [tilespmem:$0x170];
	[tilespmem:$0x150] =	vst v18;
	v18 =	vand.u32 $0x7F, v19;
	v19 =	vsel vm7, $0xF423F, v22  }
0xc4: {  	vm8 =	veq.s32 v43, $0x0;
	v20 =	vadd.s32 $0xFFFFFFFF, v43;
	[tilespmem:$0x550] =	vst v18;
	v18 =	vand.u32 $0xFFFFFF80, v19  }
0xc5: {  	v46 =	vld [tilespmem:$0x370];
	[tilespmem:$0x350] =	vst v18;
	v18 =	vand.u32 $0x7F, v19;
	v19 =	vsel vm8, $0xF423F, v20  }
0xc6: {  	vm9 =	veq.s32 v44, $0x0;
	v21 =	vadd.s32 $0xFFFFFFFF, v44;
	[tilespmem:$0x750] =	vst v18;
	v18 =	vand.u32 $0xFFFFFF80, v19  }
0xc7: {  	v47 =	vld [tilespmem:$0x180];
	[tilespmem:$0x160] =	vst v18;
	v18 =	vand.u32 $0x7F, v19;
	v19 =	vsel vm9, $0xF423F, v21  }
0xc8: {  	vm10 =	veq.s32 v45, $0x0;
	v22 =	vadd.s32 $0xFFFFFFFF, v45;
	[tilespmem:$0x560] =	vst v18;
	v18 =	vand.u32 $0xFFFFFF80, v19  }
0xc9: {  	v48 =	vld [tilespmem:$0x380];
	[tilespmem:$0x360] =	vst v18;
	v18 =	vand.u32 $0x7F, v19;
	v19 =	vsel vm10, $0xF423F, v22  }
0xca: {  	vm11 =	veq.s32 v46, $0x0;
	v20 =	vadd.s32 $0xFFFFFFFF, v46;
	[tilespmem:$0x760] =	vst v18;
	v18 =	vand.u32 $0xFFFFFF80, v19  }
0xcb: {  	v49 =	vld [tilespmem:$0x190];
	[tilespmem:$0x170] =	vst v18;
	v18 =	vand.u32 $0x7F, v19;
	v19 =	vsel vm11, $0xF423F, v20  }
0xcc: {  	vm12 =	veq.s32 v47, $0x0;
	v21 =	vadd.s32 $0xFFFFFFFF, v47;
	[tilespmem:$0x570] =	vst v18;
	v18 =	vand.u32 $0xFFFFFF80, v19  }
0xcd: {  	v50 =	vld [tilespmem:$0x390];
	[tilespmem:$0x370] =	vst v18;
	v18 =	vand.u32 $0x7F, v19;
	v19 =	vsel vm12, $0xF423F, v21  }
0xce: {  	vm13 =	veq.s32 v48, $0x0;
	v22 =	vadd.s32 $0xFFFFFFFF, v48;
	[tilespmem:$0x770] =	vst v18;
	v18 =	vand.u32 $0xFFFFFF80, v19  }
0xcf: {  	v51 =	vld [tilespmem:$0x1A0];
	[tilespmem:$0x180] =	vst v18;
	v18 =	vand.u32 $0x7F, v19;
	v19 =	vsel vm13, $0xF423F, v22  }
0xd0: {  	vm14 =	veq.s32 v49, $0x0;
	v20 =	vadd.s32 $0xFFFFFFFF, v49;
	[tilespmem:$0x580] =	vst v18;
	v18 =	vand.u32 $0xFFFFFF80, v19  }
0xd1: {  	v52 =	vld [tilespmem:$0x3A0];
	[tilespmem:$0x380] =	vst v18;
	v18 =	vand.u32 $0x7F, v19;
	v19 =	vsel vm14, $0xF423F, v20  }
0xd2: {  	vm15 =	veq.s32 v50, $0x0;
	v21 =	vadd.s32 $0xFFFFFFFF, v50;
	[tilespmem:$0x780] =	vst v18;
	v18 =	vand.u32 $0xFFFFFF80, v19  }
0xd3: {  	v53 =	vld [tilespmem:$0x1B0];
	[tilespmem:$0x190] =	vst v18;
	v18 =	vand.u32 $0x7F, v19;
	v19 =	vsel vm15, $0xF423F, v21  }
0xd4: {  	vm4 =	veq.s32 v51, $0x0;
	v22 =	vadd.s32 $0xFFFFFFFF, v51;
	[tilespmem:$0x590] =	vst v18;
	v18 =	vand.u32 $0xFFFFFF80, v19  }
0xd5: {  	v54 =	vld [tilespmem:$0x3B0];
	[tilespmem:$0x390] =	vst v18;
	v18 =	vand.u32 $0x7F, v19;
	v19 =	vsel vm4, $0xF423F, v22  }
0xd6: {  	vm5 =	veq.s32 v52, $0x0;
	v20 =	vadd.s32 $0xFFFFFFFF, v52;
	[tilespmem:$0x790] =	vst v18;
	v18 =	vand.u32 $0xFFFFFF80, v19  }
0xd7: {  	v55 =	vld [tilespmem:$0x1C0];
	[tilespmem:$0x1A0] =	vst v18;
	v18 =	vand.u32 $0x7F, v19;
	v19 =	vsel vm5, $0xF423F, v20  }
0xd8: {  	vm6 =	veq.s32 v53, $0x0;
	v21 =	vadd.s32 $0xFFFFFFFF, v53;
	[tilespmem:$0x5A0] =	vst v18;
	v18 =	vand.u32 $0xFFFFFF80, v19  }
0xd9: {  	v56 =	vld [tilespmem:$0x3C0];
	[tilespmem:$0x3A0] =	vst v18;
	v18 =	vand.u32 $0x7F, v19;
	v19 =	vsel vm6, $0xF423F, v21  }
0xda: {  	vm7 =	veq.s32 v54, $0x0;
	v22 =	vadd.s32 $0xFFFFFFFF, v54;
	[tilespmem:$0x7A0] =	vst v18;
	v18 =	vand.u32 $0xFFFFFF80, v19  }
0xdb: {  	v57 =	vld [tilespmem:$0x1D0];
	[tilespmem:$0x1B0] =	vst v18;
	v18 =	vand.u32 $0x7F, v19;
	v19 =	vsel vm7, $0xF423F, v22  }
0xdc: {  	vm8 =	veq.s32 v55, $0x0;
	v20 =	vadd.s32 $0xFFFFFFFF, v55;
	[tilespmem:$0x5B0] =	vst v18;
	v18 =	vand.u32 $0xFFFFFF80, v19  }
0xdd: {  	v58 =	vld [tilespmem:$0x3D0];
	[tilespmem:$0x3B0] =	vst v18;
	v18 =	vand.u32 $0x7F, v19;
	v19 =	vsel vm8, $0xF423F, v20  }
0xde: {  	vm9 =	veq.s32 v56, $0x0;
	v21 =	vadd.s32 $0xFFFFFFFF, v56;
	[tilespmem:$0x7B0] =	vst v18;
	v18 =	vand.u32 $0xFFFFFF80, v19  }
0xdf: {  	v59 =	vld [tilespmem:$0x1E0];
	[tilespmem:$0x1C0] =	vst v18;
	v18 =	vand.u32 $0x7F, v19;
	v19 =	vsel vm9, $0xF423F, v21  }
0xe0: {  	vm10 =	veq.s32 v57, $0x0;
	v22 =	vadd.s32 $0xFFFFFFFF, v57;
	[tilespmem:$0x5C0] =	vst v18;
	v18 =	vand.u32 $0xFFFFFF80, v19  }
0xe1: {  	v60 =	vld [tilespmem:$0x3E0];
	[tilespmem:$0x3C0] =	vst v18;
	v18 =	vand.u32 $0x7F, v19;
	v19 =	vsel vm10, $0xF423F, v22  }
0xe2: {  	vm11 =	veq.s32 v58, $0x0;
	v20 =	vadd.s32 $0xFFFFFFFF, v58;
	[tilespmem:$0x7C0] =	vst v18;
	v18 =	vand.u32 $0xFFFFFF80, v19  }
0xe3: {  	v61 =	vld [tilespmem:$0x1F0];
	[tilespmem:$0x1D0] =	vst v18;
	v18 =	vand.u32 $0x7F, v19;
	v19 =	vsel vm11, $0xF423F, v20  }
0xe4: {  	vm12 =	veq.s32 v59, $0x0;
	v21 =	vadd.s32 $0xFFFFFFFF, v59;
	[tilespmem:$0x5D0] =	vst v18;
	v18 =	vand.u32 $0xFFFFFF80, v19  }
0xe5: {  	v62 =	vld [tilespmem:$0x3F0];
	[tilespmem:$0x3D0] =	vst v18;
	v18 =	vand.u32 $0x7F, v19;
	v19 =	vsel vm12, $0xF423F, v21  }
0xe6: {  	vm13 =	veq.s32 v60, $0x0;
	v22 =	vadd.s32 $0xFFFFFFFF, v60;
	[tilespmem:$0x7D0] =	vst v18;
	v18 =	vand.u32 $0xFFFFFF80, v19  }
0xe7: {  	[tilespmem:$0x1E0] =	vst v18;
	v18 =	vand.u32 $0x7F, v19;
	v19 =	vsel vm13, $0xF423F, v22  }
0xe8: {  	vm14 =	veq.s32 v61, $0x0;
	v20 =	vadd.s32 $0xFFFFFFFF, v61;
	[tilespmem:$0x5E0] =	vst v18;
	v18 =	vand.u32 $0xFFFFFF80, v19  }
0xe9: {  	[tilespmem:$0x3E0] =	vst v18;
	v18 =	vand.u32 $0x7F, v19;
	v19 =	vsel vm14, $0xF423F, v20  }
0xea: {  	v63 =	vadd.s32 $0xFFFFFFFF, v62;
	vm15 =	veq.s32 v62, $0x0;
	[tilespmem:$0x7E0] =	vst v18;
	v18 =	vand.u32 $0xFFFFFF80, v19  }
0xeb: {  	v19 =	vand.u32 $0x7F, v19;
	[tilespmem:$0x1F0] =	vst v18;
	v18 =	vsel vm15, $0xF423F, v63  }
0xec: {  	[tilespmem:$0x5F0] =	vst v19;
	v19 =	vand.u32 $0xFFFFFF80, v18  }
0xed: {  	v18 =	vand.u32 $0x7F, v18;
	[tilespmem:$0x3F0] =	vst v19  }
0xee: {  	s4 =	simm.s32 $0x0;
	[tilespmem:$0x7F0] =	vst v18  }
.LBB2_2:
0xef: {  	s9 =	sshra.s32 s4, $0x2  }
0xf0: {  	v21 =	vld [tilespmem:s9+$0x0]  }
0xf1: {  	v20 =	vld [tilespmem:s9+$0x200];
	_ =	sdelay $0x3  }
0xf2: {  	(v2sf) =	vpush v21, $0x1  }
0xf3: {  	(v2sf) =	vpush v20, $0x1  }
0xf4: {  	(v2sf) =	vpush v21, $0x2  }
0xf5: {  	(v2sf) =	vpush v20, $0x2  }
0xf6: {  	(v2sf) =	vpush v21, $0x3  }
0xf7: {  	(v2sf) =	vpush v20, $0x3  }
0xf8: {  	(v2sf) =	vpush v21, $0x4  }
0xf9: {  	(v2sf) =	vpush v20, $0x4  }
0xfa: {  	(v2sf) =	vpush v21, $0x5  }
0xfb: {  	(v2sf) =	vpush v20, $0x5  }
0xfc: {  	(v2sf) =	vpush v21, $0x6  }
0xfd: {  	(v2sf) =	vpush v20, $0x6  }
0xfe: {  	(v2sf) =	vpush v21, $0x7  }
0xff: {  	(v2sf) =	vpush v20, $0x7  }
0x100: {  	(v2sf) =	vpush v21, $0x0  }
0x101: {  	s31 =	spop (v2sf)  }
0x102: {  	s5 =	spop (v2sf)  }
0x103: {  	s6 =	spop (v2sf)  }
0x104: {  	s7 =	spop (v2sf);
	(v2sf) =	vpush v20, $0x0  }
0x105: {  	s8 =	spop (v2sf)  }
0x106: {  	s3 =	spop (v2sf)  }
0x107: {  	s0 =	spop (v2sf)  }
0x108: {  	s2 =	spop (v2sf)  }
0x109: {  	s15 =	spop (v2sf)  }
0x10a: {  	s16 =	spop (v2sf)  }
0x10b: {  	s17 =	spop (v2sf)  }
0x10c: {  	s18 =	spop (v2sf)  }
0x10d: {  	s19 =	spop (v2sf)  }
0x10e: {  	s20 =	spop (v2sf)  }
0x10f: {  	s21 =	spop (v2sf)  }
0x110: {  	s21 =	sand.u32 $0xFFFFF80, s21  }
0x111: {  	v18 =	vld [tilespmem:s9+$0x400];
	s21 =	sadd.s32 s11, s21  }
0x112: {  	v19 =	vld [tilespmem:s9+$0x600];
	[tilespmem:s13], [sflag:$0x1] =	stream.strided.gather [hbm4b:s21+s12], $0x1000, s10, s12, $0x38  }
0x113: {  	s21 =	spop (v2sf)  }
0x114: {  	s21 =	sand.u32 $0xFFFFF80, s21  }
0x115: {  	s31 =	sand.u32 $0xFFFFF80, s31;
	s21 =	sadd.s32 s1, s21  }
0x116: {  	[tilespmem:s14], [sflag:$0x1] =	stream.strided.gather [hbm4b:s21+s12], $0x1000, s10, s12, $0x38;
	[tilespmem:$0x10A00] =	vst v63  }
0x117: {  	s22 =	simm.s32 $0x1800;
	s5 =	sand.u32 $0xFFFFF80, s5;
	s21 =	sadd.s32 s11, s31  }
0x118: {  	[tilespmem:s22], [sflag:$0x1] =	stream.strided.gather [hbm4b:s21+s12], $0x1000, s10, s12, $0x38;
	[tilespmem:$0x10A00] =	vst v63  }
0x119: {  	s23 =	simm.s32 $0x9800;
	s5 =	sadd.s32 s1, s5;
	s31 =	sand.u32 $0xFFFFF80, s6  }
0x11a: {  	[tilespmem:s23], [sflag:$0x1] =	stream.strided.gather [hbm4b:s5+s12], $0x1000, s10, s12, $0x38;
	[tilespmem:$0x10A00] =	vst v63  }
0x11b: {  	s6 =	sand.u32 $0xFFFFF80, s7;
	s23 =	simm.s32 $0x2800;
	s5 =	sadd.s32 s11, s31  }
0x11c: {  	[tilespmem:s23], [sflag:$0x1] =	stream.strided.gather [hbm4b:s5+s12], $0x1000, s10, s12, $0x38;
	[tilespmem:$0x10A00] =	vst v63  }
0x11d: {  	s24 =	simm.s32 $0xA800;
	s7 =	sand.u32 $0xFFFFF80, s8;
	s5 =	sadd.s32 s1, s6  }
0x11e: {  	[tilespmem:s24], [sflag:$0x1] =	stream.strided.gather [hbm4b:s5+s12], $0x1000, s10, s12, $0x38;
	[tilespmem:$0x10A00] =	vst v63  }
0x11f: {  	s3 =	sand.u32 $0xFFFFF80, s3;
	s24 =	simm.s32 $0x3800;
	s5 =	sadd.s32 s11, s7  }
0x120: {  	[tilespmem:s24], [sflag:$0x1] =	stream.strided.gather [hbm4b:s5+s12], $0x1000, s10, s12, $0x38;
	[tilespmem:$0x10A00] =	vst v63  }
0x121: {  	s25 =	simm.s32 $0xB800;
	s3 =	sadd.s32 s1, s3;
	s8 =	sand.u32 $0xFFFFF80, s0  }
0x122: {  	[tilespmem:s25], [sflag:$0x1] =	stream.strided.gather [hbm4b:s3+s12], $0x1000, s10, s12, $0x38;
	[tilespmem:$0x10A00] =	vst v63  }
0x123: {  	s2 =	sand.u32 $0xFFFFF80, s2;
	s25 =	simm.s32 $0x4800;
	s3 =	sadd.s32 s11, s8  }
0x124: {  	[tilespmem:s25], [sflag:$0x1] =	stream.strided.gather [hbm4b:s3+s12], $0x1000, s10, s12, $0x38;
	[tilespmem:$0x10A00] =	vst v63  }
0x125: {  	s26 =	simm.s32 $0xC800;
	s2 =	sadd.s32 s1, s2;
	s15 =	sand.u32 $0xFFFFF80, s15  }
0x126: {  	[tilespmem:s26], [sflag:$0x1] =	stream.strided.gather [hbm4b:s2+s12], $0x1000, s10, s12, $0x38;
	[tilespmem:$0x10A00] =	vst v63  }
0x127: {  	s16 =	sand.u32 $0xFFFFF80, s16;
	s26 =	simm.s32 $0x5800;
	s2 =	sadd.s32 s11, s15  }
0x128: {  	[tilespmem:s26], [sflag:$0x1] =	stream.strided.gather [hbm4b:s2+s12], $0x1000, s10, s12, $0x38;
	[tilespmem:$0x10A00] =	vst v63  }
0x129: {  	s28 =	simm.s32 $0xD800;
	s17 =	sand.u32 $0xFFFFF80, s17;
	s2 =	sadd.s32 s1, s16  }
0x12a: {  	[tilespmem:s28], [sflag:$0x1] =	stream.strided.gather [hbm4b:s2+s12], $0x1000, s10, s12, $0x38;
	[tilespmem:$0x10A00] =	vst v63  }
0x12b: {  	s18 =	sand.u32 $0xFFFFF80, s18;
	s28 =	simm.s32 $0x6800;
	s2 =	sadd.s32 s11, s17  }
0x12c: {  	[tilespmem:s28], [sflag:$0x1] =	stream.strided.gather [hbm4b:s2+s12], $0x1000, s10, s12, $0x38;
	[tilespmem:$0x10A00] =	vst v63  }
0x12d: {  	s29 =	simm.s32 $0xE800;
	s19 =	sand.u32 $0xFFFFF80, s19;
	s2 =	sadd.s32 s1, s18  }
0x12e: {  	[tilespmem:s29], [sflag:$0x1] =	stream.strided.gather [hbm4b:s2+s12], $0x1000, s10, s12, $0x38;
	[tilespmem:$0x10A00] =	vst v63  }
0x12f: {  	s20 =	sand.u32 $0xFFFFF80, s20;
	s29 =	simm.s32 $0x7800;
	s2 =	sadd.s32 s11, s19  }
0x130: {  	[tilespmem:s29], [sflag:$0x1] =	stream.strided.gather [hbm4b:s2+s12], $0x1000, s10, s12, $0x38;
	[tilespmem:$0x10A00] =	vst v63  }
0x131: {  	s21 =	simm.s32 $0xF800;
	s2 =	sadd.s32 s1, s20  }
0x132: {  	[tilespmem:s21], [sflag:$0x1] =	stream.strided.gather [hbm4b:s2+s12], $0x1000, s10, s12, $0x38;
	[tilespmem:$0x10A00] =	vst v63  }
0x133: {  	_ =	swait.ge [sflag:s30], $0x1000  }
0x134: {  	[sflag:s30] =	ssyncset.done $0x0  }
0x135: {  	[sflag:s30] =	ssyncadd.s32 $0xFFFFF000  }
0x136: {  	_ =	swait.ge [sflag:s30], $0x1000  }
0x137: {  	[sflag:s30] =	ssyncset.done $0x0  }
0x138: {  	[sflag:s30] =	ssyncadd.s32 $0xFFFFF000  }
0x139: {  	_ =	swait.ge [sflag:s30], $0x1000  }
0x13a: {  	[sflag:s30] =	ssyncset.done $0x0  }
0x13b: {  	[sflag:s30] =	ssyncadd.s32 $0xFFFFF000  }
0x13c: {  	_ =	swait.ge [sflag:s30], $0x1000  }
0x13d: {  	[sflag:s30] =	ssyncset.done $0x0  }
0x13e: {  	[sflag:s30] =	ssyncadd.s32 $0xFFFFF000  }
0x13f: {  	_ =	swait.ge [sflag:s30], $0x1000  }
0x140: {  	[sflag:s30] =	ssyncset.done $0x0  }
0x141: {  	[sflag:s30] =	ssyncadd.s32 $0xFFFFF000  }
0x142: {  	_ =	swait.ge [sflag:s30], $0x1000  }
0x143: {  	[sflag:s30] =	ssyncset.done $0x0  }
0x144: {  	[sflag:s30] =	ssyncadd.s32 $0xFFFFF000  }
0x145: {  	_ =	swait.ge [sflag:s30], $0x1000  }
0x146: {  	[sflag:s30] =	ssyncset.done $0x0  }
0x147: {  	[sflag:s30] =	ssyncadd.s32 $0xFFFFF000  }
0x148: {  	_ =	swait.ge [sflag:s30], $0x1000  }
0x149: {  	[sflag:s30] =	ssyncset.done $0x0  }
0x14a: {  	[sflag:s30] =	ssyncadd.s32 $0xFFFFF000  }
0x14b: {  	_ =	swait.ge [sflag:s30], $0x1000  }
0x14c: {  	[sflag:s30] =	ssyncset.done $0x0  }
0x14d: {  	[sflag:s30] =	ssyncadd.s32 $0xFFFFF000  }
0x14e: {  	_ =	swait.ge [sflag:s30], $0x1000  }
0x14f: {  	[sflag:s30] =	ssyncset.done $0x0  }
0x150: {  	[sflag:s30] =	ssyncadd.s32 $0xFFFFF000  }
0x151: {  	_ =	swait.ge [sflag:s30], $0x1000  }
0x152: {  	[sflag:s30] =	ssyncset.done $0x0  }
0x153: {  	[sflag:s30] =	ssyncadd.s32 $0xFFFFF000  }
0x154: {  	_ =	swait.ge [sflag:s30], $0x1000  }
0x155: {  	[sflag:s30] =	ssyncset.done $0x0  }
0x156: {  	[sflag:s30] =	ssyncadd.s32 $0xFFFFF000  }
0x157: {  	_ =	swait.ge [sflag:s30], $0x1000  }
0x158: {  	[sflag:s30] =	ssyncset.done $0x0  }
0x159: {  	[sflag:s30] =	ssyncadd.s32 $0xFFFFF000  }
0x15a: {  	_ =	swait.ge [sflag:s30], $0x1000  }
0x15b: {  	v22 =	vand.u32 $0x7, v0;
	[sflag:s30] =	ssyncset.done $0x0  }
0x15c: {  	v23 =	vperm.xlane v18, v22;
	[sflag:s30] =	ssyncadd.s32 $0xFFFFF000  }
0x15d: {  	v24 =	vperm.xlane v19, v22;
	_ =	swait.ge [sflag:s30], $0x1000  }
0x15e: {  	v42 =	vadd.s32 v1, v23;
	[sflag:s30] =	ssyncset.done $0x0  }
0x15f: {  	v25 =	vadd.s32 v1, v24;
	[sflag:s30] =	ssyncadd.s32 $0xFFFFF000  }
0x160: {  	v26 =	vadd.s32 v2, v23;
	_ =	swait.ge [sflag:s30], $0x1000  }
0x161: {  	v27 =	vadd.s32 v2, v24;
	[sflag:s30] =	ssyncset.done $0x0  }
0x162: {  	v28 =	vadd.s32 v3, v23;
	(v2sf) =	vpush v21, $0x9;
	[sflag:s30] =	ssyncadd.s32 $0xFFFFF000  }
0x163: {  	v43 =	vadd.s32 v3, v24;
	(v2sf) =	vpush v20, $0x9;
	v48 =	vld.idx.msk [tilespmem:v42+s13+$0x0], $0xffff  }
0x164: {  	v52 =	vadd.s32 v4, v23;
	v51 =	vld.idx.msk [tilespmem:v25+s14+$0x0], $0xffff;
	(v2sf) =	vpush v21, $0xA  }
0x165: {  	v53 =	vadd.s32 v4, v24;
	v47 =	vld.idx.msk [tilespmem:v26+s13+$0x0], $0xffff;
	(v2sf) =	vpush v20, $0xA  }
0x166: {  	v54 =	vadd.s32 v5, v23;
	v50 =	vld.idx.msk [tilespmem:v27+s14+$0x0], $0xffff;
	(v2sf) =	vpush v21, $0xB  }
0x167: {  	v55 =	vadd.s32 v5, v24;
	v45 =	vld.idx.msk [tilespmem:v28+s13+$0x0], $0xffff;
	(v2sf) =	vpush v20, $0xB  }
0x168: {  	v56 =	vadd.s32 v6, v23;
	v49 =	vld.idx.msk [tilespmem:v43+s14+$0x0], $0xffff;
	(v2sf) =	vpush v21, $0xC  }
0x169: {  	v57 =	vadd.s32 v6, v24;
	v43 =	vld.idx.msk [tilespmem:v52+s13+$0x0], $0xffff;
	(v2sf) =	vpush v20, $0xC  }
0x16a: {  	v58 =	vadd.s32 v7, v23;
	v46 =	vld.idx.msk [tilespmem:v53+s14+$0x0], $0xffff;
	(v2sf) =	vpush v21, $0xD  }
0x16b: {  	v59 =	vadd.s32 v7, v24;
	v41 =	vld.idx.msk [tilespmem:v54+s13+$0x0], $0xffff;
	(v2sf) =	vpush v20, $0xD  }
0x16c: {  	v60 =	vadd.s32 v8, v23;
	v44 =	vld.idx.msk [tilespmem:v55+s14+$0x0], $0xffff;
	(v2sf) =	vpush v21, $0xE  }
0x16d: {  	v61 =	vadd.s32 v8, v24;
	v38 =	vld.idx.msk [tilespmem:v56+s13+$0x0], $0xffff;
	(v2sf) =	vpush v20, $0xE  }
0x16e: {  	v62 =	vadd.s32 v9, v23;
	v42 =	vld.idx.msk [tilespmem:v57+s14+$0x0], $0xffff;
	(v2sf) =	vpush v21, $0xF  }
0x16f: {  	v63 =	vadd.s32 v9, v24;
	v36 =	vld.idx.msk [tilespmem:v58+s13+$0x0], $0xffff;
	(v2sf) =	vpush v20, $0xF  }
0x170: {  	v29 =	vadd.s32 v12, v24;
	v40 =	vld.idx.msk [tilespmem:v59+s14+$0x0], $0xffff;
	(v2sf) =	vpush v21, $0x8  }
0x171: {  	v52 =	vadd.s32 v10, v23;
	v34 =	vld.idx.msk [tilespmem:v60+s13+$0x0], $0xffff;
	s2 =	spop (v2sf)  }
0x172: {  	v53 =	vadd.s32 v10, v24;
	v39 =	vld.idx.msk [tilespmem:v61+s14+$0x0], $0xffff;
	(v2sf) =	vpush v20, $0x8;
	s3 =	spop (v2sf)  }
0x173: {  	v54 =	vadd.s32 v11, v23;
	v32 =	vld.idx.msk [tilespmem:v62+s13+$0x0], $0xffff;
	s5 =	spop (v2sf)  }
0x174: {  	v55 =	vadd.s32 v11, v24;
	v37 =	vld.idx.msk [tilespmem:v63+s14+$0x0], $0xffff;
	s6 =	spop (v2sf)  }
0x175: {  	v57 =	vadd.s32 v13, v23;
	v29 =	vld.idx.msk [tilespmem:v29+s14+$0x0], $0xffff;
	s7 =	spop (v2sf)  }
0x176: {  	v58 =	vadd.s32 v13, v24;
	v26 =	vld.idx.msk [tilespmem:v52+s13+$0x0], $0xffff;
	s8 =	spop (v2sf)  }
0x177: {  	v31 =	vadd.s32 v14, v23;
	v35 =	vld.idx.msk [tilespmem:v53+s14+$0x0], $0xffff;
	s0 =	spop (v2sf)  }
0x178: {  	v59 =	vadd.s32 v14, v24;
	v27 =	vld.idx.msk [tilespmem:v54+s13+$0x0], $0xffff;
	s15 =	spop (v2sf)  }
0x179: {  	v60 =	vadd.s32 v15, v24;
	v33 =	vld.idx.msk [tilespmem:v55+s14+$0x0], $0xffff;
	s16 =	spop (v2sf)  }
0x17a: {  	v52 =	vadd.s32 v15, v23;
	v22 =	vld.idx.msk [tilespmem:v57+s13+$0x0], $0xffff;
	s17 =	spop (v2sf)  }
0x17b: {  	v30 =	vld.idx.msk [tilespmem:v58+s14+$0x0], $0xffff;
	v54 =	vadd.s32 v16, v24;
	s18 =	spop (v2sf)  }
0x17c: {  	v56 =	vadd.s32 v12, v23;
	v53 =	vadd.s32 v16, v23;
	v23 =	vld.idx.msk [tilespmem:v31+s13+$0x0], $0xffff;
	s19 =	spop (v2sf)  }
0x17d: {  	v31 =	vld.idx.msk [tilespmem:v59+s14+$0x0], $0xffff;
	s20 =	spop (v2sf)  }
0x17e: {  	v28 =	vld.idx.msk [tilespmem:v60+s14+$0x0], $0xffff;
	s21 =	spop (v2sf)  }
0x17f: {  	v24 =	vld.idx.msk [tilespmem:v52+s13+$0x0], $0xffff;
	s22 =	spop (v2sf)  }
0x180: {  	v25 =	vld.idx.msk [tilespmem:v54+s14+$0x0], $0xffff;
	s31 =	sand.u32 $0xFFFFF80, s22  }
0x181: {  	v21 =	vld.idx.msk [tilespmem:v56+s13+$0x0], $0xffff;
	s22 =	spop (v2sf);
	s31 =	sadd.s32 s11, s31  }
0x182: {  	v20 =	vld.idx.msk [tilespmem:v53+s13+$0x0], $0xffff;
	[tilespmem:s13], [sflag:$0x1] =	stream.strided.gather [hbm4b:s31+s12], $0x1000, s10, s12, $0x38  }
0x183: {  	s31 =	sand.u32 $0xFFFFF80, s22  }
0x184: {  	s2 =	sand.u32 $0xFFFFF80, s2;
	s31 =	sadd.s32 s1, s31  }
0x185: {  	[tilespmem:s14], [sflag:$0x1] =	stream.strided.gather [hbm4b:s31+s12], $0x1000, s10, s12, $0x38;
	[tilespmem:$0x10A00] =	vst v63  }
0x186: {  	s2 =	sadd.s32 s11, s2;
	s31 =	simm.s32 $0x1800  }
0x187: {  	[tilespmem:s31], [sflag:$0x1] =	stream.strided.gather [hbm4b:s2+s12], $0x1000, s10, s12, $0x38;
	[tilespmem:$0x10A00] =	vst v63  }
0x188: {  	s31 =	sand.u32 $0xFFFFF80, s3  }
0x189: {  	s22 =	simm.s32 $0x9800;
	s3 =	sand.u32 $0xFFFFF80, s5;
	s2 =	sadd.s32 s1, s31  }
0x18a: {  	[tilespmem:s22], [sflag:$0x1] =	stream.strided.gather [hbm4b:s2+s12], $0x1000, s10, s12, $0x38;
	[tilespmem:$0x10A00] =	vst v63  }
0x18b: {  	s5 =	sand.u32 $0xFFFFF80, s6;
	s2 =	sadd.s32 s11, s3  }
0x18c: {  	[tilespmem:s23], [sflag:$0x1] =	stream.strided.gather [hbm4b:s2+s12], $0x1000, s10, s12, $0x38;
	[tilespmem:$0x10A00] =	vst v63  }
0x18d: {  	s31 =	sand.u32 $0xFFFFF80, s7;
	s23 =	simm.s32 $0xA800;
	s2 =	sadd.s32 s1, s5  }
0x18e: {  	[tilespmem:s23], [sflag:$0x1] =	stream.strided.gather [hbm4b:s2+s12], $0x1000, s10, s12, $0x38;
	[tilespmem:$0x10A00] =	vst v63  }
0x18f: {  	s3 =	sand.u32 $0xFFFFF80, s8;
	s2 =	sadd.s32 s11, s31  }
0x190: {  	[tilespmem:s24], [sflag:$0x1] =	stream.strided.gather [hbm4b:s2+s12], $0x1000, s10, s12, $0x38;
	[tilespmem:$0x10A00] =	vst v63  }
0x191: {  	s22 =	simm.s32 $0xB800;
	s5 =	sand.u32 $0xFFFFF80, s0;
	s2 =	sadd.s32 s1, s3  }
0x192: {  	[tilespmem:s22], [sflag:$0x1] =	stream.strided.gather [hbm4b:s2+s12], $0x1000, s10, s12, $0x38;
	[tilespmem:$0x10A00] =	vst v63  }
0x193: {  	s7 =	sand.u32 $0xFFFFF80, s15;
	s2 =	sadd.s32 s11, s5  }
0x194: {  	[tilespmem:s25], [sflag:$0x1] =	stream.strided.gather [hbm4b:s2+s12], $0x1000, s10, s12, $0x38;
	[tilespmem:$0x10A00] =	vst v63  }
0x195: {  	s6 =	simm.s32 $0xC800;
	s23 =	sand.u32 $0xFFFFF80, s16;
	s2 =	sadd.s32 s1, s7  }
0x196: {  	[tilespmem:s6], [sflag:$0x1] =	stream.strided.gather [hbm4b:s2+s12], $0x1000, s10, s12, $0x38;
	[tilespmem:$0x10A00] =	vst v63  }
0x197: {  	s24 =	sand.u32 $0xFFFFF80, s17;
	s2 =	sadd.s32 s11, s23  }
0x198: {  	[tilespmem:s26], [sflag:$0x1] =	stream.strided.gather [hbm4b:s2+s12], $0x1000, s10, s12, $0x38;
	[tilespmem:$0x10A00] =	vst v63  }
0x199: {  	s22 =	simm.s32 $0xD800;
	s25 =	sand.u32 $0xFFFFF80, s18;
	s2 =	sadd.s32 s1, s24  }
0x19a: {  	[tilespmem:s22], [sflag:$0x1] =	stream.strided.gather [hbm4b:s2+s12], $0x1000, s10, s12, $0x38;
	[tilespmem:$0x10A00] =	vst v63  }
0x19b: {  	s26 =	sand.u32 $0xFFFFF80, s19;
	s2 =	sadd.s32 s11, s25  }
0x19c: {  	[tilespmem:s28], [sflag:$0x1] =	stream.strided.gather [hbm4b:s2+s12], $0x1000, s10, s12, $0x38;
	[tilespmem:$0x10A00] =	vst v63  }
0x19d: {  	s15 =	simm.s32 $0xE800;
	s2 =	sadd.s32 s1, s26;
	s28 =	sand.u32 $0xFFFFF80, s20  }
0x19e: {  	[tilespmem:s15], [sflag:$0x1] =	stream.strided.gather [hbm4b:s2+s12], $0x1000, s10, s12, $0x38;
	[tilespmem:$0x10A00] =	vst v63  }
0x19f: {  	s31 =	sand.u32 $0xFFFFF80, s21;
	s2 =	sadd.s32 s11, s28  }
0x1a0: {  	[tilespmem:s29], [sflag:$0x1] =	stream.strided.gather [hbm4b:s2+s12], $0x1000, s10, s12, $0x38;
	[tilespmem:$0x10A00] =	vst v63  }
0x1a1: {  	s8 =	simm.s32 $0xF800;
	s2 =	sadd.s32 s1, s31  }
0x1a2: {  	[tilespmem:s8], [sflag:$0x1] =	stream.strided.gather [hbm4b:s2+s12], $0x1000, s10, s12, $0x38;
	[tilespmem:$0x10A00] =	vst v63  }
0x1a3: {  	_ =	swait.ge [sflag:s30], $0x1000  }
0x1a4: {  	[sflag:s30] =	ssyncset.done $0x0  }
0x1a5: {  	[sflag:s30] =	ssyncadd.s32 $0xFFFFF000  }
0x1a6: {  	_ =	swait.ge [sflag:s30], $0x1000  }
0x1a7: {  	[sflag:s30] =	ssyncset.done $0x0  }
0x1a8: {  	[sflag:s30] =	ssyncadd.s32 $0xFFFFF000  }
0x1a9: {  	_ =	swait.ge [sflag:s30], $0x1000  }
0x1aa: {  	[sflag:s30] =	ssyncset.done $0x0  }
0x1ab: {  	[sflag:s30] =	ssyncadd.s32 $0xFFFFF000  }
0x1ac: {  	_ =	swait.ge [sflag:s30], $0x1000  }
0x1ad: {  	[sflag:s30] =	ssyncset.done $0x0  }
0x1ae: {  	[sflag:s30] =	ssyncadd.s32 $0xFFFFF000  }
0x1af: {  	_ =	swait.ge [sflag:s30], $0x1000  }
0x1b0: {  	[sflag:s30] =	ssyncset.done $0x0  }
0x1b1: {  	[sflag:s30] =	ssyncadd.s32 $0xFFFFF000  }
0x1b2: {  	_ =	swait.ge [sflag:s30], $0x1000  }
0x1b3: {  	[sflag:s30] =	ssyncset.done $0x0  }
0x1b4: {  	[sflag:s30] =	ssyncadd.s32 $0xFFFFF000  }
0x1b5: {  	_ =	swait.ge [sflag:s30], $0x1000  }
0x1b6: {  	[sflag:s30] =	ssyncset.done $0x0  }
0x1b7: {  	[sflag:s30] =	ssyncadd.s32 $0xFFFFF000  }
0x1b8: {  	_ =	swait.ge [sflag:s30], $0x1000  }
0x1b9: {  	[sflag:s30] =	ssyncset.done $0x0  }
0x1ba: {  	[sflag:s30] =	ssyncadd.s32 $0xFFFFF000  }
0x1bb: {  	_ =	swait.ge [sflag:s30], $0x1000  }
0x1bc: {  	[sflag:s30] =	ssyncset.done $0x0  }
0x1bd: {  	[sflag:s30] =	ssyncadd.s32 $0xFFFFF000  }
0x1be: {  	_ =	swait.ge [sflag:s30], $0x1000  }
0x1bf: {  	[sflag:s30] =	ssyncset.done $0x0  }
0x1c0: {  	[sflag:s30] =	ssyncadd.s32 $0xFFFFF000  }
0x1c1: {  	_ =	swait.ge [sflag:s30], $0x1000  }
0x1c2: {  	[sflag:s30] =	ssyncset.done $0x0  }
0x1c3: {  	[sflag:s30] =	ssyncadd.s32 $0xFFFFF000  }
0x1c4: {  	_ =	swait.ge [sflag:s30], $0x1000  }
0x1c5: {  	[sflag:s30] =	ssyncset.done $0x0  }
0x1c6: {  	[sflag:s30] =	ssyncadd.s32 $0xFFFFF000  }
0x1c7: {  	_ =	swait.ge [sflag:s30], $0x1000  }
0x1c8: {  	[sflag:s30] =	ssyncset.done $0x0  }
0x1c9: {  	[sflag:s30] =	ssyncadd.s32 $0xFFFFF000  }
0x1ca: {  	_ =	swait.ge [sflag:s30], $0x1000  }
0x1cb: {  	v61 =	vor.u32 $0x8, v0;
	[sflag:s30] =	ssyncset.done $0x0  }
0x1cc: {  	v18 =	vperm.xlane v18, v61;
	[sflag:s30] =	ssyncadd.s32 $0xFFFFF000  }
0x1cd: {  	v19 =	vperm.xlane v19, v61;
	_ =	swait.ge [sflag:s30], $0x1000  }
0x1ce: {  	v62 =	vadd.s32 v1, v18;
	[sflag:s30] =	ssyncset.done $0x0  }
0x1cf: {  	v63 =	vadd.s32 v1, v19;
	[sflag:s30] =	ssyncadd.s32 $0xFFFFF000  }
0x1d0: {  	v60 =	vadd.s32 v2, v18;
	_ =	swait.ge [sflag:s30], $0x1000  }
0x1d1: {  	v55 =	vadd.s32 v2, v19;
	[sflag:s30] =	ssyncset.done $0x0  }
0x1d2: {  	v56 =	vadd.s32 v3, v18;
	[sflag:s30] =	ssyncadd.s32 $0xFFFFF000  }
0x1d3: {  	v57 =	vadd.s32 v3, v19;
	v52 =	vld.idx.msk [tilespmem:v62+s13+$0x0], $0xffff  }
0x1d4: {  	v58 =	vadd.s32 v4, v18;
	v53 =	vld.idx.msk [tilespmem:v63+s14+$0x0], $0xffff  }
0x1d5: {  	v59 =	vadd.s32 v4, v19;
	v54 =	vld.idx.msk [tilespmem:v60+s13+$0x0], $0xffff  }
0x1d6: {  	v55 =	vld.idx.msk [tilespmem:v55+s14+$0x0], $0xffff;
	v60 =	vadd.s32 v5, v18  }
0x1d7: {  	v61 =	vadd.s32 v5, v19;
	v56 =	vld.idx.msk [tilespmem:v56+s13+$0x0], $0xffff  }
0x1d8: {  	v48 =	vmul.f32 v51, v48;
	v51 =	vld.idx.msk [tilespmem:v57+s14+$0x0], $0xffff;
	v57 =	vadd.s32 v6, v18  }
0x1d9: {  	v52 =	vmul.f32 v53, v52;
	v53 =	vld.idx.msk [tilespmem:v58+s13+$0x0], $0xffff;
	v58 =	vadd.s32 v6, v19  }
0x1da: {  	v47 =	vmul.f32 v50, v47;
	v48 =	vadd.f32 $0.0e+00, v48;
	v50 =	vld.idx.msk [tilespmem:v59+s14+$0x0], $0xffff;
	v59 =	vadd.s32 v7, v18  }
0x1db: {  	v54 =	vmul.f32 v55, v54;
	v55 =	vld.idx.msk [tilespmem:v60+s13+$0x0], $0xffff;
	v60 =	vadd.s32 v7, v19;
	v52 =	vadd.f32 $0.0e+00, v52  }
0x1dc: {  	v45 =	vmul.f32 v49, v45;
	v47 =	vadd.f32 v47, v48;
	v61 =	vld.idx.msk [tilespmem:v61+s14+$0x0], $0xffff;
	v62 =	vadd.s32 v8, v18  }
0x1dd: {  	v63 =	vadd.s32 v8, v19;
	v51 =	vmul.f32 v51, v56;
	v52 =	vadd.f32 v54, v52;
	v54 =	vld.idx.msk [tilespmem:v57+s13+$0x0], $0xffff  }
0x1de: {  	v43 =	vmul.f32 v46, v43;
	v45 =	vadd.f32 v45, v47;
	v47 =	vadd.s32 v9, v18;
	v46 =	vld.idx.msk [tilespmem:v58+s14+$0x0], $0xffff  }
0x1df: {  	v57 =	vld.idx.msk [tilespmem:v59+s13+$0x0], $0xffff;
	v50 =	vmul.f32 v50, v53;
	v58 =	vadd.s32 v9, v19;
	v51 =	vadd.f32 v51, v52  }
0x1e0: {  	v41 =	vmul.f32 v44, v41;
	v43 =	vadd.f32 v43, v45;
	v59 =	vld.idx.msk [tilespmem:v60+s14+$0x0], $0xffff;
	v60 =	vadd.s32 v10, v18  }
0x1e1: {  	v49 =	vld.idx.msk [tilespmem:v62+s13+$0x0], $0xffff;
	v48 =	vmul.f32 v61, v55;
	v61 =	vadd.s32 v10, v19;
	v50 =	vadd.f32 v50, v51  }
0x1e2: {  	v38 =	vmul.f32 v42, v38;
	v41 =	vadd.f32 v41, v43;
	v62 =	vld.idx.msk [tilespmem:v63+s14+$0x0], $0xffff;
	v63 =	vadd.s32 v11, v18  }
0x1e3: {  	v47 =	vld.idx.msk [tilespmem:v47+s13+$0x0], $0xffff;
	v48 =	vadd.f32 v48, v50;
	v46 =	vmul.f32 v46, v54;
	v54 =	vadd.s32 v11, v19  }
0x1e4: {  	v36 =	vmul.f32 v40, v36;
	v38 =	vadd.f32 v38, v41;
	v56 =	vadd.s32 v12, v18;
	v55 =	vld.idx.msk [tilespmem:v58+s14+$0x0], $0xffff  }
0x1e5: {  	v44 =	vmul.f32 v59, v57;
	v45 =	vld.idx.msk [tilespmem:v60+s13+$0x0], $0xffff;
	v57 =	vadd.s32 v12, v19;
	v46 =	vadd.f32 v46, v48  }
0x1e6: {  	v34 =	vmul.f32 v39, v34;
	v36 =	vadd.f32 v36, v38;
	v58 =	vld.idx.msk [tilespmem:v61+s14+$0x0], $0xffff;
	v59 =	vadd.s32 v13, v18  }
0x1e7: {  	v42 =	vmul.f32 v62, v49;
	v43 =	vld.idx.msk [tilespmem:v63+s13+$0x0], $0xffff;
	v60 =	vadd.s32 v13, v19;
	v44 =	vadd.f32 v44, v46  }
0x1e8: {  	v32 =	vmul.f32 v37, v32;
	v34 =	vadd.f32 v34, v36;
	v62 =	vadd.s32 v14, v18;
	v61 =	vld.idx.msk [tilespmem:v54+s14+$0x0], $0xffff  }
0x1e9: {  	v41 =	vld.idx.msk [tilespmem:v56+s13+$0x0], $0xffff;
	v63 =	vadd.s32 v14, v19;
	v40 =	vmul.f32 v55, v47;
	v42 =	vadd.f32 v42, v44  }
0x1ea: {  	v26 =	vmul.f32 v35, v26;
	v32 =	vadd.f32 v32, v34;
	v49 =	vadd.s32 v15, v19;
	v47 =	vld.idx.msk [tilespmem:v57+s14+$0x0], $0xffff  }
0x1eb: {  	v48 =	vadd.s32 v15, v18;
	v38 =	vmul.f32 v58, v45;
	v39 =	vld.idx.msk [tilespmem:v59+s13+$0x0], $0xffff;
	v40 =	vadd.f32 v40, v42  }
0x1ec: {  	v27 =	vmul.f32 v33, v27;
	v26 =	vadd.f32 v26, v32;
	v19 =	vadd.s32 v16, v19;
	v50 =	vld.idx.msk [tilespmem:v60+s14+$0x0], $0xffff  }
0x1ed: {  	v37 =	vld.idx.msk [tilespmem:v62+s13+$0x0], $0xffff;
	v18 =	vadd.s32 v16, v18;
	v51 =	vadd.f32 v38, v40;
	v36 =	vmul.f32 v61, v43  }
0x1ee: {  	v21 =	vmul.f32 v29, v21;
	v26 =	vadd.f32 v27, v26;
	v52 =	vld.idx.msk [tilespmem:v63+s14+$0x0], $0xffff  }
0x1ef: {  	v56 =	vld.idx.msk [tilespmem:v49+s14+$0x0], $0xffff;
	v54 =	vmul.f32 v47, v41;
	v53 =	vadd.f32 v36, v51  }
0x1f0: {  	v22 =	vmul.f32 v30, v22;
	v21 =	vadd.f32 v21, v26;
	v55 =	vld.idx.msk [tilespmem:v48+s13+$0x0], $0xffff  }
0x1f1: {  	v19 =	vld.idx.msk [tilespmem:v19+s14+$0x0], $0xffff;
	v57 =	vmul.f32 v50, v39;
	v29 =	vadd.f32 v54, v53  }
0x1f2: {  	v21 =	vadd.f32 v22, v21;
	v18 =	vld.idx.msk [tilespmem:v18+s13+$0x0], $0xffff  }
0x1f3: {  	v58 =	vmul.f32 v31, v23;
	v27 =	vmul.f32 v52, v37;
	v59 =	vadd.f32 v57, v29  }
0x1f4: {  	v60 =	vmul.f32 v28, v24  }
0x1f5: {  	v21 =	vadd.f32 v58, v21;
	v61 =	vmul.f32 v56, v55;
	v23 =	vadd.f32 v27, v59  }
0x1f6: {  	v20 =	vmul.f32 v25, v20  }
0x1f7: {  	v21 =	vadd.f32 v60, v21;
	v18 =	vmul.f32 v19, v18;
	v62 =	vadd.f32 v61, v23;
	_ =	sdelay $0x1  }
0x1f8: {  	v19 =	vadd.f32 v20, v21;
	v18 =	vadd.f32 v18, v62;
	_ =	sdelay $0x1  }
0x1f9: {  	v20 =	vperm.xlane v19, v17;
	v63 =	vperm.xlane v18, v17;
	_ =	sdelay $0x1  }
0x1fa: {  	p0 =	sne.s32 s4, $0x7C0;
	v19 =	vadd.f32 v19, v20;
	v18 =	vadd.f32 v18, v63  }
.Ltmp0:
0x1fb: {  	vm0 =	vmmov $0xff;
	(pc) =	sbr.rel @p0 .LBB2_2-.Ltmp0, $3  }
0x1fc: {  	v18 =	vsel vm0, v19, v18  }
0x1fd: {  	v18 =	vmul.f32 $5.000000000e+00, v18;
	_ =	sdelay $0x1  }
0x1fe: {  	s4 =	sadd.s32 $0x40, s4;
	[tilespmem:s9+$0x10800] =	vst v18  }
0x1ff: {  	s3 =	simm.s32 $0x0  }
0x200: {  	s2 =	rddreg [dreg:$0x8];
	s0 =	simm.s32 $0x10800;
	s5 =	simm.s32 $0x2  }
0x201: {  	[hbm4b:s2+s3] =	stream.linear.scatter [tilespmem:s0], [sflag:$0x2], $0x200, $0x38;
	[tilespmem:$0x10A00] =	vst v63  }
0x202: {  	_ =	swait.ge [sflag:s5], $0x200  }
0x203: {  	s29 =	rddreg [dreg:$0xa]  }
0x204: {  	s31 =	rddreg [dreg:$0x9];
	s0 =	sadd.s32 $0x1, s29  }
0x205: {  	p0 =	sne.s32 s0, s31  }
.Ltmp1:
0x206: {  	_ = 	snop;
	(pc) =	sbr.rel @p0 .LBB2_1-.Ltmp1, $3  }
0x207: {  	_ =	sdelay $0x1  }
0x208: {  	[sflag:s5] =	ssyncset.done $0x0  }
0x209: {  	[sflag:s5] =	ssyncadd.s32 $0xFFFFFE00  }
0x20a: {  	_ =	sfence.sel $0x180000  }
0x20b: {  	[bflag:$0x0] =	sbarrier.arrive $0xFFFF  }
0x20c: {  	_ =	strace $0x90000047  }
0x20d: {  	s0 =	stileid.u32;
	[bflag:$0x2] =	sbarrier.arrive $0xFFFF  }
0x20e: {  	p0 =	sne.s32 s0, $0x0;
	s0 =	rddreg [dreg:$0x5]  }
0x20f: {  	s0 =	sadd.s32 @!p0 $0x100000, s0  }
0x210: {  	[sflag:s0] =	ssyncadd.tile.s32 @!p0 $0x1;
	_ =	shalt  }
.Lfunc_end2:
_tile_overlayer_lowered:
.L_overlay_start_2:
0x211: {  	(tag) =	ssettag $0x2  }
0x212: {  	s0 =	rddreg [dreg:$0x0];
	s2 =	stileid.u32  }
0x213: {  	s1 =	rddreg [dreg:$0x1];
	p0 =	sne.s32 s2, $0x0  }
0x214: {  	s3 =	rddreg [dreg:$0x2];
	[bflag:$0x3] =	sbarrier.arrive $0xFFFF;
	s2 =	simm.s32 @!p0 $0x1C02  }
0x215: {  	[timem:s3], [sflag:s2] =	dma.local @!p0 [hbm:s0], s1  }
0x216: {  	s0 =	simm.s32 @!p0 $0x2  }
0x217: {  	_ =	swait.ge @!p0 [sflag:s0], s1  }
0x218: {  	s1 =	ssub.s32 @!p0 $0x0, s1;
	[sflag:s0] =	ssyncset.done @!p0 $0x0  }
0x219: {  	[sflag:s0] =	ssyncadd.s32 @!p0 s1  }
0x21a: {  	[bflag:$0x3] =	sbarrier.arrive $0xFFFF  }
0x21b: {  	_ =	shalt  }

</sc_bundles>
